<compile_context>
chip_gen: v7x
topology: tpu7x:2x2x1
jax: 0.10.2.dev20260603
libtpu: 0.0.44.dev20260713+nightly
codegen_flags: <defaults>
</compile_context>

<pallas_src>
import functools
import numpy as np
import jax
import jax.numpy as jnp
from jax import lax
from jax.experimental import pallas as pl
from jax.experimental.pallas import tpu as pltpu
from jax.experimental.pallas import tpu_sc as plsc

_N_HEADS = 12
_NUM_FINE = 64
_B = 4
_N = 512
_L = 16
_CHUNKS = _N // _L
_TILES_PER_BATCH = 8
_I_PER_TILE = _N // _TILES_PER_BATCH



def _logits_body(imp_flat_ref, coarse_flat_ref, wq_ref, wk_ref,
                 logits_ref, p_ref):
    BQ, D = imp_flat_ref.shape
    H = _N_HEADS
    dh = D // H
    Q = BQ // _B

    wq = wq_ref[...]
    wk = wk_ref[...]
    qf = jnp.dot(imp_flat_ref[...], wq, preferred_element_type=jnp.float32)
    kf = jnp.dot(coarse_flat_ref[...], wk, preferred_element_type=jnp.float32)

    hid = jax.lax.broadcasted_iota(jnp.int32, (H, D), 0)
    did = jax.lax.broadcasted_iota(jnp.int32, (H, D), 1)
    hmask = (did // dh == hid).astype(jnp.float32)

    for b in range(_B):
        q_b = qf[(b + 1) * Q - 1:(b + 1) * Q, :]
        k = kf[b * _N:(b + 1) * _N, :]
        qmat = jnp.broadcast_to(q_b, (H, D)) * hmask
        s = jax.lax.dot_general(qmat, k, (((1,), (1,)), ((), ())),
                                preferred_element_type=jnp.float32)
        s = s / jnp.sqrt(jnp.float32(dh))
        probs = jax.nn.softmax(s, axis=-1)
        acc = probs[0:1, :]
        for h in range(1, _N_HEADS):
            acc = acc + probs[h:h + 1, :]
        logits = acc / jnp.float32(_N_HEADS)
        logits_ref[b:b + 1, :] = logits
        p_ref[b:b + 1, :] = jax.nn.softmax(logits, axis=-1)


def _sc_rank_dispatch(logits_hbm, p_hbm, bi_hbm, sc_hbm,
                      lv, pv, myr, allr, biv, psv, scv, shared_r):
    c = lax.axis_index("c")
    s = lax.axis_index("s")
    lb = s // 8
    b = c * 2 + lb
    sub = s % 8

    pltpu.sync_copy(logits_hbm.at[b], lv)
    pltpu.sync_copy(p_hbm.at[b], pv)

    iota = lax.broadcasted_iota(jnp.int32, (_L,), 0)
    perms = [(iota + r) & (_L - 1) for r in range(_L)]
    tmasks = [perms[r] < iota for r in range(_L)]
    one = jnp.ones((_L,), jnp.int32)
    zero = jnp.zeros((_L,), jnp.int32)

    for ci in range(_I_PER_TILE // _L):
        i0 = sub * _I_PER_TILE + ci * _L
        li = lv[pl.ds(i0, _L)]
        diag_cj = sub * (_I_PER_TILE // _L) + ci

        def jbody_ge(cj, cnt):
            j0 = cj * _L
            acc = cnt
            for r in range(_L):
                ljr = plsc.load_gather(lv, [perms[r] + j0])
                acc = acc + jnp.where(ljr >= li, one, zero)
            return acc

        def jbody_gt(cj, cnt):
            j0 = cj * _L
            acc = cnt
            for r in range(_L):
                ljr = plsc.load_gather(lv, [perms[r] + j0])
                acc = acc + jnp.where(ljr > li, one, zero)
            return acc

        cnt = lax.fori_loop(0, diag_cj, jbody_ge, zero)
        cnt = lax.fori_loop(diag_cj + 1, _CHUNKS, jbody_gt, cnt)
        for r in range(_L):
            ljr = plsc.load_gather(lv, [perms[r] + i0])
            cond = (ljr > li) | ((ljr == li) & tmasks[r])
            cnt = cnt + jnp.where(cond, one, zero)
        myr[pl.ds(ci * _L, _L)] = cnt

    pltpu.sync_copy(myr, shared_r.at[lb, pl.ds(sub * _I_PER_TILE,
                                               _I_PER_TILE)])
    plsc.subcore_barrier()

    @pl.when(sub == 0)
    def _():
        pltpu.sync_copy(shared_r.at[lb], allr)
        for ci in range(_CHUNKS):
            rk = allr[pl.ds(ci * _L, _L)]
            iv = iota + ci * _L
            plsc.store_scatter(biv, [rk], iv)
            plsc.store_scatter(psv, [rk], pv[pl.ds(ci * _L, _L)])
        for ci in range(_CHUNKS):
            ps_chunk = psv[pl.ds(ci * _L, _L)]
            if ci < _NUM_FINE // _L:
                sc = (1.0 + ps_chunk) - ps_chunk
            else:
                cs = 1.0 - ps_chunk
                sc = (1.0 + cs) - cs
            scv[pl.ds(ci * _L, _L)] = sc
        pltpu.sync_copy(biv, bi_hbm.at[b])
        pltpu.sync_copy(scv, sc_hbm.at[b])


def _sc_call(logits, p):
    mesh = plsc.VectorSubcoreMesh(core_axis_name="c", subcore_axis_name="s")
    fn = functools.partial(
        pl.kernel,
        mesh=mesh,
        compiler_params=pltpu.CompilerParams(needs_layout_passes=False),
        out_type=(
            jax.ShapeDtypeStruct((_B, _N), jnp.int32),
            jax.ShapeDtypeStruct((_B, _N), jnp.float32),
        ),
        scratch_types=[
            pltpu.VMEM((_N,), jnp.float32),
            pltpu.VMEM((_N,), jnp.float32),
            pltpu.VMEM((_I_PER_TILE,), jnp.int32),
            pltpu.VMEM((_N,), jnp.int32),
            pltpu.VMEM((_N,), jnp.int32),
            pltpu.VMEM((_N,), jnp.float32),
            pltpu.VMEM((_N,), jnp.float32),
            pltpu.VMEM_SHARED((2, _N), jnp.int32),
        ],
    )(_sc_rank_dispatch)
    return fn(logits, p)


def kernel(important_token_states, importance_mask, coarse_token_states,
           coarse_token_mask, important_token_positions,
           coarse_token_positions, Wq, Wk):
    del importance_mask, coarse_token_mask
    del important_token_positions, coarse_token_positions
    B, Q, D = important_token_states.shape
    N = coarse_token_states.shape[1]

    logits, p = pl.pallas_call(
        _logits_body,
        out_shape=(
            jax.ShapeDtypeStruct((B, N), jnp.float32),
            jax.ShapeDtypeStruct((B, N), jnp.float32),
        ),
    )(important_token_states.reshape(B * Q, D),
      coarse_token_states.reshape(B * N, D), Wq, Wk)

    bi, sc = _sc_call(logits, p)

    fine_block_indices = bi[:, :_NUM_FINE]
    coarse_block_indices = bi[:, _NUM_FINE:]
    fine_block_scores = sc[:, :_NUM_FINE]
    coarse_block_scores = sc[:, _NUM_FINE:]
    return (fine_block_indices, coarse_block_indices, fine_block_scores,
            coarse_block_scores)

# --- scband reference (transcript-rebuilt; emitter-appended) ---
"""Pipeline reference for scband-selector-5961414606848 (READ-ONLY COPY).

The authoritative reference and input builder live on the scoring server;
editing this copy changes nothing except your own understanding.
"""

import jax, jax.numpy as jnp
import numpy as np

NUM_FINE_BLOCKS = 64
N_HEADS = 12


def setup_inputs(seed: int = 0) -> dict:
    key = jax.random.key(seed)
    ks = jax.random.split(key, 8)
    B, Q, N, D = 4, 64, 512, 768
    return {
        "important_token_states": jax.random.normal(ks[0], (B, Q, D), dtype=jnp.float32),
        "importance_mask": jnp.ones((B, Q), dtype=jnp.float32),
        "coarse_token_states": jax.random.normal(ks[1], (B, N, D), dtype=jnp.float32),
        "coarse_token_mask": jnp.ones((B, N), dtype=jnp.float32),
        "important_token_positions": jax.random.randint(ks[2], (B, Q), 0, 8192, dtype=jnp.int32),
        "coarse_token_positions": jax.random.randint(ks[3], (B, N), 0, 8192, dtype=jnp.int32),
        "Wq": jax.random.normal(ks[4], (D, D), dtype=jnp.float32) * (1.0 / np.sqrt(D)),
        "Wk": jax.random.normal(ks[5], (D, D), dtype=jnp.float32) * (1.0 / np.sqrt(D)),
    }


def _attention_matrix(imp, coarse, Wq, Wk):
    # stand-in for self.attention.get_attention_matrix: multi-head scaled dot-product probs
    B, Q, D = imp.shape
    N = coarse.shape[1]
    dh = D // N_HEADS
    q = (imp @ Wq).reshape(B, Q, N_HEADS, dh).transpose(0, 2, 1, 3)
    k = (coarse @ Wk).reshape(B, N, N_HEADS, dh).transpose(0, 2, 1, 3)
    scores = jnp.einsum('bhqd,bhnd->bhqn', q, k) / jnp.sqrt(jnp.float32(dh))
    return jax.nn.softmax(scores, axis=-1)  # [B, H, Q, N]


def reference(important_token_states, importance_mask, coarse_token_states,
              coarse_token_mask, important_token_positions, coarse_token_positions,
              Wq, Wk):
    # eval-mode path of attention_based_selector
    attn = _attention_matrix(important_token_states, coarse_token_states, Wq, Wk)
    probs = attn.mean(axis=1)                 # [B, Q, N]
    average_prob_logits = probs[:, -1]        # [B, N]
    # argsort descending
    block_indices = jnp.argsort(-average_prob_logits, axis=1)
    p = jax.nn.softmax(average_prob_logits, axis=-1)
    p_sorted = jnp.take_along_axis(p, block_indices, axis=1)
    fine_block_indices = block_indices[:, :NUM_FINE_BLOCKS]
    coarse_block_indices = block_indices[:, NUM_FINE_BLOCKS:]
    fs = p_sorted[:, :NUM_FINE_BLOCKS]
    cs = 1.0 - p_sorted[:, NUM_FINE_BLOCKS:]
    fine_block_scores = 1.0 + fs - jax.lax.stop_gradient(fs)
    coarse_block_scores = 1.0 + cs - jax.lax.stop_gradient(cs)
    return (fine_block_indices, coarse_block_indices, fine_block_scores, coarse_block_scores)

if __name__ == "__main__":
    import jax
    _d = setup_inputs()
    print(jax.jit(kernel)(*tuple(_d.values())))

</pallas_src>

<mosaic_0001>
#map = affine_map<(d0, d1) -> (0, 0)>
module attributes {stable_mosaic.version = 14 : i64} {
  func.func @_sc_rank_dispatch(%arg0: i32, %arg1: i32, %arg2: memref<4x512xf32, #tpu.memory_space<hbm>>, %arg3: memref<4x512xf32, #tpu.memory_space<hbm>>, %arg4: memref<4x512xi32, #tpu.memory_space<hbm>>, %arg5: memref<4x512xf32, #tpu.memory_space<hbm>>, %arg6: memref<512xf32, #tpu.memory_space<vmem>>, %arg7: memref<512xf32, #tpu.memory_space<vmem>>, %arg8: memref<64xi32, #tpu.memory_space<vmem>>, %arg9: memref<512xi32, #tpu.memory_space<vmem>>, %arg10: memref<512xi32, #tpu.memory_space<vmem>>, %arg11: memref<512xf32, #tpu.memory_space<vmem>>, %arg12: memref<512xf32, #tpu.memory_space<vmem>>, %arg13: memref<2x512xi32, #tpu.memory_space<vmem_shared>>) attributes {dimension_semantics = [#tpu.dimension_semantics<core_parallel>, #tpu.dimension_semantics<subcore_parallel>], iteration_bounds = array<i64: 2, 16>, scalar_prefetch = 0 : i64, scratch_operands = 8 : i64, tpu.core_type = #tpu.core_type<sc_vector_subcore>, window_params = [{transform_indices = #map}, {transform_indices = #map}, {transform_indices = #map}, {transform_indices = #map}]} {
    %jit3A = arith.constant 8 : i32
    %div3A = arith.divsi %arg1, %jit3A : i32
    %sign3A = arith.constant 0 : i32
    %sign3A_0 = arith.cmpi sgt, %arg1, %sign3A : i32
    %sign3A_1 = arith.extui %sign3A_0 : i1 to i32
    %sign3A_2 = arith.constant 0 : i32
    %sign3A_3 = arith.cmpi slt, %arg1, %sign3A_2 : i32
    %sign3A_4 = arith.extui %sign3A_3 : i1 to i32
    %sign3A_5 = arith.subi %sign3A_1, %sign3A_4 : i32
    %sign3A_6 = arith.constant 0 : i32
    %sign3A_7 = arith.cmpi sgt, %jit3A, %sign3A_6 : i32
    %sign3A_8 = arith.extui %sign3A_7 : i1 to i32
    %sign3A_9 = arith.constant 0 : i32
    %sign3A_10 = arith.cmpi slt, %jit3A, %sign3A_9 : i32
    %sign3A_11 = arith.extui %sign3A_10 : i1 to i32
    %sign3A_12 = arith.subi %sign3A_8, %sign3A_11 : i32
    %ne3A = arith.cmpi ne, %sign3A_5, %sign3A_12 : i32
    %rem3A = arith.remsi %arg1, %jit3A : i32
    %ne3A_13 = arith.constant 0 : i32
    %ne3A_14 = arith.cmpi ne, %rem3A, %ne3A_13 : i32
    %and3A = arith.andi %ne3A, %ne3A_14 : i1
    %sub3A = arith.constant 1 : i32
    %sub3A_15 = arith.subi %div3A, %sub3A : i32
    %select_n3A = arith.select %and3A, %sub3A_15, %div3A : i32
    %mul3A = arith.constant 2 : i32
    %mul3A_16 = arith.muli %arg0, %mul3A : i32
    %add3A = arith.addi %mul3A_16, %select_n3A : i32
    %jit3A_17 = arith.constant 8 : i32
    %eq3A = arith.constant 0 : i32
    %eq3A_18 = arith.cmpi eq, %jit3A_17, %eq3A : i32
    %jit3A_19 = arith.constant 1 : i32
    %select_n3A_20 = arith.select %eq3A_18, %jit3A_19, %jit3A_17 : i32
    %rem3A_21 = arith.remsi %arg1, %select_n3A_20 : i32
    %ne3A_22 = arith.constant 0 : i32
    %ne3A_23 = arith.cmpi ne, %rem3A_21, %ne3A_22 : i32
    %lt3A = arith.constant 0 : i32
    %lt3A_24 = arith.cmpi slt, %rem3A_21, %lt3A : i32
    %lt3A_25 = arith.constant 0 : i32
    %lt3A_26 = arith.cmpi slt, %select_n3A_20, %lt3A_25 : i32
    %ne3A_27 = arith.xori %lt3A_24, %lt3A_26 : i1
    %and3A_28 = arith.andi %ne3A_27, %ne3A_23 : i1
    %add3A_29 = arith.addi %rem3A_21, %select_n3A_20 : i32
    %select_n3A_30 = arith.select %and3A_28, %add3A_29, %rem3A_21 : i32
    "tpu.region"() ({
      %run_scoped3A = tpu.sem_alloc : memref<!tpu.dma_semaphore, #tpu.memory_space<semaphore_mem>>
      %dma_start3A = arith.constant 0 : i32
      %dma_start3A_865 = tpu.memref_slice %arg2[%add3A, %dma_start3A] : memref<4x512xf32, #tpu.memory_space<hbm>> -> memref<1x512xf32, #tpu.memory_space<hbm>>
      %dma_start3A_866 = tpu.memref_squeeze %dma_start3A_865 : memref<1x512xf32, #tpu.memory_space<hbm>> -> memref<512xf32, #tpu.memory_space<hbm>>
      %dma_start3A_867 = arith.constant 0 : i32
      %dma_start3A_868 = tpu.memref_slice %arg2[%add3A, %dma_start3A_867] : memref<4x512xf32, #tpu.memory_space<hbm>> -> memref<1x512xf32, #tpu.memory_space<hbm>>
      %dma_start3A_869 = tpu.memref_squeeze %dma_start3A_868 : memref<1x512xf32, #tpu.memory_space<hbm>> -> memref<512xf32, #tpu.memory_space<hbm>>
      tpu.enqueue_dma source(%dma_start3A_869 : memref<512xf32, #tpu.memory_space<hbm>>) target(%arg6 : memref<512xf32, #tpu.memory_space<vmem>>) target_semaphore(%run_scoped3A : memref<!tpu.dma_semaphore, #tpu.memory_space<semaphore_mem>>)
      %dma_wait3A = arith.constant 0 : i32
      %dma_wait3A_870 = tpu.memref_slice %arg2[%add3A, %dma_wait3A] : memref<4x512xf32, #tpu.memory_space<hbm>> -> memref<1x512xf32, #tpu.memory_space<hbm>>
      %dma_wait3A_871 = tpu.memref_squeeze %dma_wait3A_870 : memref<1x512xf32, #tpu.memory_space<hbm>> -> memref<512xf32, #tpu.memory_space<hbm>>
      %dma_wait3A_872 = arith.constant 0 : i32
      %dma_wait3A_873 = tpu.memref_slice %arg2[%add3A, %dma_wait3A_872] : memref<4x512xf32, #tpu.memory_space<hbm>> -> memref<1x512xf32, #tpu.memory_space<hbm>>
      %dma_wait3A_874 = tpu.memref_squeeze %dma_wait3A_873 : memref<1x512xf32, #tpu.memory_space<hbm>> -> memref<512xf32, #tpu.memory_space<hbm>>
      tpu.wait_dma2 semaphore(%run_scoped3A : memref<!tpu.dma_semaphore, #tpu.memory_space<semaphore_mem>>) src(%dma_wait3A_874 : memref<512xf32, #tpu.memory_space<hbm>>) dst(%arg6 : memref<512xf32, #tpu.memory_space<vmem>>)
      tpu.yield
    }) : () -> ()
    "tpu.region"() ({
      %run_scoped3A = tpu.sem_alloc : memref<!tpu.dma_semaphore, #tpu.memory_space<semaphore_mem>>
      %dma_start3A = arith.constant 0 : i32
      %dma_start3A_865 = tpu.memref_slice %arg3[%add3A, %dma_start3A] : memref<4x512xf32, #tpu.memory_space<hbm>> -> memref<1x512xf32, #tpu.memory_space<hbm>>
      %dma_start3A_866 = tpu.memref_squeeze %dma_start3A_865 : memref<1x512xf32, #tpu.memory_space<hbm>> -> memref<512xf32, #tpu.memory_space<hbm>>
      %dma_start3A_867 = arith.constant 0 : i32
      %dma_start3A_868 = tpu.memref_slice %arg3[%add3A, %dma_start3A_867] : memref<4x512xf32, #tpu.memory_space<hbm>> -> memref<1x512xf32, #tpu.memory_space<hbm>>
      %dma_start3A_869 = tpu.memref_squeeze %dma_start3A_868 : memref<1x512xf32, #tpu.memory_space<hbm>> -> memref<512xf32, #tpu.memory_space<hbm>>
      tpu.enqueue_dma source(%dma_start3A_869 : memref<512xf32, #tpu.memory_space<hbm>>) target(%arg7 : memref<512xf32, #tpu.memory_space<vmem>>) target_semaphore(%run_scoped3A : memref<!tpu.dma_semaphore, #tpu.memory_space<semaphore_mem>>)
      %dma_wait3A = arith.constant 0 : i32
      %dma_wait3A_870 = tpu.memref_slice %arg3[%add3A, %dma_wait3A] : memref<4x512xf32, #tpu.memory_space<hbm>> -> memref<1x512xf32, #tpu.memory_space<hbm>>
      %dma_wait3A_871 = tpu.memref_squeeze %dma_wait3A_870 : memref<1x512xf32, #tpu.memory_space<hbm>> -> memref<512xf32, #tpu.memory_space<hbm>>
      %dma_wait3A_872 = arith.constant 0 : i32
      %dma_wait3A_873 = tpu.memref_slice %arg3[%add3A, %dma_wait3A_872] : memref<4x512xf32, #tpu.memory_space<hbm>> -> memref<1x512xf32, #tpu.memory_space<hbm>>
      %dma_wait3A_874 = tpu.memref_squeeze %dma_wait3A_873 : memref<1x512xf32, #tpu.memory_space<hbm>> -> memref<512xf32, #tpu.memory_space<hbm>>
      tpu.wait_dma2 semaphore(%run_scoped3A : memref<!tpu.dma_semaphore, #tpu.memory_space<semaphore_mem>>) src(%dma_wait3A_874 : memref<512xf32, #tpu.memory_space<hbm>>) dst(%arg7 : memref<512xf32, #tpu.memory_space<vmem>>)
      tpu.yield
    }) : () -> ()
    %iota3A = tpu.iota {dimensions = array<i32: 0>} : vector<16xi32>
    %add3A_31 = arith.constant 0 : i32
    %add3A_32 = vector.broadcast %add3A_31 : i32 to vector<16xi32>
    %add3A_33 = arith.addi %iota3A, %add3A_32 : vector<16xi32>
    %and3A_34 = arith.constant 15 : i32
    %and3A_35 = vector.broadcast %and3A_34 : i32 to vector<16xi32>
    %and3A_36 = arith.andi %add3A_33, %and3A_35 : vector<16xi32>
    %add3A_37 = arith.constant 1 : i32
    %add3A_38 = vector.broadcast %add3A_37 : i32 to vector<16xi32>
    %add3A_39 = arith.addi %iota3A, %add3A_38 : vector<16xi32>
    %and3A_40 = arith.constant 15 : i32
    %and3A_41 = vector.broadcast %and3A_40 : i32 to vector<16xi32>
    %and3A_42 = arith.andi %add3A_39, %and3A_41 : vector<16xi32>
    %add3A_43 = arith.constant 2 : i32
    %add3A_44 = vector.broadcast %add3A_43 : i32 to vector<16xi32>
    %add3A_45 = arith.addi %iota3A, %add3A_44 : vector<16xi32>
    %and3A_46 = arith.constant 15 : i32
    %and3A_47 = vector.broadcast %and3A_46 : i32 to vector<16xi32>
    %and3A_48 = arith.andi %add3A_45, %and3A_47 : vector<16xi32>
    %add3A_49 = arith.constant 3 : i32
    %add3A_50 = vector.broadcast %add3A_49 : i32 to vector<16xi32>
    %add3A_51 = arith.addi %iota3A, %add3A_50 : vector<16xi32>
    %and3A_52 = arith.constant 15 : i32
    %and3A_53 = vector.broadcast %and3A_52 : i32 to vector<16xi32>
    %and3A_54 = arith.andi %add3A_51, %and3A_53 : vector<16xi32>
    %add3A_55 = arith.constant 4 : i32
    %add3A_56 = vector.broadcast %add3A_55 : i32 to vector<16xi32>
    %add3A_57 = arith.addi %iota3A, %add3A_56 : vector<16xi32>
    %and3A_58 = arith.constant 15 : i32
    %and3A_59 = vector.broadcast %and3A_58 : i32 to vector<16xi32>
    %and3A_60 = arith.andi %add3A_57, %and3A_59 : vector<16xi32>
    %add3A_61 = arith.constant 5 : i32
    %add3A_62 = vector.broadcast %add3A_61 : i32 to vector<16xi32>
    %add3A_63 = arith.addi %iota3A, %add3A_62 : vector<16xi32>
    %and3A_64 = arith.constant 15 : i32
    %and3A_65 = vector.broadcast %and3A_64 : i32 to vector<16xi32>
    %and3A_66 = arith.andi %add3A_63, %and3A_65 : vector<16xi32>
    %add3A_67 = arith.constant 6 : i32
    %add3A_68 = vector.broadcast %add3A_67 : i32 to vector<16xi32>
    %add3A_69 = arith.addi %iota3A, %add3A_68 : vector<16xi32>
    %and3A_70 = arith.constant 15 : i32
    %and3A_71 = vector.broadcast %and3A_70 : i32 to vector<16xi32>
    %and3A_72 = arith.andi %add3A_69, %and3A_71 : vector<16xi32>
    %add3A_73 = arith.constant 7 : i32
    %add3A_74 = vector.broadcast %add3A_73 : i32 to vector<16xi32>
    %add3A_75 = arith.addi %iota3A, %add3A_74 : vector<16xi32>
    %and3A_76 = arith.constant 15 : i32
    %and3A_77 = vector.broadcast %and3A_76 : i32 to vector<16xi32>
    %and3A_78 = arith.andi %add3A_75, %and3A_77 : vector<16xi32>
    %add3A_79 = arith.constant 8 : i32
    %add3A_80 = vector.broadcast %add3A_79 : i32 to vector<16xi32>
    %add3A_81 = arith.addi %iota3A, %add3A_80 : vector<16xi32>
    %and3A_82 = arith.constant 15 : i32
    %and3A_83 = vector.broadcast %and3A_82 : i32 to vector<16xi32>
    %and3A_84 = arith.andi %add3A_81, %and3A_83 : vector<16xi32>
    %add3A_85 = arith.constant 9 : i32
    %add3A_86 = vector.broadcast %add3A_85 : i32 to vector<16xi32>
    %add3A_87 = arith.addi %iota3A, %add3A_86 : vector<16xi32>
    %and3A_88 = arith.constant 15 : i32
    %and3A_89 = vector.broadcast %and3A_88 : i32 to vector<16xi32>
    %and3A_90 = arith.andi %add3A_87, %and3A_89 : vector<16xi32>
    %add3A_91 = arith.constant 10 : i32
    %add3A_92 = vector.broadcast %add3A_91 : i32 to vector<16xi32>
    %add3A_93 = arith.addi %iota3A, %add3A_92 : vector<16xi32>
    %and3A_94 = arith.constant 15 : i32
    %and3A_95 = vector.broadcast %and3A_94 : i32 to vector<16xi32>
    %and3A_96 = arith.andi %add3A_93, %and3A_95 : vector<16xi32>
    %add3A_97 = arith.constant 11 : i32
    %add3A_98 = vector.broadcast %add3A_97 : i32 to vector<16xi32>
    %add3A_99 = arith.addi %iota3A, %add3A_98 : vector<16xi32>
    %and3A_100 = arith.constant 15 : i32
    %and3A_101 = vector.broadcast %and3A_100 : i32 to vector<16xi32>
    %and3A_102 = arith.andi %add3A_99, %and3A_101 : vector<16xi32>
    %add3A_103 = arith.constant 12 : i32
    %add3A_104 = vector.broadcast %add3A_103 : i32 to vector<16xi32>
    %add3A_105 = arith.addi %iota3A, %add3A_104 : vector<16xi32>
    %and3A_106 = arith.constant 15 : i32
    %and3A_107 = vector.broadcast %and3A_106 : i32 to vector<16xi32>
    %and3A_108 = arith.andi %add3A_105, %and3A_107 : vector<16xi32>
    %add3A_109 = arith.constant 13 : i32
    %add3A_110 = vector.broadcast %add3A_109 : i32 to vector<16xi32>
    %add3A_111 = arith.addi %iota3A, %add3A_110 : vector<16xi32>
    %and3A_112 = arith.constant 15 : i32
    %and3A_113 = vector.broadcast %and3A_112 : i32 to vector<16xi32>
    %and3A_114 = arith.andi %add3A_111, %and3A_113 : vector<16xi32>
    %add3A_115 = arith.constant 14 : i32
    %add3A_116 = vector.broadcast %add3A_115 : i32 to vector<16xi32>
    %add3A_117 = arith.addi %iota3A, %add3A_116 : vector<16xi32>
    %and3A_118 = arith.constant 15 : i32
    %and3A_119 = vector.broadcast %and3A_118 : i32 to vector<16xi32>
    %and3A_120 = arith.andi %add3A_117, %and3A_119 : vector<16xi32>
    %add3A_121 = arith.constant 15 : i32
    %add3A_122 = vector.broadcast %add3A_121 : i32 to vector<16xi32>
    %add3A_123 = arith.addi %iota3A, %add3A_122 : vector<16xi32>
    %and3A_124 = arith.constant 15 : i32
    %and3A_125 = vector.broadcast %and3A_124 : i32 to vector<16xi32>
    %and3A_126 = arith.andi %add3A_123, %and3A_125 : vector<16xi32>
    %lt3A_127 = arith.cmpi slt, %and3A_36, %iota3A : vector<16xi32>
    %lt3A_128 = arith.cmpi slt, %and3A_42, %iota3A : vector<16xi32>
    %lt3A_129 = arith.cmpi slt, %and3A_48, %iota3A : vector<16xi32>
    %lt3A_130 = arith.cmpi slt, %and3A_54, %iota3A : vector<16xi32>
    %lt3A_131 = arith.cmpi slt, %and3A_60, %iota3A : vector<16xi32>
    %lt3A_132 = arith.cmpi slt, %and3A_66, %iota3A : vector<16xi32>
    %lt3A_133 = arith.cmpi slt, %and3A_72, %iota3A : vector<16xi32>
    %lt3A_134 = arith.cmpi slt, %and3A_78, %iota3A : vector<16xi32>
    %lt3A_135 = arith.cmpi slt, %and3A_84, %iota3A : vector<16xi32>
    %lt3A_136 = arith.cmpi slt, %and3A_90, %iota3A : vector<16xi32>
    %lt3A_137 = arith.cmpi slt, %and3A_96, %iota3A : vector<16xi32>
    %lt3A_138 = arith.cmpi slt, %and3A_102, %iota3A : vector<16xi32>
    %lt3A_139 = arith.cmpi slt, %and3A_108, %iota3A : vector<16xi32>
    %lt3A_140 = arith.cmpi slt, %and3A_114, %iota3A : vector<16xi32>
    %lt3A_141 = arith.cmpi slt, %and3A_120, %iota3A : vector<16xi32>
    %lt3A_142 = arith.cmpi slt, %and3A_126, %iota3A : vector<16xi32>
    %broadcast_in_dim3A = arith.constant 1 : i32
    %broadcast_in_dim3A_143 = vector.broadcast %broadcast_in_dim3A : i32 to vector<16xi32>
    %broadcast_in_dim3A_144 = arith.constant 0 : i32
    %broadcast_in_dim3A_145 = vector.broadcast %broadcast_in_dim3A_144 : i32 to vector<16xi32>
    %mul3A_146 = arith.constant 64 : i32
    %mul3A_147 = arith.muli %select_n3A_30, %mul3A_146 : i32
    %add3A_148 = arith.constant 0 : i32
    %add3A_149 = arith.addi %mul3A_147, %add3A_148 : i32
    %get3A = arith.index_cast %add3A_149 : i32 to index
    %get3A_150 = tpu.vector_load %arg6[%get3A] {strides = array<i32>} : memref<512xf32, #tpu.memory_space<vmem>>, vector<16xf32>,
    %mul3A_151 = arith.constant 4 : i32
    %mul3A_152 = arith.muli %select_n3A_30, %mul3A_151 : i32
    %add3A_153 = arith.constant 0 : i32
    %add3A_154 = arith.addi %mul3A_152, %add3A_153 : i32
    %while3A = arith.constant 0 : i32
    %while3A_155 = arith.subi %add3A_154, %while3A : i32
    %while3A_156 = arith.addi %while3A, %while3A_155 : i32
    %while3A_157 = arith.constant 1 : i32
    %while3A_158 = arith.divsi %while3A_155, %while3A_157 : i32
    %while3A_159 = arith.muli %while3A_158, %while3A_157 : i32
    %while3A_160 = arith.addi %while3A, %while3A_159 : i32
    %while3A_161 = arith.constant 1 : i32
    %while3A_162 = scf.for %while3A_865 = %while3A to %while3A_160 step %while3A_161 iter_args(%while3A_866 = %broadcast_in_dim3A_145) -> (vector<16xi32>)  : i32 {
      %mul3A_867 = arith.constant 16 : i32
      %mul3A_868 = arith.muli %while3A_865, %mul3A_867 : i32
      %add3A_869 = vector.broadcast %mul3A_868 : i32 to vector<16xi32>
      %add3A_870 = arith.addi %and3A_36, %add3A_869 : vector<16xi32>
      %gather3A_871 = tpu.vector_load_idx %arg6[%add3A_870] : memref<512xf32, #tpu.memory_space<vmem>>[vector<16xi32>], vector<16xf32>,
      %ge3A = arith.cmpf oge, %gather3A_871, %get3A_150 : vector<16xf32>
      %select_n3A_872 = arith.select %ge3A, %broadcast_in_dim3A_143, %broadcast_in_dim3A_145 : vector<16xi1>, vector<16xi32>
      %add3A_873 = arith.addi %while3A_866, %select_n3A_872 : vector<16xi32>
      %add3A_874 = vector.broadcast %mul3A_868 : i32 to vector<16xi32>
      %add3A_875 = arith.addi %and3A_42, %add3A_874 : vector<16xi32>
      %gather3A_876 = tpu.vector_load_idx %arg6[%add3A_875] : memref<512xf32, #tpu.memory_space<vmem>>[vector<16xi32>], vector<16xf32>,
      %ge3A_877 = arith.cmpf oge, %gather3A_876, %get3A_150 : vector<16xf32>
      %select_n3A_878 = arith.select %ge3A_877, %broadcast_in_dim3A_143, %broadcast_in_dim3A_145 : vector<16xi1>, vector<16xi32>
      %add3A_879 = arith.addi %add3A_873, %select_n3A_878 : vector<16xi32>
      %add3A_880 = vector.broadcast %mul3A_868 : i32 to vector<16xi32>
      %add3A_881 = arith.addi %and3A_48, %add3A_880 : vector<16xi32>
      %gather3A_882 = tpu.vector_load_idx %arg6[%add3A_881] : memref<512xf32, #tpu.memory_space<vmem>>[vector<16xi32>], vector<16xf32>,
      %ge3A_883 = arith.cmpf oge, %gather3A_882, %get3A_150 : vector<16xf32>
      %select_n3A_884 = arith.select %ge3A_883, %broadcast_in_dim3A_143, %broadcast_in_dim3A_145 : vector<16xi1>, vector<16xi32>
      %add3A_885 = arith.addi %add3A_879, %select_n3A_884 : vector<16xi32>
      %add3A_886 = vector.broadcast %mul3A_868 : i32 to vector<16xi32>
      %add3A_887 = arith.addi %and3A_54, %add3A_886 : vector<16xi32>
      %gather3A_888 = tpu.vector_load_idx %arg6[%add3A_887] : memref<512xf32, #tpu.memory_space<vmem>>[vector<16xi32>], vector<16xf32>,
      %ge3A_889 = arith.cmpf oge, %gather3A_888, %get3A_150 : vector<16xf32>
      %select_n3A_890 = arith.select %ge3A_889, %broadcast_in_dim3A_143, %broadcast_in_dim3A_145 : vector<16xi1>, vector<16xi32>
      %add3A_891 = arith.addi %add3A_885, %select_n3A_890 : vector<16xi32>
      %add3A_892 = vector.broadcast %mul3A_868 : i32 to vector<16xi32>
      %add3A_893 = arith.addi %and3A_60, %add3A_892 : vector<16xi32>
      %gather3A_894 = tpu.vector_load_idx %arg6[%add3A_893] : memref<512xf32, #tpu.memory_space<vmem>>[vector<16xi32>], vector<16xf32>,
      %ge3A_895 = arith.cmpf oge, %gather3A_894, %get3A_150 : vector<16xf32>
      %select_n3A_896 = arith.select %ge3A_895, %broadcast_in_dim3A_143, %broadcast_in_dim3A_145 : vector<16xi1>, vector<16xi32>
      %add3A_897 = arith.addi %add3A_891, %select_n3A_896 : vector<16xi32>
      %add3A_898 = vector.broadcast %mul3A_868 : i32 to vector<16xi32>
      %add3A_899 = arith.addi %and3A_66, %add3A_898 : vector<16xi32>
      %gather3A_900 = tpu.vector_load_idx %arg6[%add3A_899] : memref<512xf32, #tpu.memory_space<vmem>>[vector<16xi32>], vector<16xf32>,
      %ge3A_901 = arith.cmpf oge, %gather3A_900, %get3A_150 : vector<16xf32>
      %select_n3A_902 = arith.select %ge3A_901, %broadcast_in_dim3A_143, %broadcast_in_dim3A_145 : vector<16xi1>, vector<16xi32>
      %add3A_903 = arith.addi %add3A_897, %select_n3A_902 : vector<16xi32>
      %add3A_904 = vector.broadcast %mul3A_868 : i32 to vector<16xi32>
      %add3A_905 = arith.addi %and3A_72, %add3A_904 : vector<16xi32>
      %gather3A_906 = tpu.vector_load_idx %arg6[%add3A_905] : memref<512xf32, #tpu.memory_space<vmem>>[vector<16xi32>], vector<16xf32>,
      %ge3A_907 = arith.cmpf oge, %gather3A_906, %get3A_150 : vector<16xf32>
      %select_n3A_908 = arith.select %ge3A_907, %broadcast_in_dim3A_143, %broadcast_in_dim3A_145 : vector<16xi1>, vector<16xi32>
      %add3A_909 = arith.addi %add3A_903, %select_n3A_908 : vector<16xi32>
      %add3A_910 = vector.broadcast %mul3A_868 : i32 to vector<16xi32>
      %add3A_911 = arith.addi %and3A_78, %add3A_910 : vector<16xi32>
      %gather3A_912 = tpu.vector_load_idx %arg6[%add3A_911] : memref<512xf32, #tpu.memory_space<vmem>>[vector<16xi32>], vector<16xf32>,
      %ge3A_913 = arith.cmpf oge, %gather3A_912, %get3A_150 : vector<16xf32>
      %select_n3A_914 = arith.select %ge3A_913, %broadcast_in_dim3A_143, %broadcast_in_dim3A_145 : vector<16xi1>, vector<16xi32>
      %add3A_915 = arith.addi %add3A_909, %select_n3A_914 : vector<16xi32>
      %add3A_916 = vector.broadcast %mul3A_868 : i32 to vector<16xi32>
      %add3A_917 = arith.addi %and3A_84, %add3A_916 : vector<16xi32>
      %gather3A_918 = tpu.vector_load_idx %arg6[%add3A_917] : memref<512xf32, #tpu.memory_space<vmem>>[vector<16xi32>], vector<16xf32>,
      %ge3A_919 = arith.cmpf oge, %gather3A_918, %get3A_150 : vector<16xf32>
      %select_n3A_920 = arith.select %ge3A_919, %broadcast_in_dim3A_143, %broadcast_in_dim3A_145 : vector<16xi1>, vector<16xi32>
      %add3A_921 = arith.addi %add3A_915, %select_n3A_920 : vector<16xi32>
      %add3A_922 = vector.broadcast %mul3A_868 : i32 to vector<16xi32>
      %add3A_923 = arith.addi %and3A_90, %add3A_922 : vector<16xi32>
      %gather3A_924 = tpu.vector_load_idx %arg6[%add3A_923] : memref<512xf32, #tpu.memory_space<vmem>>[vector<16xi32>], vector<16xf32>,
      %ge3A_925 = arith.cmpf oge, %gather3A_924, %get3A_150 : vector<16xf32>
      %select_n3A_926 = arith.select %ge3A_925, %broadcast_in_dim3A_143, %broadcast_in_dim3A_145 : vector<16xi1>, vector<16xi32>
      %add3A_927 = arith.addi %add3A_921, %select_n3A_926 : vector<16xi32>
      %add3A_928 = vector.broadcast %mul3A_868 : i32 to vector<16xi32>
      %add3A_929 = arith.addi %and3A_96, %add3A_928 : vector<16xi32>
      %gather3A_930 = tpu.vector_load_idx %arg6[%add3A_929] : memref<512xf32, #tpu.memory_space<vmem>>[vector<16xi32>], vector<16xf32>,
      %ge3A_931 = arith.cmpf oge, %gather3A_930, %get3A_150 : vector<16xf32>
      %select_n3A_932 = arith.select %ge3A_931, %broadcast_in_dim3A_143, %broadcast_in_dim3A_145 : vector<16xi1>, vector<16xi32>
      %add3A_933 = arith.addi %add3A_927, %select_n3A_932 : vector<16xi32>
      %add3A_934 = vector.broadcast %mul3A_868 : i32 to vector<16xi32>
      %add3A_935 = arith.addi %and3A_102, %add3A_934 : vector<16xi32>
      %gather3A_936 = tpu.vector_load_idx %arg6[%add3A_935] : memref<512xf32, #tpu.memory_space<vmem>>[vector<16xi32>], vector<16xf32>,
      %ge3A_937 = arith.cmpf oge, %gather3A_936, %get3A_150 : vector<16xf32>
      %select_n3A_938 = arith.select %ge3A_937, %broadcast_in_dim3A_143, %broadcast_in_dim3A_145 : vector<16xi1>, vector<16xi32>
      %add3A_939 = arith.addi %add3A_933, %select_n3A_938 : vector<16xi32>
      %add3A_940 = vector.broadcast %mul3A_868 : i32 to vector<16xi32>
      %add3A_941 = arith.addi %and3A_108, %add3A_940 : vector<16xi32>
      %gather3A_942 = tpu.vector_load_idx %arg6[%add3A_941] : memref<512xf32, #tpu.memory_space<vmem>>[vector<16xi32>], vector<16xf32>,
      %ge3A_943 = arith.cmpf oge, %gather3A_942, %get3A_150 : vector<16xf32>
      %select_n3A_944 = arith.select %ge3A_943, %broadcast_in_dim3A_143, %broadcast_in_dim3A_145 : vector<16xi1>, vector<16xi32>
      %add3A_945 = arith.addi %add3A_939, %select_n3A_944 : vector<16xi32>
      %add3A_946 = vector.broadcast %mul3A_868 : i32 to vector<16xi32>
      %add3A_947 = arith.addi %and3A_114, %add3A_946 : vector<16xi32>
      %gather3A_948 = tpu.vector_load_idx %arg6[%add3A_947] : memref<512xf32, #tpu.memory_space<vmem>>[vector<16xi32>], vector<16xf32>,
      %ge3A_949 = arith.cmpf oge, %gather3A_948, %get3A_150 : vector<16xf32>
      %select_n3A_950 = arith.select %ge3A_949, %broadcast_in_dim3A_143, %broadcast_in_dim3A_145 : vector<16xi1>, vector<16xi32>
      %add3A_951 = arith.addi %add3A_945, %select_n3A_950 : vector<16xi32>
      %add3A_952 = vector.broadcast %mul3A_868 : i32 to vector<16xi32>
      %add3A_953 = arith.addi %and3A_120, %add3A_952 : vector<16xi32>
      %gather3A_954 = tpu.vector_load_idx %arg6[%add3A_953] : memref<512xf32, #tpu.memory_space<vmem>>[vector<16xi32>], vector<16xf32>,
      %ge3A_955 = arith.cmpf oge, %gather3A_954, %get3A_150 : vector<16xf32>
      %select_n3A_956 = arith.select %ge3A_955, %broadcast_in_dim3A_143, %broadcast_in_dim3A_145 : vector<16xi1>, vector<16xi32>
      %add3A_957 = arith.addi %add3A_951, %select_n3A_956 : vector<16xi32>
      %add3A_958 = vector.broadcast %mul3A_868 : i32 to vector<16xi32>
      %add3A_959 = arith.addi %and3A_126, %add3A_958 : vector<16xi32>
      %gather3A_960 = tpu.vector_load_idx %arg6[%add3A_959] : memref<512xf32, #tpu.memory_space<vmem>>[vector<16xi32>], vector<16xf32>,
      %ge3A_961 = arith.cmpf oge, %gather3A_960, %get3A_150 : vector<16xf32>
      %select_n3A_962 = arith.select %ge3A_961, %broadcast_in_dim3A_143, %broadcast_in_dim3A_145 : vector<16xi1>, vector<16xi32>
      %add3A_963 = arith.addi %add3A_957, %select_n3A_962 : vector<16xi32>
      scf.yield %add3A_963 : vector<16xi32>
    }
    %while3A_163 = arith.constant 1 : i32
    %while3A_164 = scf.for %while3A_865 = %while3A_160 to %while3A_156 step %while3A_163 iter_args(%while3A_866 = %while3A_162) -> (vector<16xi32>)  : i32 {
      %mul3A_867 = arith.constant 16 : i32
      %mul3A_868 = arith.muli %while3A_865, %mul3A_867 : i32
      %add3A_869 = vector.broadcast %mul3A_868 : i32 to vector<16xi32>
      %add3A_870 = arith.addi %and3A_36, %add3A_869 : vector<16xi32>
      %gather3A_871 = tpu.vector_load_idx %arg6[%add3A_870] : memref<512xf32, #tpu.memory_space<vmem>>[vector<16xi32>], vector<16xf32>,
      %ge3A = arith.cmpf oge, %gather3A_871, %get3A_150 : vector<16xf32>
      %select_n3A_872 = arith.select %ge3A, %broadcast_in_dim3A_143, %broadcast_in_dim3A_145 : vector<16xi1>, vector<16xi32>
      %add3A_873 = arith.addi %while3A_866, %select_n3A_872 : vector<16xi32>
      %add3A_874 = vector.broadcast %mul3A_868 : i32 to vector<16xi32>
      %add3A_875 = arith.addi %and3A_42, %add3A_874 : vector<16xi32>
      %gather3A_876 = tpu.vector_load_idx %arg6[%add3A_875] : memref<512xf32, #tpu.memory_space<vmem>>[vector<16xi32>], vector<16xf32>,
      %ge3A_877 = arith.cmpf oge, %gather3A_876, %get3A_150 : vector<16xf32>
      %select_n3A_878 = arith.select %ge3A_877, %broadcast_in_dim3A_143, %broadcast_in_dim3A_145 : vector<16xi1>, vector<16xi32>
      %add3A_879 = arith.addi %add3A_873, %select_n3A_878 : vector<16xi32>
      %add3A_880 = vector.broadcast %mul3A_868 : i32 to vector<16xi32>
      %add3A_881 = arith.addi %and3A_48, %add3A_880 : vector<16xi32>
      %gather3A_882 = tpu.vector_load_idx %arg6[%add3A_881] : memref<512xf32, #tpu.memory_space<vmem>>[vector<16xi32>], vector<16xf32>,
      %ge3A_883 = arith.cmpf oge, %gather3A_882, %get3A_150 : vector<16xf32>
      %select_n3A_884 = arith.select %ge3A_883, %broadcast_in_dim3A_143, %broadcast_in_dim3A_145 : vector<16xi1>, vector<16xi32>
      %add3A_885 = arith.addi %add3A_879, %select_n3A_884 : vector<16xi32>
      %add3A_886 = vector.broadcast %mul3A_868 : i32 to vector<16xi32>
      %add3A_887 = arith.addi %and3A_54, %add3A_886 : vector<16xi32>
      %gather3A_888 = tpu.vector_load_idx %arg6[%add3A_887] : memref<512xf32, #tpu.memory_space<vmem>>[vector<16xi32>], vector<16xf32>,
      %ge3A_889 = arith.cmpf oge, %gather3A_888, %get3A_150 : vector<16xf32>
      %select_n3A_890 = arith.select %ge3A_889, %broadcast_in_dim3A_143, %broadcast_in_dim3A_145 : vector<16xi1>, vector<16xi32>
      %add3A_891 = arith.addi %add3A_885, %select_n3A_890 : vector<16xi32>
      %add3A_892 = vector.broadcast %mul3A_868 : i32 to vector<16xi32>
      %add3A_893 = arith.addi %and3A_60, %add3A_892 : vector<16xi32>
      %gather3A_894 = tpu.vector_load_idx %arg6[%add3A_893] : memref<512xf32, #tpu.memory_space<vmem>>[vector<16xi32>], vector<16xf32>,
      %ge3A_895 = arith.cmpf oge, %gather3A_894, %get3A_150 : vector<16xf32>
      %select_n3A_896 = arith.select %ge3A_895, %broadcast_in_dim3A_143, %broadcast_in_dim3A_145 : vector<16xi1>, vector<16xi32>
      %add3A_897 = arith.addi %add3A_891, %select_n3A_896 : vector<16xi32>
      %add3A_898 = vector.broadcast %mul3A_868 : i32 to vector<16xi32>
      %add3A_899 = arith.addi %and3A_66, %add3A_898 : vector<16xi32>
      %gather3A_900 = tpu.vector_load_idx %arg6[%add3A_899] : memref<512xf32, #tpu.memory_space<vmem>>[vector<16xi32>], vector<16xf32>,
      %ge3A_901 = arith.cmpf oge, %gather3A_900, %get3A_150 : vector<16xf32>
      %select_n3A_902 = arith.select %ge3A_901, %broadcast_in_dim3A_143, %broadcast_in_dim3A_145 : vector<16xi1>, vector<16xi32>
      %add3A_903 = arith.addi %add3A_897, %select_n3A_902 : vector<16xi32>
      %add3A_904 = vector.broadcast %mul3A_868 : i32 to vector<16xi32>
      %add3A_905 = arith.addi %and3A_72, %add3A_904 : vector<16xi32>
      %gather3A_906 = tpu.vector_load_idx %arg6[%add3A_905] : memref<512xf32, #tpu.memory_space<vmem>>[vector<16xi32>], vector<16xf32>,
      %ge3A_907 = arith.cmpf oge, %gather3A_906, %get3A_150 : vector<16xf32>
      %select_n3A_908 = arith.select %ge3A_907, %broadcast_in_dim3A_143, %broadcast_in_dim3A_145 : vector<16xi1>, vector<16xi32>
      %add3A_909 = arith.addi %add3A_903, %select_n3A_908 : vector<16xi32>
      %add3A_910 = vector.broadcast %mul3A_868 : i32 to vector<16xi32>
      %add3A_911 = arith.addi %and3A_78, %add3A_910 : vector<16xi32>
      %gather3A_912 = tpu.vector_load_idx %arg6[%add3A_911] : memref<512xf32, #tpu.memory_space<vmem>>[vector<16xi32>], vector<16xf32>,
      %ge3A_913 = arith.cmpf oge, %gather3A_912, %get3A_150 : vector<16xf32>
      %select_n3A_914 = arith.select %ge3A_913, %broadcast_in_dim3A_143, %broadcast_in_dim3A_145 : vector<16xi1>, vector<16xi32>
      %add3A_915 = arith.addi %add3A_909, %select_n3A_914 : vector<16xi32>
      %add3A_916 = vector.broadcast %mul3A_868 : i32 to vector<16xi32>
      %add3A_917 = arith.addi %and3A_84, %add3A_916 : vector<16xi32>
      %gather3A_918 = tpu.vector_load_idx %arg6[%add3A_917] : memref<512xf32, #tpu.memory_space<vmem>>[vector<16xi32>], vector<16xf32>,
      %ge3A_919 = arith.cmpf oge, %gather3A_918, %get3A_150 : vector<16xf32>
      %select_n3A_920 = arith.select %ge3A_919, %broadcast_in_dim3A_143, %broadcast_in_dim3A_145 : vector<16xi1>, vector<16xi32>
      %add3A_921 = arith.addi %add3A_915, %select_n3A_920 : vector<16xi32>
      %add3A_922 = vector.broadcast %mul3A_868 : i32 to vector<16xi32>
      %add3A_923 = arith.addi %and3A_90, %add3A_922 : vector<16xi32>
      %gather3A_924 = tpu.vector_load_idx %arg6[%add3A_923] : memref<512xf32, #tpu.memory_space<vmem>>[vector<16xi32>], vector<16xf32>,
      %ge3A_925 = arith.cmpf oge, %gather3A_924, %get3A_150 : vector<16xf32>
      %select_n3A_926 = arith.select %ge3A_925, %broadcast_in_dim3A_143, %broadcast_in_dim3A_145 : vector<16xi1>, vector<16xi32>
      %add3A_927 = arith.addi %add3A_921, %select_n3A_926 : vector<16xi32>
      %add3A_928 = vector.broadcast %mul3A_868 : i32 to vector<16xi32>
      %add3A_929 = arith.addi %and3A_96, %add3A_928 : vector<16xi32>
      %gather3A_930 = tpu.vector_load_idx %arg6[%add3A_929] : memref<512xf32, #tpu.memory_space<vmem>>[vector<16xi32>], vector<16xf32>,
      %ge3A_931 = arith.cmpf oge, %gather3A_930, %get3A_150 : vector<16xf32>
      %select_n3A_932 = arith.select %ge3A_931, %broadcast_in_dim3A_143, %broadcast_in_dim3A_145 : vector<16xi1>, vector<16xi32>
      %add3A_933 = arith.addi %add3A_927, %select_n3A_932 : vector<16xi32>
      %add3A_934 = vector.broadcast %mul3A_868 : i32 to vector<16xi32>
      %add3A_935 = arith.addi %and3A_102, %add3A_934 : vector<16xi32>
      %gather3A_936 = tpu.vector_load_idx %arg6[%add3A_935] : memref<512xf32, #tpu.memory_space<vmem>>[vector<16xi32>], vector<16xf32>,
      %ge3A_937 = arith.cmpf oge, %gather3A_936, %get3A_150 : vector<16xf32>
      %select_n3A_938 = arith.select %ge3A_937, %broadcast_in_dim3A_143, %broadcast_in_dim3A_145 : vector<16xi1>, vector<16xi32>
      %add3A_939 = arith.addi %add3A_933, %select_n3A_938 : vector<16xi32>
      %add3A_940 = vector.broadcast %mul3A_868 : i32 to vector<16xi32>
      %add3A_941 = arith.addi %and3A_108, %add3A_940 : vector<16xi32>
      %gather3A_942 = tpu.vector_load_idx %arg6[%add3A_941] : memref<512xf32, #tpu.memory_space<vmem>>[vector<16xi32>], vector<16xf32>,
      %ge3A_943 = arith.cmpf oge, %gather3A_942, %get3A_150 : vector<16xf32>
      %select_n3A_944 = arith.select %ge3A_943, %broadcast_in_dim3A_143, %broadcast_in_dim3A_145 : vector<16xi1>, vector<16xi32>
      %add3A_945 = arith.addi %add3A_939, %select_n3A_944 : vector<16xi32>
      %add3A_946 = vector.broadcast %mul3A_868 : i32 to vector<16xi32>
      %add3A_947 = arith.addi %and3A_114, %add3A_946 : vector<16xi32>
      %gather3A_948 = tpu.vector_load_idx %arg6[%add3A_947] : memref<512xf32, #tpu.memory_space<vmem>>[vector<16xi32>], vector<16xf32>,
      %ge3A_949 = arith.cmpf oge, %gather3A_948, %get3A_150 : vector<16xf32>
      %select_n3A_950 = arith.select %ge3A_949, %broadcast_in_dim3A_143, %broadcast_in_dim3A_145 : vector<16xi1>, vector<16xi32>
      %add3A_951 = arith.addi %add3A_945, %select_n3A_950 : vector<16xi32>
      %add3A_952 = vector.broadcast %mul3A_868 : i32 to vector<16xi32>
      %add3A_953 = arith.addi %and3A_120, %add3A_952 : vector<16xi32>
      %gather3A_954 = tpu.vector_load_idx %arg6[%add3A_953] : memref<512xf32, #tpu.memory_space<vmem>>[vector<16xi32>], vector<16xf32>,
      %ge3A_955 = arith.cmpf oge, %gather3A_954, %get3A_150 : vector<16xf32>
      %select_n3A_956 = arith.select %ge3A_955, %broadcast_in_dim3A_143, %broadcast_in_dim3A_145 : vector<16xi1>, vector<16xi32>
      %add3A_957 = arith.addi %add3A_951, %select_n3A_956 : vector<16xi32>
      %add3A_958 = vector.broadcast %mul3A_868 : i32 to vector<16xi32>
      %add3A_959 = arith.addi %and3A_126, %add3A_958 : vector<16xi32>
      %gather3A_960 = tpu.vector_load_idx %arg6[%add3A_959] : memref<512xf32, #tpu.memory_space<vmem>>[vector<16xi32>], vector<16xf32>,
      %ge3A_961 = arith.cmpf oge, %gather3A_960, %get3A_150 : vector<16xf32>
      %select_n3A_962 = arith.select %ge3A_961, %broadcast_in_dim3A_143, %broadcast_in_dim3A_145 : vector<16xi1>, vector<16xi32>
      %add3A_963 = arith.addi %add3A_957, %select_n3A_962 : vector<16xi32>
      scf.yield %add3A_963 : vector<16xi32>
    }
    %add3A_165 = arith.constant 1 : i32
    %add3A_166 = arith.addi %add3A_154, %add3A_165 : i32
    %while3A_167 = arith.constant 32 : i32
    %while3A_168 = arith.subi %while3A_167, %add3A_166 : i32
    %while3A_169 = arith.addi %add3A_166, %while3A_168 : i32
    %while3A_170 = arith.constant 1 : i32
    %while3A_171 = arith.divsi %while3A_168, %while3A_170 : i32
    %while3A_172 = arith.muli %while3A_171, %while3A_170 : i32
    %while3A_173 = arith.addi %add3A_166, %while3A_172 : i32
    %while3A_174 = arith.constant 1 : i32
    %while3A_175 = scf.for %while3A_865 = %add3A_166 to %while3A_173 step %while3A_174 iter_args(%while3A_866 = %while3A_164) -> (vector<16xi32>)  : i32 {
      %mul3A_867 = arith.constant 16 : i32
      %mul3A_868 = arith.muli %while3A_865, %mul3A_867 : i32
      %add3A_869 = vector.broadcast %mul3A_868 : i32 to vector<16xi32>
      %add3A_870 = arith.addi %and3A_36, %add3A_869 : vector<16xi32>
      %gather3A_871 = tpu.vector_load_idx %arg6[%add3A_870] : memref<512xf32, #tpu.memory_space<vmem>>[vector<16xi32>], vector<16xf32>,
      %gt3A_872 = arith.cmpf ogt, %gather3A_871, %get3A_150 : vector<16xf32>
      %select_n3A_873 = arith.select %gt3A_872, %broadcast_in_dim3A_143, %broadcast_in_dim3A_145 : vector<16xi1>, vector<16xi32>
      %add3A_874 = arith.addi %while3A_866, %select_n3A_873 : vector<16xi32>
      %add3A_875 = vector.broadcast %mul3A_868 : i32 to vector<16xi32>
      %add3A_876 = arith.addi %and3A_42, %add3A_875 : vector<16xi32>
      %gather3A_877 = tpu.vector_load_idx %arg6[%add3A_876] : memref<512xf32, #tpu.memory_space<vmem>>[vector<16xi32>], vector<16xf32>,
      %gt3A_878 = arith.cmpf ogt, %gather3A_877, %get3A_150 : vector<16xf32>
      %select_n3A_879 = arith.select %gt3A_878, %broadcast_in_dim3A_143, %broadcast_in_dim3A_145 : vector<16xi1>, vector<16xi32>
      %add3A_880 = arith.addi %add3A_874, %select_n3A_879 : vector<16xi32>
      %add3A_881 = vector.broadcast %mul3A_868 : i32 to vector<16xi32>
      %add3A_882 = arith.addi %and3A_48, %add3A_881 : vector<16xi32>
      %gather3A_883 = tpu.vector_load_idx %arg6[%add3A_882] : memref<512xf32, #tpu.memory_space<vmem>>[vector<16xi32>], vector<16xf32>,
      %gt3A_884 = arith.cmpf ogt, %gather3A_883, %get3A_150 : vector<16xf32>
      %select_n3A_885 = arith.select %gt3A_884, %broadcast_in_dim3A_143, %broadcast_in_dim3A_145 : vector<16xi1>, vector<16xi32>
      %add3A_886 = arith.addi %add3A_880, %select_n3A_885 : vector<16xi32>
      %add3A_887 = vector.broadcast %mul3A_868 : i32 to vector<16xi32>
      %add3A_888 = arith.addi %and3A_54, %add3A_887 : vector<16xi32>
      %gather3A_889 = tpu.vector_load_idx %arg6[%add3A_888] : memref<512xf32, #tpu.memory_space<vmem>>[vector<16xi32>], vector<16xf32>,
      %gt3A_890 = arith.cmpf ogt, %gather3A_889, %get3A_150 : vector<16xf32>
      %select_n3A_891 = arith.select %gt3A_890, %broadcast_in_dim3A_143, %broadcast_in_dim3A_145 : vector<16xi1>, vector<16xi32>
      %add3A_892 = arith.addi %add3A_886, %select_n3A_891 : vector<16xi32>
      %add3A_893 = vector.broadcast %mul3A_868 : i32 to vector<16xi32>
      %add3A_894 = arith.addi %and3A_60, %add3A_893 : vector<16xi32>
      %gather3A_895 = tpu.vector_load_idx %arg6[%add3A_894] : memref<512xf32, #tpu.memory_space<vmem>>[vector<16xi32>], vector<16xf32>,
      %gt3A_896 = arith.cmpf ogt, %gather3A_895, %get3A_150 : vector<16xf32>
      %select_n3A_897 = arith.select %gt3A_896, %broadcast_in_dim3A_143, %broadcast_in_dim3A_145 : vector<16xi1>, vector<16xi32>
      %add3A_898 = arith.addi %add3A_892, %select_n3A_897 : vector<16xi32>
      %add3A_899 = vector.broadcast %mul3A_868 : i32 to vector<16xi32>
      %add3A_900 = arith.addi %and3A_66, %add3A_899 : vector<16xi32>
      %gather3A_901 = tpu.vector_load_idx %arg6[%add3A_900] : memref<512xf32, #tpu.memory_space<vmem>>[vector<16xi32>], vector<16xf32>,
      %gt3A_902 = arith.cmpf ogt, %gather3A_901, %get3A_150 : vector<16xf32>
      %select_n3A_903 = arith.select %gt3A_902, %broadcast_in_dim3A_143, %broadcast_in_dim3A_145 : vector<16xi1>, vector<16xi32>
      %add3A_904 = arith.addi %add3A_898, %select_n3A_903 : vector<16xi32>
      %add3A_905 = vector.broadcast %mul3A_868 : i32 to vector<16xi32>
      %add3A_906 = arith.addi %and3A_72, %add3A_905 : vector<16xi32>
      %gather3A_907 = tpu.vector_load_idx %arg6[%add3A_906] : memref<512xf32, #tpu.memory_space<vmem>>[vector<16xi32>], vector<16xf32>,
      %gt3A_908 = arith.cmpf ogt, %gather3A_907, %get3A_150 : vector<16xf32>
      %select_n3A_909 = arith.select %gt3A_908, %broadcast_in_dim3A_143, %broadcast_in_dim3A_145 : vector<16xi1>, vector<16xi32>
      %add3A_910 = arith.addi %add3A_904, %select_n3A_909 : vector<16xi32>
      %add3A_911 = vector.broadcast %mul3A_868 : i32 to vector<16xi32>
      %add3A_912 = arith.addi %and3A_78, %add3A_911 : vector<16xi32>
      %gather3A_913 = tpu.vector_load_idx %arg6[%add3A_912] : memref<512xf32, #tpu.memory_space<vmem>>[vector<16xi32>], vector<16xf32>,
      %gt3A_914 = arith.cmpf ogt, %gather3A_913, %get3A_150 : vector<16xf32>
      %select_n3A_915 = arith.select %gt3A_914, %broadcast_in_dim3A_143, %broadcast_in_dim3A_145 : vector<16xi1>, vector<16xi32>
      %add3A_916 = arith.addi %add3A_910, %select_n3A_915 : vector<16xi32>
      %add3A_917 = vector.broadcast %mul3A_868 : i32 to vector<16xi32>
      %add3A_918 = arith.addi %and3A_84, %add3A_917 : vector<16xi32>
      %gather3A_919 = tpu.vector_load_idx %arg6[%add3A_918] : memref<512xf32, #tpu.memory_space<vmem>>[vector<16xi32>], vector<16xf32>,
      %gt3A_920 = arith.cmpf ogt, %gather3A_919, %get3A_150 : vector<16xf32>
      %select_n3A_921 = arith.select %gt3A_920, %broadcast_in_dim3A_143, %broadcast_in_dim3A_145 : vector<16xi1>, vector<16xi32>
      %add3A_922 = arith.addi %add3A_916, %select_n3A_921 : vector<16xi32>
      %add3A_923 = vector.broadcast %mul3A_868 : i32 to vector<16xi32>
      %add3A_924 = arith.addi %and3A_90, %add3A_923 : vector<16xi32>
      %gather3A_925 = tpu.vector_load_idx %arg6[%add3A_924] : memref<512xf32, #tpu.memory_space<vmem>>[vector<16xi32>], vector<16xf32>,
      %gt3A_926 = arith.cmpf ogt, %gather3A_925, %get3A_150 : vector<16xf32>
      %select_n3A_927 = arith.select %gt3A_926, %broadcast_in_dim3A_143, %broadcast_in_dim3A_145 : vector<16xi1>, vector<16xi32>
      %add3A_928 = arith.addi %add3A_922, %select_n3A_927 : vector<16xi32>
      %add3A_929 = vector.broadcast %mul3A_868 : i32 to vector<16xi32>
      %add3A_930 = arith.addi %and3A_96, %add3A_929 : vector<16xi32>
      %gather3A_931 = tpu.vector_load_idx %arg6[%add3A_930] : memref<512xf32, #tpu.memory_space<vmem>>[vector<16xi32>], vector<16xf32>,
      %gt3A_932 = arith.cmpf ogt, %gather3A_931, %get3A_150 : vector<16xf32>
      %select_n3A_933 = arith.select %gt3A_932, %broadcast_in_dim3A_143, %broadcast_in_dim3A_145 : vector<16xi1>, vector<16xi32>
      %add3A_934 = arith.addi %add3A_928, %select_n3A_933 : vector<16xi32>
      %add3A_935 = vector.broadcast %mul3A_868 : i32 to vector<16xi32>
      %add3A_936 = arith.addi %and3A_102, %add3A_935 : vector<16xi32>
      %gather3A_937 = tpu.vector_load_idx %arg6[%add3A_936] : memref<512xf32, #tpu.memory_space<vmem>>[vector<16xi32>], vector<16xf32>,
      %gt3A_938 = arith.cmpf ogt, %gather3A_937, %get3A_150 : vector<16xf32>
      %select_n3A_939 = arith.select %gt3A_938, %broadcast_in_dim3A_143, %broadcast_in_dim3A_145 : vector<16xi1>, vector<16xi32>
      %add3A_940 = arith.addi %add3A_934, %select_n3A_939 : vector<16xi32>
      %add3A_941 = vector.broadcast %mul3A_868 : i32 to vector<16xi32>
      %add3A_942 = arith.addi %and3A_108, %add3A_941 : vector<16xi32>
      %gather3A_943 = tpu.vector_load_idx %arg6[%add3A_942] : memref<512xf32, #tpu.memory_space<vmem>>[vector<16xi32>], vector<16xf32>,
      %gt3A_944 = arith.cmpf ogt, %gather3A_943, %get3A_150 : vector<16xf32>
      %select_n3A_945 = arith.select %gt3A_944, %broadcast_in_dim3A_143, %broadcast_in_dim3A_145 : vector<16xi1>, vector<16xi32>
      %add3A_946 = arith.addi %add3A_940, %select_n3A_945 : vector<16xi32>
      %add3A_947 = vector.broadcast %mul3A_868 : i32 to vector<16xi32>
      %add3A_948 = arith.addi %and3A_114, %add3A_947 : vector<16xi32>
      %gather3A_949 = tpu.vector_load_idx %arg6[%add3A_948] : memref<512xf32, #tpu.memory_space<vmem>>[vector<16xi32>], vector<16xf32>,
      %gt3A_950 = arith.cmpf ogt, %gather3A_949, %get3A_150 : vector<16xf32>
      %select_n3A_951 = arith.select %gt3A_950, %broadcast_in_dim3A_143, %broadcast_in_dim3A_145 : vector<16xi1>, vector<16xi32>
      %add3A_952 = arith.addi %add3A_946, %select_n3A_951 : vector<16xi32>
      %add3A_953 = vector.broadcast %mul3A_868 : i32 to vector<16xi32>
      %add3A_954 = arith.addi %and3A_120, %add3A_953 : vector<16xi32>
      %gather3A_955 = tpu.vector_load_idx %arg6[%add3A_954] : memref<512xf32, #tpu.memory_space<vmem>>[vector<16xi32>], vector<16xf32>,
      %gt3A_956 = arith.cmpf ogt, %gather3A_955, %get3A_150 : vector<16xf32>
      %select_n3A_957 = arith.select %gt3A_956, %broadcast_in_dim3A_143, %broadcast_in_dim3A_145 : vector<16xi1>, vector<16xi32>
      %add3A_958 = arith.addi %add3A_952, %select_n3A_957 : vector<16xi32>
      %add3A_959 = vector.broadcast %mul3A_868 : i32 to vector<16xi32>
      %add3A_960 = arith.addi %and3A_126, %add3A_959 : vector<16xi32>
      %gather3A_961 = tpu.vector_load_idx %arg6[%add3A_960] : memref<512xf32, #tpu.memory_space<vmem>>[vector<16xi32>], vector<16xf32>,
      %gt3A_962 = arith.cmpf ogt, %gather3A_961, %get3A_150 : vector<16xf32>
      %select_n3A_963 = arith.select %gt3A_962, %broadcast_in_dim3A_143, %broadcast_in_dim3A_145 : vector<16xi1>, vector<16xi32>
      %add3A_964 = arith.addi %add3A_958, %select_n3A_963 : vector<16xi32>
      scf.yield %add3A_964 : vector<16xi32>
    }
    %while3A_176 = arith.constant 1 : i32
    %while3A_177 = scf.for %while3A_865 = %while3A_173 to %while3A_169 step %while3A_176 iter_args(%while3A_866 = %while3A_175) -> (vector<16xi32>)  : i32 {
      %mul3A_867 = arith.constant 16 : i32
      %mul3A_868 = arith.muli %while3A_865, %mul3A_867 : i32
      %add3A_869 = vector.broadcast %mul3A_868 : i32 to vector<16xi32>
      %add3A_870 = arith.addi %and3A_36, %add3A_869 : vector<16xi32>
      %gather3A_871 = tpu.vector_load_idx %arg6[%add3A_870] : memref<512xf32, #tpu.memory_space<vmem>>[vector<16xi32>], vector<16xf32>,
      %gt3A_872 = arith.cmpf ogt, %gather3A_871, %get3A_150 : vector<16xf32>
      %select_n3A_873 = arith.select %gt3A_872, %broadcast_in_dim3A_143, %broadcast_in_dim3A_145 : vector<16xi1>, vector<16xi32>
      %add3A_874 = arith.addi %while3A_866, %select_n3A_873 : vector<16xi32>
      %add3A_875 = vector.broadcast %mul3A_868 : i32 to vector<16xi32>
      %add3A_876 = arith.addi %and3A_42, %add3A_875 : vector<16xi32>
      %gather3A_877 = tpu.vector_load_idx %arg6[%add3A_876] : memref<512xf32, #tpu.memory_space<vmem>>[vector<16xi32>], vector<16xf32>,
      %gt3A_878 = arith.cmpf ogt, %gather3A_877, %get3A_150 : vector<16xf32>
      %select_n3A_879 = arith.select %gt3A_878, %broadcast_in_dim3A_143, %broadcast_in_dim3A_145 : vector<16xi1>, vector<16xi32>
      %add3A_880 = arith.addi %add3A_874, %select_n3A_879 : vector<16xi32>
      %add3A_881 = vector.broadcast %mul3A_868 : i32 to vector<16xi32>
      %add3A_882 = arith.addi %and3A_48, %add3A_881 : vector<16xi32>
      %gather3A_883 = tpu.vector_load_idx %arg6[%add3A_882] : memref<512xf32, #tpu.memory_space<vmem>>[vector<16xi32>], vector<16xf32>,
      %gt3A_884 = arith.cmpf ogt, %gather3A_883, %get3A_150 : vector<16xf32>
      %select_n3A_885 = arith.select %gt3A_884, %broadcast_in_dim3A_143, %broadcast_in_dim3A_145 : vector<16xi1>, vector<16xi32>
      %add3A_886 = arith.addi %add3A_880, %select_n3A_885 : vector<16xi32>
      %add3A_887 = vector.broadcast %mul3A_868 : i32 to vector<16xi32>
      %add3A_888 = arith.addi %and3A_54, %add3A_887 : vector<16xi32>
      %gather3A_889 = tpu.vector_load_idx %arg6[%add3A_888] : memref<512xf32, #tpu.memory_space<vmem>>[vector<16xi32>], vector<16xf32>,
      %gt3A_890 = arith.cmpf ogt, %gather3A_889, %get3A_150 : vector<16xf32>
      %select_n3A_891 = arith.select %gt3A_890, %broadcast_in_dim3A_143, %broadcast_in_dim3A_145 : vector<16xi1>, vector<16xi32>
      %add3A_892 = arith.addi %add3A_886, %select_n3A_891 : vector<16xi32>
      %add3A_893 = vector.broadcast %mul3A_868 : i32 to vector<16xi32>
      %add3A_894 = arith.addi %and3A_60, %add3A_893 : vector<16xi32>
      %gather3A_895 = tpu.vector_load_idx %arg6[%add3A_894] : memref<512xf32, #tpu.memory_space<vmem>>[vector<16xi32>], vector<16xf32>,
      %gt3A_896 = arith.cmpf ogt, %gather3A_895, %get3A_150 : vector<16xf32>
      %select_n3A_897 = arith.select %gt3A_896, %broadcast_in_dim3A_143, %broadcast_in_dim3A_145 : vector<16xi1>, vector<16xi32>
      %add3A_898 = arith.addi %add3A_892, %select_n3A_897 : vector<16xi32>
      %add3A_899 = vector.broadcast %mul3A_868 : i32 to vector<16xi32>
      %add3A_900 = arith.addi %and3A_66, %add3A_899 : vector<16xi32>
      %gather3A_901 = tpu.vector_load_idx %arg6[%add3A_900] : memref<512xf32, #tpu.memory_space<vmem>>[vector<16xi32>], vector<16xf32>,
      %gt3A_902 = arith.cmpf ogt, %gather3A_901, %get3A_150 : vector<16xf32>
      %select_n3A_903 = arith.select %gt3A_902, %broadcast_in_dim3A_143, %broadcast_in_dim3A_145 : vector<16xi1>, vector<16xi32>
      %add3A_904 = arith.addi %add3A_898, %select_n3A_903 : vector<16xi32>
      %add3A_905 = vector.broadcast %mul3A_868 : i32 to vector<16xi32>
      %add3A_906 = arith.addi %and3A_72, %add3A_905 : vector<16xi32>
      %gather3A_907 = tpu.vector_load_idx %arg6[%add3A_906] : memref<512xf32, #tpu.memory_space<vmem>>[vector<16xi32>], vector<16xf32>,
      %gt3A_908 = arith.cmpf ogt, %gather3A_907, %get3A_150 : vector<16xf32>
      %select_n3A_909 = arith.select %gt3A_908, %broadcast_in_dim3A_143, %broadcast_in_dim3A_145 : vector<16xi1>, vector<16xi32>
      %add3A_910 = arith.addi %add3A_904, %select_n3A_909 : vector<16xi32>
      %add3A_911 = vector.broadcast %mul3A_868 : i32 to vector<16xi32>
      %add3A_912 = arith.addi %and3A_78, %add3A_911 : vector<16xi32>
      %gather3A_913 = tpu.vector_load_idx %arg6[%add3A_912] : memref<512xf32, #tpu.memory_space<vmem>>[vector<16xi32>], vector<16xf32>,
      %gt3A_914 = arith.cmpf ogt, %gather3A_913, %get3A_150 : vector<16xf32>
      %select_n3A_915 = arith.select %gt3A_914, %broadcast_in_dim3A_143, %broadcast_in_dim3A_145 : vector<16xi1>, vector<16xi32>
      %add3A_916 = arith.addi %add3A_910, %select_n3A_915 : vector<16xi32>
      %add3A_917 = vector.broadcast %mul3A_868 : i32 to vector<16xi32>
      %add3A_918 = arith.addi %and3A_84, %add3A_917 : vector<16xi32>
      %gather3A_919 = tpu.vector_load_idx %arg6[%add3A_918] : memref<512xf32, #tpu.memory_space<vmem>>[vector<16xi32>], vector<16xf32>,
      %gt3A_920 = arith.cmpf ogt, %gather3A_919, %get3A_150 : vector<16xf32>
      %select_n3A_921 = arith.select %gt3A_920, %broadcast_in_dim3A_143, %broadcast_in_dim3A_145 : vector<16xi1>, vector<16xi32>
      %add3A_922 = arith.addi %add3A_916, %select_n3A_921 : vector<16xi32>
      %add3A_923 = vector.broadcast %mul3A_868 : i32 to vector<16xi32>
      %add3A_924 = arith.addi %and3A_90, %add3A_923 : vector<16xi32>
      %gather3A_925 = tpu.vector_load_idx %arg6[%add3A_924] : memref<512xf32, #tpu.memory_space<vmem>>[vector<16xi32>], vector<16xf32>,
      %gt3A_926 = arith.cmpf ogt, %gather3A_925, %get3A_150 : vector<16xf32>
      %select_n3A_927 = arith.select %gt3A_926, %broadcast_in_dim3A_143, %broadcast_in_dim3A_145 : vector<16xi1>, vector<16xi32>
      %add3A_928 = arith.addi %add3A_922, %select_n3A_927 : vector<16xi32>
      %add3A_929 = vector.broadcast %mul3A_868 : i32 to vector<16xi32>
      %add3A_930 = arith.addi %and3A_96, %add3A_929 : vector<16xi32>
      %gather3A_931 = tpu.vector_load_idx %arg6[%add3A_930] : memref<512xf32, #tpu.memory_space<vmem>>[vector<16xi32>], vector<16xf32>,
      %gt3A_932 = arith.cmpf ogt, %gather3A_931, %get3A_150 : vector<16xf32>
      %select_n3A_933 = arith.select %gt3A_932, %broadcast_in_dim3A_143, %broadcast_in_dim3A_145 : vector<16xi1>, vector<16xi32>
      %add3A_934 = arith.addi %add3A_928, %select_n3A_933 : vector<16xi32>
      %add3A_935 = vector.broadcast %mul3A_868 : i32 to vector<16xi32>
      %add3A_936 = arith.addi %and3A_102, %add3A_935 : vector<16xi32>
      %gather3A_937 = tpu.vector_load_idx %arg6[%add3A_936] : memref<512xf32, #tpu.memory_space<vmem>>[vector<16xi32>], vector<16xf32>,
      %gt3A_938 = arith.cmpf ogt, %gather3A_937, %get3A_150 : vector<16xf32>
      %select_n3A_939 = arith.select %gt3A_938, %broadcast_in_dim3A_143, %broadcast_in_dim3A_145 : vector<16xi1>, vector<16xi32>
      %add3A_940 = arith.addi %add3A_934, %select_n3A_939 : vector<16xi32>
      %add3A_941 = vector.broadcast %mul3A_868 : i32 to vector<16xi32>
      %add3A_942 = arith.addi %and3A_108, %add3A_941 : vector<16xi32>
      %gather3A_943 = tpu.vector_load_idx %arg6[%add3A_942] : memref<512xf32, #tpu.memory_space<vmem>>[vector<16xi32>], vector<16xf32>,
      %gt3A_944 = arith.cmpf ogt, %gather3A_943, %get3A_150 : vector<16xf32>
      %select_n3A_945 = arith.select %gt3A_944, %broadcast_in_dim3A_143, %broadcast_in_dim3A_145 : vector<16xi1>, vector<16xi32>
      %add3A_946 = arith.addi %add3A_940, %select_n3A_945 : vector<16xi32>
      %add3A_947 = vector.broadcast %mul3A_868 : i32 to vector<16xi32>
      %add3A_948 = arith.addi %and3A_114, %add3A_947 : vector<16xi32>
      %gather3A_949 = tpu.vector_load_idx %arg6[%add3A_948] : memref<512xf32, #tpu.memory_space<vmem>>[vector<16xi32>], vector<16xf32>,
      %gt3A_950 = arith.cmpf ogt, %gather3A_949, %get3A_150 : vector<16xf32>
      %select_n3A_951 = arith.select %gt3A_950, %broadcast_in_dim3A_143, %broadcast_in_dim3A_145 : vector<16xi1>, vector<16xi32>
      %add3A_952 = arith.addi %add3A_946, %select_n3A_951 : vector<16xi32>
      %add3A_953 = vector.broadcast %mul3A_868 : i32 to vector<16xi32>
      %add3A_954 = arith.addi %and3A_120, %add3A_953 : vector<16xi32>
      %gather3A_955 = tpu.vector_load_idx %arg6[%add3A_954] : memref<512xf32, #tpu.memory_space<vmem>>[vector<16xi32>], vector<16xf32>,
      %gt3A_956 = arith.cmpf ogt, %gather3A_955, %get3A_150 : vector<16xf32>
      %select_n3A_957 = arith.select %gt3A_956, %broadcast_in_dim3A_143, %broadcast_in_dim3A_145 : vector<16xi1>, vector<16xi32>
      %add3A_958 = arith.addi %add3A_952, %select_n3A_957 : vector<16xi32>
      %add3A_959 = vector.broadcast %mul3A_868 : i32 to vector<16xi32>
      %add3A_960 = arith.addi %and3A_126, %add3A_959 : vector<16xi32>
      %gather3A_961 = tpu.vector_load_idx %arg6[%add3A_960] : memref<512xf32, #tpu.memory_space<vmem>>[vector<16xi32>], vector<16xf32>,
      %gt3A_962 = arith.cmpf ogt, %gather3A_961, %get3A_150 : vector<16xf32>
      %select_n3A_963 = arith.select %gt3A_962, %broadcast_in_dim3A_143, %broadcast_in_dim3A_145 : vector<16xi1>, vector<16xi32>
      %add3A_964 = arith.addi %add3A_958, %select_n3A_963 : vector<16xi32>
      scf.yield %add3A_964 : vector<16xi32>
    }
    %add3A_178 = vector.broadcast %add3A_149 : i32 to vector<16xi32>
    %add3A_179 = arith.addi %and3A_36, %add3A_178 : vector<16xi32>
    %gather3A = tpu.vector_load_idx %arg6[%add3A_179] : memref<512xf32, #tpu.memory_space<vmem>>[vector<16xi32>], vector<16xf32>,
    %gt3A = arith.cmpf ogt, %gather3A, %get3A_150 : vector<16xf32>
    %eq3A_180 = arith.cmpf oeq, %gather3A, %get3A_150 : vector<16xf32>
    %and3A_181 = arith.andi %eq3A_180, %lt3A_127 : vector<16xi1>
    %or3A = arith.ori %gt3A, %and3A_181 : vector<16xi1>
    %select_n3A_182 = arith.select %or3A, %broadcast_in_dim3A_143, %broadcast_in_dim3A_145 : vector<16xi1>, vector<16xi32>
    %add3A_183 = arith.addi %while3A_177, %select_n3A_182 : vector<16xi32>
    %add3A_184 = vector.broadcast %add3A_149 : i32 to vector<16xi32>
    %add3A_185 = arith.addi %and3A_42, %add3A_184 : vector<16xi32>
    %gather3A_186 = tpu.vector_load_idx %arg6[%add3A_185] : memref<512xf32, #tpu.memory_space<vmem>>[vector<16xi32>], vector<16xf32>,
    %gt3A_187 = arith.cmpf ogt, %gather3A_186, %get3A_150 : vector<16xf32>
    %eq3A_188 = arith.cmpf oeq, %gather3A_186, %get3A_150 : vector<16xf32>
    %and3A_189 = arith.andi %eq3A_188, %lt3A_128 : vector<16xi1>
    %or3A_190 = arith.ori %gt3A_187, %and3A_189 : vector<16xi1>
    %select_n3A_191 = arith.select %or3A_190, %broadcast_in_dim3A_143, %broadcast_in_dim3A_145 : vector<16xi1>, vector<16xi32>
    %add3A_192 = arith.addi %add3A_183, %select_n3A_191 : vector<16xi32>
    %add3A_193 = vector.broadcast %add3A_149 : i32 to vector<16xi32>
    %add3A_194 = arith.addi %and3A_48, %add3A_193 : vector<16xi32>
    %gather3A_195 = tpu.vector_load_idx %arg6[%add3A_194] : memref<512xf32, #tpu.memory_space<vmem>>[vector<16xi32>], vector<16xf32>,
    %gt3A_196 = arith.cmpf ogt, %gather3A_195, %get3A_150 : vector<16xf32>
    %eq3A_197 = arith.cmpf oeq, %gather3A_195, %get3A_150 : vector<16xf32>
    %and3A_198 = arith.andi %eq3A_197, %lt3A_129 : vector<16xi1>
    %or3A_199 = arith.ori %gt3A_196, %and3A_198 : vector<16xi1>
    %select_n3A_200 = arith.select %or3A_199, %broadcast_in_dim3A_143, %broadcast_in_dim3A_145 : vector<16xi1>, vector<16xi32>
    %add3A_201 = arith.addi %add3A_192, %select_n3A_200 : vector<16xi32>
    %add3A_202 = vector.broadcast %add3A_149 : i32 to vector<16xi32>
    %add3A_203 = arith.addi %and3A_54, %add3A_202 : vector<16xi32>
    %gather3A_204 = tpu.vector_load_idx %arg6[%add3A_203] : memref<512xf32, #tpu.memory_space<vmem>>[vector<16xi32>], vector<16xf32>,
    %gt3A_205 = arith.cmpf ogt, %gather3A_204, %get3A_150 : vector<16xf32>
    %eq3A_206 = arith.cmpf oeq, %gather3A_204, %get3A_150 : vector<16xf32>
    %and3A_207 = arith.andi %eq3A_206, %lt3A_130 : vector<16xi1>
    %or3A_208 = arith.ori %gt3A_205, %and3A_207 : vector<16xi1>
    %select_n3A_209 = arith.select %or3A_208, %broadcast_in_dim3A_143, %broadcast_in_dim3A_145 : vector<16xi1>, vector<16xi32>
    %add3A_210 = arith.addi %add3A_201, %select_n3A_209 : vector<16xi32>
    %add3A_211 = vector.broadcast %add3A_149 : i32 to vector<16xi32>
    %add3A_212 = arith.addi %and3A_60, %add3A_211 : vector<16xi32>
    %gather3A_213 = tpu.vector_load_idx %arg6[%add3A_212] : memref<512xf32, #tpu.memory_space<vmem>>[vector<16xi32>], vector<16xf32>,
    %gt3A_214 = arith.cmpf ogt, %gather3A_213, %get3A_150 : vector<16xf32>
    %eq3A_215 = arith.cmpf oeq, %gather3A_213, %get3A_150 : vector<16xf32>
    %and3A_216 = arith.andi %eq3A_215, %lt3A_131 : vector<16xi1>
    %or3A_217 = arith.ori %gt3A_214, %and3A_216 : vector<16xi1>
    %select_n3A_218 = arith.select %or3A_217, %broadcast_in_dim3A_143, %broadcast_in_dim3A_145 : vector<16xi1>, vector<16xi32>
    %add3A_219 = arith.addi %add3A_210, %select_n3A_218 : vector<16xi32>
    %add3A_220 = vector.broadcast %add3A_149 : i32 to vector<16xi32>
    %add3A_221 = arith.addi %and3A_66, %add3A_220 : vector<16xi32>
    %gather3A_222 = tpu.vector_load_idx %arg6[%add3A_221] : memref<512xf32, #tpu.memory_space<vmem>>[vector<16xi32>], vector<16xf32>,
    %gt3A_223 = arith.cmpf ogt, %gather3A_222, %get3A_150 : vector<16xf32>
    %eq3A_224 = arith.cmpf oeq, %gather3A_222, %get3A_150 : vector<16xf32>
    %and3A_225 = arith.andi %eq3A_224, %lt3A_132 : vector<16xi1>
    %or3A_226 = arith.ori %gt3A_223, %and3A_225 : vector<16xi1>
    %select_n3A_227 = arith.select %or3A_226, %broadcast_in_dim3A_143, %broadcast_in_dim3A_145 : vector<16xi1>, vector<16xi32>
    %add3A_228 = arith.addi %add3A_219, %select_n3A_227 : vector<16xi32>
    %add3A_229 = vector.broadcast %add3A_149 : i32 to vector<16xi32>
    %add3A_230 = arith.addi %and3A_72, %add3A_229 : vector<16xi32>
    %gather3A_231 = tpu.vector_load_idx %arg6[%add3A_230] : memref<512xf32, #tpu.memory_space<vmem>>[vector<16xi32>], vector<16xf32>,
    %gt3A_232 = arith.cmpf ogt, %gather3A_231, %get3A_150 : vector<16xf32>
    %eq3A_233 = arith.cmpf oeq, %gather3A_231, %get3A_150 : vector<16xf32>
    %and3A_234 = arith.andi %eq3A_233, %lt3A_133 : vector<16xi1>
    %or3A_235 = arith.ori %gt3A_232, %and3A_234 : vector<16xi1>
    %select_n3A_236 = arith.select %or3A_235, %broadcast_in_dim3A_143, %broadcast_in_dim3A_145 : vector<16xi1>, vector<16xi32>
    %add3A_237 = arith.addi %add3A_228, %select_n3A_236 : vector<16xi32>
    %add3A_238 = vector.broadcast %add3A_149 : i32 to vector<16xi32>
    %add3A_239 = arith.addi %and3A_78, %add3A_238 : vector<16xi32>
    %gather3A_240 = tpu.vector_load_idx %arg6[%add3A_239] : memref<512xf32, #tpu.memory_space<vmem>>[vector<16xi32>], vector<16xf32>,
    %gt3A_241 = arith.cmpf ogt, %gather3A_240, %get3A_150 : vector<16xf32>
    %eq3A_242 = arith.cmpf oeq, %gather3A_240, %get3A_150 : vector<16xf32>
    %and3A_243 = arith.andi %eq3A_242, %lt3A_134 : vector<16xi1>
    %or3A_244 = arith.ori %gt3A_241, %and3A_243 : vector<16xi1>
    %select_n3A_245 = arith.select %or3A_244, %broadcast_in_dim3A_143, %broadcast_in_dim3A_145 : vector<16xi1>, vector<16xi32>
    %add3A_246 = arith.addi %add3A_237, %select_n3A_245 : vector<16xi32>
    %add3A_247 = vector.broadcast %add3A_149 : i32 to vector<16xi32>
    %add3A_248 = arith.addi %and3A_84, %add3A_247 : vector<16xi32>
    %gather3A_249 = tpu.vector_load_idx %arg6[%add3A_248] : memref<512xf32, #tpu.memory_space<vmem>>[vector<16xi32>], vector<16xf32>,
    %gt3A_250 = arith.cmpf ogt, %gather3A_249, %get3A_150 : vector<16xf32>
    %eq3A_251 = arith.cmpf oeq, %gather3A_249, %get3A_150 : vector<16xf32>
    %and3A_252 = arith.andi %eq3A_251, %lt3A_135 : vector<16xi1>
    %or3A_253 = arith.ori %gt3A_250, %and3A_252 : vector<16xi1>
    %select_n3A_254 = arith.select %or3A_253, %broadcast_in_dim3A_143, %broadcast_in_dim3A_145 : vector<16xi1>, vector<16xi32>
    %add3A_255 = arith.addi %add3A_246, %select_n3A_254 : vector<16xi32>
    %add3A_256 = vector.broadcast %add3A_149 : i32 to vector<16xi32>
    %add3A_257 = arith.addi %and3A_90, %add3A_256 : vector<16xi32>
    %gather3A_258 = tpu.vector_load_idx %arg6[%add3A_257] : memref<512xf32, #tpu.memory_space<vmem>>[vector<16xi32>], vector<16xf32>,
    %gt3A_259 = arith.cmpf ogt, %gather3A_258, %get3A_150 : vector<16xf32>
    %eq3A_260 = arith.cmpf oeq, %gather3A_258, %get3A_150 : vector<16xf32>
    %and3A_261 = arith.andi %eq3A_260, %lt3A_136 : vector<16xi1>
    %or3A_262 = arith.ori %gt3A_259, %and3A_261 : vector<16xi1>
    %select_n3A_263 = arith.select %or3A_262, %broadcast_in_dim3A_143, %broadcast_in_dim3A_145 : vector<16xi1>, vector<16xi32>
    %add3A_264 = arith.addi %add3A_255, %select_n3A_263 : vector<16xi32>
    %add3A_265 = vector.broadcast %add3A_149 : i32 to vector<16xi32>
    %add3A_266 = arith.addi %and3A_96, %add3A_265 : vector<16xi32>
    %gather3A_267 = tpu.vector_load_idx %arg6[%add3A_266] : memref<512xf32, #tpu.memory_space<vmem>>[vector<16xi32>], vector<16xf32>,
    %gt3A_268 = arith.cmpf ogt, %gather3A_267, %get3A_150 : vector<16xf32>
    %eq3A_269 = arith.cmpf oeq, %gather3A_267, %get3A_150 : vector<16xf32>
    %and3A_270 = arith.andi %eq3A_269, %lt3A_137 : vector<16xi1>
    %or3A_271 = arith.ori %gt3A_268, %and3A_270 : vector<16xi1>
    %select_n3A_272 = arith.select %or3A_271, %broadcast_in_dim3A_143, %broadcast_in_dim3A_145 : vector<16xi1>, vector<16xi32>
    %add3A_273 = arith.addi %add3A_264, %select_n3A_272 : vector<16xi32>
    %add3A_274 = vector.broadcast %add3A_149 : i32 to vector<16xi32>
    %add3A_275 = arith.addi %and3A_102, %add3A_274 : vector<16xi32>
    %gather3A_276 = tpu.vector_load_idx %arg6[%add3A_275] : memref<512xf32, #tpu.memory_space<vmem>>[vector<16xi32>], vector<16xf32>,
    %gt3A_277 = arith.cmpf ogt, %gather3A_276, %get3A_150 : vector<16xf32>
    %eq3A_278 = arith.cmpf oeq, %gather3A_276, %get3A_150 : vector<16xf32>
    %and3A_279 = arith.andi %eq3A_278, %lt3A_138 : vector<16xi1>
    %or3A_280 = arith.ori %gt3A_277, %and3A_279 : vector<16xi1>
    %select_n3A_281 = arith.select %or3A_280, %broadcast_in_dim3A_143, %broadcast_in_dim3A_145 : vector<16xi1>, vector<16xi32>
    %add3A_282 = arith.addi %add3A_273, %select_n3A_281 : vector<16xi32>
    %add3A_283 = vector.broadcast %add3A_149 : i32 to vector<16xi32>
    %add3A_284 = arith.addi %and3A_108, %add3A_283 : vector<16xi32>
    %gather3A_285 = tpu.vector_load_idx %arg6[%add3A_284] : memref<512xf32, #tpu.memory_space<vmem>>[vector<16xi32>], vector<16xf32>,
    %gt3A_286 = arith.cmpf ogt, %gather3A_285, %get3A_150 : vector<16xf32>
    %eq3A_287 = arith.cmpf oeq, %gather3A_285, %get3A_150 : vector<16xf32>
    %and3A_288 = arith.andi %eq3A_287, %lt3A_139 : vector<16xi1>
    %or3A_289 = arith.ori %gt3A_286, %and3A_288 : vector<16xi1>
    %select_n3A_290 = arith.select %or3A_289, %broadcast_in_dim3A_143, %broadcast_in_dim3A_145 : vector<16xi1>, vector<16xi32>
    %add3A_291 = arith.addi %add3A_282, %select_n3A_290 : vector<16xi32>
    %add3A_292 = vector.broadcast %add3A_149 : i32 to vector<16xi32>
    %add3A_293 = arith.addi %and3A_114, %add3A_292 : vector<16xi32>
    %gather3A_294 = tpu.vector_load_idx %arg6[%add3A_293] : memref<512xf32, #tpu.memory_space<vmem>>[vector<16xi32>], vector<16xf32>,
    %gt3A_295 = arith.cmpf ogt, %gather3A_294, %get3A_150 : vector<16xf32>
    %eq3A_296 = arith.cmpf oeq, %gather3A_294, %get3A_150 : vector<16xf32>
    %and3A_297 = arith.andi %eq3A_296, %lt3A_140 : vector<16xi1>
    %or3A_298 = arith.ori %gt3A_295, %and3A_297 : vector<16xi1>
    %select_n3A_299 = arith.select %or3A_298, %broadcast_in_dim3A_143, %broadcast_in_dim3A_145 : vector<16xi1>, vector<16xi32>
    %add3A_300 = arith.addi %add3A_291, %select_n3A_299 : vector<16xi32>
    %add3A_301 = vector.broadcast %add3A_149 : i32 to vector<16xi32>
    %add3A_302 = arith.addi %and3A_120, %add3A_301 : vector<16xi32>
    %gather3A_303 = tpu.vector_load_idx %arg6[%add3A_302] : memref<512xf32, #tpu.memory_space<vmem>>[vector<16xi32>], vector<16xf32>,
    %gt3A_304 = arith.cmpf ogt, %gather3A_303, %get3A_150 : vector<16xf32>
    %eq3A_305 = arith.cmpf oeq, %gather3A_303, %get3A_150 : vector<16xf32>
    %and3A_306 = arith.andi %eq3A_305, %lt3A_141 : vector<16xi1>
    %or3A_307 = arith.ori %gt3A_304, %and3A_306 : vector<16xi1>
    %select_n3A_308 = arith.select %or3A_307, %broadcast_in_dim3A_143, %broadcast_in_dim3A_145 : vector<16xi1>, vector<16xi32>
    %add3A_309 = arith.addi %add3A_300, %select_n3A_308 : vector<16xi32>
    %add3A_310 = vector.broadcast %add3A_149 : i32 to vector<16xi32>
    %add3A_311 = arith.addi %and3A_126, %add3A_310 : vector<16xi32>
    %gather3A_312 = tpu.vector_load_idx %arg6[%add3A_311] : memref<512xf32, #tpu.memory_space<vmem>>[vector<16xi32>], vector<16xf32>,
    %gt3A_313 = arith.cmpf ogt, %gather3A_312, %get3A_150 : vector<16xf32>
    %eq3A_314 = arith.cmpf oeq, %gather3A_312, %get3A_150 : vector<16xf32>
    %and3A_315 = arith.andi %eq3A_314, %lt3A_142 : vector<16xi1>
    %or3A_316 = arith.ori %gt3A_313, %and3A_315 : vector<16xi1>
    %select_n3A_317 = arith.select %or3A_316, %broadcast_in_dim3A_143, %broadcast_in_dim3A_145 : vector<16xi1>, vector<16xi32>
    %add3A_318 = arith.addi %add3A_309, %select_n3A_317 : vector<16xi32>
    %swap3A = arith.constant 0 : index
    %swap3A_319 = tpu.vector_load %arg8[%swap3A] {strides = array<i32>} : memref<64xi32, #tpu.memory_space<vmem>>, vector<16xi32>,
    tpu.vector_store %arg8[%swap3A], %add3A_318 {strides = array<i32>} : memref<64xi32, #tpu.memory_space<vmem>>, vector<16xi32>,
    %mul3A_320 = arith.constant 64 : i32
    %mul3A_321 = arith.muli %select_n3A_30, %mul3A_320 : i32
    %add3A_322 = arith.constant 16 : i32
    %add3A_323 = arith.addi %mul3A_321, %add3A_322 : i32
    %get3A_324 = arith.index_cast %add3A_323 : i32 to index
    %get3A_325 = tpu.vector_load %arg6[%get3A_324] {strides = array<i32>} : memref<512xf32, #tpu.memory_space<vmem>>, vector<16xf32>,
    %mul3A_326 = arith.constant 4 : i32
    %mul3A_327 = arith.muli %select_n3A_30, %mul3A_326 : i32
    %add3A_328 = arith.constant 1 : i32
    %add3A_329 = arith.addi %mul3A_327, %add3A_328 : i32
    %while3A_330 = arith.constant 0 : i32
    %while3A_331 = arith.subi %add3A_329, %while3A_330 : i32
    %while3A_332 = arith.addi %while3A_330, %while3A_331 : i32
    %while3A_333 = arith.constant 1 : i32
    %while3A_334 = arith.divsi %while3A_331, %while3A_333 : i32
    %while3A_335 = arith.muli %while3A_334, %while3A_333 : i32
    %while3A_336 = arith.addi %while3A_330, %while3A_335 : i32
    %while3A_337 = arith.constant 1 : i32
    %while3A_338 = scf.for %while3A_865 = %while3A_330 to %while3A_336 step %while3A_337 iter_args(%while3A_866 = %broadcast_in_dim3A_145) -> (vector<16xi32>)  : i32 {
      %mul3A_867 = arith.constant 16 : i32
      %mul3A_868 = arith.muli %while3A_865, %mul3A_867 : i32
      %add3A_869 = vector.broadcast %mul3A_868 : i32 to vector<16xi32>
      %add3A_870 = arith.addi %and3A_36, %add3A_869 : vector<16xi32>
      %gather3A_871 = tpu.vector_load_idx %arg6[%add3A_870] : memref<512xf32, #tpu.memory_space<vmem>>[vector<16xi32>], vector<16xf32>,
      %ge3A = arith.cmpf oge, %gather3A_871, %get3A_325 : vector<16xf32>
      %select_n3A_872 = arith.select %ge3A, %broadcast_in_dim3A_143, %broadcast_in_dim3A_145 : vector<16xi1>, vector<16xi32>
      %add3A_873 = arith.addi %while3A_866, %select_n3A_872 : vector<16xi32>
      %add3A_874 = vector.broadcast %mul3A_868 : i32 to vector<16xi32>
      %add3A_875 = arith.addi %and3A_42, %add3A_874 : vector<16xi32>
      %gather3A_876 = tpu.vector_load_idx %arg6[%add3A_875] : memref<512xf32, #tpu.memory_space<vmem>>[vector<16xi32>], vector<16xf32>,
      %ge3A_877 = arith.cmpf oge, %gather3A_876, %get3A_325 : vector<16xf32>
      %select_n3A_878 = arith.select %ge3A_877, %broadcast_in_dim3A_143, %broadcast_in_dim3A_145 : vector<16xi1>, vector<16xi32>
      %add3A_879 = arith.addi %add3A_873, %select_n3A_878 : vector<16xi32>
      %add3A_880 = vector.broadcast %mul3A_868 : i32 to vector<16xi32>
      %add3A_881 = arith.addi %and3A_48, %add3A_880 : vector<16xi32>
      %gather3A_882 = tpu.vector_load_idx %arg6[%add3A_881] : memref<512xf32, #tpu.memory_space<vmem>>[vector<16xi32>], vector<16xf32>,
      %ge3A_883 = arith.cmpf oge, %gather3A_882, %get3A_325 : vector<16xf32>
      %select_n3A_884 = arith.select %ge3A_883, %broadcast_in_dim3A_143, %broadcast_in_dim3A_145 : vector<16xi1>, vector<16xi32>
      %add3A_885 = arith.addi %add3A_879, %select_n3A_884 : vector<16xi32>
      %add3A_886 = vector.broadcast %mul3A_868 : i32 to vector<16xi32>
      %add3A_887 = arith.addi %and3A_54, %add3A_886 : vector<16xi32>
      %gather3A_888 = tpu.vector_load_idx %arg6[%add3A_887] : memref<512xf32, #tpu.memory_space<vmem>>[vector<16xi32>], vector<16xf32>,
      %ge3A_889 = arith.cmpf oge, %gather3A_888, %get3A_325 : vector<16xf32>
      %select_n3A_890 = arith.select %ge3A_889, %broadcast_in_dim3A_143, %broadcast_in_dim3A_145 : vector<16xi1>, vector<16xi32>
      %add3A_891 = arith.addi %add3A_885, %select_n3A_890 : vector<16xi32>
      %add3A_892 = vector.broadcast %mul3A_868 : i32 to vector<16xi32>
      %add3A_893 = arith.addi %and3A_60, %add3A_892 : vector<16xi32>
      %gather3A_894 = tpu.vector_load_idx %arg6[%add3A_893] : memref<512xf32, #tpu.memory_space<vmem>>[vector<16xi32>], vector<16xf32>,
      %ge3A_895 = arith.cmpf oge, %gather3A_894, %get3A_325 : vector<16xf32>
      %select_n3A_896 = arith.select %ge3A_895, %broadcast_in_dim3A_143, %broadcast_in_dim3A_145 : vector<16xi1>, vector<16xi32>
      %add3A_897 = arith.addi %add3A_891, %select_n3A_896 : vector<16xi32>
      %add3A_898 = vector.broadcast %mul3A_868 : i32 to vector<16xi32>
      %add3A_899 = arith.addi %and3A_66, %add3A_898 : vector<16xi32>
      %gather3A_900 = tpu.vector_load_idx %arg6[%add3A_899] : memref<512xf32, #tpu.memory_space<vmem>>[vector<16xi32>], vector<16xf32>,
      %ge3A_901 = arith.cmpf oge, %gather3A_900, %get3A_325 : vector<16xf32>
      %select_n3A_902 = arith.select %ge3A_901, %broadcast_in_dim3A_143, %broadcast_in_dim3A_145 : vector<16xi1>, vector<16xi32>
      %add3A_903 = arith.addi %add3A_897, %select_n3A_902 : vector<16xi32>
      %add3A_904 = vector.broadcast %mul3A_868 : i32 to vector<16xi32>
      %add3A_905 = arith.addi %and3A_72, %add3A_904 : vector<16xi32>
      %gather3A_906 = tpu.vector_load_idx %arg6[%add3A_905] : memref<512xf32, #tpu.memory_space<vmem>>[vector<16xi32>], vector<16xf32>,
      %ge3A_907 = arith.cmpf oge, %gather3A_906, %get3A_325 : vector<16xf32>
      %select_n3A_908 = arith.select %ge3A_907, %broadcast_in_dim3A_143, %broadcast_in_dim3A_145 : vector<16xi1>, vector<16xi32>
      %add3A_909 = arith.addi %add3A_903, %select_n3A_908 : vector<16xi32>
      %add3A_910 = vector.broadcast %mul3A_868 : i32 to vector<16xi32>
      %add3A_911 = arith.addi %and3A_78, %add3A_910 : vector<16xi32>
      %gather3A_912 = tpu.vector_load_idx %arg6[%add3A_911] : memref<512xf32, #tpu.memory_space<vmem>>[vector<16xi32>], vector<16xf32>,
      %ge3A_913 = arith.cmpf oge, %gather3A_912, %get3A_325 : vector<16xf32>
      %select_n3A_914 = arith.select %ge3A_913, %broadcast_in_dim3A_143, %broadcast_in_dim3A_145 : vector<16xi1>, vector<16xi32>
      %add3A_915 = arith.addi %add3A_909, %select_n3A_914 : vector<16xi32>
      %add3A_916 = vector.broadcast %mul3A_868 : i32 to vector<16xi32>
      %add3A_917 = arith.addi %and3A_84, %add3A_916 : vector<16xi32>
      %gather3A_918 = tpu.vector_load_idx %arg6[%add3A_917] : memref<512xf32, #tpu.memory_space<vmem>>[vector<16xi32>], vector<16xf32>,
      %ge3A_919 = arith.cmpf oge, %gather3A_918, %get3A_325 : vector<16xf32>
      %select_n3A_920 = arith.select %ge3A_919, %broadcast_in_dim3A_143, %broadcast_in_dim3A_145 : vector<16xi1>, vector<16xi32>
      %add3A_921 = arith.addi %add3A_915, %select_n3A_920 : vector<16xi32>
      %add3A_922 = vector.broadcast %mul3A_868 : i32 to vector<16xi32>
      %add3A_923 = arith.addi %and3A_90, %add3A_922 : vector<16xi32>
      %gather3A_924 = tpu.vector_load_idx %arg6[%add3A_923] : memref<512xf32, #tpu.memory_space<vmem>>[vector<16xi32>], vector<16xf32>,
      %ge3A_925 = arith.cmpf oge, %gather3A_924, %get3A_325 : vector<16xf32>
      %select_n3A_926 = arith.select %ge3A_925, %broadcast_in_dim3A_143, %broadcast_in_dim3A_145 : vector<16xi1>, vector<16xi32>
      %add3A_927 = arith.addi %add3A_921, %select_n3A_926 : vector<16xi32>
      %add3A_928 = vector.broadcast %mul3A_868 : i32 to vector<16xi32>
      %add3A_929 = arith.addi %and3A_96, %add3A_928 : vector<16xi32>
      %gather3A_930 = tpu.vector_load_idx %arg6[%add3A_929] : memref<512xf32, #tpu.memory_space<vmem>>[vector<16xi32>], vector<16xf32>,
      %ge3A_931 = arith.cmpf oge, %gather3A_930, %get3A_325 : vector<16xf32>
      %select_n3A_932 = arith.select %ge3A_931, %broadcast_in_dim3A_143, %broadcast_in_dim3A_145 : vector<16xi1>, vector<16xi32>
      %add3A_933 = arith.addi %add3A_927, %select_n3A_932 : vector<16xi32>
      %add3A_934 = vector.broadcast %mul3A_868 : i32 to vector<16xi32>
      %add3A_935 = arith.addi %and3A_102, %add3A_934 : vector<16xi32>
      %gather3A_936 = tpu.vector_load_idx %arg6[%add3A_935] : memref<512xf32, #tpu.memory_space<vmem>>[vector<16xi32>], vector<16xf32>,
      %ge3A_937 = arith.cmpf oge, %gather3A_936, %get3A_325 : vector<16xf32>
      %select_n3A_938 = arith.select %ge3A_937, %broadcast_in_dim3A_143, %broadcast_in_dim3A_145 : vector<16xi1>, vector<16xi32>
      %add3A_939 = arith.addi %add3A_933, %select_n3A_938 : vector<16xi32>
      %add3A_940 = vector.broadcast %mul3A_868 : i32 to vector<16xi32>
      %add3A_941 = arith.addi %and3A_108, %add3A_940 : vector<16xi32>
      %gather3A_942 = tpu.vector_load_idx %arg6[%add3A_941] : memref<512xf32, #tpu.memory_space<vmem>>[vector<16xi32>], vector<16xf32>,
      %ge3A_943 = arith.cmpf oge, %gather3A_942, %get3A_325 : vector<16xf32>
      %select_n3A_944 = arith.select %ge3A_943, %broadcast_in_dim3A_143, %broadcast_in_dim3A_145 : vector<16xi1>, vector<16xi32>
      %add3A_945 = arith.addi %add3A_939, %select_n3A_944 : vector<16xi32>
      %add3A_946 = vector.broadcast %mul3A_868 : i32 to vector<16xi32>
      %add3A_947 = arith.addi %and3A_114, %add3A_946 : vector<16xi32>
      %gather3A_948 = tpu.vector_load_idx %arg6[%add3A_947] : memref<512xf32, #tpu.memory_space<vmem>>[vector<16xi32>], vector<16xf32>,
      %ge3A_949 = arith.cmpf oge, %gather3A_948, %get3A_325 : vector<16xf32>
      %select_n3A_950 = arith.select %ge3A_949, %broadcast_in_dim3A_143, %broadcast_in_dim3A_145 : vector<16xi1>, vector<16xi32>
      %add3A_951 = arith.addi %add3A_945, %select_n3A_950 : vector<16xi32>
      %add3A_952 = vector.broadcast %mul3A_868 : i32 to vector<16xi32>
      %add3A_953 = arith.addi %and3A_120, %add3A_952 : vector<16xi32>
      %gather3A_954 = tpu.vector_load_idx %arg6[%add3A_953] : memref<512xf32, #tpu.memory_space<vmem>>[vector<16xi32>], vector<16xf32>,
      %ge3A_955 = arith.cmpf oge, %gather3A_954, %get3A_325 : vector<16xf32>
      %select_n3A_956 = arith.select %ge3A_955, %broadcast_in_dim3A_143, %broadcast_in_dim3A_145 : vector<16xi1>, vector<16xi32>
      %add3A_957 = arith.addi %add3A_951, %select_n3A_956 : vector<16xi32>
      %add3A_958 = vector.broadcast %mul3A_868 : i32 to vector<16xi32>
      %add3A_959 = arith.addi %and3A_126, %add3A_958 : vector<16xi32>
      %gather3A_960 = tpu.vector_load_idx %arg6[%add3A_959] : memref<512xf32, #tpu.memory_space<vmem>>[vector<16xi32>], vector<16xf32>,
      %ge3A_961 = arith.cmpf oge, %gather3A_960, %get3A_325 : vector<16xf32>
      %select_n3A_962 = arith.select %ge3A_961, %broadcast_in_dim3A_143, %broadcast_in_dim3A_145 : vector<16xi1>, vector<16xi32>
      %add3A_963 = arith.addi %add3A_957, %select_n3A_962 : vector<16xi32>
      scf.yield %add3A_963 : vector<16xi32>
    }
    %while3A_339 = arith.constant 1 : i32
    %while3A_340 = scf.for %while3A_865 = %while3A_336 to %while3A_332 step %while3A_339 iter_args(%while3A_866 = %while3A_338) -> (vector<16xi32>)  : i32 {
      %mul3A_867 = arith.constant 16 : i32
      %mul3A_868 = arith.muli %while3A_865, %mul3A_867 : i32
      %add3A_869 = vector.broadcast %mul3A_868 : i32 to vector<16xi32>
      %add3A_870 = arith.addi %and3A_36, %add3A_869 : vector<16xi32>
      %gather3A_871 = tpu.vector_load_idx %arg6[%add3A_870] : memref<512xf32, #tpu.memory_space<vmem>>[vector<16xi32>], vector<16xf32>,
      %ge3A = arith.cmpf oge, %gather3A_871, %get3A_325 : vector<16xf32>
      %select_n3A_872 = arith.select %ge3A, %broadcast_in_dim3A_143, %broadcast_in_dim3A_145 : vector<16xi1>, vector<16xi32>
      %add3A_873 = arith.addi %while3A_866, %select_n3A_872 : vector<16xi32>
      %add3A_874 = vector.broadcast %mul3A_868 : i32 to vector<16xi32>
      %add3A_875 = arith.addi %and3A_42, %add3A_874 : vector<16xi32>
      %gather3A_876 = tpu.vector_load_idx %arg6[%add3A_875] : memref<512xf32, #tpu.memory_space<vmem>>[vector<16xi32>], vector<16xf32>,
      %ge3A_877 = arith.cmpf oge, %gather3A_876, %get3A_325 : vector<16xf32>
      %select_n3A_878 = arith.select %ge3A_877, %broadcast_in_dim3A_143, %broadcast_in_dim3A_145 : vector<16xi1>, vector<16xi32>
      %add3A_879 = arith.addi %add3A_873, %select_n3A_878 : vector<16xi32>
      %add3A_880 = vector.broadcast %mul3A_868 : i32 to vector<16xi32>
      %add3A_881 = arith.addi %and3A_48, %add3A_880 : vector<16xi32>
      %gather3A_882 = tpu.vector_load_idx %arg6[%add3A_881] : memref<512xf32, #tpu.memory_space<vmem>>[vector<16xi32>], vector<16xf32>,
      %ge3A_883 = arith.cmpf oge, %gather3A_882, %get3A_325 : vector<16xf32>
      %select_n3A_884 = arith.select %ge3A_883, %broadcast_in_dim3A_143, %broadcast_in_dim3A_145 : vector<16xi1>, vector<16xi32>
      %add3A_885 = arith.addi %add3A_879, %select_n3A_884 : vector<16xi32>
      %add3A_886 = vector.broadcast %mul3A_868 : i32 to vector<16xi32>
      %add3A_887 = arith.addi %and3A_54, %add3A_886 : vector<16xi32>
      %gather3A_888 = tpu.vector_load_idx %arg6[%add3A_887] : memref<512xf32, #tpu.memory_space<vmem>>[vector<16xi32>], vector<16xf32>,
      %ge3A_889 = arith.cmpf oge, %gather3A_888, %get3A_325 : vector<16xf32>
      %select_n3A_890 = arith.select %ge3A_889, %broadcast_in_dim3A_143, %broadcast_in_dim3A_145 : vector<16xi1>, vector<16xi32>
      %add3A_891 = arith.addi %add3A_885, %select_n3A_890 : vector<16xi32>
      %add3A_892 = vector.broadcast %mul3A_868 : i32 to vector<16xi32>
      %add3A_893 = arith.addi %and3A_60, %add3A_892 : vector<16xi32>
      %gather3A_894 = tpu.vector_load_idx %arg6[%add3A_893] : memref<512xf32, #tpu.memory_space<vmem>>[vector<16xi32>], vector<16xf32>,
      %ge3A_895 = arith.cmpf oge, %gather3A_894, %get3A_325 : vector<16xf32>
      %select_n3A_896 = arith.select %ge3A_895, %broadcast_in_dim3A_143, %broadcast_in_dim3A_145 : vector<16xi1>, vector<16xi32>
      %add3A_897 = arith.addi %add3A_891, %select_n3A_896 : vector<16xi32>
      %add3A_898 = vector.broadcast %mul3A_868 : i32 to vector<16xi32>
      %add3A_899 = arith.addi %and3A_66, %add3A_898 : vector<16xi32>
      %gather3A_900 = tpu.vector_load_idx %arg6[%add3A_899] : memref<512xf32, #tpu.memory_space<vmem>>[vector<16xi32>], vector<16xf32>,
      %ge3A_901 = arith.cmpf oge, %gather3A_900, %get3A_325 : vector<16xf32>
      %select_n3A_902 = arith.select %ge3A_901, %broadcast_in_dim3A_143, %broadcast_in_dim3A_145 : vector<16xi1>, vector<16xi32>
      %add3A_903 = arith.addi %add3A_897, %select_n3A_902 : vector<16xi32>
      %add3A_904 = vector.broadcast %mul3A_868 : i32 to vector<16xi32>
      %add3A_905 = arith.addi %and3A_72, %add3A_904 : vector<16xi32>
      %gather3A_906 = tpu.vector_load_idx %arg6[%add3A_905] : memref<512xf32, #tpu.memory_space<vmem>>[vector<16xi32>], vector<16xf32>,
      %ge3A_907 = arith.cmpf oge, %gather3A_906, %get3A_325 : vector<16xf32>
      %select_n3A_908 = arith.select %ge3A_907, %broadcast_in_dim3A_143, %broadcast_in_dim3A_145 : vector<16xi1>, vector<16xi32>
      %add3A_909 = arith.addi %add3A_903, %select_n3A_908 : vector<16xi32>
      %add3A_910 = vector.broadcast %mul3A_868 : i32 to vector<16xi32>
      %add3A_911 = arith.addi %and3A_78, %add3A_910 : vector<16xi32>
      %gather3A_912 = tpu.vector_load_idx %arg6[%add3A_911] : memref<512xf32, #tpu.memory_space<vmem>>[vector<16xi32>], vector<16xf32>,
      %ge3A_913 = arith.cmpf oge, %gather3A_912, %get3A_325 : vector<16xf32>
      %select_n3A_914 = arith.select %ge3A_913, %broadcast_in_dim3A_143, %broadcast_in_dim3A_145 : vector<16xi1>, vector<16xi32>
      %add3A_915 = arith.addi %add3A_909, %select_n3A_914 : vector<16xi32>
      %add3A_916 = vector.broadcast %mul3A_868 : i32 to vector<16xi32>
      %add3A_917 = arith.addi %and3A_84, %add3A_916 : vector<16xi32>
      %gather3A_918 = tpu.vector_load_idx %arg6[%add3A_917] : memref<512xf32, #tpu.memory_space<vmem>>[vector<16xi32>], vector<16xf32>,
      %ge3A_919 = arith.cmpf oge, %gather3A_918, %get3A_325 : vector<16xf32>
      %select_n3A_920 = arith.select %ge3A_919, %broadcast_in_dim3A_143, %broadcast_in_dim3A_145 : vector<16xi1>, vector<16xi32>
      %add3A_921 = arith.addi %add3A_915, %select_n3A_920 : vector<16xi32>
      %add3A_922 = vector.broadcast %mul3A_868 : i32 to vector<16xi32>
      %add3A_923 = arith.addi %and3A_90, %add3A_922 : vector<16xi32>
      %gather3A_924 = tpu.vector_load_idx %arg6[%add3A_923] : memref<512xf32, #tpu.memory_space<vmem>>[vector<16xi32>], vector<16xf32>,
      %ge3A_925 = arith.cmpf oge, %gather3A_924, %get3A_325 : vector<16xf32>
      %select_n3A_926 = arith.select %ge3A_925, %broadcast_in_dim3A_143, %broadcast_in_dim3A_145 : vector<16xi1>, vector<16xi32>
      %add3A_927 = arith.addi %add3A_921, %select_n3A_926 : vector<16xi32>
      %add3A_928 = vector.broadcast %mul3A_868 : i32 to vector<16xi32>
      %add3A_929 = arith.addi %and3A_96, %add3A_928 : vector<16xi32>
      %gather3A_930 = tpu.vector_load_idx %arg6[%add3A_929] : memref<512xf32, #tpu.memory_space<vmem>>[vector<16xi32>], vector<16xf32>,
      %ge3A_931 = arith.cmpf oge, %gather3A_930, %get3A_325 : vector<16xf32>
      %select_n3A_932 = arith.select %ge3A_931, %broadcast_in_dim3A_143, %broadcast_in_dim3A_145 : vector<16xi1>, vector<16xi32>
      %add3A_933 = arith.addi %add3A_927, %select_n3A_932 : vector<16xi32>
      %add3A_934 = vector.broadcast %mul3A_868 : i32 to vector<16xi32>
      %add3A_935 = arith.addi %and3A_102, %add3A_934 : vector<16xi32>
      %gather3A_936 = tpu.vector_load_idx %arg6[%add3A_935] : memref<512xf32, #tpu.memory_space<vmem>>[vector<16xi32>], vector<16xf32>,
      %ge3A_937 = arith.cmpf oge, %gather3A_936, %get3A_325 : vector<16xf32>
      %select_n3A_938 = arith.select %ge3A_937, %broadcast_in_dim3A_143, %broadcast_in_dim3A_145 : vector<16xi1>, vector<16xi32>
      %add3A_939 = arith.addi %add3A_933, %select_n3A_938 : vector<16xi32>
      %add3A_940 = vector.broadcast %mul3A_868 : i32 to vector<16xi32>
      %add3A_941 = arith.addi %and3A_108, %add3A_940 : vector<16xi32>
      %gather3A_942 = tpu.vector_load_idx %arg6[%add3A_941] : memref<512xf32, #tpu.memory_space<vmem>>[vector<16xi32>], vector<16xf32>,
      %ge3A_943 = arith.cmpf oge, %gather3A_942, %get3A_325 : vector<16xf32>
      %select_n3A_944 = arith.select %ge3A_943, %broadcast_in_dim3A_143, %broadcast_in_dim3A_145 : vector<16xi1>, vector<16xi32>
      %add3A_945 = arith.addi %add3A_939, %select_n3A_944 : vector<16xi32>
      %add3A_946 = vector.broadcast %mul3A_868 : i32 to vector<16xi32>
      %add3A_947 = arith.addi %and3A_114, %add3A_946 : vector<16xi32>
      %gather3A_948 = tpu.vector_load_idx %arg6[%add3A_947] : memref<512xf32, #tpu.memory_space<vmem>>[vector<16xi32>], vector<16xf32>,
      %ge3A_949 = arith.cmpf oge, %gather3A_948, %get3A_325 : vector<16xf32>
      %select_n3A_950 = arith.select %ge3A_949, %broadcast_in_dim3A_143, %broadcast_in_dim3A_145 : vector<16xi1>, vector<16xi32>
      %add3A_951 = arith.addi %add3A_945, %select_n3A_950 : vector<16xi32>
      %add3A_952 = vector.broadcast %mul3A_868 : i32 to vector<16xi32>
      %add3A_953 = arith.addi %and3A_120, %add3A_952 : vector<16xi32>
      %gather3A_954 = tpu.vector_load_idx %arg6[%add3A_953] : memref<512xf32, #tpu.memory_space<vmem>>[vector<16xi32>], vector<16xf32>,
      %ge3A_955 = arith.cmpf oge, %gather3A_954, %get3A_325 : vector<16xf32>
      %select_n3A_956 = arith.select %ge3A_955, %broadcast_in_dim3A_143, %broadcast_in_dim3A_145 : vector<16xi1>, vector<16xi32>
      %add3A_957 = arith.addi %add3A_951, %select_n3A_956 : vector<16xi32>
      %add3A_958 = vector.broadcast %mul3A_868 : i32 to vector<16xi32>
      %add3A_959 = arith.addi %and3A_126, %add3A_958 : vector<16xi32>
      %gather3A_960 = tpu.vector_load_idx %arg6[%add3A_959] : memref<512xf32, #tpu.memory_space<vmem>>[vector<16xi32>], vector<16xf32>,
      %ge3A_961 = arith.cmpf oge, %gather3A_960, %get3A_325 : vector<16xf32>
      %select_n3A_962 = arith.select %ge3A_961, %broadcast_in_dim3A_143, %broadcast_in_dim3A_145 : vector<16xi1>, vector<16xi32>
      %add3A_963 = arith.addi %add3A_957, %select_n3A_962 : vector<16xi32>
      scf.yield %add3A_963 : vector<16xi32>
    }
    %add3A_341 = arith.constant 1 : i32
    %add3A_342 = arith.addi %add3A_329, %add3A_341 : i32
    %while3A_343 = arith.constant 32 : i32
    %while3A_344 = arith.subi %while3A_343, %add3A_342 : i32
    %while3A_345 = arith.addi %add3A_342, %while3A_344 : i32
    %while3A_346 = arith.constant 1 : i32
    %while3A_347 = arith.divsi %while3A_344, %while3A_346 : i32
    %while3A_348 = arith.muli %while3A_347, %while3A_346 : i32
    %while3A_349 = arith.addi %add3A_342, %while3A_348 : i32
    %while3A_350 = arith.constant 1 : i32
    %while3A_351 = scf.for %while3A_865 = %add3A_342 to %while3A_349 step %while3A_350 iter_args(%while3A_866 = %while3A_340) -> (vector<16xi32>)  : i32 {
      %mul3A_867 = arith.constant 16 : i32
      %mul3A_868 = arith.muli %while3A_865, %mul3A_867 : i32
      %add3A_869 = vector.broadcast %mul3A_868 : i32 to vector<16xi32>
      %add3A_870 = arith.addi %and3A_36, %add3A_869 : vector<16xi32>
      %gather3A_871 = tpu.vector_load_idx %arg6[%add3A_870] : memref<512xf32, #tpu.memory_space<vmem>>[vector<16xi32>], vector<16xf32>,
      %gt3A_872 = arith.cmpf ogt, %gather3A_871, %get3A_325 : vector<16xf32>
      %select_n3A_873 = arith.select %gt3A_872, %broadcast_in_dim3A_143, %broadcast_in_dim3A_145 : vector<16xi1>, vector<16xi32>
      %add3A_874 = arith.addi %while3A_866, %select_n3A_873 : vector<16xi32>
      %add3A_875 = vector.broadcast %mul3A_868 : i32 to vector<16xi32>
      %add3A_876 = arith.addi %and3A_42, %add3A_875 : vector<16xi32>
      %gather3A_877 = tpu.vector_load_idx %arg6[%add3A_876] : memref<512xf32, #tpu.memory_space<vmem>>[vector<16xi32>], vector<16xf32>,
      %gt3A_878 = arith.cmpf ogt, %gather3A_877, %get3A_325 : vector<16xf32>
      %select_n3A_879 = arith.select %gt3A_878, %broadcast_in_dim3A_143, %broadcast_in_dim3A_145 : vector<16xi1>, vector<16xi32>
      %add3A_880 = arith.addi %add3A_874, %select_n3A_879 : vector<16xi32>
      %add3A_881 = vector.broadcast %mul3A_868 : i32 to vector<16xi32>
      %add3A_882 = arith.addi %and3A_48, %add3A_881 : vector<16xi32>
      %gather3A_883 = tpu.vector_load_idx %arg6[%add3A_882] : memref<512xf32, #tpu.memory_space<vmem>>[vector<16xi32>], vector<16xf32>,
      %gt3A_884 = arith.cmpf ogt, %gather3A_883, %get3A_325 : vector<16xf32>
      %select_n3A_885 = arith.select %gt3A_884, %broadcast_in_dim3A_143, %broadcast_in_dim3A_145 : vector<16xi1>, vector<16xi32>
      %add3A_886 = arith.addi %add3A_880, %select_n3A_885 : vector<16xi32>
      %add3A_887 = vector.broadcast %mul3A_868 : i32 to vector<16xi32>
      %add3A_888 = arith.addi %and3A_54, %add3A_887 : vector<16xi32>
      %gather3A_889 = tpu.vector_load_idx %arg6[%add3A_888] : memref<512xf32, #tpu.memory_space<vmem>>[vector<16xi32>], vector<16xf32>,
      %gt3A_890 = arith.cmpf ogt, %gather3A_889, %get3A_325 : vector<16xf32>
      %select_n3A_891 = arith.select %gt3A_890, %broadcast_in_dim3A_143, %broadcast_in_dim3A_145 : vector<16xi1>, vector<16xi32>
      %add3A_892 = arith.addi %add3A_886, %select_n3A_891 : vector<16xi32>
      %add3A_893 = vector.broadcast %mul3A_868 : i32 to vector<16xi32>
      %add3A_894 = arith.addi %and3A_60, %add3A_893 : vector<16xi32>
      %gather3A_895 = tpu.vector_load_idx %arg6[%add3A_894] : memref<512xf32, #tpu.memory_space<vmem>>[vector<16xi32>], vector<16xf32>,
      %gt3A_896 = arith.cmpf ogt, %gather3A_895, %get3A_325 : vector<16xf32>
      %select_n3A_897 = arith.select %gt3A_896, %broadcast_in_dim3A_143, %broadcast_in_dim3A_145 : vector<16xi1>, vector<16xi32>
      %add3A_898 = arith.addi %add3A_892, %select_n3A_897 : vector<16xi32>
      %add3A_899 = vector.broadcast %mul3A_868 : i32 to vector<16xi32>
      %add3A_900 = arith.addi %and3A_66, %add3A_899 : vector<16xi32>
      %gather3A_901 = tpu.vector_load_idx %arg6[%add3A_900] : memref<512xf32, #tpu.memory_space<vmem>>[vector<16xi32>], vector<16xf32>,
      %gt3A_902 = arith.cmpf ogt, %gather3A_901, %get3A_325 : vector<16xf32>
      %select_n3A_903 = arith.select %gt3A_902, %broadcast_in_dim3A_143, %broadcast_in_dim3A_145 : vector<16xi1>, vector<16xi32>
      %add3A_904 = arith.addi %add3A_898, %select_n3A_903 : vector<16xi32>
      %add3A_905 = vector.broadcast %mul3A_868 : i32 to vector<16xi32>
      %add3A_906 = arith.addi %and3A_72, %add3A_905 : vector<16xi32>
      %gather3A_907 = tpu.vector_load_idx %arg6[%add3A_906] : memref<512xf32, #tpu.memory_space<vmem>>[vector<16xi32>], vector<16xf32>,
      %gt3A_908 = arith.cmpf ogt, %gather3A_907, %get3A_325 : vector<16xf32>
      %select_n3A_909 = arith.select %gt3A_908, %broadcast_in_dim3A_143, %broadcast_in_dim3A_145 : vector<16xi1>, vector<16xi32>
      %add3A_910 = arith.addi %add3A_904, %select_n3A_909 : vector<16xi32>
      %add3A_911 = vector.broadcast %mul3A_868 : i32 to vector<16xi32>
      %add3A_912 = arith.addi %and3A_78, %add3A_911 : vector<16xi32>
      %gather3A_913 = tpu.vector_load_idx %arg6[%add3A_912] : memref<512xf32, #tpu.memory_space<vmem>>[vector<16xi32>], vector<16xf32>,
      %gt3A_914 = arith.cmpf ogt, %gather3A_913, %get3A_325 : vector<16xf32>
      %select_n3A_915 = arith.select %gt3A_914, %broadcast_in_dim3A_143, %broadcast_in_dim3A_145 : vector<16xi1>, vector<16xi32>
      %add3A_916 = arith.addi %add3A_910, %select_n3A_915 : vector<16xi32>
      %add3A_917 = vector.broadcast %mul3A_868 : i32 to vector<16xi32>
      %add3A_918 = arith.addi %and3A_84, %add3A_917 : vector<16xi32>
      %gather3A_919 = tpu.vector_load_idx %arg6[%add3A_918] : memref<512xf32, #tpu.memory_space<vmem>>[vector<16xi32>], vector<16xf32>,
      %gt3A_920 = arith.cmpf ogt, %gather3A_919, %get3A_325 : vector<16xf32>
      %select_n3A_921 = arith.select %gt3A_920, %broadcast_in_dim3A_143, %broadcast_in_dim3A_145 : vector<16xi1>, vector<16xi32>
      %add3A_922 = arith.addi %add3A_916, %select_n3A_921 : vector<16xi32>
      %add3A_923 = vector.broadcast %mul3A_868 : i32 to vector<16xi32>
      %add3A_924 = arith.addi %and3A_90, %add3A_923 : vector<16xi32>
      %gather3A_925 = tpu.vector_load_idx %arg6[%add3A_924] : memref<512xf32, #tpu.memory_space<vmem>>[vector<16xi32>], vector<16xf32>,
      %gt3A_926 = arith.cmpf ogt, %gather3A_925, %get3A_325 : vector<16xf32>
      %select_n3A_927 = arith.select %gt3A_926, %broadcast_in_dim3A_143, %broadcast_in_dim3A_145 : vector<16xi1>, vector<16xi32>
      %add3A_928 = arith.addi %add3A_922, %select_n3A_927 : vector<16xi32>
      %add3A_929 = vector.broadcast %mul3A_868 : i32 to vector<16xi32>
      %add3A_930 = arith.addi %and3A_96, %add3A_929 : vector<16xi32>
      %gather3A_931 = tpu.vector_load_idx %arg6[%add3A_930] : memref<512xf32, #tpu.memory_space<vmem>>[vector<16xi32>], vector<16xf32>,
      %gt3A_932 = arith.cmpf ogt, %gather3A_931, %get3A_325 : vector<16xf32>
      %select_n3A_933 = arith.select %gt3A_932, %broadcast_in_dim3A_143, %broadcast_in_dim3A_145 : vector<16xi1>, vector<16xi32>
      %add3A_934 = arith.addi %add3A_928, %select_n3A_933 : vector<16xi32>
      %add3A_935 = vector.broadcast %mul3A_868 : i32 to vector<16xi32>
      %add3A_936 = arith.addi %and3A_102, %add3A_935 : vector<16xi32>
      %gather3A_937 = tpu.vector_load_idx %arg6[%add3A_936] : memref<512xf32, #tpu.memory_space<vmem>>[vector<16xi32>], vector<16xf32>,
      %gt3A_938 = arith.cmpf ogt, %gather3A_937, %get3A_325 : vector<16xf32>
      %select_n3A_939 = arith.select %gt3A_938, %broadcast_in_dim3A_143, %broadcast_in_dim3A_145 : vector<16xi1>, vector<16xi32>
      %add3A_940 = arith.addi %add3A_934, %select_n3A_939 : vector<16xi32>
      %add3A_941 = vector.broadcast %mul3A_868 : i32 to vector<16xi32>
      %add3A_942 = arith.addi %and3A_108, %add3A_941 : vector<16xi32>
      %gather3A_943 = tpu.vector_load_idx %arg6[%add3A_942] : memref<512xf32, #tpu.memory_space<vmem>>[vector<16xi32>], vector<16xf32>,
      %gt3A_944 = arith.cmpf ogt, %gather3A_943, %get3A_325 : vector<16xf32>
      %select_n3A_945 = arith.select %gt3A_944, %broadcast_in_dim3A_143, %broadcast_in_dim3A_145 : vector<16xi1>, vector<16xi32>
      %add3A_946 = arith.addi %add3A_940, %select_n3A_945 : vector<16xi32>
      %add3A_947 = vector.broadcast %mul3A_868 : i32 to vector<16xi32>
      %add3A_948 = arith.addi %and3A_114, %add3A_947 : vector<16xi32>
      %gather3A_949 = tpu.vector_load_idx %arg6[%add3A_948] : memref<512xf32, #tpu.memory_space<vmem>>[vector<16xi32>], vector<16xf32>,
      %gt3A_950 = arith.cmpf ogt, %gather3A_949, %get3A_325 : vector<16xf32>
      %select_n3A_951 = arith.select %gt3A_950, %broadcast_in_dim3A_143, %broadcast_in_dim3A_145 : vector<16xi1>, vector<16xi32>
      %add3A_952 = arith.addi %add3A_946, %select_n3A_951 : vector<16xi32>
      %add3A_953 = vector.broadcast %mul3A_868 : i32 to vector<16xi32>
      %add3A_954 = arith.addi %and3A_120, %add3A_953 : vector<16xi32>
      %gather3A_955 = tpu.vector_load_idx %arg6[%add3A_954] : memref<512xf32, #tpu.memory_space<vmem>>[vector<16xi32>], vector<16xf32>,
      %gt3A_956 = arith.cmpf ogt, %gather3A_955, %get3A_325 : vector<16xf32>
      %select_n3A_957 = arith.select %gt3A_956, %broadcast_in_dim3A_143, %broadcast_in_dim3A_145 : vector<16xi1>, vector<16xi32>
      %add3A_958 = arith.addi %add3A_952, %select_n3A_957 : vector<16xi32>
      %add3A_959 = vector.broadcast %mul3A_868 : i32 to vector<16xi32>
      %add3A_960 = arith.addi %and3A_126, %add3A_959 : vector<16xi32>
      %gather3A_961 = tpu.vector_load_idx %arg6[%add3A_960] : memref<512xf32, #tpu.memory_space<vmem>>[vector<16xi32>], vector<16xf32>,
      %gt3A_962 = arith.cmpf ogt, %gather3A_961, %get3A_325 : vector<16xf32>
      %select_n3A_963 = arith.select %gt3A_962, %broadcast_in_dim3A_143, %broadcast_in_dim3A_145 : vector<16xi1>, vector<16xi32>
      %add3A_964 = arith.addi %add3A_958, %select_n3A_963 : vector<16xi32>
      scf.yield %add3A_964 : vector<16xi32>
    }
    %while3A_352 = arith.constant 1 : i32
    %while3A_353 = scf.for %while3A_865 = %while3A_349 to %while3A_345 step %while3A_352 iter_args(%while3A_866 = %while3A_351) -> (vector<16xi32>)  : i32 {
      %mul3A_867 = arith.constant 16 : i32
      %mul3A_868 = arith.muli %while3A_865, %mul3A_867 : i32
      %add3A_869 = vector.broadcast %mul3A_868 : i32 to vector<16xi32>
      %add3A_870 = arith.addi %and3A_36, %add3A_869 : vector<16xi32>
      %gather3A_871 = tpu.vector_load_idx %arg6[%add3A_870] : memref<512xf32, #tpu.memory_space<vmem>>[vector<16xi32>], vector<16xf32>,
      %gt3A_872 = arith.cmpf ogt, %gather3A_871, %get3A_325 : vector<16xf32>
      %select_n3A_873 = arith.select %gt3A_872, %broadcast_in_dim3A_143, %broadcast_in_dim3A_145 : vector<16xi1>, vector<16xi32>
      %add3A_874 = arith.addi %while3A_866, %select_n3A_873 : vector<16xi32>
      %add3A_875 = vector.broadcast %mul3A_868 : i32 to vector<16xi32>
      %add3A_876 = arith.addi %and3A_42, %add3A_875 : vector<16xi32>
      %gather3A_877 = tpu.vector_load_idx %arg6[%add3A_876] : memref<512xf32, #tpu.memory_space<vmem>>[vector<16xi32>], vector<16xf32>,
      %gt3A_878 = arith.cmpf ogt, %gather3A_877, %get3A_325 : vector<16xf32>
      %select_n3A_879 = arith.select %gt3A_878, %broadcast_in_dim3A_143, %broadcast_in_dim3A_145 : vector<16xi1>, vector<16xi32>
      %add3A_880 = arith.addi %add3A_874, %select_n3A_879 : vector<16xi32>
      %add3A_881 = vector.broadcast %mul3A_868 : i32 to vector<16xi32>
      %add3A_882 = arith.addi %and3A_48, %add3A_881 : vector<16xi32>
      %gather3A_883 = tpu.vector_load_idx %arg6[%add3A_882] : memref<512xf32, #tpu.memory_space<vmem>>[vector<16xi32>], vector<16xf32>,
      %gt3A_884 = arith.cmpf ogt, %gather3A_883, %get3A_325 : vector<16xf32>
      %select_n3A_885 = arith.select %gt3A_884, %broadcast_in_dim3A_143, %broadcast_in_dim3A_145 : vector<16xi1>, vector<16xi32>
      %add3A_886 = arith.addi %add3A_880, %select_n3A_885 : vector<16xi32>
      %add3A_887 = vector.broadcast %mul3A_868 : i32 to vector<16xi32>
      %add3A_888 = arith.addi %and3A_54, %add3A_887 : vector<16xi32>
      %gather3A_889 = tpu.vector_load_idx %arg6[%add3A_888] : memref<512xf32, #tpu.memory_space<vmem>>[vector<16xi32>], vector<16xf32>,
      %gt3A_890 = arith.cmpf ogt, %gather3A_889, %get3A_325 : vector<16xf32>
      %select_n3A_891 = arith.select %gt3A_890, %broadcast_in_dim3A_143, %broadcast_in_dim3A_145 : vector<16xi1>, vector<16xi32>
      %add3A_892 = arith.addi %add3A_886, %select_n3A_891 : vector<16xi32>
      %add3A_893 = vector.broadcast %mul3A_868 : i32 to vector<16xi32>
      %add3A_894 = arith.addi %and3A_60, %add3A_893 : vector<16xi32>
      %gather3A_895 = tpu.vector_load_idx %arg6[%add3A_894] : memref<512xf32, #tpu.memory_space<vmem>>[vector<16xi32>], vector<16xf32>,
      %gt3A_896 = arith.cmpf ogt, %gather3A_895, %get3A_325 : vector<16xf32>
      %select_n3A_897 = arith.select %gt3A_896, %broadcast_in_dim3A_143, %broadcast_in_dim3A_145 : vector<16xi1>, vector<16xi32>
      %add3A_898 = arith.addi %add3A_892, %select_n3A_897 : vector<16xi32>
      %add3A_899 = vector.broadcast %mul3A_868 : i32 to vector<16xi32>
      %add3A_900 = arith.addi %and3A_66, %add3A_899 : vector<16xi32>
      %gather3A_901 = tpu.vector_load_idx %arg6[%add3A_900] : memref<512xf32, #tpu.memory_space<vmem>>[vector<16xi32>], vector<16xf32>,
      %gt3A_902 = arith.cmpf ogt, %gather3A_901, %get3A_325 : vector<16xf32>
      %select_n3A_903 = arith.select %gt3A_902, %broadcast_in_dim3A_143, %broadcast_in_dim3A_145 : vector<16xi1>, vector<16xi32>
      %add3A_904 = arith.addi %add3A_898, %select_n3A_903 : vector<16xi32>
      %add3A_905 = vector.broadcast %mul3A_868 : i32 to vector<16xi32>
      %add3A_906 = arith.addi %and3A_72, %add3A_905 : vector<16xi32>
      %gather3A_907 = tpu.vector_load_idx %arg6[%add3A_906] : memref<512xf32, #tpu.memory_space<vmem>>[vector<16xi32>], vector<16xf32>,
      %gt3A_908 = arith.cmpf ogt, %gather3A_907, %get3A_325 : vector<16xf32>
      %select_n3A_909 = arith.select %gt3A_908, %broadcast_in_dim3A_143, %broadcast_in_dim3A_145 : vector<16xi1>, vector<16xi32>
      %add3A_910 = arith.addi %add3A_904, %select_n3A_909 : vector<16xi32>
      %add3A_911 = vector.broadcast %mul3A_868 : i32 to vector<16xi32>
      %add3A_912 = arith.addi %and3A_78, %add3A_911 : vector<16xi32>
      %gather3A_913 = tpu.vector_load_idx %arg6[%add3A_912] : memref<512xf32, #tpu.memory_space<vmem>>[vector<16xi32>], vector<16xf32>,
      %gt3A_914 = arith.cmpf ogt, %gather3A_913, %get3A_325 : vector<16xf32>
      %select_n3A_915 = arith.select %gt3A_914, %broadcast_in_dim3A_143, %broadcast_in_dim3A_145 : vector<16xi1>, vector<16xi32>
      %add3A_916 = arith.addi %add3A_910, %select_n3A_915 : vector<16xi32>
      %add3A_917 = vector.broadcast %mul3A_868 : i32 to vector<16xi32>
      %add3A_918 = arith.addi %and3A_84, %add3A_917 : vector<16xi32>
      %gather3A_919 = tpu.vector_load_idx %arg6[%add3A_918] : memref<512xf32, #tpu.memory_space<vmem>>[vector<16xi32>], vector<16xf32>,
      %gt3A_920 = arith.cmpf ogt, %gather3A_919, %get3A_325 : vector<16xf32>
      %select_n3A_921 = arith.select %gt3A_920, %broadcast_in_dim3A_143, %broadcast_in_dim3A_145 : vector<16xi1>, vector<16xi32>
      %add3A_922 = arith.addi %add3A_916, %select_n3A_921 : vector<16xi32>
      %add3A_923 = vector.broadcast %mul3A_868 : i32 to vector<16xi32>
      %add3A_924 = arith.addi %and3A_90, %add3A_923 : vector<16xi32>
      %gather3A_925 = tpu.vector_load_idx %arg6[%add3A_924] : memref<512xf32, #tpu.memory_space<vmem>>[vector<16xi32>], vector<16xf32>,
      %gt3A_926 = arith.cmpf ogt, %gather3A_925, %get3A_325 : vector<16xf32>
      %select_n3A_927 = arith.select %gt3A_926, %broadcast_in_dim3A_143, %broadcast_in_dim3A_145 : vector<16xi1>, vector<16xi32>
      %add3A_928 = arith.addi %add3A_922, %select_n3A_927 : vector<16xi32>
      %add3A_929 = vector.broadcast %mul3A_868 : i32 to vector<16xi32>
      %add3A_930 = arith.addi %and3A_96, %add3A_929 : vector<16xi32>
      %gather3A_931 = tpu.vector_load_idx %arg6[%add3A_930] : memref<512xf32, #tpu.memory_space<vmem>>[vector<16xi32>], vector<16xf32>,
      %gt3A_932 = arith.cmpf ogt, %gather3A_931, %get3A_325 : vector<16xf32>
      %select_n3A_933 = arith.select %gt3A_932, %broadcast_in_dim3A_143, %broadcast_in_dim3A_145 : vector<16xi1>, vector<16xi32>
      %add3A_934 = arith.addi %add3A_928, %select_n3A_933 : vector<16xi32>
      %add3A_935 = vector.broadcast %mul3A_868 : i32 to vector<16xi32>
      %add3A_936 = arith.addi %and3A_102, %add3A_935 : vector<16xi32>
      %gather3A_937 = tpu.vector_load_idx %arg6[%add3A_936] : memref<512xf32, #tpu.memory_space<vmem>>[vector<16xi32>], vector<16xf32>,
      %gt3A_938 = arith.cmpf ogt, %gather3A_937, %get3A_325 : vector<16xf32>
      %select_n3A_939 = arith.select %gt3A_938, %broadcast_in_dim3A_143, %broadcast_in_dim3A_145 : vector<16xi1>, vector<16xi32>
      %add3A_940 = arith.addi %add3A_934, %select_n3A_939 : vector<16xi32>
      %add3A_941 = vector.broadcast %mul3A_868 : i32 to vector<16xi32>
      %add3A_942 = arith.addi %and3A_108, %add3A_941 : vector<16xi32>
      %gather3A_943 = tpu.vector_load_idx %arg6[%add3A_942] : memref<512xf32, #tpu.memory_space<vmem>>[vector<16xi32>], vector<16xf32>,
      %gt3A_944 = arith.cmpf ogt, %gather3A_943, %get3A_325 : vector<16xf32>
      %select_n3A_945 = arith.select %gt3A_944, %broadcast_in_dim3A_143, %broadcast_in_dim3A_145 : vector<16xi1>, vector<16xi32>
      %add3A_946 = arith.addi %add3A_940, %select_n3A_945 : vector<16xi32>
      %add3A_947 = vector.broadcast %mul3A_868 : i32 to vector<16xi32>
      %add3A_948 = arith.addi %and3A_114, %add3A_947 : vector<16xi32>
      %gather3A_949 = tpu.vector_load_idx %arg6[%add3A_948] : memref<512xf32, #tpu.memory_space<vmem>>[vector<16xi32>], vector<16xf32>,
      %gt3A_950 = arith.cmpf ogt, %gather3A_949, %get3A_325 : vector<16xf32>
      %select_n3A_951 = arith.select %gt3A_950, %broadcast_in_dim3A_143, %broadcast_in_dim3A_145 : vector<16xi1>, vector<16xi32>
      %add3A_952 = arith.addi %add3A_946, %select_n3A_951 : vector<16xi32>
      %add3A_953 = vector.broadcast %mul3A_868 : i32 to vector<16xi32>
      %add3A_954 = arith.addi %and3A_120, %add3A_953 : vector<16xi32>
      %gather3A_955 = tpu.vector_load_idx %arg6[%add3A_954] : memref<512xf32, #tpu.memory_space<vmem>>[vector<16xi32>], vector<16xf32>,
      %gt3A_956 = arith.cmpf ogt, %gather3A_955, %get3A_325 : vector<16xf32>
      %select_n3A_957 = arith.select %gt3A_956, %broadcast_in_dim3A_143, %broadcast_in_dim3A_145 : vector<16xi1>, vector<16xi32>
      %add3A_958 = arith.addi %add3A_952, %select_n3A_957 : vector<16xi32>
      %add3A_959 = vector.broadcast %mul3A_868 : i32 to vector<16xi32>
      %add3A_960 = arith.addi %and3A_126, %add3A_959 : vector<16xi32>
      %gather3A_961 = tpu.vector_load_idx %arg6[%add3A_960] : memref<512xf32, #tpu.memory_space<vmem>>[vector<16xi32>], vector<16xf32>,
      %gt3A_962 = arith.cmpf ogt, %gather3A_961, %get3A_325 : vector<16xf32>
      %select_n3A_963 = arith.select %gt3A_962, %broadcast_in_dim3A_143, %broadcast_in_dim3A_145 : vector<16xi1>, vector<16xi32>
      %add3A_964 = arith.addi %add3A_958, %select_n3A_963 : vector<16xi32>
      scf.yield %add3A_964 : vector<16xi32>
    }
    %add3A_354 = vector.broadcast %add3A_323 : i32 to vector<16xi32>
    %add3A_355 = arith.addi %and3A_36, %add3A_354 : vector<16xi32>
    %gather3A_356 = tpu.vector_load_idx %arg6[%add3A_355] : memref<512xf32, #tpu.memory_space<vmem>>[vector<16xi32>], vector<16xf32>,
    %gt3A_357 = arith.cmpf ogt, %gather3A_356, %get3A_325 : vector<16xf32>
    %eq3A_358 = arith.cmpf oeq, %gather3A_356, %get3A_325 : vector<16xf32>
    %and3A_359 = arith.andi %eq3A_358, %lt3A_127 : vector<16xi1>
    %or3A_360 = arith.ori %gt3A_357, %and3A_359 : vector<16xi1>
    %select_n3A_361 = arith.select %or3A_360, %broadcast_in_dim3A_143, %broadcast_in_dim3A_145 : vector<16xi1>, vector<16xi32>
    %add3A_362 = arith.addi %while3A_353, %select_n3A_361 : vector<16xi32>
    %add3A_363 = vector.broadcast %add3A_323 : i32 to vector<16xi32>
    %add3A_364 = arith.addi %and3A_42, %add3A_363 : vector<16xi32>
    %gather3A_365 = tpu.vector_load_idx %arg6[%add3A_364] : memref<512xf32, #tpu.memory_space<vmem>>[vector<16xi32>], vector<16xf32>,
    %gt3A_366 = arith.cmpf ogt, %gather3A_365, %get3A_325 : vector<16xf32>
    %eq3A_367 = arith.cmpf oeq, %gather3A_365, %get3A_325 : vector<16xf32>
    %and3A_368 = arith.andi %eq3A_367, %lt3A_128 : vector<16xi1>
    %or3A_369 = arith.ori %gt3A_366, %and3A_368 : vector<16xi1>
    %select_n3A_370 = arith.select %or3A_369, %broadcast_in_dim3A_143, %broadcast_in_dim3A_145 : vector<16xi1>, vector<16xi32>
    %add3A_371 = arith.addi %add3A_362, %select_n3A_370 : vector<16xi32>
    %add3A_372 = vector.broadcast %add3A_323 : i32 to vector<16xi32>
    %add3A_373 = arith.addi %and3A_48, %add3A_372 : vector<16xi32>
    %gather3A_374 = tpu.vector_load_idx %arg6[%add3A_373] : memref<512xf32, #tpu.memory_space<vmem>>[vector<16xi32>], vector<16xf32>,
    %gt3A_375 = arith.cmpf ogt, %gather3A_374, %get3A_325 : vector<16xf32>
    %eq3A_376 = arith.cmpf oeq, %gather3A_374, %get3A_325 : vector<16xf32>
    %and3A_377 = arith.andi %eq3A_376, %lt3A_129 : vector<16xi1>
    %or3A_378 = arith.ori %gt3A_375, %and3A_377 : vector<16xi1>
    %select_n3A_379 = arith.select %or3A_378, %broadcast_in_dim3A_143, %broadcast_in_dim3A_145 : vector<16xi1>, vector<16xi32>
    %add3A_380 = arith.addi %add3A_371, %select_n3A_379 : vector<16xi32>
    %add3A_381 = vector.broadcast %add3A_323 : i32 to vector<16xi32>
    %add3A_382 = arith.addi %and3A_54, %add3A_381 : vector<16xi32>
    %gather3A_383 = tpu.vector_load_idx %arg6[%add3A_382] : memref<512xf32, #tpu.memory_space<vmem>>[vector<16xi32>], vector<16xf32>,
    %gt3A_384 = arith.cmpf ogt, %gather3A_383, %get3A_325 : vector<16xf32>
    %eq3A_385 = arith.cmpf oeq, %gather3A_383, %get3A_325 : vector<16xf32>
    %and3A_386 = arith.andi %eq3A_385, %lt3A_130 : vector<16xi1>
    %or3A_387 = arith.ori %gt3A_384, %and3A_386 : vector<16xi1>
    %select_n3A_388 = arith.select %or3A_387, %broadcast_in_dim3A_143, %broadcast_in_dim3A_145 : vector<16xi1>, vector<16xi32>
    %add3A_389 = arith.addi %add3A_380, %select_n3A_388 : vector<16xi32>
    %add3A_390 = vector.broadcast %add3A_323 : i32 to vector<16xi32>
    %add3A_391 = arith.addi %and3A_60, %add3A_390 : vector<16xi32>
    %gather3A_392 = tpu.vector_load_idx %arg6[%add3A_391] : memref<512xf32, #tpu.memory_space<vmem>>[vector<16xi32>], vector<16xf32>,
    %gt3A_393 = arith.cmpf ogt, %gather3A_392, %get3A_325 : vector<16xf32>
    %eq3A_394 = arith.cmpf oeq, %gather3A_392, %get3A_325 : vector<16xf32>
    %and3A_395 = arith.andi %eq3A_394, %lt3A_131 : vector<16xi1>
    %or3A_396 = arith.ori %gt3A_393, %and3A_395 : vector<16xi1>
    %select_n3A_397 = arith.select %or3A_396, %broadcast_in_dim3A_143, %broadcast_in_dim3A_145 : vector<16xi1>, vector<16xi32>
    %add3A_398 = arith.addi %add3A_389, %select_n3A_397 : vector<16xi32>
    %add3A_399 = vector.broadcast %add3A_323 : i32 to vector<16xi32>
    %add3A_400 = arith.addi %and3A_66, %add3A_399 : vector<16xi32>
    %gather3A_401 = tpu.vector_load_idx %arg6[%add3A_400] : memref<512xf32, #tpu.memory_space<vmem>>[vector<16xi32>], vector<16xf32>,
    %gt3A_402 = arith.cmpf ogt, %gather3A_401, %get3A_325 : vector<16xf32>
    %eq3A_403 = arith.cmpf oeq, %gather3A_401, %get3A_325 : vector<16xf32>
    %and3A_404 = arith.andi %eq3A_403, %lt3A_132 : vector<16xi1>
    %or3A_405 = arith.ori %gt3A_402, %and3A_404 : vector<16xi1>
    %select_n3A_406 = arith.select %or3A_405, %broadcast_in_dim3A_143, %broadcast_in_dim3A_145 : vector<16xi1>, vector<16xi32>
    %add3A_407 = arith.addi %add3A_398, %select_n3A_406 : vector<16xi32>
    %add3A_408 = vector.broadcast %add3A_323 : i32 to vector<16xi32>
    %add3A_409 = arith.addi %and3A_72, %add3A_408 : vector<16xi32>
    %gather3A_410 = tpu.vector_load_idx %arg6[%add3A_409] : memref<512xf32, #tpu.memory_space<vmem>>[vector<16xi32>], vector<16xf32>,
    %gt3A_411 = arith.cmpf ogt, %gather3A_410, %get3A_325 : vector<16xf32>
    %eq3A_412 = arith.cmpf oeq, %gather3A_410, %get3A_325 : vector<16xf32>
    %and3A_413 = arith.andi %eq3A_412, %lt3A_133 : vector<16xi1>
    %or3A_414 = arith.ori %gt3A_411, %and3A_413 : vector<16xi1>
    %select_n3A_415 = arith.select %or3A_414, %broadcast_in_dim3A_143, %broadcast_in_dim3A_145 : vector<16xi1>, vector<16xi32>
    %add3A_416 = arith.addi %add3A_407, %select_n3A_415 : vector<16xi32>
    %add3A_417 = vector.broadcast %add3A_323 : i32 to vector<16xi32>
    %add3A_418 = arith.addi %and3A_78, %add3A_417 : vector<16xi32>
    %gather3A_419 = tpu.vector_load_idx %arg6[%add3A_418] : memref<512xf32, #tpu.memory_space<vmem>>[vector<16xi32>], vector<16xf32>,
    %gt3A_420 = arith.cmpf ogt, %gather3A_419, %get3A_325 : vector<16xf32>
    %eq3A_421 = arith.cmpf oeq, %gather3A_419, %get3A_325 : vector<16xf32>
    %and3A_422 = arith.andi %eq3A_421, %lt3A_134 : vector<16xi1>
    %or3A_423 = arith.ori %gt3A_420, %and3A_422 : vector<16xi1>
    %select_n3A_424 = arith.select %or3A_423, %broadcast_in_dim3A_143, %broadcast_in_dim3A_145 : vector<16xi1>, vector<16xi32>
    %add3A_425 = arith.addi %add3A_416, %select_n3A_424 : vector<16xi32>
    %add3A_426 = vector.broadcast %add3A_323 : i32 to vector<16xi32>
    %add3A_427 = arith.addi %and3A_84, %add3A_426 : vector<16xi32>
    %gather3A_428 = tpu.vector_load_idx %arg6[%add3A_427] : memref<512xf32, #tpu.memory_space<vmem>>[vector<16xi32>], vector<16xf32>,
    %gt3A_429 = arith.cmpf ogt, %gather3A_428, %get3A_325 : vector<16xf32>
    %eq3A_430 = arith.cmpf oeq, %gather3A_428, %get3A_325 : vector<16xf32>
    %and3A_431 = arith.andi %eq3A_430, %lt3A_135 : vector<16xi1>
    %or3A_432 = arith.ori %gt3A_429, %and3A_431 : vector<16xi1>
    %select_n3A_433 = arith.select %or3A_432, %broadcast_in_dim3A_143, %broadcast_in_dim3A_145 : vector<16xi1>, vector<16xi32>
    %add3A_434 = arith.addi %add3A_425, %select_n3A_433 : vector<16xi32>
    %add3A_435 = vector.broadcast %add3A_323 : i32 to vector<16xi32>
    %add3A_436 = arith.addi %and3A_90, %add3A_435 : vector<16xi32>
    %gather3A_437 = tpu.vector_load_idx %arg6[%add3A_436] : memref<512xf32, #tpu.memory_space<vmem>>[vector<16xi32>], vector<16xf32>,
    %gt3A_438 = arith.cmpf ogt, %gather3A_437, %get3A_325 : vector<16xf32>
    %eq3A_439 = arith.cmpf oeq, %gather3A_437, %get3A_325 : vector<16xf32>
    %and3A_440 = arith.andi %eq3A_439, %lt3A_136 : vector<16xi1>
    %or3A_441 = arith.ori %gt3A_438, %and3A_440 : vector<16xi1>
    %select_n3A_442 = arith.select %or3A_441, %broadcast_in_dim3A_143, %broadcast_in_dim3A_145 : vector<16xi1>, vector<16xi32>
    %add3A_443 = arith.addi %add3A_434, %select_n3A_442 : vector<16xi32>
    %add3A_444 = vector.broadcast %add3A_323 : i32 to vector<16xi32>
    %add3A_445 = arith.addi %and3A_96, %add3A_444 : vector<16xi32>
    %gather3A_446 = tpu.vector_load_idx %arg6[%add3A_445] : memref<512xf32, #tpu.memory_space<vmem>>[vector<16xi32>], vector<16xf32>,
    %gt3A_447 = arith.cmpf ogt, %gather3A_446, %get3A_325 : vector<16xf32>
    %eq3A_448 = arith.cmpf oeq, %gather3A_446, %get3A_325 : vector<16xf32>
    %and3A_449 = arith.andi %eq3A_448, %lt3A_137 : vector<16xi1>
    %or3A_450 = arith.ori %gt3A_447, %and3A_449 : vector<16xi1>
    %select_n3A_451 = arith.select %or3A_450, %broadcast_in_dim3A_143, %broadcast_in_dim3A_145 : vector<16xi1>, vector<16xi32>
    %add3A_452 = arith.addi %add3A_443, %select_n3A_451 : vector<16xi32>
    %add3A_453 = vector.broadcast %add3A_323 : i32 to vector<16xi32>
    %add3A_454 = arith.addi %and3A_102, %add3A_453 : vector<16xi32>
    %gather3A_455 = tpu.vector_load_idx %arg6[%add3A_454] : memref<512xf32, #tpu.memory_space<vmem>>[vector<16xi32>], vector<16xf32>,
    %gt3A_456 = arith.cmpf ogt, %gather3A_455, %get3A_325 : vector<16xf32>
    %eq3A_457 = arith.cmpf oeq, %gather3A_455, %get3A_325 : vector<16xf32>
    %and3A_458 = arith.andi %eq3A_457, %lt3A_138 : vector<16xi1>
    %or3A_459 = arith.ori %gt3A_456, %and3A_458 : vector<16xi1>
    %select_n3A_460 = arith.select %or3A_459, %broadcast_in_dim3A_143, %broadcast_in_dim3A_145 : vector<16xi1>, vector<16xi32>
    %add3A_461 = arith.addi %add3A_452, %select_n3A_460 : vector<16xi32>
    %add3A_462 = vector.broadcast %add3A_323 : i32 to vector<16xi32>
    %add3A_463 = arith.addi %and3A_108, %add3A_462 : vector<16xi32>
    %gather3A_464 = tpu.vector_load_idx %arg6[%add3A_463] : memref<512xf32, #tpu.memory_space<vmem>>[vector<16xi32>], vector<16xf32>,
    %gt3A_465 = arith.cmpf ogt, %gather3A_464, %get3A_325 : vector<16xf32>
    %eq3A_466 = arith.cmpf oeq, %gather3A_464, %get3A_325 : vector<16xf32>
    %and3A_467 = arith.andi %eq3A_466, %lt3A_139 : vector<16xi1>
    %or3A_468 = arith.ori %gt3A_465, %and3A_467 : vector<16xi1>
    %select_n3A_469 = arith.select %or3A_468, %broadcast_in_dim3A_143, %broadcast_in_dim3A_145 : vector<16xi1>, vector<16xi32>
    %add3A_470 = arith.addi %add3A_461, %select_n3A_469 : vector<16xi32>
    %add3A_471 = vector.broadcast %add3A_323 : i32 to vector<16xi32>
    %add3A_472 = arith.addi %and3A_114, %add3A_471 : vector<16xi32>
    %gather3A_473 = tpu.vector_load_idx %arg6[%add3A_472] : memref<512xf32, #tpu.memory_space<vmem>>[vector<16xi32>], vector<16xf32>,
    %gt3A_474 = arith.cmpf ogt, %gather3A_473, %get3A_325 : vector<16xf32>
    %eq3A_475 = arith.cmpf oeq, %gather3A_473, %get3A_325 : vector<16xf32>
    %and3A_476 = arith.andi %eq3A_475, %lt3A_140 : vector<16xi1>
    %or3A_477 = arith.ori %gt3A_474, %and3A_476 : vector<16xi1>
    %select_n3A_478 = arith.select %or3A_477, %broadcast_in_dim3A_143, %broadcast_in_dim3A_145 : vector<16xi1>, vector<16xi32>
    %add3A_479 = arith.addi %add3A_470, %select_n3A_478 : vector<16xi32>
    %add3A_480 = vector.broadcast %add3A_323 : i32 to vector<16xi32>
    %add3A_481 = arith.addi %and3A_120, %add3A_480 : vector<16xi32>
    %gather3A_482 = tpu.vector_load_idx %arg6[%add3A_481] : memref<512xf32, #tpu.memory_space<vmem>>[vector<16xi32>], vector<16xf32>,
    %gt3A_483 = arith.cmpf ogt, %gather3A_482, %get3A_325 : vector<16xf32>
    %eq3A_484 = arith.cmpf oeq, %gather3A_482, %get3A_325 : vector<16xf32>
    %and3A_485 = arith.andi %eq3A_484, %lt3A_141 : vector<16xi1>
    %or3A_486 = arith.ori %gt3A_483, %and3A_485 : vector<16xi1>
    %select_n3A_487 = arith.select %or3A_486, %broadcast_in_dim3A_143, %broadcast_in_dim3A_145 : vector<16xi1>, vector<16xi32>
    %add3A_488 = arith.addi %add3A_479, %select_n3A_487 : vector<16xi32>
    %add3A_489 = vector.broadcast %add3A_323 : i32 to vector<16xi32>
    %add3A_490 = arith.addi %and3A_126, %add3A_489 : vector<16xi32>
    %gather3A_491 = tpu.vector_load_idx %arg6[%add3A_490] : memref<512xf32, #tpu.memory_space<vmem>>[vector<16xi32>], vector<16xf32>,
    %gt3A_492 = arith.cmpf ogt, %gather3A_491, %get3A_325 : vector<16xf32>
    %eq3A_493 = arith.cmpf oeq, %gather3A_491, %get3A_325 : vector<16xf32>
    %and3A_494 = arith.andi %eq3A_493, %lt3A_142 : vector<16xi1>
    %or3A_495 = arith.ori %gt3A_492, %and3A_494 : vector<16xi1>
    %select_n3A_496 = arith.select %or3A_495, %broadcast_in_dim3A_143, %broadcast_in_dim3A_145 : vector<16xi1>, vector<16xi32>
    %add3A_497 = arith.addi %add3A_488, %select_n3A_496 : vector<16xi32>
    %swap3A_498 = arith.constant 16 : index
    %swap3A_499 = tpu.vector_load %arg8[%swap3A_498] {strides = array<i32>} : memref<64xi32, #tpu.memory_space<vmem>>, vector<16xi32>,
    tpu.vector_store %arg8[%swap3A_498], %add3A_497 {strides = array<i32>} : memref<64xi32, #tpu.memory_space<vmem>>, vector<16xi32>,
    %mul3A_500 = arith.constant 64 : i32
    %mul3A_501 = arith.muli %select_n3A_30, %mul3A_500 : i32
    %add3A_502 = arith.constant 32 : i32
    %add3A_503 = arith.addi %mul3A_501, %add3A_502 : i32
    %get3A_504 = arith.index_cast %add3A_503 : i32 to index
    %get3A_505 = tpu.vector_load %arg6[%get3A_504] {strides = array<i32>} : memref<512xf32, #tpu.memory_space<vmem>>, vector<16xf32>,
    %mul3A_506 = arith.constant 4 : i32
    %mul3A_507 = arith.muli %select_n3A_30, %mul3A_506 : i32
    %add3A_508 = arith.constant 2 : i32
    %add3A_509 = arith.addi %mul3A_507, %add3A_508 : i32
    %while3A_510 = arith.constant 0 : i32
    %while3A_511 = arith.subi %add3A_509, %while3A_510 : i32
    %while3A_512 = arith.addi %while3A_510, %while3A_511 : i32
    %while3A_513 = arith.constant 1 : i32
    %while3A_514 = arith.divsi %while3A_511, %while3A_513 : i32
    %while3A_515 = arith.muli %while3A_514, %while3A_513 : i32
    %while3A_516 = arith.addi %while3A_510, %while3A_515 : i32
    %while3A_517 = arith.constant 1 : i32
    %while3A_518 = scf.for %while3A_865 = %while3A_510 to %while3A_516 step %while3A_517 iter_args(%while3A_866 = %broadcast_in_dim3A_145) -> (vector<16xi32>)  : i32 {
      %mul3A_867 = arith.constant 16 : i32
      %mul3A_868 = arith.muli %while3A_865, %mul3A_867 : i32
      %add3A_869 = vector.broadcast %mul3A_868 : i32 to vector<16xi32>
      %add3A_870 = arith.addi %and3A_36, %add3A_869 : vector<16xi32>
      %gather3A_871 = tpu.vector_load_idx %arg6[%add3A_870] : memref<512xf32, #tpu.memory_space<vmem>>[vector<16xi32>], vector<16xf32>,
      %ge3A = arith.cmpf oge, %gather3A_871, %get3A_505 : vector<16xf32>
      %select_n3A_872 = arith.select %ge3A, %broadcast_in_dim3A_143, %broadcast_in_dim3A_145 : vector<16xi1>, vector<16xi32>
      %add3A_873 = arith.addi %while3A_866, %select_n3A_872 : vector<16xi32>
      %add3A_874 = vector.broadcast %mul3A_868 : i32 to vector<16xi32>
      %add3A_875 = arith.addi %and3A_42, %add3A_874 : vector<16xi32>
      %gather3A_876 = tpu.vector_load_idx %arg6[%add3A_875] : memref<512xf32, #tpu.memory_space<vmem>>[vector<16xi32>], vector<16xf32>,
      %ge3A_877 = arith.cmpf oge, %gather3A_876, %get3A_505 : vector<16xf32>
      %select_n3A_878 = arith.select %ge3A_877, %broadcast_in_dim3A_143, %broadcast_in_dim3A_145 : vector<16xi1>, vector<16xi32>
      %add3A_879 = arith.addi %add3A_873, %select_n3A_878 : vector<16xi32>
      %add3A_880 = vector.broadcast %mul3A_868 : i32 to vector<16xi32>
      %add3A_881 = arith.addi %and3A_48, %add3A_880 : vector<16xi32>
      %gather3A_882 = tpu.vector_load_idx %arg6[%add3A_881] : memref<512xf32, #tpu.memory_space<vmem>>[vector<16xi32>], vector<16xf32>,
      %ge3A_883 = arith.cmpf oge, %gather3A_882, %get3A_505 : vector<16xf32>
      %select_n3A_884 = arith.select %ge3A_883, %broadcast_in_dim3A_143, %broadcast_in_dim3A_145 : vector<16xi1>, vector<16xi32>
      %add3A_885 = arith.addi %add3A_879, %select_n3A_884 : vector<16xi32>
      %add3A_886 = vector.broadcast %mul3A_868 : i32 to vector<16xi32>
      %add3A_887 = arith.addi %and3A_54, %add3A_886 : vector<16xi32>
      %gather3A_888 = tpu.vector_load_idx %arg6[%add3A_887] : memref<512xf32, #tpu.memory_space<vmem>>[vector<16xi32>], vector<16xf32>,
      %ge3A_889 = arith.cmpf oge, %gather3A_888, %get3A_505 : vector<16xf32>
      %select_n3A_890 = arith.select %ge3A_889, %broadcast_in_dim3A_143, %broadcast_in_dim3A_145 : vector<16xi1>, vector<16xi32>
      %add3A_891 = arith.addi %add3A_885, %select_n3A_890 : vector<16xi32>
      %add3A_892 = vector.broadcast %mul3A_868 : i32 to vector<16xi32>
      %add3A_893 = arith.addi %and3A_60, %add3A_892 : vector<16xi32>
      %gather3A_894 = tpu.vector_load_idx %arg6[%add3A_893] : memref<512xf32, #tpu.memory_space<vmem>>[vector<16xi32>], vector<16xf32>,
      %ge3A_895 = arith.cmpf oge, %gather3A_894, %get3A_505 : vector<16xf32>
      %select_n3A_896 = arith.select %ge3A_895, %broadcast_in_dim3A_143, %broadcast_in_dim3A_145 : vector<16xi1>, vector<16xi32>
      %add3A_897 = arith.addi %add3A_891, %select_n3A_896 : vector<16xi32>
      %add3A_898 = vector.broadcast %mul3A_868 : i32 to vector<16xi32>
      %add3A_899 = arith.addi %and3A_66, %add3A_898 : vector<16xi32>
      %gather3A_900 = tpu.vector_load_idx %arg6[%add3A_899] : memref<512xf32, #tpu.memory_space<vmem>>[vector<16xi32>], vector<16xf32>,
      %ge3A_901 = arith.cmpf oge, %gather3A_900, %get3A_505 : vector<16xf32>
      %select_n3A_902 = arith.select %ge3A_901, %broadcast_in_dim3A_143, %broadcast_in_dim3A_145 : vector<16xi1>, vector<16xi32>
      %add3A_903 = arith.addi %add3A_897, %select_n3A_902 : vector<16xi32>
      %add3A_904 = vector.broadcast %mul3A_868 : i32 to vector<16xi32>
      %add3A_905 = arith.addi %and3A_72, %add3A_904 : vector<16xi32>
      %gather3A_906 = tpu.vector_load_idx %arg6[%add3A_905] : memref<512xf32, #tpu.memory_space<vmem>>[vector<16xi32>], vector<16xf32>,
      %ge3A_907 = arith.cmpf oge, %gather3A_906, %get3A_505 : vector<16xf32>
      %select_n3A_908 = arith.select %ge3A_907, %broadcast_in_dim3A_143, %broadcast_in_dim3A_145 : vector<16xi1>, vector<16xi32>
      %add3A_909 = arith.addi %add3A_903, %select_n3A_908 : vector<16xi32>
      %add3A_910 = vector.broadcast %mul3A_868 : i32 to vector<16xi32>
      %add3A_911 = arith.addi %and3A_78, %add3A_910 : vector<16xi32>
      %gather3A_912 = tpu.vector_load_idx %arg6[%add3A_911] : memref<512xf32, #tpu.memory_space<vmem>>[vector<16xi32>], vector<16xf32>,
      %ge3A_913 = arith.cmpf oge, %gather3A_912, %get3A_505 : vector<16xf32>
      %select_n3A_914 = arith.select %ge3A_913, %broadcast_in_dim3A_143, %broadcast_in_dim3A_145 : vector<16xi1>, vector<16xi32>
      %add3A_915 = arith.addi %add3A_909, %select_n3A_914 : vector<16xi32>
      %add3A_916 = vector.broadcast %mul3A_868 : i32 to vector<16xi32>
      %add3A_917 = arith.addi %and3A_84, %add3A_916 : vector<16xi32>
      %gather3A_918 = tpu.vector_load_idx %arg6[%add3A_917] : memref<512xf32, #tpu.memory_space<vmem>>[vector<16xi32>], vector<16xf32>,
      %ge3A_919 = arith.cmpf oge, %gather3A_918, %get3A_505 : vector<16xf32>
      %select_n3A_920 = arith.select %ge3A_919, %broadcast_in_dim3A_143, %broadcast_in_dim3A_145 : vector<16xi1>, vector<16xi32>
      %add3A_921 = arith.addi %add3A_915, %select_n3A_920 : vector<16xi32>
      %add3A_922 = vector.broadcast %mul3A_868 : i32 to vector<16xi32>
      %add3A_923 = arith.addi %and3A_90, %add3A_922 : vector<16xi32>
      %gather3A_924 = tpu.vector_load_idx %arg6[%add3A_923] : memref<512xf32, #tpu.memory_space<vmem>>[vector<16xi32>], vector<16xf32>,
      %ge3A_925 = arith.cmpf oge, %gather3A_924, %get3A_505 : vector<16xf32>
      %select_n3A_926 = arith.select %ge3A_925, %broadcast_in_dim3A_143, %broadcast_in_dim3A_145 : vector<16xi1>, vector<16xi32>
      %add3A_927 = arith.addi %add3A_921, %select_n3A_926 : vector<16xi32>
      %add3A_928 = vector.broadcast %mul3A_868 : i32 to vector<16xi32>
      %add3A_929 = arith.addi %and3A_96, %add3A_928 : vector<16xi32>
      %gather3A_930 = tpu.vector_load_idx %arg6[%add3A_929] : memref<512xf32, #tpu.memory_space<vmem>>[vector<16xi32>], vector<16xf32>,
      %ge3A_931 = arith.cmpf oge, %gather3A_930, %get3A_505 : vector<16xf32>
      %select_n3A_932 = arith.select %ge3A_931, %broadcast_in_dim3A_143, %broadcast_in_dim3A_145 : vector<16xi1>, vector<16xi32>
      %add3A_933 = arith.addi %add3A_927, %select_n3A_932 : vector<16xi32>
      %add3A_934 = vector.broadcast %mul3A_868 : i32 to vector<16xi32>
      %add3A_935 = arith.addi %and3A_102, %add3A_934 : vector<16xi32>
      %gather3A_936 = tpu.vector_load_idx %arg6[%add3A_935] : memref<512xf32, #tpu.memory_space<vmem>>[vector<16xi32>], vector<16xf32>,
      %ge3A_937 = arith.cmpf oge, %gather3A_936, %get3A_505 : vector<16xf32>
      %select_n3A_938 = arith.select %ge3A_937, %broadcast_in_dim3A_143, %broadcast_in_dim3A_145 : vector<16xi1>, vector<16xi32>
      %add3A_939 = arith.addi %add3A_933, %select_n3A_938 : vector<16xi32>
      %add3A_940 = vector.broadcast %mul3A_868 : i32 to vector<16xi32>
      %add3A_941 = arith.addi %and3A_108, %add3A_940 : vector<16xi32>
      %gather3A_942 = tpu.vector_load_idx %arg6[%add3A_941] : memref<512xf32, #tpu.memory_space<vmem>>[vector<16xi32>], vector<16xf32>,
      %ge3A_943 = arith.cmpf oge, %gather3A_942, %get3A_505 : vector<16xf32>
      %select_n3A_944 = arith.select %ge3A_943, %broadcast_in_dim3A_143, %broadcast_in_dim3A_145 : vector<16xi1>, vector<16xi32>
      %add3A_945 = arith.addi %add3A_939, %select_n3A_944 : vector<16xi32>
      %add3A_946 = vector.broadcast %mul3A_868 : i32 to vector<16xi32>
      %add3A_947 = arith.addi %and3A_114, %add3A_946 : vector<16xi32>
      %gather3A_948 = tpu.vector_load_idx %arg6[%add3A_947] : memref<512xf32, #tpu.memory_space<vmem>>[vector<16xi32>], vector<16xf32>,
      %ge3A_949 = arith.cmpf oge, %gather3A_948, %get3A_505 : vector<16xf32>
      %select_n3A_950 = arith.select %ge3A_949, %broadcast_in_dim3A_143, %broadcast_in_dim3A_145 : vector<16xi1>, vector<16xi32>
      %add3A_951 = arith.addi %add3A_945, %select_n3A_950 : vector<16xi32>
      %add3A_952 = vector.broadcast %mul3A_868 : i32 to vector<16xi32>
      %add3A_953 = arith.addi %and3A_120, %add3A_952 : vector<16xi32>
      %gather3A_954 = tpu.vector_load_idx %arg6[%add3A_953] : memref<512xf32, #tpu.memory_space<vmem>>[vector<16xi32>], vector<16xf32>,
      %ge3A_955 = arith.cmpf oge, %gather3A_954, %get3A_505 : vector<16xf32>
      %select_n3A_956 = arith.select %ge3A_955, %broadcast_in_dim3A_143, %broadcast_in_dim3A_145 : vector<16xi1>, vector<16xi32>
      %add3A_957 = arith.addi %add3A_951, %select_n3A_956 : vector<16xi32>
      %add3A_958 = vector.broadcast %mul3A_868 : i32 to vector<16xi32>
      %add3A_959 = arith.addi %and3A_126, %add3A_958 : vector<16xi32>
      %gather3A_960 = tpu.vector_load_idx %arg6[%add3A_959] : memref<512xf32, #tpu.memory_space<vmem>>[vector<16xi32>], vector<16xf32>,
      %ge3A_961 = arith.cmpf oge, %gather3A_960, %get3A_505 : vector<16xf32>
      %select_n3A_962 = arith.select %ge3A_961, %broadcast_in_dim3A_143, %broadcast_in_dim3A_145 : vector<16xi1>, vector<16xi32>
      %add3A_963 = arith.addi %add3A_957, %select_n3A_962 : vector<16xi32>
      scf.yield %add3A_963 : vector<16xi32>
    }
    %while3A_519 = arith.constant 1 : i32
    %while3A_520 = scf.for %while3A_865 = %while3A_516 to %while3A_512 step %while3A_519 iter_args(%while3A_866 = %while3A_518) -> (vector<16xi32>)  : i32 {
      %mul3A_867 = arith.constant 16 : i32
      %mul3A_868 = arith.muli %while3A_865, %mul3A_867 : i32
      %add3A_869 = vector.broadcast %mul3A_868 : i32 to vector<16xi32>
      %add3A_870 = arith.addi %and3A_36, %add3A_869 : vector<16xi32>
      %gather3A_871 = tpu.vector_load_idx %arg6[%add3A_870] : memref<512xf32, #tpu.memory_space<vmem>>[vector<16xi32>], vector<16xf32>,
      %ge3A = arith.cmpf oge, %gather3A_871, %get3A_505 : vector<16xf32>
      %select_n3A_872 = arith.select %ge3A, %broadcast_in_dim3A_143, %broadcast_in_dim3A_145 : vector<16xi1>, vector<16xi32>
      %add3A_873 = arith.addi %while3A_866, %select_n3A_872 : vector<16xi32>
      %add3A_874 = vector.broadcast %mul3A_868 : i32 to vector<16xi32>
      %add3A_875 = arith.addi %and3A_42, %add3A_874 : vector<16xi32>
      %gather3A_876 = tpu.vector_load_idx %arg6[%add3A_875] : memref<512xf32, #tpu.memory_space<vmem>>[vector<16xi32>], vector<16xf32>,
      %ge3A_877 = arith.cmpf oge, %gather3A_876, %get3A_505 : vector<16xf32>
      %select_n3A_878 = arith.select %ge3A_877, %broadcast_in_dim3A_143, %broadcast_in_dim3A_145 : vector<16xi1>, vector<16xi32>
      %add3A_879 = arith.addi %add3A_873, %select_n3A_878 : vector<16xi32>
      %add3A_880 = vector.broadcast %mul3A_868 : i32 to vector<16xi32>
      %add3A_881 = arith.addi %and3A_48, %add3A_880 : vector<16xi32>
      %gather3A_882 = tpu.vector_load_idx %arg6[%add3A_881] : memref<512xf32, #tpu.memory_space<vmem>>[vector<16xi32>], vector<16xf32>,
      %ge3A_883 = arith.cmpf oge, %gather3A_882, %get3A_505 : vector<16xf32>
      %select_n3A_884 = arith.select %ge3A_883, %broadcast_in_dim3A_143, %broadcast_in_dim3A_145 : vector<16xi1>, vector<16xi32>
      %add3A_885 = arith.addi %add3A_879, %select_n3A_884 : vector<16xi32>
      %add3A_886 = vector.broadcast %mul3A_868 : i32 to vector<16xi32>
      %add3A_887 = arith.addi %and3A_54, %add3A_886 : vector<16xi32>
      %gather3A_888 = tpu.vector_load_idx %arg6[%add3A_887] : memref<512xf32, #tpu.memory_space<vmem>>[vector<16xi32>], vector<16xf32>,
      %ge3A_889 = arith.cmpf oge, %gather3A_888, %get3A_505 : vector<16xf32>
      %select_n3A_890 = arith.select %ge3A_889, %broadcast_in_dim3A_143, %broadcast_in_dim3A_145 : vector<16xi1>, vector<16xi32>
      %add3A_891 = arith.addi %add3A_885, %select_n3A_890 : vector<16xi32>
      %add3A_892 = vector.broadcast %mul3A_868 : i32 to vector<16xi32>
      %add3A_893 = arith.addi %and3A_60, %add3A_892 : vector<16xi32>
      %gather3A_894 = tpu.vector_load_idx %arg6[%add3A_893] : memref<512xf32, #tpu.memory_space<vmem>>[vector<16xi32>], vector<16xf32>,
      %ge3A_895 = arith.cmpf oge, %gather3A_894, %get3A_505 : vector<16xf32>
      %select_n3A_896 = arith.select %ge3A_895, %broadcast_in_dim3A_143, %broadcast_in_dim3A_145 : vector<16xi1>, vector<16xi32>
      %add3A_897 = arith.addi %add3A_891, %select_n3A_896 : vector<16xi32>
      %add3A_898 = vector.broadcast %mul3A_868 : i32 to vector<16xi32>
      %add3A_899 = arith.addi %and3A_66, %add3A_898 : vector<16xi32>
      %gather3A_900 = tpu.vector_load_idx %arg6[%add3A_899] : memref<512xf32, #tpu.memory_space<vmem>>[vector<16xi32>], vector<16xf32>,
      %ge3A_901 = arith.cmpf oge, %gather3A_900, %get3A_505 : vector<16xf32>
      %select_n3A_902 = arith.select %ge3A_901, %broadcast_in_dim3A_143, %broadcast_in_dim3A_145 : vector<16xi1>, vector<16xi32>
      %add3A_903 = arith.addi %add3A_897, %select_n3A_902 : vector<16xi32>
      %add3A_904 = vector.broadcast %mul3A_868 : i32 to vector<16xi32>
      %add3A_905 = arith.addi %and3A_72, %add3A_904 : vector<16xi32>
      %gather3A_906 = tpu.vector_load_idx %arg6[%add3A_905] : memref<512xf32, #tpu.memory_space<vmem>>[vector<16xi32>], vector<16xf32>,
      %ge3A_907 = arith.cmpf oge, %gather3A_906, %get3A_505 : vector<16xf32>
      %select_n3A_908 = arith.select %ge3A_907, %broadcast_in_dim3A_143, %broadcast_in_dim3A_145 : vector<16xi1>, vector<16xi32>
      %add3A_909 = arith.addi %add3A_903, %select_n3A_908 : vector<16xi32>
      %add3A_910 = vector.broadcast %mul3A_868 : i32 to vector<16xi32>
      %add3A_911 = arith.addi %and3A_78, %add3A_910 : vector<16xi32>
      %gather3A_912 = tpu.vector_load_idx %arg6[%add3A_911] : memref<512xf32, #tpu.memory_space<vmem>>[vector<16xi32>], vector<16xf32>,
      %ge3A_913 = arith.cmpf oge, %gather3A_912, %get3A_505 : vector<16xf32>
      %select_n3A_914 = arith.select %ge3A_913, %broadcast_in_dim3A_143, %broadcast_in_dim3A_145 : vector<16xi1>, vector<16xi32>
      %add3A_915 = arith.addi %add3A_909, %select_n3A_914 : vector<16xi32>
      %add3A_916 = vector.broadcast %mul3A_868 : i32 to vector<16xi32>
      %add3A_917 = arith.addi %and3A_84, %add3A_916 : vector<16xi32>
      %gather3A_918 = tpu.vector_load_idx %arg6[%add3A_917] : memref<512xf32, #tpu.memory_space<vmem>>[vector<16xi32>], vector<16xf32>,
      %ge3A_919 = arith.cmpf oge, %gather3A_918, %get3A_505 : vector<16xf32>
      %select_n3A_920 = arith.select %ge3A_919, %broadcast_in_dim3A_143, %broadcast_in_dim3A_145 : vector<16xi1>, vector<16xi32>
      %add3A_921 = arith.addi %add3A_915, %select_n3A_920 : vector<16xi32>
      %add3A_922 = vector.broadcast %mul3A_868 : i32 to vector<16xi32>
      %add3A_923 = arith.addi %and3A_90, %add3A_922 : vector<16xi32>
      %gather3A_924 = tpu.vector_load_idx %arg6[%add3A_923] : memref<512xf32, #tpu.memory_space<vmem>>[vector<16xi32>], vector<16xf32>,
      %ge3A_925 = arith.cmpf oge, %gather3A_924, %get3A_505 : vector<16xf32>
      %select_n3A_926 = arith.select %ge3A_925, %broadcast_in_dim3A_143, %broadcast_in_dim3A_145 : vector<16xi1>, vector<16xi32>
      %add3A_927 = arith.addi %add3A_921, %select_n3A_926 : vector<16xi32>
      %add3A_928 = vector.broadcast %mul3A_868 : i32 to vector<16xi32>
      %add3A_929 = arith.addi %and3A_96, %add3A_928 : vector<16xi32>
      %gather3A_930 = tpu.vector_load_idx %arg6[%add3A_929] : memref<512xf32, #tpu.memory_space<vmem>>[vector<16xi32>], vector<16xf32>,
      %ge3A_931 = arith.cmpf oge, %gather3A_930, %get3A_505 : vector<16xf32>
      %select_n3A_932 = arith.select %ge3A_931, %broadcast_in_dim3A_143, %broadcast_in_dim3A_145 : vector<16xi1>, vector<16xi32>
      %add3A_933 = arith.addi %add3A_927, %select_n3A_932 : vector<16xi32>
      %add3A_934 = vector.broadcast %mul3A_868 : i32 to vector<16xi32>
      %add3A_935 = arith.addi %and3A_102, %add3A_934 : vector<16xi32>
      %gather3A_936 = tpu.vector_load_idx %arg6[%add3A_935] : memref<512xf32, #tpu.memory_space<vmem>>[vector<16xi32>], vector<16xf32>,
      %ge3A_937 = arith.cmpf oge, %gather3A_936, %get3A_505 : vector<16xf32>
      %select_n3A_938 = arith.select %ge3A_937, %broadcast_in_dim3A_143, %broadcast_in_dim3A_145 : vector<16xi1>, vector<16xi32>
      %add3A_939 = arith.addi %add3A_933, %select_n3A_938 : vector<16xi32>
      %add3A_940 = vector.broadcast %mul3A_868 : i32 to vector<16xi32>
      %add3A_941 = arith.addi %and3A_108, %add3A_940 : vector<16xi32>
      %gather3A_942 = tpu.vector_load_idx %arg6[%add3A_941] : memref<512xf32, #tpu.memory_space<vmem>>[vector<16xi32>], vector<16xf32>,
      %ge3A_943 = arith.cmpf oge, %gather3A_942, %get3A_505 : vector<16xf32>
      %select_n3A_944 = arith.select %ge3A_943, %broadcast_in_dim3A_143, %broadcast_in_dim3A_145 : vector<16xi1>, vector<16xi32>
      %add3A_945 = arith.addi %add3A_939, %select_n3A_944 : vector<16xi32>
      %add3A_946 = vector.broadcast %mul3A_868 : i32 to vector<16xi32>
      %add3A_947 = arith.addi %and3A_114, %add3A_946 : vector<16xi32>
      %gather3A_948 = tpu.vector_load_idx %arg6[%add3A_947] : memref<512xf32, #tpu.memory_space<vmem>>[vector<16xi32>], vector<16xf32>,
      %ge3A_949 = arith.cmpf oge, %gather3A_948, %get3A_505 : vector<16xf32>
      %select_n3A_950 = arith.select %ge3A_949, %broadcast_in_dim3A_143, %broadcast_in_dim3A_145 : vector<16xi1>, vector<16xi32>
      %add3A_951 = arith.addi %add3A_945, %select_n3A_950 : vector<16xi32>
      %add3A_952 = vector.broadcast %mul3A_868 : i32 to vector<16xi32>
      %add3A_953 = arith.addi %and3A_120, %add3A_952 : vector<16xi32>
      %gather3A_954 = tpu.vector_load_idx %arg6[%add3A_953] : memref<512xf32, #tpu.memory_space<vmem>>[vector<16xi32>], vector<16xf32>,
      %ge3A_955 = arith.cmpf oge, %gather3A_954, %get3A_505 : vector<16xf32>
      %select_n3A_956 = arith.select %ge3A_955, %broadcast_in_dim3A_143, %broadcast_in_dim3A_145 : vector<16xi1>, vector<16xi32>
      %add3A_957 = arith.addi %add3A_951, %select_n3A_956 : vector<16xi32>
      %add3A_958 = vector.broadcast %mul3A_868 : i32 to vector<16xi32>
      %add3A_959 = arith.addi %and3A_126, %add3A_958 : vector<16xi32>
      %gather3A_960 = tpu.vector_load_idx %arg6[%add3A_959] : memref<512xf32, #tpu.memory_space<vmem>>[vector<16xi32>], vector<16xf32>,
      %ge3A_961 = arith.cmpf oge, %gather3A_960, %get3A_505 : vector<16xf32>
      %select_n3A_962 = arith.select %ge3A_961, %broadcast_in_dim3A_143, %broadcast_in_dim3A_145 : vector<16xi1>, vector<16xi32>
      %add3A_963 = arith.addi %add3A_957, %select_n3A_962 : vector<16xi32>
      scf.yield %add3A_963 : vector<16xi32>
    }
    %add3A_521 = arith.constant 1 : i32
    %add3A_522 = arith.addi %add3A_509, %add3A_521 : i32
    %while3A_523 = arith.constant 32 : i32
    %while3A_524 = arith.subi %while3A_523, %add3A_522 : i32
    %while3A_525 = arith.addi %add3A_522, %while3A_524 : i32
    %while3A_526 = arith.constant 1 : i32
    %while3A_527 = arith.divsi %while3A_524, %while3A_526 : i32
    %while3A_528 = arith.muli %while3A_527, %while3A_526 : i32
    %while3A_529 = arith.addi %add3A_522, %while3A_528 : i32
    %while3A_530 = arith.constant 1 : i32
    %while3A_531 = scf.for %while3A_865 = %add3A_522 to %while3A_529 step %while3A_530 iter_args(%while3A_866 = %while3A_520) -> (vector<16xi32>)  : i32 {
      %mul3A_867 = arith.constant 16 : i32
      %mul3A_868 = arith.muli %while3A_865, %mul3A_867 : i32
      %add3A_869 = vector.broadcast %mul3A_868 : i32 to vector<16xi32>
      %add3A_870 = arith.addi %and3A_36, %add3A_869 : vector<16xi32>
      %gather3A_871 = tpu.vector_load_idx %arg6[%add3A_870] : memref<512xf32, #tpu.memory_space<vmem>>[vector<16xi32>], vector<16xf32>,
      %gt3A_872 = arith.cmpf ogt, %gather3A_871, %get3A_505 : vector<16xf32>
      %select_n3A_873 = arith.select %gt3A_872, %broadcast_in_dim3A_143, %broadcast_in_dim3A_145 : vector<16xi1>, vector<16xi32>
      %add3A_874 = arith.addi %while3A_866, %select_n3A_873 : vector<16xi32>
      %add3A_875 = vector.broadcast %mul3A_868 : i32 to vector<16xi32>
      %add3A_876 = arith.addi %and3A_42, %add3A_875 : vector<16xi32>
      %gather3A_877 = tpu.vector_load_idx %arg6[%add3A_876] : memref<512xf32, #tpu.memory_space<vmem>>[vector<16xi32>], vector<16xf32>,
      %gt3A_878 = arith.cmpf ogt, %gather3A_877, %get3A_505 : vector<16xf32>
      %select_n3A_879 = arith.select %gt3A_878, %broadcast_in_dim3A_143, %broadcast_in_dim3A_145 : vector<16xi1>, vector<16xi32>
      %add3A_880 = arith.addi %add3A_874, %select_n3A_879 : vector<16xi32>
      %add3A_881 = vector.broadcast %mul3A_868 : i32 to vector<16xi32>
      %add3A_882 = arith.addi %and3A_48, %add3A_881 : vector<16xi32>
      %gather3A_883 = tpu.vector_load_idx %arg6[%add3A_882] : memref<512xf32, #tpu.memory_space<vmem>>[vector<16xi32>], vector<16xf32>,
      %gt3A_884 = arith.cmpf ogt, %gather3A_883, %get3A_505 : vector<16xf32>
      %select_n3A_885 = arith.select %gt3A_884, %broadcast_in_dim3A_143, %broadcast_in_dim3A_145 : vector<16xi1>, vector<16xi32>
      %add3A_886 = arith.addi %add3A_880, %select_n3A_885 : vector<16xi32>
      %add3A_887 = vector.broadcast %mul3A_868 : i32 to vector<16xi32>
      %add3A_888 = arith.addi %and3A_54, %add3A_887 : vector<16xi32>
      %gather3A_889 = tpu.vector_load_idx %arg6[%add3A_888] : memref<512xf32, #tpu.memory_space<vmem>>[vector<16xi32>], vector<16xf32>,
      %gt3A_890 = arith.cmpf ogt, %gather3A_889, %get3A_505 : vector<16xf32>
      %select_n3A_891 = arith.select %gt3A_890, %broadcast_in_dim3A_143, %broadcast_in_dim3A_145 : vector<16xi1>, vector<16xi32>
      %add3A_892 = arith.addi %add3A_886, %select_n3A_891 : vector<16xi32>
      %add3A_893 = vector.broadcast %mul3A_868 : i32 to vector<16xi32>
      %add3A_894 = arith.addi %and3A_60, %add3A_893 : vector<16xi32>
      %gather3A_895 = tpu.vector_load_idx %arg6[%add3A_894] : memref<512xf32, #tpu.memory_space<vmem>>[vector<16xi32>], vector<16xf32>,
      %gt3A_896 = arith.cmpf ogt, %gather3A_895, %get3A_505 : vector<16xf32>
      %select_n3A_897 = arith.select %gt3A_896, %broadcast_in_dim3A_143, %broadcast_in_dim3A_145 : vector<16xi1>, vector<16xi32>
      %add3A_898 = arith.addi %add3A_892, %select_n3A_897 : vector<16xi32>
      %add3A_899 = vector.broadcast %mul3A_868 : i32 to vector<16xi32>
      %add3A_900 = arith.addi %and3A_66, %add3A_899 : vector<16xi32>
      %gather3A_901 = tpu.vector_load_idx %arg6[%add3A_900] : memref<512xf32, #tpu.memory_space<vmem>>[vector<16xi32>], vector<16xf32>,
      %gt3A_902 = arith.cmpf ogt, %gather3A_901, %get3A_505 : vector<16xf32>
      %select_n3A_903 = arith.select %gt3A_902, %broadcast_in_dim3A_143, %broadcast_in_dim3A_145 : vector<16xi1>, vector<16xi32>
      %add3A_904 = arith.addi %add3A_898, %select_n3A_903 : vector<16xi32>
      %add3A_905 = vector.broadcast %mul3A_868 : i32 to vector<16xi32>
      %add3A_906 = arith.addi %and3A_72, %add3A_905 : vector<16xi32>
      %gather3A_907 = tpu.vector_load_idx %arg6[%add3A_906] : memref<512xf32, #tpu.memory_space<vmem>>[vector<16xi32>], vector<16xf32>,
      %gt3A_908 = arith.cmpf ogt, %gather3A_907, %get3A_505 : vector<16xf32>
      %select_n3A_909 = arith.select %gt3A_908, %broadcast_in_dim3A_143, %broadcast_in_dim3A_145 : vector<16xi1>, vector<16xi32>
      %add3A_910 = arith.addi %add3A_904, %select_n3A_909 : vector<16xi32>
      %add3A_911 = vector.broadcast %mul3A_868 : i32 to vector<16xi32>
      %add3A_912 = arith.addi %and3A_78, %add3A_911 : vector<16xi32>
      %gather3A_913 = tpu.vector_load_idx %arg6[%add3A_912] : memref<512xf32, #tpu.memory_space<vmem>>[vector<16xi32>], vector<16xf32>,
      %gt3A_914 = arith.cmpf ogt, %gather3A_913, %get3A_505 : vector<16xf32>
      %select_n3A_915 = arith.select %gt3A_914, %broadcast_in_dim3A_143, %broadcast_in_dim3A_145 : vector<16xi1>, vector<16xi32>
      %add3A_916 = arith.addi %add3A_910, %select_n3A_915 : vector<16xi32>
      %add3A_917 = vector.broadcast %mul3A_868 : i32 to vector<16xi32>
      %add3A_918 = arith.addi %and3A_84, %add3A_917 : vector<16xi32>
      %gather3A_919 = tpu.vector_load_idx %arg6[%add3A_918] : memref<512xf32, #tpu.memory_space<vmem>>[vector<16xi32>], vector<16xf32>,
      %gt3A_920 = arith.cmpf ogt, %gather3A_919, %get3A_505 : vector<16xf32>
      %select_n3A_921 = arith.select %gt3A_920, %broadcast_in_dim3A_143, %broadcast_in_dim3A_145 : vector<16xi1>, vector<16xi32>
      %add3A_922 = arith.addi %add3A_916, %select_n3A_921 : vector<16xi32>
      %add3A_923 = vector.broadcast %mul3A_868 : i32 to vector<16xi32>
      %add3A_924 = arith.addi %and3A_90, %add3A_923 : vector<16xi32>
      %gather3A_925 = tpu.vector_load_idx %arg6[%add3A_924] : memref<512xf32, #tpu.memory_space<vmem>>[vector<16xi32>], vector<16xf32>,
      %gt3A_926 = arith.cmpf ogt, %gather3A_925, %get3A_505 : vector<16xf32>
      %select_n3A_927 = arith.select %gt3A_926, %broadcast_in_dim3A_143, %broadcast_in_dim3A_145 : vector<16xi1>, vector<16xi32>
      %add3A_928 = arith.addi %add3A_922, %select_n3A_927 : vector<16xi32>
      %add3A_929 = vector.broadcast %mul3A_868 : i32 to vector<16xi32>
      %add3A_930 = arith.addi %and3A_96, %add3A_929 : vector<16xi32>
      %gather3A_931 = tpu.vector_load_idx %arg6[%add3A_930] : memref<512xf32, #tpu.memory_space<vmem>>[vector<16xi32>], vector<16xf32>,
      %gt3A_932 = arith.cmpf ogt, %gather3A_931, %get3A_505 : vector<16xf32>
      %select_n3A_933 = arith.select %gt3A_932, %broadcast_in_dim3A_143, %broadcast_in_dim3A_145 : vector<16xi1>, vector<16xi32>
      %add3A_934 = arith.addi %add3A_928, %select_n3A_933 : vector<16xi32>
      %add3A_935 = vector.broadcast %mul3A_868 : i32 to vector<16xi32>
      %add3A_936 = arith.addi %and3A_102, %add3A_935 : vector<16xi32>
      %gather3A_937 = tpu.vector_load_idx %arg6[%add3A_936] : memref<512xf32, #tpu.memory_space<vmem>>[vector<16xi32>], vector<16xf32>,
      %gt3A_938 = arith.cmpf ogt, %gather3A_937, %get3A_505 : vector<16xf32>
      %select_n3A_939 = arith.select %gt3A_938, %broadcast_in_dim3A_143, %broadcast_in_dim3A_145 : vector<16xi1>, vector<16xi32>
      %add3A_940 = arith.addi %add3A_934, %select_n3A_939 : vector<16xi32>
      %add3A_941 = vector.broadcast %mul3A_868 : i32 to vector<16xi32>
      %add3A_942 = arith.addi %and3A_108, %add3A_941 : vector<16xi32>
      %gather3A_943 = tpu.vector_load_idx %arg6[%add3A_942] : memref<512xf32, #tpu.memory_space<vmem>>[vector<16xi32>], vector<16xf32>,
      %gt3A_944 = arith.cmpf ogt, %gather3A_943, %get3A_505 : vector<16xf32>
      %select_n3A_945 = arith.select %gt3A_944, %broadcast_in_dim3A_143, %broadcast_in_dim3A_145 : vector<16xi1>, vector<16xi32>
      %add3A_946 = arith.addi %add3A_940, %select_n3A_945 : vector<16xi32>
      %add3A_947 = vector.broadcast %mul3A_868 : i32 to vector<16xi32>
      %add3A_948 = arith.addi %and3A_114, %add3A_947 : vector<16xi32>
      %gather3A_949 = tpu.vector_load_idx %arg6[%add3A_948] : memref<512xf32, #tpu.memory_space<vmem>>[vector<16xi32>], vector<16xf32>,
      %gt3A_950 = arith.cmpf ogt, %gather3A_949, %get3A_505 : vector<16xf32>
      %select_n3A_951 = arith.select %gt3A_950, %broadcast_in_dim3A_143, %broadcast_in_dim3A_145 : vector<16xi1>, vector<16xi32>
      %add3A_952 = arith.addi %add3A_946, %select_n3A_951 : vector<16xi32>
      %add3A_953 = vector.broadcast %mul3A_868 : i32 to vector<16xi32>
      %add3A_954 = arith.addi %and3A_120, %add3A_953 : vector<16xi32>
      %gather3A_955 = tpu.vector_load_idx %arg6[%add3A_954] : memref<512xf32, #tpu.memory_space<vmem>>[vector<16xi32>], vector<16xf32>,
      %gt3A_956 = arith.cmpf ogt, %gather3A_955, %get3A_505 : vector<16xf32>
      %select_n3A_957 = arith.select %gt3A_956, %broadcast_in_dim3A_143, %broadcast_in_dim3A_145 : vector<16xi1>, vector<16xi32>
      %add3A_958 = arith.addi %add3A_952, %select_n3A_957 : vector<16xi32>
      %add3A_959 = vector.broadcast %mul3A_868 : i32 to vector<16xi32>
      %add3A_960 = arith.addi %and3A_126, %add3A_959 : vector<16xi32>
      %gather3A_961 = tpu.vector_load_idx %arg6[%add3A_960] : memref<512xf32, #tpu.memory_space<vmem>>[vector<16xi32>], vector<16xf32>,
      %gt3A_962 = arith.cmpf ogt, %gather3A_961, %get3A_505 : vector<16xf32>
      %select_n3A_963 = arith.select %gt3A_962, %broadcast_in_dim3A_143, %broadcast_in_dim3A_145 : vector<16xi1>, vector<16xi32>
      %add3A_964 = arith.addi %add3A_958, %select_n3A_963 : vector<16xi32>
      scf.yield %add3A_964 : vector<16xi32>
    }
    %while3A_532 = arith.constant 1 : i32
    %while3A_533 = scf.for %while3A_865 = %while3A_529 to %while3A_525 step %while3A_532 iter_args(%while3A_866 = %while3A_531) -> (vector<16xi32>)  : i32 {
      %mul3A_867 = arith.constant 16 : i32
      %mul3A_868 = arith.muli %while3A_865, %mul3A_867 : i32
      %add3A_869 = vector.broadcast %mul3A_868 : i32 to vector<16xi32>
      %add3A_870 = arith.addi %and3A_36, %add3A_869 : vector<16xi32>
      %gather3A_871 = tpu.vector_load_idx %arg6[%add3A_870] : memref<512xf32, #tpu.memory_space<vmem>>[vector<16xi32>], vector<16xf32>,
      %gt3A_872 = arith.cmpf ogt, %gather3A_871, %get3A_505 : vector<16xf32>
      %select_n3A_873 = arith.select %gt3A_872, %broadcast_in_dim3A_143, %broadcast_in_dim3A_145 : vector<16xi1>, vector<16xi32>
      %add3A_874 = arith.addi %while3A_866, %select_n3A_873 : vector<16xi32>
      %add3A_875 = vector.broadcast %mul3A_868 : i32 to vector<16xi32>
      %add3A_876 = arith.addi %and3A_42, %add3A_875 : vector<16xi32>
      %gather3A_877 = tpu.vector_load_idx %arg6[%add3A_876] : memref<512xf32, #tpu.memory_space<vmem>>[vector<16xi32>], vector<16xf32>,
      %gt3A_878 = arith.cmpf ogt, %gather3A_877, %get3A_505 : vector<16xf32>
      %select_n3A_879 = arith.select %gt3A_878, %broadcast_in_dim3A_143, %broadcast_in_dim3A_145 : vector<16xi1>, vector<16xi32>
      %add3A_880 = arith.addi %add3A_874, %select_n3A_879 : vector<16xi32>
      %add3A_881 = vector.broadcast %mul3A_868 : i32 to vector<16xi32>
      %add3A_882 = arith.addi %and3A_48, %add3A_881 : vector<16xi32>
      %gather3A_883 = tpu.vector_load_idx %arg6[%add3A_882] : memref<512xf32, #tpu.memory_space<vmem>>[vector<16xi32>], vector<16xf32>,
      %gt3A_884 = arith.cmpf ogt, %gather3A_883, %get3A_505 : vector<16xf32>
      %select_n3A_885 = arith.select %gt3A_884, %broadcast_in_dim3A_143, %broadcast_in_dim3A_145 : vector<16xi1>, vector<16xi32>
      %add3A_886 = arith.addi %add3A_880, %select_n3A_885 : vector<16xi32>
      %add3A_887 = vector.broadcast %mul3A_868 : i32 to vector<16xi32>
      %add3A_888 = arith.addi %and3A_54, %add3A_887 : vector<16xi32>
      %gather3A_889 = tpu.vector_load_idx %arg6[%add3A_888] : memref<512xf32, #tpu.memory_space<vmem>>[vector<16xi32>], vector<16xf32>,
      %gt3A_890 = arith.cmpf ogt, %gather3A_889, %get3A_505 : vector<16xf32>
      %select_n3A_891 = arith.select %gt3A_890, %broadcast_in_dim3A_143, %broadcast_in_dim3A_145 : vector<16xi1>, vector<16xi32>
      %add3A_892 = arith.addi %add3A_886, %select_n3A_891 : vector<16xi32>
      %add3A_893 = vector.broadcast %mul3A_868 : i32 to vector<16xi32>
      %add3A_894 = arith.addi %and3A_60, %add3A_893 : vector<16xi32>
      %gather3A_895 = tpu.vector_load_idx %arg6[%add3A_894] : memref<512xf32, #tpu.memory_space<vmem>>[vector<16xi32>], vector<16xf32>,
      %gt3A_896 = arith.cmpf ogt, %gather3A_895, %get3A_505 : vector<16xf32>
      %select_n3A_897 = arith.select %gt3A_896, %broadcast_in_dim3A_143, %broadcast_in_dim3A_145 : vector<16xi1>, vector<16xi32>
      %add3A_898 = arith.addi %add3A_892, %select_n3A_897 : vector<16xi32>
      %add3A_899 = vector.broadcast %mul3A_868 : i32 to vector<16xi32>
      %add3A_900 = arith.addi %and3A_66, %add3A_899 : vector<16xi32>
      %gather3A_901 = tpu.vector_load_idx %arg6[%add3A_900] : memref<512xf32, #tpu.memory_space<vmem>>[vector<16xi32>], vector<16xf32>,
      %gt3A_902 = arith.cmpf ogt, %gather3A_901, %get3A_505 : vector<16xf32>
      %select_n3A_903 = arith.select %gt3A_902, %broadcast_in_dim3A_143, %broadcast_in_dim3A_145 : vector<16xi1>, vector<16xi32>
      %add3A_904 = arith.addi %add3A_898, %select_n3A_903 : vector<16xi32>
      %add3A_905 = vector.broadcast %mul3A_868 : i32 to vector<16xi32>
      %add3A_906 = arith.addi %and3A_72, %add3A_905 : vector<16xi32>
      %gather3A_907 = tpu.vector_load_idx %arg6[%add3A_906] : memref<512xf32, #tpu.memory_space<vmem>>[vector<16xi32>], vector<16xf32>,
      %gt3A_908 = arith.cmpf ogt, %gather3A_907, %get3A_505 : vector<16xf32>
      %select_n3A_909 = arith.select %gt3A_908, %broadcast_in_dim3A_143, %broadcast_in_dim3A_145 : vector<16xi1>, vector<16xi32>
      %add3A_910 = arith.addi %add3A_904, %select_n3A_909 : vector<16xi32>
      %add3A_911 = vector.broadcast %mul3A_868 : i32 to vector<16xi32>
      %add3A_912 = arith.addi %and3A_78, %add3A_911 : vector<16xi32>
      %gather3A_913 = tpu.vector_load_idx %arg6[%add3A_912] : memref<512xf32, #tpu.memory_space<vmem>>[vector<16xi32>], vector<16xf32>,
      %gt3A_914 = arith.cmpf ogt, %gather3A_913, %get3A_505 : vector<16xf32>
      %select_n3A_915 = arith.select %gt3A_914, %broadcast_in_dim3A_143, %broadcast_in_dim3A_145 : vector<16xi1>, vector<16xi32>
      %add3A_916 = arith.addi %add3A_910, %select_n3A_915 : vector<16xi32>
      %add3A_917 = vector.broadcast %mul3A_868 : i32 to vector<16xi32>
      %add3A_918 = arith.addi %and3A_84, %add3A_917 : vector<16xi32>
      %gather3A_919 = tpu.vector_load_idx %arg6[%add3A_918] : memref<512xf32, #tpu.memory_space<vmem>>[vector<16xi32>], vector<16xf32>,
      %gt3A_920 = arith.cmpf ogt, %gather3A_919, %get3A_505 : vector<16xf32>
      %select_n3A_921 = arith.select %gt3A_920, %broadcast_in_dim3A_143, %broadcast_in_dim3A_145 : vector<16xi1>, vector<16xi32>
      %add3A_922 = arith.addi %add3A_916, %select_n3A_921 : vector<16xi32>
      %add3A_923 = vector.broadcast %mul3A_868 : i32 to vector<16xi32>
      %add3A_924 = arith.addi %and3A_90, %add3A_923 : vector<16xi32>
      %gather3A_925 = tpu.vector_load_idx %arg6[%add3A_924] : memref<512xf32, #tpu.memory_space<vmem>>[vector<16xi32>], vector<16xf32>,
      %gt3A_926 = arith.cmpf ogt, %gather3A_925, %get3A_505 : vector<16xf32>
      %select_n3A_927 = arith.select %gt3A_926, %broadcast_in_dim3A_143, %broadcast_in_dim3A_145 : vector<16xi1>, vector<16xi32>
      %add3A_928 = arith.addi %add3A_922, %select_n3A_927 : vector<16xi32>
      %add3A_929 = vector.broadcast %mul3A_868 : i32 to vector<16xi32>
      %add3A_930 = arith.addi %and3A_96, %add3A_929 : vector<16xi32>
      %gather3A_931 = tpu.vector_load_idx %arg6[%add3A_930] : memref<512xf32, #tpu.memory_space<vmem>>[vector<16xi32>], vector<16xf32>,
      %gt3A_932 = arith.cmpf ogt, %gather3A_931, %get3A_505 : vector<16xf32>
      %select_n3A_933 = arith.select %gt3A_932, %broadcast_in_dim3A_143, %broadcast_in_dim3A_145 : vector<16xi1>, vector<16xi32>
      %add3A_934 = arith.addi %add3A_928, %select_n3A_933 : vector<16xi32>
      %add3A_935 = vector.broadcast %mul3A_868 : i32 to vector<16xi32>
      %add3A_936 = arith.addi %and3A_102, %add3A_935 : vector<16xi32>
      %gather3A_937 = tpu.vector_load_idx %arg6[%add3A_936] : memref<512xf32, #tpu.memory_space<vmem>>[vector<16xi32>], vector<16xf32>,
      %gt3A_938 = arith.cmpf ogt, %gather3A_937, %get3A_505 : vector<16xf32>
      %select_n3A_939 = arith.select %gt3A_938, %broadcast_in_dim3A_143, %broadcast_in_dim3A_145 : vector<16xi1>, vector<16xi32>
      %add3A_940 = arith.addi %add3A_934, %select_n3A_939 : vector<16xi32>
      %add3A_941 = vector.broadcast %mul3A_868 : i32 to vector<16xi32>
      %add3A_942 = arith.addi %and3A_108, %add3A_941 : vector<16xi32>
      %gather3A_943 = tpu.vector_load_idx %arg6[%add3A_942] : memref<512xf32, #tpu.memory_space<vmem>>[vector<16xi32>], vector<16xf32>,
      %gt3A_944 = arith.cmpf ogt, %gather3A_943, %get3A_505 : vector<16xf32>
      %select_n3A_945 = arith.select %gt3A_944, %broadcast_in_dim3A_143, %broadcast_in_dim3A_145 : vector<16xi1>, vector<16xi32>
      %add3A_946 = arith.addi %add3A_940, %select_n3A_945 : vector<16xi32>
      %add3A_947 = vector.broadcast %mul3A_868 : i32 to vector<16xi32>
      %add3A_948 = arith.addi %and3A_114, %add3A_947 : vector<16xi32>
      %gather3A_949 = tpu.vector_load_idx %arg6[%add3A_948] : memref<512xf32, #tpu.memory_space<vmem>>[vector<16xi32>], vector<16xf32>,
      %gt3A_950 = arith.cmpf ogt, %gather3A_949, %get3A_505 : vector<16xf32>
      %select_n3A_951 = arith.select %gt3A_950, %broadcast_in_dim3A_143, %broadcast_in_dim3A_145 : vector<16xi1>, vector<16xi32>
      %add3A_952 = arith.addi %add3A_946, %select_n3A_951 : vector<16xi32>
      %add3A_953 = vector.broadcast %mul3A_868 : i32 to vector<16xi32>
      %add3A_954 = arith.addi %and3A_120, %add3A_953 : vector<16xi32>
      %gather3A_955 = tpu.vector_load_idx %arg6[%add3A_954] : memref<512xf32, #tpu.memory_space<vmem>>[vector<16xi32>], vector<16xf32>,
      %gt3A_956 = arith.cmpf ogt, %gather3A_955, %get3A_505 : vector<16xf32>
      %select_n3A_957 = arith.select %gt3A_956, %broadcast_in_dim3A_143, %broadcast_in_dim3A_145 : vector<16xi1>, vector<16xi32>
      %add3A_958 = arith.addi %add3A_952, %select_n3A_957 : vector<16xi32>
      %add3A_959 = vector.broadcast %mul3A_868 : i32 to vector<16xi32>
      %add3A_960 = arith.addi %and3A_126, %add3A_959 : vector<16xi32>
      %gather3A_961 = tpu.vector_load_idx %arg6[%add3A_960] : memref<512xf32, #tpu.memory_space<vmem>>[vector<16xi32>], vector<16xf32>,
      %gt3A_962 = arith.cmpf ogt, %gather3A_961, %get3A_505 : vector<16xf32>
      %select_n3A_963 = arith.select %gt3A_962, %broadcast_in_dim3A_143, %broadcast_in_dim3A_145 : vector<16xi1>, vector<16xi32>
      %add3A_964 = arith.addi %add3A_958, %select_n3A_963 : vector<16xi32>
      scf.yield %add3A_964 : vector<16xi32>
    }
    %add3A_534 = vector.broadcast %add3A_503 : i32 to vector<16xi32>
    %add3A_535 = arith.addi %and3A_36, %add3A_534 : vector<16xi32>
    %gather3A_536 = tpu.vector_load_idx %arg6[%add3A_535] : memref<512xf32, #tpu.memory_space<vmem>>[vector<16xi32>], vector<16xf32>,
    %gt3A_537 = arith.cmpf ogt, %gather3A_536, %get3A_505 : vector<16xf32>
    %eq3A_538 = arith.cmpf oeq, %gather3A_536, %get3A_505 : vector<16xf32>
    %and3A_539 = arith.andi %eq3A_538, %lt3A_127 : vector<16xi1>
    %or3A_540 = arith.ori %gt3A_537, %and3A_539 : vector<16xi1>
    %select_n3A_541 = arith.select %or3A_540, %broadcast_in_dim3A_143, %broadcast_in_dim3A_145 : vector<16xi1>, vector<16xi32>
    %add3A_542 = arith.addi %while3A_533, %select_n3A_541 : vector<16xi32>
    %add3A_543 = vector.broadcast %add3A_503 : i32 to vector<16xi32>
    %add3A_544 = arith.addi %and3A_42, %add3A_543 : vector<16xi32>
    %gather3A_545 = tpu.vector_load_idx %arg6[%add3A_544] : memref<512xf32, #tpu.memory_space<vmem>>[vector<16xi32>], vector<16xf32>,
    %gt3A_546 = arith.cmpf ogt, %gather3A_545, %get3A_505 : vector<16xf32>
    %eq3A_547 = arith.cmpf oeq, %gather3A_545, %get3A_505 : vector<16xf32>
    %and3A_548 = arith.andi %eq3A_547, %lt3A_128 : vector<16xi1>
    %or3A_549 = arith.ori %gt3A_546, %and3A_548 : vector<16xi1>
    %select_n3A_550 = arith.select %or3A_549, %broadcast_in_dim3A_143, %broadcast_in_dim3A_145 : vector<16xi1>, vector<16xi32>
    %add3A_551 = arith.addi %add3A_542, %select_n3A_550 : vector<16xi32>
    %add3A_552 = vector.broadcast %add3A_503 : i32 to vector<16xi32>
    %add3A_553 = arith.addi %and3A_48, %add3A_552 : vector<16xi32>
    %gather3A_554 = tpu.vector_load_idx %arg6[%add3A_553] : memref<512xf32, #tpu.memory_space<vmem>>[vector<16xi32>], vector<16xf32>,
    %gt3A_555 = arith.cmpf ogt, %gather3A_554, %get3A_505 : vector<16xf32>
    %eq3A_556 = arith.cmpf oeq, %gather3A_554, %get3A_505 : vector<16xf32>
    %and3A_557 = arith.andi %eq3A_556, %lt3A_129 : vector<16xi1>
    %or3A_558 = arith.ori %gt3A_555, %and3A_557 : vector<16xi1>
    %select_n3A_559 = arith.select %or3A_558, %broadcast_in_dim3A_143, %broadcast_in_dim3A_145 : vector<16xi1>, vector<16xi32>
    %add3A_560 = arith.addi %add3A_551, %select_n3A_559 : vector<16xi32>
    %add3A_561 = vector.broadcast %add3A_503 : i32 to vector<16xi32>
    %add3A_562 = arith.addi %and3A_54, %add3A_561 : vector<16xi32>
    %gather3A_563 = tpu.vector_load_idx %arg6[%add3A_562] : memref<512xf32, #tpu.memory_space<vmem>>[vector<16xi32>], vector<16xf32>,
    %gt3A_564 = arith.cmpf ogt, %gather3A_563, %get3A_505 : vector<16xf32>
    %eq3A_565 = arith.cmpf oeq, %gather3A_563, %get3A_505 : vector<16xf32>
    %and3A_566 = arith.andi %eq3A_565, %lt3A_130 : vector<16xi1>
    %or3A_567 = arith.ori %gt3A_564, %and3A_566 : vector<16xi1>
    %select_n3A_568 = arith.select %or3A_567, %broadcast_in_dim3A_143, %broadcast_in_dim3A_145 : vector<16xi1>, vector<16xi32>
    %add3A_569 = arith.addi %add3A_560, %select_n3A_568 : vector<16xi32>
    %add3A_570 = vector.broadcast %add3A_503 : i32 to vector<16xi32>
    %add3A_571 = arith.addi %and3A_60, %add3A_570 : vector<16xi32>
    %gather3A_572 = tpu.vector_load_idx %arg6[%add3A_571] : memref<512xf32, #tpu.memory_space<vmem>>[vector<16xi32>], vector<16xf32>,
    %gt3A_573 = arith.cmpf ogt, %gather3A_572, %get3A_505 : vector<16xf32>
    %eq3A_574 = arith.cmpf oeq, %gather3A_572, %get3A_505 : vector<16xf32>
    %and3A_575 = arith.andi %eq3A_574, %lt3A_131 : vector<16xi1>
    %or3A_576 = arith.ori %gt3A_573, %and3A_575 : vector<16xi1>
    %select_n3A_577 = arith.select %or3A_576, %broadcast_in_dim3A_143, %broadcast_in_dim3A_145 : vector<16xi1>, vector<16xi32>
    %add3A_578 = arith.addi %add3A_569, %select_n3A_577 : vector<16xi32>
    %add3A_579 = vector.broadcast %add3A_503 : i32 to vector<16xi32>
    %add3A_580 = arith.addi %and3A_66, %add3A_579 : vector<16xi32>
    %gather3A_581 = tpu.vector_load_idx %arg6[%add3A_580] : memref<512xf32, #tpu.memory_space<vmem>>[vector<16xi32>], vector<16xf32>,
    %gt3A_582 = arith.cmpf ogt, %gather3A_581, %get3A_505 : vector<16xf32>
    %eq3A_583 = arith.cmpf oeq, %gather3A_581, %get3A_505 : vector<16xf32>
    %and3A_584 = arith.andi %eq3A_583, %lt3A_132 : vector<16xi1>
    %or3A_585 = arith.ori %gt3A_582, %and3A_584 : vector<16xi1>
    %select_n3A_586 = arith.select %or3A_585, %broadcast_in_dim3A_143, %broadcast_in_dim3A_145 : vector<16xi1>, vector<16xi32>
    %add3A_587 = arith.addi %add3A_578, %select_n3A_586 : vector<16xi32>
    %add3A_588 = vector.broadcast %add3A_503 : i32 to vector<16xi32>
    %add3A_589 = arith.addi %and3A_72, %add3A_588 : vector<16xi32>
    %gather3A_590 = tpu.vector_load_idx %arg6[%add3A_589] : memref<512xf32, #tpu.memory_space<vmem>>[vector<16xi32>], vector<16xf32>,
    %gt3A_591 = arith.cmpf ogt, %gather3A_590, %get3A_505 : vector<16xf32>
    %eq3A_592 = arith.cmpf oeq, %gather3A_590, %get3A_505 : vector<16xf32>
    %and3A_593 = arith.andi %eq3A_592, %lt3A_133 : vector<16xi1>
    %or3A_594 = arith.ori %gt3A_591, %and3A_593 : vector<16xi1>
    %select_n3A_595 = arith.select %or3A_594, %broadcast_in_dim3A_143, %broadcast_in_dim3A_145 : vector<16xi1>, vector<16xi32>
    %add3A_596 = arith.addi %add3A_587, %select_n3A_595 : vector<16xi32>
    %add3A_597 = vector.broadcast %add3A_503 : i32 to vector<16xi32>
    %add3A_598 = arith.addi %and3A_78, %add3A_597 : vector<16xi32>
    %gather3A_599 = tpu.vector_load_idx %arg6[%add3A_598] : memref<512xf32, #tpu.memory_space<vmem>>[vector<16xi32>], vector<16xf32>,
    %gt3A_600 = arith.cmpf ogt, %gather3A_599, %get3A_505 : vector<16xf32>
    %eq3A_601 = arith.cmpf oeq, %gather3A_599, %get3A_505 : vector<16xf32>
    %and3A_602 = arith.andi %eq3A_601, %lt3A_134 : vector<16xi1>
    %or3A_603 = arith.ori %gt3A_600, %and3A_602 : vector<16xi1>
    %select_n3A_604 = arith.select %or3A_603, %broadcast_in_dim3A_143, %broadcast_in_dim3A_145 : vector<16xi1>, vector<16xi32>
    %add3A_605 = arith.addi %add3A_596, %select_n3A_604 : vector<16xi32>
    %add3A_606 = vector.broadcast %add3A_503 : i32 to vector<16xi32>
    %add3A_607 = arith.addi %and3A_84, %add3A_606 : vector<16xi32>
    %gather3A_608 = tpu.vector_load_idx %arg6[%add3A_607] : memref<512xf32, #tpu.memory_space<vmem>>[vector<16xi32>], vector<16xf32>,
    %gt3A_609 = arith.cmpf ogt, %gather3A_608, %get3A_505 : vector<16xf32>
    %eq3A_610 = arith.cmpf oeq, %gather3A_608, %get3A_505 : vector<16xf32>
    %and3A_611 = arith.andi %eq3A_610, %lt3A_135 : vector<16xi1>
    %or3A_612 = arith.ori %gt3A_609, %and3A_611 : vector<16xi1>
    %select_n3A_613 = arith.select %or3A_612, %broadcast_in_dim3A_143, %broadcast_in_dim3A_145 : vector<16xi1>, vector<16xi32>
    %add3A_614 = arith.addi %add3A_605, %select_n3A_613 : vector<16xi32>
    %add3A_615 = vector.broadcast %add3A_503 : i32 to vector<16xi32>
    %add3A_616 = arith.addi %and3A_90, %add3A_615 : vector<16xi32>
    %gather3A_617 = tpu.vector_load_idx %arg6[%add3A_616] : memref<512xf32, #tpu.memory_space<vmem>>[vector<16xi32>], vector<16xf32>,
    %gt3A_618 = arith.cmpf ogt, %gather3A_617, %get3A_505 : vector<16xf32>
    %eq3A_619 = arith.cmpf oeq, %gather3A_617, %get3A_505 : vector<16xf32>
    %and3A_620 = arith.andi %eq3A_619, %lt3A_136 : vector<16xi1>
    %or3A_621 = arith.ori %gt3A_618, %and3A_620 : vector<16xi1>
    %select_n3A_622 = arith.select %or3A_621, %broadcast_in_dim3A_143, %broadcast_in_dim3A_145 : vector<16xi1>, vector<16xi32>
    %add3A_623 = arith.addi %add3A_614, %select_n3A_622 : vector<16xi32>
    %add3A_624 = vector.broadcast %add3A_503 : i32 to vector<16xi32>
    %add3A_625 = arith.addi %and3A_96, %add3A_624 : vector<16xi32>
    %gather3A_626 = tpu.vector_load_idx %arg6[%add3A_625] : memref<512xf32, #tpu.memory_space<vmem>>[vector<16xi32>], vector<16xf32>,
    %gt3A_627 = arith.cmpf ogt, %gather3A_626, %get3A_505 : vector<16xf32>
    %eq3A_628 = arith.cmpf oeq, %gather3A_626, %get3A_505 : vector<16xf32>
    %and3A_629 = arith.andi %eq3A_628, %lt3A_137 : vector<16xi1>
    %or3A_630 = arith.ori %gt3A_627, %and3A_629 : vector<16xi1>
    %select_n3A_631 = arith.select %or3A_630, %broadcast_in_dim3A_143, %broadcast_in_dim3A_145 : vector<16xi1>, vector<16xi32>
    %add3A_632 = arith.addi %add3A_623, %select_n3A_631 : vector<16xi32>
    %add3A_633 = vector.broadcast %add3A_503 : i32 to vector<16xi32>
    %add3A_634 = arith.addi %and3A_102, %add3A_633 : vector<16xi32>
    %gather3A_635 = tpu.vector_load_idx %arg6[%add3A_634] : memref<512xf32, #tpu.memory_space<vmem>>[vector<16xi32>], vector<16xf32>,
    %gt3A_636 = arith.cmpf ogt, %gather3A_635, %get3A_505 : vector<16xf32>
    %eq3A_637 = arith.cmpf oeq, %gather3A_635, %get3A_505 : vector<16xf32>
    %and3A_638 = arith.andi %eq3A_637, %lt3A_138 : vector<16xi1>
    %or3A_639 = arith.ori %gt3A_636, %and3A_638 : vector<16xi1>
    %select_n3A_640 = arith.select %or3A_639, %broadcast_in_dim3A_143, %broadcast_in_dim3A_145 : vector<16xi1>, vector<16xi32>
    %add3A_641 = arith.addi %add3A_632, %select_n3A_640 : vector<16xi32>
    %add3A_642 = vector.broadcast %add3A_503 : i32 to vector<16xi32>
    %add3A_643 = arith.addi %and3A_108, %add3A_642 : vector<16xi32>
    %gather3A_644 = tpu.vector_load_idx %arg6[%add3A_643] : memref<512xf32, #tpu.memory_space<vmem>>[vector<16xi32>], vector<16xf32>,
    %gt3A_645 = arith.cmpf ogt, %gather3A_644, %get3A_505 : vector<16xf32>
    %eq3A_646 = arith.cmpf oeq, %gather3A_644, %get3A_505 : vector<16xf32>
    %and3A_647 = arith.andi %eq3A_646, %lt3A_139 : vector<16xi1>
    %or3A_648 = arith.ori %gt3A_645, %and3A_647 : vector<16xi1>
    %select_n3A_649 = arith.select %or3A_648, %broadcast_in_dim3A_143, %broadcast_in_dim3A_145 : vector<16xi1>, vector<16xi32>
    %add3A_650 = arith.addi %add3A_641, %select_n3A_649 : vector<16xi32>
    %add3A_651 = vector.broadcast %add3A_503 : i32 to vector<16xi32>
    %add3A_652 = arith.addi %and3A_114, %add3A_651 : vector<16xi32>
    %gather3A_653 = tpu.vector_load_idx %arg6[%add3A_652] : memref<512xf32, #tpu.memory_space<vmem>>[vector<16xi32>], vector<16xf32>,
    %gt3A_654 = arith.cmpf ogt, %gather3A_653, %get3A_505 : vector<16xf32>
    %eq3A_655 = arith.cmpf oeq, %gather3A_653, %get3A_505 : vector<16xf32>
    %and3A_656 = arith.andi %eq3A_655, %lt3A_140 : vector<16xi1>
    %or3A_657 = arith.ori %gt3A_654, %and3A_656 : vector<16xi1>
    %select_n3A_658 = arith.select %or3A_657, %broadcast_in_dim3A_143, %broadcast_in_dim3A_145 : vector<16xi1>, vector<16xi32>
    %add3A_659 = arith.addi %add3A_650, %select_n3A_658 : vector<16xi32>
    %add3A_660 = vector.broadcast %add3A_503 : i32 to vector<16xi32>
    %add3A_661 = arith.addi %and3A_120, %add3A_660 : vector<16xi32>
    %gather3A_662 = tpu.vector_load_idx %arg6[%add3A_661] : memref<512xf32, #tpu.memory_space<vmem>>[vector<16xi32>], vector<16xf32>,
    %gt3A_663 = arith.cmpf ogt, %gather3A_662, %get3A_505 : vector<16xf32>
    %eq3A_664 = arith.cmpf oeq, %gather3A_662, %get3A_505 : vector<16xf32>
    %and3A_665 = arith.andi %eq3A_664, %lt3A_141 : vector<16xi1>
    %or3A_666 = arith.ori %gt3A_663, %and3A_665 : vector<16xi1>
    %select_n3A_667 = arith.select %or3A_666, %broadcast_in_dim3A_143, %broadcast_in_dim3A_145 : vector<16xi1>, vector<16xi32>
    %add3A_668 = arith.addi %add3A_659, %select_n3A_667 : vector<16xi32>
    %add3A_669 = vector.broadcast %add3A_503 : i32 to vector<16xi32>
    %add3A_670 = arith.addi %and3A_126, %add3A_669 : vector<16xi32>
    %gather3A_671 = tpu.vector_load_idx %arg6[%add3A_670] : memref<512xf32, #tpu.memory_space<vmem>>[vector<16xi32>], vector<16xf32>,
    %gt3A_672 = arith.cmpf ogt, %gather3A_671, %get3A_505 : vector<16xf32>
    %eq3A_673 = arith.cmpf oeq, %gather3A_671, %get3A_505 : vector<16xf32>
    %and3A_674 = arith.andi %eq3A_673, %lt3A_142 : vector<16xi1>
    %or3A_675 = arith.ori %gt3A_672, %and3A_674 : vector<16xi1>
    %select_n3A_676 = arith.select %or3A_675, %broadcast_in_dim3A_143, %broadcast_in_dim3A_145 : vector<16xi1>, vector<16xi32>
    %add3A_677 = arith.addi %add3A_668, %select_n3A_676 : vector<16xi32>
    %swap3A_678 = arith.constant 32 : index
    %swap3A_679 = tpu.vector_load %arg8[%swap3A_678] {strides = array<i32>} : memref<64xi32, #tpu.memory_space<vmem>>, vector<16xi32>,
    tpu.vector_store %arg8[%swap3A_678], %add3A_677 {strides = array<i32>} : memref<64xi32, #tpu.memory_space<vmem>>, vector<16xi32>,
    %mul3A_680 = arith.constant 64 : i32
    %mul3A_681 = arith.muli %select_n3A_30, %mul3A_680 : i32
    %add3A_682 = arith.constant 48 : i32
    %add3A_683 = arith.addi %mul3A_681, %add3A_682 : i32
    %get3A_684 = arith.index_cast %add3A_683 : i32 to index
    %get3A_685 = tpu.vector_load %arg6[%get3A_684] {strides = array<i32>} : memref<512xf32, #tpu.memory_space<vmem>>, vector<16xf32>,
    %mul3A_686 = arith.constant 4 : i32
    %mul3A_687 = arith.muli %select_n3A_30, %mul3A_686 : i32
    %add3A_688 = arith.constant 3 : i32
    %add3A_689 = arith.addi %mul3A_687, %add3A_688 : i32
    %while3A_690 = arith.constant 0 : i32
    %while3A_691 = arith.subi %add3A_689, %while3A_690 : i32
    %while3A_692 = arith.addi %while3A_690, %while3A_691 : i32
    %while3A_693 = arith.constant 1 : i32
    %while3A_694 = arith.divsi %while3A_691, %while3A_693 : i32
    %while3A_695 = arith.muli %while3A_694, %while3A_693 : i32
    %while3A_696 = arith.addi %while3A_690, %while3A_695 : i32
    %while3A_697 = arith.constant 1 : i32
    %while3A_698 = scf.for %while3A_865 = %while3A_690 to %while3A_696 step %while3A_697 iter_args(%while3A_866 = %broadcast_in_dim3A_145) -> (vector<16xi32>)  : i32 {
      %mul3A_867 = arith.constant 16 : i32
      %mul3A_868 = arith.muli %while3A_865, %mul3A_867 : i32
      %add3A_869 = vector.broadcast %mul3A_868 : i32 to vector<16xi32>
      %add3A_870 = arith.addi %and3A_36, %add3A_869 : vector<16xi32>
      %gather3A_871 = tpu.vector_load_idx %arg6[%add3A_870] : memref<512xf32, #tpu.memory_space<vmem>>[vector<16xi32>], vector<16xf32>,
      %ge3A = arith.cmpf oge, %gather3A_871, %get3A_685 : vector<16xf32>
      %select_n3A_872 = arith.select %ge3A, %broadcast_in_dim3A_143, %broadcast_in_dim3A_145 : vector<16xi1>, vector<16xi32>
      %add3A_873 = arith.addi %while3A_866, %select_n3A_872 : vector<16xi32>
      %add3A_874 = vector.broadcast %mul3A_868 : i32 to vector<16xi32>
      %add3A_875 = arith.addi %and3A_42, %add3A_874 : vector<16xi32>
      %gather3A_876 = tpu.vector_load_idx %arg6[%add3A_875] : memref<512xf32, #tpu.memory_space<vmem>>[vector<16xi32>], vector<16xf32>,
      %ge3A_877 = arith.cmpf oge, %gather3A_876, %get3A_685 : vector<16xf32>
      %select_n3A_878 = arith.select %ge3A_877, %broadcast_in_dim3A_143, %broadcast_in_dim3A_145 : vector<16xi1>, vector<16xi32>
      %add3A_879 = arith.addi %add3A_873, %select_n3A_878 : vector<16xi32>
      %add3A_880 = vector.broadcast %mul3A_868 : i32 to vector<16xi32>
      %add3A_881 = arith.addi %and3A_48, %add3A_880 : vector<16xi32>
      %gather3A_882 = tpu.vector_load_idx %arg6[%add3A_881] : memref<512xf32, #tpu.memory_space<vmem>>[vector<16xi32>], vector<16xf32>,
      %ge3A_883 = arith.cmpf oge, %gather3A_882, %get3A_685 : vector<16xf32>
      %select_n3A_884 = arith.select %ge3A_883, %broadcast_in_dim3A_143, %broadcast_in_dim3A_145 : vector<16xi1>, vector<16xi32>
      %add3A_885 = arith.addi %add3A_879, %select_n3A_884 : vector<16xi32>
      %add3A_886 = vector.broadcast %mul3A_868 : i32 to vector<16xi32>
      %add3A_887 = arith.addi %and3A_54, %add3A_886 : vector<16xi32>
      %gather3A_888 = tpu.vector_load_idx %arg6[%add3A_887] : memref<512xf32, #tpu.memory_space<vmem>>[vector<16xi32>], vector<16xf32>,
      %ge3A_889 = arith.cmpf oge, %gather3A_888, %get3A_685 : vector<16xf32>
      %select_n3A_890 = arith.select %ge3A_889, %broadcast_in_dim3A_143, %broadcast_in_dim3A_145 : vector<16xi1>, vector<16xi32>
      %add3A_891 = arith.addi %add3A_885, %select_n3A_890 : vector<16xi32>
      %add3A_892 = vector.broadcast %mul3A_868 : i32 to vector<16xi32>
      %add3A_893 = arith.addi %and3A_60, %add3A_892 : vector<16xi32>
      %gather3A_894 = tpu.vector_load_idx %arg6[%add3A_893] : memref<512xf32, #tpu.memory_space<vmem>>[vector<16xi32>], vector<16xf32>,
      %ge3A_895 = arith.cmpf oge, %gather3A_894, %get3A_685 : vector<16xf32>
      %select_n3A_896 = arith.select %ge3A_895, %broadcast_in_dim3A_143, %broadcast_in_dim3A_145 : vector<16xi1>, vector<16xi32>
      %add3A_897 = arith.addi %add3A_891, %select_n3A_896 : vector<16xi32>
      %add3A_898 = vector.broadcast %mul3A_868 : i32 to vector<16xi32>
      %add3A_899 = arith.addi %and3A_66, %add3A_898 : vector<16xi32>
      %gather3A_900 = tpu.vector_load_idx %arg6[%add3A_899] : memref<512xf32, #tpu.memory_space<vmem>>[vector<16xi32>], vector<16xf32>,
      %ge3A_901 = arith.cmpf oge, %gather3A_900, %get3A_685 : vector<16xf32>
      %select_n3A_902 = arith.select %ge3A_901, %broadcast_in_dim3A_143, %broadcast_in_dim3A_145 : vector<16xi1>, vector<16xi32>
      %add3A_903 = arith.addi %add3A_897, %select_n3A_902 : vector<16xi32>
      %add3A_904 = vector.broadcast %mul3A_868 : i32 to vector<16xi32>
      %add3A_905 = arith.addi %and3A_72, %add3A_904 : vector<16xi32>
      %gather3A_906 = tpu.vector_load_idx %arg6[%add3A_905] : memref<512xf32, #tpu.memory_space<vmem>>[vector<16xi32>], vector<16xf32>,
      %ge3A_907 = arith.cmpf oge, %gather3A_906, %get3A_685 : vector<16xf32>
      %select_n3A_908 = arith.select %ge3A_907, %broadcast_in_dim3A_143, %broadcast_in_dim3A_145 : vector<16xi1>, vector<16xi32>
      %add3A_909 = arith.addi %add3A_903, %select_n3A_908 : vector<16xi32>
      %add3A_910 = vector.broadcast %mul3A_868 : i32 to vector<16xi32>
      %add3A_911 = arith.addi %and3A_78, %add3A_910 : vector<16xi32>
      %gather3A_912 = tpu.vector_load_idx %arg6[%add3A_911] : memref<512xf32, #tpu.memory_space<vmem>>[vector<16xi32>], vector<16xf32>,
      %ge3A_913 = arith.cmpf oge, %gather3A_912, %get3A_685 : vector<16xf32>
      %select_n3A_914 = arith.select %ge3A_913, %broadcast_in_dim3A_143, %broadcast_in_dim3A_145 : vector<16xi1>, vector<16xi32>
      %add3A_915 = arith.addi %add3A_909, %select_n3A_914 : vector<16xi32>
      %add3A_916 = vector.broadcast %mul3A_868 : i32 to vector<16xi32>
      %add3A_917 = arith.addi %and3A_84, %add3A_916 : vector<16xi32>
      %gather3A_918 = tpu.vector_load_idx %arg6[%add3A_917] : memref<512xf32, #tpu.memory_space<vmem>>[vector<16xi32>], vector<16xf32>,
      %ge3A_919 = arith.cmpf oge, %gather3A_918, %get3A_685 : vector<16xf32>
      %select_n3A_920 = arith.select %ge3A_919, %broadcast_in_dim3A_143, %broadcast_in_dim3A_145 : vector<16xi1>, vector<16xi32>
      %add3A_921 = arith.addi %add3A_915, %select_n3A_920 : vector<16xi32>
      %add3A_922 = vector.broadcast %mul3A_868 : i32 to vector<16xi32>
      %add3A_923 = arith.addi %and3A_90, %add3A_922 : vector<16xi32>
      %gather3A_924 = tpu.vector_load_idx %arg6[%add3A_923] : memref<512xf32, #tpu.memory_space<vmem>>[vector<16xi32>], vector<16xf32>,
      %ge3A_925 = arith.cmpf oge, %gather3A_924, %get3A_685 : vector<16xf32>
      %select_n3A_926 = arith.select %ge3A_925, %broadcast_in_dim3A_143, %broadcast_in_dim3A_145 : vector<16xi1>, vector<16xi32>
      %add3A_927 = arith.addi %add3A_921, %select_n3A_926 : vector<16xi32>
      %add3A_928 = vector.broadcast %mul3A_868 : i32 to vector<16xi32>
      %add3A_929 = arith.addi %and3A_96, %add3A_928 : vector<16xi32>
      %gather3A_930 = tpu.vector_load_idx %arg6[%add3A_929] : memref<512xf32, #tpu.memory_space<vmem>>[vector<16xi32>], vector<16xf32>,
      %ge3A_931 = arith.cmpf oge, %gather3A_930, %get3A_685 : vector<16xf32>
      %select_n3A_932 = arith.select %ge3A_931, %broadcast_in_dim3A_143, %broadcast_in_dim3A_145 : vector<16xi1>, vector<16xi32>
      %add3A_933 = arith.addi %add3A_927, %select_n3A_932 : vector<16xi32>
      %add3A_934 = vector.broadcast %mul3A_868 : i32 to vector<16xi32>
      %add3A_935 = arith.addi %and3A_102, %add3A_934 : vector<16xi32>
      %gather3A_936 = tpu.vector_load_idx %arg6[%add3A_935] : memref<512xf32, #tpu.memory_space<vmem>>[vector<16xi32>], vector<16xf32>,
      %ge3A_937 = arith.cmpf oge, %gather3A_936, %get3A_685 : vector<16xf32>
      %select_n3A_938 = arith.select %ge3A_937, %broadcast_in_dim3A_143, %broadcast_in_dim3A_145 : vector<16xi1>, vector<16xi32>
      %add3A_939 = arith.addi %add3A_933, %select_n3A_938 : vector<16xi32>
      %add3A_940 = vector.broadcast %mul3A_868 : i32 to vector<16xi32>
      %add3A_941 = arith.addi %and3A_108, %add3A_940 : vector<16xi32>
      %gather3A_942 = tpu.vector_load_idx %arg6[%add3A_941] : memref<512xf32, #tpu.memory_space<vmem>>[vector<16xi32>], vector<16xf32>,
      %ge3A_943 = arith.cmpf oge, %gather3A_942, %get3A_685 : vector<16xf32>
      %select_n3A_944 = arith.select %ge3A_943, %broadcast_in_dim3A_143, %broadcast_in_dim3A_145 : vector<16xi1>, vector<16xi32>
      %add3A_945 = arith.addi %add3A_939, %select_n3A_944 : vector<16xi32>
      %add3A_946 = vector.broadcast %mul3A_868 : i32 to vector<16xi32>
      %add3A_947 = arith.addi %and3A_114, %add3A_946 : vector<16xi32>
      %gather3A_948 = tpu.vector_load_idx %arg6[%add3A_947] : memref<512xf32, #tpu.memory_space<vmem>>[vector<16xi32>], vector<16xf32>,
      %ge3A_949 = arith.cmpf oge, %gather3A_948, %get3A_685 : vector<16xf32>
      %select_n3A_950 = arith.select %ge3A_949, %broadcast_in_dim3A_143, %broadcast_in_dim3A_145 : vector<16xi1>, vector<16xi32>
      %add3A_951 = arith.addi %add3A_945, %select_n3A_950 : vector<16xi32>
      %add3A_952 = vector.broadcast %mul3A_868 : i32 to vector<16xi32>
      %add3A_953 = arith.addi %and3A_120, %add3A_952 : vector<16xi32>
      %gather3A_954 = tpu.vector_load_idx %arg6[%add3A_953] : memref<512xf32, #tpu.memory_space<vmem>>[vector<16xi32>], vector<16xf32>,
      %ge3A_955 = arith.cmpf oge, %gather3A_954, %get3A_685 : vector<16xf32>
      %select_n3A_956 = arith.select %ge3A_955, %broadcast_in_dim3A_143, %broadcast_in_dim3A_145 : vector<16xi1>, vector<16xi32>
      %add3A_957 = arith.addi %add3A_951, %select_n3A_956 : vector<16xi32>
      %add3A_958 = vector.broadcast %mul3A_868 : i32 to vector<16xi32>
      %add3A_959 = arith.addi %and3A_126, %add3A_958 : vector<16xi32>
      %gather3A_960 = tpu.vector_load_idx %arg6[%add3A_959] : memref<512xf32, #tpu.memory_space<vmem>>[vector<16xi32>], vector<16xf32>,
      %ge3A_961 = arith.cmpf oge, %gather3A_960, %get3A_685 : vector<16xf32>
      %select_n3A_962 = arith.select %ge3A_961, %broadcast_in_dim3A_143, %broadcast_in_dim3A_145 : vector<16xi1>, vector<16xi32>
      %add3A_963 = arith.addi %add3A_957, %select_n3A_962 : vector<16xi32>
      scf.yield %add3A_963 : vector<16xi32>
    }
    %while3A_699 = arith.constant 1 : i32
    %while3A_700 = scf.for %while3A_865 = %while3A_696 to %while3A_692 step %while3A_699 iter_args(%while3A_866 = %while3A_698) -> (vector<16xi32>)  : i32 {
      %mul3A_867 = arith.constant 16 : i32
      %mul3A_868 = arith.muli %while3A_865, %mul3A_867 : i32
      %add3A_869 = vector.broadcast %mul3A_868 : i32 to vector<16xi32>
      %add3A_870 = arith.addi %and3A_36, %add3A_869 : vector<16xi32>
      %gather3A_871 = tpu.vector_load_idx %arg6[%add3A_870] : memref<512xf32, #tpu.memory_space<vmem>>[vector<16xi32>], vector<16xf32>,
      %ge3A = arith.cmpf oge, %gather3A_871, %get3A_685 : vector<16xf32>
      %select_n3A_872 = arith.select %ge3A, %broadcast_in_dim3A_143, %broadcast_in_dim3A_145 : vector<16xi1>, vector<16xi32>
      %add3A_873 = arith.addi %while3A_866, %select_n3A_872 : vector<16xi32>
      %add3A_874 = vector.broadcast %mul3A_868 : i32 to vector<16xi32>
      %add3A_875 = arith.addi %and3A_42, %add3A_874 : vector<16xi32>
      %gather3A_876 = tpu.vector_load_idx %arg6[%add3A_875] : memref<512xf32, #tpu.memory_space<vmem>>[vector<16xi32>], vector<16xf32>,
      %ge3A_877 = arith.cmpf oge, %gather3A_876, %get3A_685 : vector<16xf32>
      %select_n3A_878 = arith.select %ge3A_877, %broadcast_in_dim3A_143, %broadcast_in_dim3A_145 : vector<16xi1>, vector<16xi32>
      %add3A_879 = arith.addi %add3A_873, %select_n3A_878 : vector<16xi32>
      %add3A_880 = vector.broadcast %mul3A_868 : i32 to vector<16xi32>
      %add3A_881 = arith.addi %and3A_48, %add3A_880 : vector<16xi32>
      %gather3A_882 = tpu.vector_load_idx %arg6[%add3A_881] : memref<512xf32, #tpu.memory_space<vmem>>[vector<16xi32>], vector<16xf32>,
      %ge3A_883 = arith.cmpf oge, %gather3A_882, %get3A_685 : vector<16xf32>
      %select_n3A_884 = arith.select %ge3A_883, %broadcast_in_dim3A_143, %broadcast_in_dim3A_145 : vector<16xi1>, vector<16xi32>
      %add3A_885 = arith.addi %add3A_879, %select_n3A_884 : vector<16xi32>
      %add3A_886 = vector.broadcast %mul3A_868 : i32 to vector<16xi32>
      %add3A_887 = arith.addi %and3A_54, %add3A_886 : vector<16xi32>
      %gather3A_888 = tpu.vector_load_idx %arg6[%add3A_887] : memref<512xf32, #tpu.memory_space<vmem>>[vector<16xi32>], vector<16xf32>,
      %ge3A_889 = arith.cmpf oge, %gather3A_888, %get3A_685 : vector<16xf32>
      %select_n3A_890 = arith.select %ge3A_889, %broadcast_in_dim3A_143, %broadcast_in_dim3A_145 : vector<16xi1>, vector<16xi32>
      %add3A_891 = arith.addi %add3A_885, %select_n3A_890 : vector<16xi32>
      %add3A_892 = vector.broadcast %mul3A_868 : i32 to vector<16xi32>
      %add3A_893 = arith.addi %and3A_60, %add3A_892 : vector<16xi32>
      %gather3A_894 = tpu.vector_load_idx %arg6[%add3A_893] : memref<512xf32, #tpu.memory_space<vmem>>[vector<16xi32>], vector<16xf32>,
      %ge3A_895 = arith.cmpf oge, %gather3A_894, %get3A_685 : vector<16xf32>
      %select_n3A_896 = arith.select %ge3A_895, %broadcast_in_dim3A_143, %broadcast_in_dim3A_145 : vector<16xi1>, vector<16xi32>
      %add3A_897 = arith.addi %add3A_891, %select_n3A_896 : vector<16xi32>
      %add3A_898 = vector.broadcast %mul3A_868 : i32 to vector<16xi32>
      %add3A_899 = arith.addi %and3A_66, %add3A_898 : vector<16xi32>
      %gather3A_900 = tpu.vector_load_idx %arg6[%add3A_899] : memref<512xf32, #tpu.memory_space<vmem>>[vector<16xi32>], vector<16xf32>,
      %ge3A_901 = arith.cmpf oge, %gather3A_900, %get3A_685 : vector<16xf32>
      %select_n3A_902 = arith.select %ge3A_901, %broadcast_in_dim3A_143, %broadcast_in_dim3A_145 : vector<16xi1>, vector<16xi32>
      %add3A_903 = arith.addi %add3A_897, %select_n3A_902 : vector<16xi32>
      %add3A_904 = vector.broadcast %mul3A_868 : i32 to vector<16xi32>
      %add3A_905 = arith.addi %and3A_72, %add3A_904 : vector<16xi32>
      %gather3A_906 = tpu.vector_load_idx %arg6[%add3A_905] : memref<512xf32, #tpu.memory_space<vmem>>[vector<16xi32>], vector<16xf32>,
      %ge3A_907 = arith.cmpf oge, %gather3A_906, %get3A_685 : vector<16xf32>
      %select_n3A_908 = arith.select %ge3A_907, %broadcast_in_dim3A_143, %broadcast_in_dim3A_145 : vector<16xi1>, vector<16xi32>
      %add3A_909 = arith.addi %add3A_903, %select_n3A_908 : vector<16xi32>
      %add3A_910 = vector.broadcast %mul3A_868 : i32 to vector<16xi32>
      %add3A_911 = arith.addi %and3A_78, %add3A_910 : vector<16xi32>
      %gather3A_912 = tpu.vector_load_idx %arg6[%add3A_911] : memref<512xf32, #tpu.memory_space<vmem>>[vector<16xi32>], vector<16xf32>,
      %ge3A_913 = arith.cmpf oge, %gather3A_912, %get3A_685 : vector<16xf32>
      %select_n3A_914 = arith.select %ge3A_913, %broadcast_in_dim3A_143, %broadcast_in_dim3A_145 : vector<16xi1>, vector<16xi32>
      %add3A_915 = arith.addi %add3A_909, %select_n3A_914 : vector<16xi32>
      %add3A_916 = vector.broadcast %mul3A_868 : i32 to vector<16xi32>
      %add3A_917 = arith.addi %and3A_84, %add3A_916 : vector<16xi32>
      %gather3A_918 = tpu.vector_load_idx %arg6[%add3A_917] : memref<512xf32, #tpu.memory_space<vmem>>[vector<16xi32>], vector<16xf32>,
      %ge3A_919 = arith.cmpf oge, %gather3A_918, %get3A_685 : vector<16xf32>
      %select_n3A_920 = arith.select %ge3A_919, %broadcast_in_dim3A_143, %broadcast_in_dim3A_145 : vector<16xi1>, vector<16xi32>
      %add3A_921 = arith.addi %add3A_915, %select_n3A_920 : vector<16xi32>
      %add3A_922 = vector.broadcast %mul3A_868 : i32 to vector<16xi32>
      %add3A_923 = arith.addi %and3A_90, %add3A_922 : vector<16xi32>
      %gather3A_924 = tpu.vector_load_idx %arg6[%add3A_923] : memref<512xf32, #tpu.memory_space<vmem>>[vector<16xi32>], vector<16xf32>,
      %ge3A_925 = arith.cmpf oge, %gather3A_924, %get3A_685 : vector<16xf32>
      %select_n3A_926 = arith.select %ge3A_925, %broadcast_in_dim3A_143, %broadcast_in_dim3A_145 : vector<16xi1>, vector<16xi32>
      %add3A_927 = arith.addi %add3A_921, %select_n3A_926 : vector<16xi32>
      %add3A_928 = vector.broadcast %mul3A_868 : i32 to vector<16xi32>
      %add3A_929 = arith.addi %and3A_96, %add3A_928 : vector<16xi32>
      %gather3A_930 = tpu.vector_load_idx %arg6[%add3A_929] : memref<512xf32, #tpu.memory_space<vmem>>[vector<16xi32>], vector<16xf32>,
      %ge3A_931 = arith.cmpf oge, %gather3A_930, %get3A_685 : vector<16xf32>
      %select_n3A_932 = arith.select %ge3A_931, %broadcast_in_dim3A_143, %broadcast_in_dim3A_145 : vector<16xi1>, vector<16xi32>
      %add3A_933 = arith.addi %add3A_927, %select_n3A_932 : vector<16xi32>
      %add3A_934 = vector.broadcast %mul3A_868 : i32 to vector<16xi32>
      %add3A_935 = arith.addi %and3A_102, %add3A_934 : vector<16xi32>
      %gather3A_936 = tpu.vector_load_idx %arg6[%add3A_935] : memref<512xf32, #tpu.memory_space<vmem>>[vector<16xi32>], vector<16xf32>,
      %ge3A_937 = arith.cmpf oge, %gather3A_936, %get3A_685 : vector<16xf32>
      %select_n3A_938 = arith.select %ge3A_937, %broadcast_in_dim3A_143, %broadcast_in_dim3A_145 : vector<16xi1>, vector<16xi32>
      %add3A_939 = arith.addi %add3A_933, %select_n3A_938 : vector<16xi32>
      %add3A_940 = vector.broadcast %mul3A_868 : i32 to vector<16xi32>
      %add3A_941 = arith.addi %and3A_108, %add3A_940 : vector<16xi32>
      %gather3A_942 = tpu.vector_load_idx %arg6[%add3A_941] : memref<512xf32, #tpu.memory_space<vmem>>[vector<16xi32>], vector<16xf32>,
      %ge3A_943 = arith.cmpf oge, %gather3A_942, %get3A_685 : vector<16xf32>
      %select_n3A_944 = arith.select %ge3A_943, %broadcast_in_dim3A_143, %broadcast_in_dim3A_145 : vector<16xi1>, vector<16xi32>
      %add3A_945 = arith.addi %add3A_939, %select_n3A_944 : vector<16xi32>
      %add3A_946 = vector.broadcast %mul3A_868 : i32 to vector<16xi32>
      %add3A_947 = arith.addi %and3A_114, %add3A_946 : vector<16xi32>
      %gather3A_948 = tpu.vector_load_idx %arg6[%add3A_947] : memref<512xf32, #tpu.memory_space<vmem>>[vector<16xi32>], vector<16xf32>,
      %ge3A_949 = arith.cmpf oge, %gather3A_948, %get3A_685 : vector<16xf32>
      %select_n3A_950 = arith.select %ge3A_949, %broadcast_in_dim3A_143, %broadcast_in_dim3A_145 : vector<16xi1>, vector<16xi32>
      %add3A_951 = arith.addi %add3A_945, %select_n3A_950 : vector<16xi32>
      %add3A_952 = vector.broadcast %mul3A_868 : i32 to vector<16xi32>
      %add3A_953 = arith.addi %and3A_120, %add3A_952 : vector<16xi32>
      %gather3A_954 = tpu.vector_load_idx %arg6[%add3A_953] : memref<512xf32, #tpu.memory_space<vmem>>[vector<16xi32>], vector<16xf32>,
      %ge3A_955 = arith.cmpf oge, %gather3A_954, %get3A_685 : vector<16xf32>
      %select_n3A_956 = arith.select %ge3A_955, %broadcast_in_dim3A_143, %broadcast_in_dim3A_145 : vector<16xi1>, vector<16xi32>
      %add3A_957 = arith.addi %add3A_951, %select_n3A_956 : vector<16xi32>
      %add3A_958 = vector.broadcast %mul3A_868 : i32 to vector<16xi32>
      %add3A_959 = arith.addi %and3A_126, %add3A_958 : vector<16xi32>
      %gather3A_960 = tpu.vector_load_idx %arg6[%add3A_959] : memref<512xf32, #tpu.memory_space<vmem>>[vector<16xi32>], vector<16xf32>,
      %ge3A_961 = arith.cmpf oge, %gather3A_960, %get3A_685 : vector<16xf32>
      %select_n3A_962 = arith.select %ge3A_961, %broadcast_in_dim3A_143, %broadcast_in_dim3A_145 : vector<16xi1>, vector<16xi32>
      %add3A_963 = arith.addi %add3A_957, %select_n3A_962 : vector<16xi32>
      scf.yield %add3A_963 : vector<16xi32>
    }
    %add3A_701 = arith.constant 1 : i32
    %add3A_702 = arith.addi %add3A_689, %add3A_701 : i32
    %while3A_703 = arith.constant 32 : i32
    %while3A_704 = arith.subi %while3A_703, %add3A_702 : i32
    %while3A_705 = arith.addi %add3A_702, %while3A_704 : i32
    %while3A_706 = arith.constant 1 : i32
    %while3A_707 = arith.divsi %while3A_704, %while3A_706 : i32
    %while3A_708 = arith.muli %while3A_707, %while3A_706 : i32
    %while3A_709 = arith.addi %add3A_702, %while3A_708 : i32
    %while3A_710 = arith.constant 1 : i32
    %while3A_711 = scf.for %while3A_865 = %add3A_702 to %while3A_709 step %while3A_710 iter_args(%while3A_866 = %while3A_700) -> (vector<16xi32>)  : i32 {
      %mul3A_867 = arith.constant 16 : i32
      %mul3A_868 = arith.muli %while3A_865, %mul3A_867 : i32
      %add3A_869 = vector.broadcast %mul3A_868 : i32 to vector<16xi32>
      %add3A_870 = arith.addi %and3A_36, %add3A_869 : vector<16xi32>
      %gather3A_871 = tpu.vector_load_idx %arg6[%add3A_870] : memref<512xf32, #tpu.memory_space<vmem>>[vector<16xi32>], vector<16xf32>,
      %gt3A_872 = arith.cmpf ogt, %gather3A_871, %get3A_685 : vector<16xf32>
      %select_n3A_873 = arith.select %gt3A_872, %broadcast_in_dim3A_143, %broadcast_in_dim3A_145 : vector<16xi1>, vector<16xi32>
      %add3A_874 = arith.addi %while3A_866, %select_n3A_873 : vector<16xi32>
      %add3A_875 = vector.broadcast %mul3A_868 : i32 to vector<16xi32>
      %add3A_876 = arith.addi %and3A_42, %add3A_875 : vector<16xi32>
      %gather3A_877 = tpu.vector_load_idx %arg6[%add3A_876] : memref<512xf32, #tpu.memory_space<vmem>>[vector<16xi32>], vector<16xf32>,
      %gt3A_878 = arith.cmpf ogt, %gather3A_877, %get3A_685 : vector<16xf32>
      %select_n3A_879 = arith.select %gt3A_878, %broadcast_in_dim3A_143, %broadcast_in_dim3A_145 : vector<16xi1>, vector<16xi32>
      %add3A_880 = arith.addi %add3A_874, %select_n3A_879 : vector<16xi32>
      %add3A_881 = vector.broadcast %mul3A_868 : i32 to vector<16xi32>
      %add3A_882 = arith.addi %and3A_48, %add3A_881 : vector<16xi32>
      %gather3A_883 = tpu.vector_load_idx %arg6[%add3A_882] : memref<512xf32, #tpu.memory_space<vmem>>[vector<16xi32>], vector<16xf32>,
      %gt3A_884 = arith.cmpf ogt, %gather3A_883, %get3A_685 : vector<16xf32>
      %select_n3A_885 = arith.select %gt3A_884, %broadcast_in_dim3A_143, %broadcast_in_dim3A_145 : vector<16xi1>, vector<16xi32>
      %add3A_886 = arith.addi %add3A_880, %select_n3A_885 : vector<16xi32>
      %add3A_887 = vector.broadcast %mul3A_868 : i32 to vector<16xi32>
      %add3A_888 = arith.addi %and3A_54, %add3A_887 : vector<16xi32>
      %gather3A_889 = tpu.vector_load_idx %arg6[%add3A_888] : memref<512xf32, #tpu.memory_space<vmem>>[vector<16xi32>], vector<16xf32>,
      %gt3A_890 = arith.cmpf ogt, %gather3A_889, %get3A_685 : vector<16xf32>
      %select_n3A_891 = arith.select %gt3A_890, %broadcast_in_dim3A_143, %broadcast_in_dim3A_145 : vector<16xi1>, vector<16xi32>
      %add3A_892 = arith.addi %add3A_886, %select_n3A_891 : vector<16xi32>
      %add3A_893 = vector.broadcast %mul3A_868 : i32 to vector<16xi32>
      %add3A_894 = arith.addi %and3A_60, %add3A_893 : vector<16xi32>
      %gather3A_895 = tpu.vector_load_idx %arg6[%add3A_894] : memref<512xf32, #tpu.memory_space<vmem>>[vector<16xi32>], vector<16xf32>,
      %gt3A_896 = arith.cmpf ogt, %gather3A_895, %get3A_685 : vector<16xf32>
      %select_n3A_897 = arith.select %gt3A_896, %broadcast_in_dim3A_143, %broadcast_in_dim3A_145 : vector<16xi1>, vector<16xi32>
      %add3A_898 = arith.addi %add3A_892, %select_n3A_897 : vector<16xi32>
      %add3A_899 = vector.broadcast %mul3A_868 : i32 to vector<16xi32>
      %add3A_900 = arith.addi %and3A_66, %add3A_899 : vector<16xi32>
      %gather3A_901 = tpu.vector_load_idx %arg6[%add3A_900] : memref<512xf32, #tpu.memory_space<vmem>>[vector<16xi32>], vector<16xf32>,
      %gt3A_902 = arith.cmpf ogt, %gather3A_901, %get3A_685 : vector<16xf32>
      %select_n3A_903 = arith.select %gt3A_902, %broadcast_in_dim3A_143, %broadcast_in_dim3A_145 : vector<16xi1>, vector<16xi32>
      %add3A_904 = arith.addi %add3A_898, %select_n3A_903 : vector<16xi32>
      %add3A_905 = vector.broadcast %mul3A_868 : i32 to vector<16xi32>
      %add3A_906 = arith.addi %and3A_72, %add3A_905 : vector<16xi32>
      %gather3A_907 = tpu.vector_load_idx %arg6[%add3A_906] : memref<512xf32, #tpu.memory_space<vmem>>[vector<16xi32>], vector<16xf32>,
      %gt3A_908 = arith.cmpf ogt, %gather3A_907, %get3A_685 : vector<16xf32>
      %select_n3A_909 = arith.select %gt3A_908, %broadcast_in_dim3A_143, %broadcast_in_dim3A_145 : vector<16xi1>, vector<16xi32>
      %add3A_910 = arith.addi %add3A_904, %select_n3A_909 : vector<16xi32>
      %add3A_911 = vector.broadcast %mul3A_868 : i32 to vector<16xi32>
      %add3A_912 = arith.addi %and3A_78, %add3A_911 : vector<16xi32>
      %gather3A_913 = tpu.vector_load_idx %arg6[%add3A_912] : memref<512xf32, #tpu.memory_space<vmem>>[vector<16xi32>], vector<16xf32>,
      %gt3A_914 = arith.cmpf ogt, %gather3A_913, %get3A_685 : vector<16xf32>
      %select_n3A_915 = arith.select %gt3A_914, %broadcast_in_dim3A_143, %broadcast_in_dim3A_145 : vector<16xi1>, vector<16xi32>
      %add3A_916 = arith.addi %add3A_910, %select_n3A_915 : vector<16xi32>
      %add3A_917 = vector.broadcast %mul3A_868 : i32 to vector<16xi32>
      %add3A_918 = arith.addi %and3A_84, %add3A_917 : vector<16xi32>
      %gather3A_919 = tpu.vector_load_idx %arg6[%add3A_918] : memref<512xf32, #tpu.memory_space<vmem>>[vector<16xi32>], vector<16xf32>,
      %gt3A_920 = arith.cmpf ogt, %gather3A_919, %get3A_685 : vector<16xf32>
      %select_n3A_921 = arith.select %gt3A_920, %broadcast_in_dim3A_143, %broadcast_in_dim3A_145 : vector<16xi1>, vector<16xi32>
      %add3A_922 = arith.addi %add3A_916, %select_n3A_921 : vector<16xi32>
      %add3A_923 = vector.broadcast %mul3A_868 : i32 to vector<16xi32>
      %add3A_924 = arith.addi %and3A_90, %add3A_923 : vector<16xi32>
      %gather3A_925 = tpu.vector_load_idx %arg6[%add3A_924] : memref<512xf32, #tpu.memory_space<vmem>>[vector<16xi32>], vector<16xf32>,
      %gt3A_926 = arith.cmpf ogt, %gather3A_925, %get3A_685 : vector<16xf32>
      %select_n3A_927 = arith.select %gt3A_926, %broadcast_in_dim3A_143, %broadcast_in_dim3A_145 : vector<16xi1>, vector<16xi32>
      %add3A_928 = arith.addi %add3A_922, %select_n3A_927 : vector<16xi32>
      %add3A_929 = vector.broadcast %mul3A_868 : i32 to vector<16xi32>
      %add3A_930 = arith.addi %and3A_96, %add3A_929 : vector<16xi32>
      %gather3A_931 = tpu.vector_load_idx %arg6[%add3A_930] : memref<512xf32, #tpu.memory_space<vmem>>[vector<16xi32>], vector<16xf32>,
      %gt3A_932 = arith.cmpf ogt, %gather3A_931, %get3A_685 : vector<16xf32>
      %select_n3A_933 = arith.select %gt3A_932, %broadcast_in_dim3A_143, %broadcast_in_dim3A_145 : vector<16xi1>, vector<16xi32>
      %add3A_934 = arith.addi %add3A_928, %select_n3A_933 : vector<16xi32>
      %add3A_935 = vector.broadcast %mul3A_868 : i32 to vector<16xi32>
      %add3A_936 = arith.addi %and3A_102, %add3A_935 : vector<16xi32>
      %gather3A_937 = tpu.vector_load_idx %arg6[%add3A_936] : memref<512xf32, #tpu.memory_space<vmem>>[vector<16xi32>], vector<16xf32>,
      %gt3A_938 = arith.cmpf ogt, %gather3A_937, %get3A_685 : vector<16xf32>
      %select_n3A_939 = arith.select %gt3A_938, %broadcast_in_dim3A_143, %broadcast_in_dim3A_145 : vector<16xi1>, vector<16xi32>
      %add3A_940 = arith.addi %add3A_934, %select_n3A_939 : vector<16xi32>
      %add3A_941 = vector.broadcast %mul3A_868 : i32 to vector<16xi32>
      %add3A_942 = arith.addi %and3A_108, %add3A_941 : vector<16xi32>
      %gather3A_943 = tpu.vector_load_idx %arg6[%add3A_942] : memref<512xf32, #tpu.memory_space<vmem>>[vector<16xi32>], vector<16xf32>,
      %gt3A_944 = arith.cmpf ogt, %gather3A_943, %get3A_685 : vector<16xf32>
      %select_n3A_945 = arith.select %gt3A_944, %broadcast_in_dim3A_143, %broadcast_in_dim3A_145 : vector<16xi1>, vector<16xi32>
      %add3A_946 = arith.addi %add3A_940, %select_n3A_945 : vector<16xi32>
      %add3A_947 = vector.broadcast %mul3A_868 : i32 to vector<16xi32>
      %add3A_948 = arith.addi %and3A_114, %add3A_947 : vector<16xi32>
      %gather3A_949 = tpu.vector_load_idx %arg6[%add3A_948] : memref<512xf32, #tpu.memory_space<vmem>>[vector<16xi32>], vector<16xf32>,
      %gt3A_950 = arith.cmpf ogt, %gather3A_949, %get3A_685 : vector<16xf32>
      %select_n3A_951 = arith.select %gt3A_950, %broadcast_in_dim3A_143, %broadcast_in_dim3A_145 : vector<16xi1>, vector<16xi32>
      %add3A_952 = arith.addi %add3A_946, %select_n3A_951 : vector<16xi32>
      %add3A_953 = vector.broadcast %mul3A_868 : i32 to vector<16xi32>
      %add3A_954 = arith.addi %and3A_120, %add3A_953 : vector<16xi32>
      %gather3A_955 = tpu.vector_load_idx %arg6[%add3A_954] : memref<512xf32, #tpu.memory_space<vmem>>[vector<16xi32>], vector<16xf32>,
      %gt3A_956 = arith.cmpf ogt, %gather3A_955, %get3A_685 : vector<16xf32>
      %select_n3A_957 = arith.select %gt3A_956, %broadcast_in_dim3A_143, %broadcast_in_dim3A_145 : vector<16xi1>, vector<16xi32>
      %add3A_958 = arith.addi %add3A_952, %select_n3A_957 : vector<16xi32>
      %add3A_959 = vector.broadcast %mul3A_868 : i32 to vector<16xi32>
      %add3A_960 = arith.addi %and3A_126, %add3A_959 : vector<16xi32>
      %gather3A_961 = tpu.vector_load_idx %arg6[%add3A_960] : memref<512xf32, #tpu.memory_space<vmem>>[vector<16xi32>], vector<16xf32>,
      %gt3A_962 = arith.cmpf ogt, %gather3A_961, %get3A_685 : vector<16xf32>
      %select_n3A_963 = arith.select %gt3A_962, %broadcast_in_dim3A_143, %broadcast_in_dim3A_145 : vector<16xi1>, vector<16xi32>
      %add3A_964 = arith.addi %add3A_958, %select_n3A_963 : vector<16xi32>
      scf.yield %add3A_964 : vector<16xi32>
    }
    %while3A_712 = arith.constant 1 : i32
    %while3A_713 = scf.for %while3A_865 = %while3A_709 to %while3A_705 step %while3A_712 iter_args(%while3A_866 = %while3A_711) -> (vector<16xi32>)  : i32 {
      %mul3A_867 = arith.constant 16 : i32
      %mul3A_868 = arith.muli %while3A_865, %mul3A_867 : i32
      %add3A_869 = vector.broadcast %mul3A_868 : i32 to vector<16xi32>
      %add3A_870 = arith.addi %and3A_36, %add3A_869 : vector<16xi32>
      %gather3A_871 = tpu.vector_load_idx %arg6[%add3A_870] : memref<512xf32, #tpu.memory_space<vmem>>[vector<16xi32>], vector<16xf32>,
      %gt3A_872 = arith.cmpf ogt, %gather3A_871, %get3A_685 : vector<16xf32>
      %select_n3A_873 = arith.select %gt3A_872, %broadcast_in_dim3A_143, %broadcast_in_dim3A_145 : vector<16xi1>, vector<16xi32>
      %add3A_874 = arith.addi %while3A_866, %select_n3A_873 : vector<16xi32>
      %add3A_875 = vector.broadcast %mul3A_868 : i32 to vector<16xi32>
      %add3A_876 = arith.addi %and3A_42, %add3A_875 : vector<16xi32>
      %gather3A_877 = tpu.vector_load_idx %arg6[%add3A_876] : memref<512xf32, #tpu.memory_space<vmem>>[vector<16xi32>], vector<16xf32>,
      %gt3A_878 = arith.cmpf ogt, %gather3A_877, %get3A_685 : vector<16xf32>
      %select_n3A_879 = arith.select %gt3A_878, %broadcast_in_dim3A_143, %broadcast_in_dim3A_145 : vector<16xi1>, vector<16xi32>
      %add3A_880 = arith.addi %add3A_874, %select_n3A_879 : vector<16xi32>
      %add3A_881 = vector.broadcast %mul3A_868 : i32 to vector<16xi32>
      %add3A_882 = arith.addi %and3A_48, %add3A_881 : vector<16xi32>
      %gather3A_883 = tpu.vector_load_idx %arg6[%add3A_882] : memref<512xf32, #tpu.memory_space<vmem>>[vector<16xi32>], vector<16xf32>,
      %gt3A_884 = arith.cmpf ogt, %gather3A_883, %get3A_685 : vector<16xf32>
      %select_n3A_885 = arith.select %gt3A_884, %broadcast_in_dim3A_143, %broadcast_in_dim3A_145 : vector<16xi1>, vector<16xi32>
      %add3A_886 = arith.addi %add3A_880, %select_n3A_885 : vector<16xi32>
      %add3A_887 = vector.broadcast %mul3A_868 : i32 to vector<16xi32>
      %add3A_888 = arith.addi %and3A_54, %add3A_887 : vector<16xi32>
      %gather3A_889 = tpu.vector_load_idx %arg6[%add3A_888] : memref<512xf32, #tpu.memory_space<vmem>>[vector<16xi32>], vector<16xf32>,
      %gt3A_890 = arith.cmpf ogt, %gather3A_889, %get3A_685 : vector<16xf32>
      %select_n3A_891 = arith.select %gt3A_890, %broadcast_in_dim3A_143, %broadcast_in_dim3A_145 : vector<16xi1>, vector<16xi32>
      %add3A_892 = arith.addi %add3A_886, %select_n3A_891 : vector<16xi32>
      %add3A_893 = vector.broadcast %mul3A_868 : i32 to vector<16xi32>
      %add3A_894 = arith.addi %and3A_60, %add3A_893 : vector<16xi32>
      %gather3A_895 = tpu.vector_load_idx %arg6[%add3A_894] : memref<512xf32, #tpu.memory_space<vmem>>[vector<16xi32>], vector<16xf32>,
      %gt3A_896 = arith.cmpf ogt, %gather3A_895, %get3A_685 : vector<16xf32>
      %select_n3A_897 = arith.select %gt3A_896, %broadcast_in_dim3A_143, %broadcast_in_dim3A_145 : vector<16xi1>, vector<16xi32>
      %add3A_898 = arith.addi %add3A_892, %select_n3A_897 : vector<16xi32>
      %add3A_899 = vector.broadcast %mul3A_868 : i32 to vector<16xi32>
      %add3A_900 = arith.addi %and3A_66, %add3A_899 : vector<16xi32>
      %gather3A_901 = tpu.vector_load_idx %arg6[%add3A_900] : memref<512xf32, #tpu.memory_space<vmem>>[vector<16xi32>], vector<16xf32>,
      %gt3A_902 = arith.cmpf ogt, %gather3A_901, %get3A_685 : vector<16xf32>
      %select_n3A_903 = arith.select %gt3A_902, %broadcast_in_dim3A_143, %broadcast_in_dim3A_145 : vector<16xi1>, vector<16xi32>
      %add3A_904 = arith.addi %add3A_898, %select_n3A_903 : vector<16xi32>
      %add3A_905 = vector.broadcast %mul3A_868 : i32 to vector<16xi32>
      %add3A_906 = arith.addi %and3A_72, %add3A_905 : vector<16xi32>
      %gather3A_907 = tpu.vector_load_idx %arg6[%add3A_906] : memref<512xf32, #tpu.memory_space<vmem>>[vector<16xi32>], vector<16xf32>,
      %gt3A_908 = arith.cmpf ogt, %gather3A_907, %get3A_685 : vector<16xf32>
      %select_n3A_909 = arith.select %gt3A_908, %broadcast_in_dim3A_143, %broadcast_in_dim3A_145 : vector<16xi1>, vector<16xi32>
      %add3A_910 = arith.addi %add3A_904, %select_n3A_909 : vector<16xi32>
      %add3A_911 = vector.broadcast %mul3A_868 : i32 to vector<16xi32>
      %add3A_912 = arith.addi %and3A_78, %add3A_911 : vector<16xi32>
      %gather3A_913 = tpu.vector_load_idx %arg6[%add3A_912] : memref<512xf32, #tpu.memory_space<vmem>>[vector<16xi32>], vector<16xf32>,
      %gt3A_914 = arith.cmpf ogt, %gather3A_913, %get3A_685 : vector<16xf32>
      %select_n3A_915 = arith.select %gt3A_914, %broadcast_in_dim3A_143, %broadcast_in_dim3A_145 : vector<16xi1>, vector<16xi32>
      %add3A_916 = arith.addi %add3A_910, %select_n3A_915 : vector<16xi32>
      %add3A_917 = vector.broadcast %mul3A_868 : i32 to vector<16xi32>
      %add3A_918 = arith.addi %and3A_84, %add3A_917 : vector<16xi32>
      %gather3A_919 = tpu.vector_load_idx %arg6[%add3A_918] : memref<512xf32, #tpu.memory_space<vmem>>[vector<16xi32>], vector<16xf32>,
      %gt3A_920 = arith.cmpf ogt, %gather3A_919, %get3A_685 : vector<16xf32>
      %select_n3A_921 = arith.select %gt3A_920, %broadcast_in_dim3A_143, %broadcast_in_dim3A_145 : vector<16xi1>, vector<16xi32>
      %add3A_922 = arith.addi %add3A_916, %select_n3A_921 : vector<16xi32>
      %add3A_923 = vector.broadcast %mul3A_868 : i32 to vector<16xi32>
      %add3A_924 = arith.addi %and3A_90, %add3A_923 : vector<16xi32>
      %gather3A_925 = tpu.vector_load_idx %arg6[%add3A_924] : memref<512xf32, #tpu.memory_space<vmem>>[vector<16xi32>], vector<16xf32>,
      %gt3A_926 = arith.cmpf ogt, %gather3A_925, %get3A_685 : vector<16xf32>
      %select_n3A_927 = arith.select %gt3A_926, %broadcast_in_dim3A_143, %broadcast_in_dim3A_145 : vector<16xi1>, vector<16xi32>
      %add3A_928 = arith.addi %add3A_922, %select_n3A_927 : vector<16xi32>
      %add3A_929 = vector.broadcast %mul3A_868 : i32 to vector<16xi32>
      %add3A_930 = arith.addi %and3A_96, %add3A_929 : vector<16xi32>
      %gather3A_931 = tpu.vector_load_idx %arg6[%add3A_930] : memref<512xf32, #tpu.memory_space<vmem>>[vector<16xi32>], vector<16xf32>,
      %gt3A_932 = arith.cmpf ogt, %gather3A_931, %get3A_685 : vector<16xf32>
      %select_n3A_933 = arith.select %gt3A_932, %broadcast_in_dim3A_143, %broadcast_in_dim3A_145 : vector<16xi1>, vector<16xi32>
      %add3A_934 = arith.addi %add3A_928, %select_n3A_933 : vector<16xi32>
      %add3A_935 = vector.broadcast %mul3A_868 : i32 to vector<16xi32>
      %add3A_936 = arith.addi %and3A_102, %add3A_935 : vector<16xi32>
      %gather3A_937 = tpu.vector_load_idx %arg6[%add3A_936] : memref<512xf32, #tpu.memory_space<vmem>>[vector<16xi32>], vector<16xf32>,
      %gt3A_938 = arith.cmpf ogt, %gather3A_937, %get3A_685 : vector<16xf32>
      %select_n3A_939 = arith.select %gt3A_938, %broadcast_in_dim3A_143, %broadcast_in_dim3A_145 : vector<16xi1>, vector<16xi32>
      %add3A_940 = arith.addi %add3A_934, %select_n3A_939 : vector<16xi32>
      %add3A_941 = vector.broadcast %mul3A_868 : i32 to vector<16xi32>
      %add3A_942 = arith.addi %and3A_108, %add3A_941 : vector<16xi32>
      %gather3A_943 = tpu.vector_load_idx %arg6[%add3A_942] : memref<512xf32, #tpu.memory_space<vmem>>[vector<16xi32>], vector<16xf32>,
      %gt3A_944 = arith.cmpf ogt, %gather3A_943, %get3A_685 : vector<16xf32>
      %select_n3A_945 = arith.select %gt3A_944, %broadcast_in_dim3A_143, %broadcast_in_dim3A_145 : vector<16xi1>, vector<16xi32>
      %add3A_946 = arith.addi %add3A_940, %select_n3A_945 : vector<16xi32>
      %add3A_947 = vector.broadcast %mul3A_868 : i32 to vector<16xi32>
      %add3A_948 = arith.addi %and3A_114, %add3A_947 : vector<16xi32>
      %gather3A_949 = tpu.vector_load_idx %arg6[%add3A_948] : memref<512xf32, #tpu.memory_space<vmem>>[vector<16xi32>], vector<16xf32>,
      %gt3A_950 = arith.cmpf ogt, %gather3A_949, %get3A_685 : vector<16xf32>
      %select_n3A_951 = arith.select %gt3A_950, %broadcast_in_dim3A_143, %broadcast_in_dim3A_145 : vector<16xi1>, vector<16xi32>
      %add3A_952 = arith.addi %add3A_946, %select_n3A_951 : vector<16xi32>
      %add3A_953 = vector.broadcast %mul3A_868 : i32 to vector<16xi32>
      %add3A_954 = arith.addi %and3A_120, %add3A_953 : vector<16xi32>
      %gather3A_955 = tpu.vector_load_idx %arg6[%add3A_954] : memref<512xf32, #tpu.memory_space<vmem>>[vector<16xi32>], vector<16xf32>,
      %gt3A_956 = arith.cmpf ogt, %gather3A_955, %get3A_685 : vector<16xf32>
      %select_n3A_957 = arith.select %gt3A_956, %broadcast_in_dim3A_143, %broadcast_in_dim3A_145 : vector<16xi1>, vector<16xi32>
      %add3A_958 = arith.addi %add3A_952, %select_n3A_957 : vector<16xi32>
      %add3A_959 = vector.broadcast %mul3A_868 : i32 to vector<16xi32>
      %add3A_960 = arith.addi %and3A_126, %add3A_959 : vector<16xi32>
      %gather3A_961 = tpu.vector_load_idx %arg6[%add3A_960] : memref<512xf32, #tpu.memory_space<vmem>>[vector<16xi32>], vector<16xf32>,
      %gt3A_962 = arith.cmpf ogt, %gather3A_961, %get3A_685 : vector<16xf32>
      %select_n3A_963 = arith.select %gt3A_962, %broadcast_in_dim3A_143, %broadcast_in_dim3A_145 : vector<16xi1>, vector<16xi32>
      %add3A_964 = arith.addi %add3A_958, %select_n3A_963 : vector<16xi32>
      scf.yield %add3A_964 : vector<16xi32>
    }
    %add3A_714 = vector.broadcast %add3A_683 : i32 to vector<16xi32>
    %add3A_715 = arith.addi %and3A_36, %add3A_714 : vector<16xi32>
    %gather3A_716 = tpu.vector_load_idx %arg6[%add3A_715] : memref<512xf32, #tpu.memory_space<vmem>>[vector<16xi32>], vector<16xf32>,
    %gt3A_717 = arith.cmpf ogt, %gather3A_716, %get3A_685 : vector<16xf32>
    %eq3A_718 = arith.cmpf oeq, %gather3A_716, %get3A_685 : vector<16xf32>
    %and3A_719 = arith.andi %eq3A_718, %lt3A_127 : vector<16xi1>
    %or3A_720 = arith.ori %gt3A_717, %and3A_719 : vector<16xi1>
    %select_n3A_721 = arith.select %or3A_720, %broadcast_in_dim3A_143, %broadcast_in_dim3A_145 : vector<16xi1>, vector<16xi32>
    %add3A_722 = arith.addi %while3A_713, %select_n3A_721 : vector<16xi32>
    %add3A_723 = vector.broadcast %add3A_683 : i32 to vector<16xi32>
    %add3A_724 = arith.addi %and3A_42, %add3A_723 : vector<16xi32>
    %gather3A_725 = tpu.vector_load_idx %arg6[%add3A_724] : memref<512xf32, #tpu.memory_space<vmem>>[vector<16xi32>], vector<16xf32>,
    %gt3A_726 = arith.cmpf ogt, %gather3A_725, %get3A_685 : vector<16xf32>
    %eq3A_727 = arith.cmpf oeq, %gather3A_725, %get3A_685 : vector<16xf32>
    %and3A_728 = arith.andi %eq3A_727, %lt3A_128 : vector<16xi1>
    %or3A_729 = arith.ori %gt3A_726, %and3A_728 : vector<16xi1>
    %select_n3A_730 = arith.select %or3A_729, %broadcast_in_dim3A_143, %broadcast_in_dim3A_145 : vector<16xi1>, vector<16xi32>
    %add3A_731 = arith.addi %add3A_722, %select_n3A_730 : vector<16xi32>
    %add3A_732 = vector.broadcast %add3A_683 : i32 to vector<16xi32>
    %add3A_733 = arith.addi %and3A_48, %add3A_732 : vector<16xi32>
    %gather3A_734 = tpu.vector_load_idx %arg6[%add3A_733] : memref<512xf32, #tpu.memory_space<vmem>>[vector<16xi32>], vector<16xf32>,
    %gt3A_735 = arith.cmpf ogt, %gather3A_734, %get3A_685 : vector<16xf32>
    %eq3A_736 = arith.cmpf oeq, %gather3A_734, %get3A_685 : vector<16xf32>
    %and3A_737 = arith.andi %eq3A_736, %lt3A_129 : vector<16xi1>
    %or3A_738 = arith.ori %gt3A_735, %and3A_737 : vector<16xi1>
    %select_n3A_739 = arith.select %or3A_738, %broadcast_in_dim3A_143, %broadcast_in_dim3A_145 : vector<16xi1>, vector<16xi32>
    %add3A_740 = arith.addi %add3A_731, %select_n3A_739 : vector<16xi32>
    %add3A_741 = vector.broadcast %add3A_683 : i32 to vector<16xi32>
    %add3A_742 = arith.addi %and3A_54, %add3A_741 : vector<16xi32>
    %gather3A_743 = tpu.vector_load_idx %arg6[%add3A_742] : memref<512xf32, #tpu.memory_space<vmem>>[vector<16xi32>], vector<16xf32>,
    %gt3A_744 = arith.cmpf ogt, %gather3A_743, %get3A_685 : vector<16xf32>
    %eq3A_745 = arith.cmpf oeq, %gather3A_743, %get3A_685 : vector<16xf32>
    %and3A_746 = arith.andi %eq3A_745, %lt3A_130 : vector<16xi1>
    %or3A_747 = arith.ori %gt3A_744, %and3A_746 : vector<16xi1>
    %select_n3A_748 = arith.select %or3A_747, %broadcast_in_dim3A_143, %broadcast_in_dim3A_145 : vector<16xi1>, vector<16xi32>
    %add3A_749 = arith.addi %add3A_740, %select_n3A_748 : vector<16xi32>
    %add3A_750 = vector.broadcast %add3A_683 : i32 to vector<16xi32>
    %add3A_751 = arith.addi %and3A_60, %add3A_750 : vector<16xi32>
    %gather3A_752 = tpu.vector_load_idx %arg6[%add3A_751] : memref<512xf32, #tpu.memory_space<vmem>>[vector<16xi32>], vector<16xf32>,
    %gt3A_753 = arith.cmpf ogt, %gather3A_752, %get3A_685 : vector<16xf32>
    %eq3A_754 = arith.cmpf oeq, %gather3A_752, %get3A_685 : vector<16xf32>
    %and3A_755 = arith.andi %eq3A_754, %lt3A_131 : vector<16xi1>
    %or3A_756 = arith.ori %gt3A_753, %and3A_755 : vector<16xi1>
    %select_n3A_757 = arith.select %or3A_756, %broadcast_in_dim3A_143, %broadcast_in_dim3A_145 : vector<16xi1>, vector<16xi32>
    %add3A_758 = arith.addi %add3A_749, %select_n3A_757 : vector<16xi32>
    %add3A_759 = vector.broadcast %add3A_683 : i32 to vector<16xi32>
    %add3A_760 = arith.addi %and3A_66, %add3A_759 : vector<16xi32>
    %gather3A_761 = tpu.vector_load_idx %arg6[%add3A_760] : memref<512xf32, #tpu.memory_space<vmem>>[vector<16xi32>], vector<16xf32>,
    %gt3A_762 = arith.cmpf ogt, %gather3A_761, %get3A_685 : vector<16xf32>
    %eq3A_763 = arith.cmpf oeq, %gather3A_761, %get3A_685 : vector<16xf32>
    %and3A_764 = arith.andi %eq3A_763, %lt3A_132 : vector<16xi1>
    %or3A_765 = arith.ori %gt3A_762, %and3A_764 : vector<16xi1>
    %select_n3A_766 = arith.select %or3A_765, %broadcast_in_dim3A_143, %broadcast_in_dim3A_145 : vector<16xi1>, vector<16xi32>
    %add3A_767 = arith.addi %add3A_758, %select_n3A_766 : vector<16xi32>
    %add3A_768 = vector.broadcast %add3A_683 : i32 to vector<16xi32>
    %add3A_769 = arith.addi %and3A_72, %add3A_768 : vector<16xi32>
    %gather3A_770 = tpu.vector_load_idx %arg6[%add3A_769] : memref<512xf32, #tpu.memory_space<vmem>>[vector<16xi32>], vector<16xf32>,
    %gt3A_771 = arith.cmpf ogt, %gather3A_770, %get3A_685 : vector<16xf32>
    %eq3A_772 = arith.cmpf oeq, %gather3A_770, %get3A_685 : vector<16xf32>
    %and3A_773 = arith.andi %eq3A_772, %lt3A_133 : vector<16xi1>
    %or3A_774 = arith.ori %gt3A_771, %and3A_773 : vector<16xi1>
    %select_n3A_775 = arith.select %or3A_774, %broadcast_in_dim3A_143, %broadcast_in_dim3A_145 : vector<16xi1>, vector<16xi32>
    %add3A_776 = arith.addi %add3A_767, %select_n3A_775 : vector<16xi32>
    %add3A_777 = vector.broadcast %add3A_683 : i32 to vector<16xi32>
    %add3A_778 = arith.addi %and3A_78, %add3A_777 : vector<16xi32>
    %gather3A_779 = tpu.vector_load_idx %arg6[%add3A_778] : memref<512xf32, #tpu.memory_space<vmem>>[vector<16xi32>], vector<16xf32>,
    %gt3A_780 = arith.cmpf ogt, %gather3A_779, %get3A_685 : vector<16xf32>
    %eq3A_781 = arith.cmpf oeq, %gather3A_779, %get3A_685 : vector<16xf32>
    %and3A_782 = arith.andi %eq3A_781, %lt3A_134 : vector<16xi1>
    %or3A_783 = arith.ori %gt3A_780, %and3A_782 : vector<16xi1>
    %select_n3A_784 = arith.select %or3A_783, %broadcast_in_dim3A_143, %broadcast_in_dim3A_145 : vector<16xi1>, vector<16xi32>
    %add3A_785 = arith.addi %add3A_776, %select_n3A_784 : vector<16xi32>
    %add3A_786 = vector.broadcast %add3A_683 : i32 to vector<16xi32>
    %add3A_787 = arith.addi %and3A_84, %add3A_786 : vector<16xi32>
    %gather3A_788 = tpu.vector_load_idx %arg6[%add3A_787] : memref<512xf32, #tpu.memory_space<vmem>>[vector<16xi32>], vector<16xf32>,
    %gt3A_789 = arith.cmpf ogt, %gather3A_788, %get3A_685 : vector<16xf32>
    %eq3A_790 = arith.cmpf oeq, %gather3A_788, %get3A_685 : vector<16xf32>
    %and3A_791 = arith.andi %eq3A_790, %lt3A_135 : vector<16xi1>
    %or3A_792 = arith.ori %gt3A_789, %and3A_791 : vector<16xi1>
    %select_n3A_793 = arith.select %or3A_792, %broadcast_in_dim3A_143, %broadcast_in_dim3A_145 : vector<16xi1>, vector<16xi32>
    %add3A_794 = arith.addi %add3A_785, %select_n3A_793 : vector<16xi32>
    %add3A_795 = vector.broadcast %add3A_683 : i32 to vector<16xi32>
    %add3A_796 = arith.addi %and3A_90, %add3A_795 : vector<16xi32>
    %gather3A_797 = tpu.vector_load_idx %arg6[%add3A_796] : memref<512xf32, #tpu.memory_space<vmem>>[vector<16xi32>], vector<16xf32>,
    %gt3A_798 = arith.cmpf ogt, %gather3A_797, %get3A_685 : vector<16xf32>
    %eq3A_799 = arith.cmpf oeq, %gather3A_797, %get3A_685 : vector<16xf32>
    %and3A_800 = arith.andi %eq3A_799, %lt3A_136 : vector<16xi1>
    %or3A_801 = arith.ori %gt3A_798, %and3A_800 : vector<16xi1>
    %select_n3A_802 = arith.select %or3A_801, %broadcast_in_dim3A_143, %broadcast_in_dim3A_145 : vector<16xi1>, vector<16xi32>
    %add3A_803 = arith.addi %add3A_794, %select_n3A_802 : vector<16xi32>
    %add3A_804 = vector.broadcast %add3A_683 : i32 to vector<16xi32>
    %add3A_805 = arith.addi %and3A_96, %add3A_804 : vector<16xi32>
    %gather3A_806 = tpu.vector_load_idx %arg6[%add3A_805] : memref<512xf32, #tpu.memory_space<vmem>>[vector<16xi32>], vector<16xf32>,
    %gt3A_807 = arith.cmpf ogt, %gather3A_806, %get3A_685 : vector<16xf32>
    %eq3A_808 = arith.cmpf oeq, %gather3A_806, %get3A_685 : vector<16xf32>
    %and3A_809 = arith.andi %eq3A_808, %lt3A_137 : vector<16xi1>
    %or3A_810 = arith.ori %gt3A_807, %and3A_809 : vector<16xi1>
    %select_n3A_811 = arith.select %or3A_810, %broadcast_in_dim3A_143, %broadcast_in_dim3A_145 : vector<16xi1>, vector<16xi32>
    %add3A_812 = arith.addi %add3A_803, %select_n3A_811 : vector<16xi32>
    %add3A_813 = vector.broadcast %add3A_683 : i32 to vector<16xi32>
    %add3A_814 = arith.addi %and3A_102, %add3A_813 : vector<16xi32>
    %gather3A_815 = tpu.vector_load_idx %arg6[%add3A_814] : memref<512xf32, #tpu.memory_space<vmem>>[vector<16xi32>], vector<16xf32>,
    %gt3A_816 = arith.cmpf ogt, %gather3A_815, %get3A_685 : vector<16xf32>
    %eq3A_817 = arith.cmpf oeq, %gather3A_815, %get3A_685 : vector<16xf32>
    %and3A_818 = arith.andi %eq3A_817, %lt3A_138 : vector<16xi1>
    %or3A_819 = arith.ori %gt3A_816, %and3A_818 : vector<16xi1>
    %select_n3A_820 = arith.select %or3A_819, %broadcast_in_dim3A_143, %broadcast_in_dim3A_145 : vector<16xi1>, vector<16xi32>
    %add3A_821 = arith.addi %add3A_812, %select_n3A_820 : vector<16xi32>
    %add3A_822 = vector.broadcast %add3A_683 : i32 to vector<16xi32>
    %add3A_823 = arith.addi %and3A_108, %add3A_822 : vector<16xi32>
    %gather3A_824 = tpu.vector_load_idx %arg6[%add3A_823] : memref<512xf32, #tpu.memory_space<vmem>>[vector<16xi32>], vector<16xf32>,
    %gt3A_825 = arith.cmpf ogt, %gather3A_824, %get3A_685 : vector<16xf32>
    %eq3A_826 = arith.cmpf oeq, %gather3A_824, %get3A_685 : vector<16xf32>
    %and3A_827 = arith.andi %eq3A_826, %lt3A_139 : vector<16xi1>
    %or3A_828 = arith.ori %gt3A_825, %and3A_827 : vector<16xi1>
    %select_n3A_829 = arith.select %or3A_828, %broadcast_in_dim3A_143, %broadcast_in_dim3A_145 : vector<16xi1>, vector<16xi32>
    %add3A_830 = arith.addi %add3A_821, %select_n3A_829 : vector<16xi32>
    %add3A_831 = vector.broadcast %add3A_683 : i32 to vector<16xi32>
    %add3A_832 = arith.addi %and3A_114, %add3A_831 : vector<16xi32>
    %gather3A_833 = tpu.vector_load_idx %arg6[%add3A_832] : memref<512xf32, #tpu.memory_space<vmem>>[vector<16xi32>], vector<16xf32>,
    %gt3A_834 = arith.cmpf ogt, %gather3A_833, %get3A_685 : vector<16xf32>
    %eq3A_835 = arith.cmpf oeq, %gather3A_833, %get3A_685 : vector<16xf32>
    %and3A_836 = arith.andi %eq3A_835, %lt3A_140 : vector<16xi1>
    %or3A_837 = arith.ori %gt3A_834, %and3A_836 : vector<16xi1>
    %select_n3A_838 = arith.select %or3A_837, %broadcast_in_dim3A_143, %broadcast_in_dim3A_145 : vector<16xi1>, vector<16xi32>
    %add3A_839 = arith.addi %add3A_830, %select_n3A_838 : vector<16xi32>
    %add3A_840 = vector.broadcast %add3A_683 : i32 to vector<16xi32>
    %add3A_841 = arith.addi %and3A_120, %add3A_840 : vector<16xi32>
    %gather3A_842 = tpu.vector_load_idx %arg6[%add3A_841] : memref<512xf32, #tpu.memory_space<vmem>>[vector<16xi32>], vector<16xf32>,
    %gt3A_843 = arith.cmpf ogt, %gather3A_842, %get3A_685 : vector<16xf32>
    %eq3A_844 = arith.cmpf oeq, %gather3A_842, %get3A_685 : vector<16xf32>
    %and3A_845 = arith.andi %eq3A_844, %lt3A_141 : vector<16xi1>
    %or3A_846 = arith.ori %gt3A_843, %and3A_845 : vector<16xi1>
    %select_n3A_847 = arith.select %or3A_846, %broadcast_in_dim3A_143, %broadcast_in_dim3A_145 : vector<16xi1>, vector<16xi32>
    %add3A_848 = arith.addi %add3A_839, %select_n3A_847 : vector<16xi32>
    %add3A_849 = vector.broadcast %add3A_683 : i32 to vector<16xi32>
    %add3A_850 = arith.addi %and3A_126, %add3A_849 : vector<16xi32>
    %gather3A_851 = tpu.vector_load_idx %arg6[%add3A_850] : memref<512xf32, #tpu.memory_space<vmem>>[vector<16xi32>], vector<16xf32>,
    %gt3A_852 = arith.cmpf ogt, %gather3A_851, %get3A_685 : vector<16xf32>
    %eq3A_853 = arith.cmpf oeq, %gather3A_851, %get3A_685 : vector<16xf32>
    %and3A_854 = arith.andi %eq3A_853, %lt3A_142 : vector<16xi1>
    %or3A_855 = arith.ori %gt3A_852, %and3A_854 : vector<16xi1>
    %select_n3A_856 = arith.select %or3A_855, %broadcast_in_dim3A_143, %broadcast_in_dim3A_145 : vector<16xi1>, vector<16xi32>
    %add3A_857 = arith.addi %add3A_848, %select_n3A_856 : vector<16xi32>
    %swap3A_858 = arith.constant 48 : index
    %swap3A_859 = tpu.vector_load %arg8[%swap3A_858] {strides = array<i32>} : memref<64xi32, #tpu.memory_space<vmem>>, vector<16xi32>,
    tpu.vector_store %arg8[%swap3A_858], %add3A_857 {strides = array<i32>} : memref<64xi32, #tpu.memory_space<vmem>>, vector<16xi32>,
    %mul3A_860 = arith.constant 64 : i32
    %mul3A_861 = arith.muli %select_n3A_30, %mul3A_860 : i32
    "tpu.region"() ({
      %run_scoped3A = tpu.sem_alloc : memref<!tpu.dma_semaphore, #tpu.memory_space<semaphore_mem>>
      %dma_start3A = tpu.memref_slice %arg13[%select_n3A, %mul3A_861] : memref<2x512xi32, #tpu.memory_space<vmem_shared>> -> memref<1x64xi32, #tpu.memory_space<vmem_shared>>
      %dma_start3A_865 = tpu.memref_squeeze %dma_start3A : memref<1x64xi32, #tpu.memory_space<vmem_shared>> -> memref<64xi32, #tpu.memory_space<vmem_shared>>
      %dma_start3A_866 = tpu.memref_slice %arg13[%select_n3A, %mul3A_861] : memref<2x512xi32, #tpu.memory_space<vmem_shared>> -> memref<1x64xi32, #tpu.memory_space<vmem_shared>>
      %dma_start3A_867 = tpu.memref_squeeze %dma_start3A_866 : memref<1x64xi32, #tpu.memory_space<vmem_shared>> -> memref<64xi32, #tpu.memory_space<vmem_shared>>
      tpu.enqueue_dma source(%arg8 : memref<64xi32, #tpu.memory_space<vmem>>) target(%dma_start3A_867 : memref<64xi32, #tpu.memory_space<vmem_shared>>) target_semaphore(%run_scoped3A : memref<!tpu.dma_semaphore, #tpu.memory_space<semaphore_mem>>)
      %dma_wait3A = tpu.memref_slice %arg13[%select_n3A, %mul3A_861] : memref<2x512xi32, #tpu.memory_space<vmem_shared>> -> memref<1x64xi32, #tpu.memory_space<vmem_shared>>
      %dma_wait3A_868 = tpu.memref_squeeze %dma_wait3A : memref<1x64xi32, #tpu.memory_space<vmem_shared>> -> memref<64xi32, #tpu.memory_space<vmem_shared>>
      %dma_wait3A_869 = tpu.memref_slice %arg13[%select_n3A, %mul3A_861] : memref<2x512xi32, #tpu.memory_space<vmem_shared>> -> memref<1x64xi32, #tpu.memory_space<vmem_shared>>
      %dma_wait3A_870 = tpu.memref_squeeze %dma_wait3A_869 : memref<1x64xi32, #tpu.memory_space<vmem_shared>> -> memref<64xi32, #tpu.memory_space<vmem_shared>>
      tpu.wait_dma2 semaphore(%run_scoped3A : memref<!tpu.dma_semaphore, #tpu.memory_space<semaphore_mem>>) src(%arg8 : memref<64xi32, #tpu.memory_space<vmem>>) dst(%dma_wait3A_870 : memref<64xi32, #tpu.memory_space<vmem_shared>>)
      tpu.yield
    }) : () -> ()
    %barrier3A = arith.constant 0 : index
    tpu.barrier barrier_id(%barrier3A)
    %eq3A_862 = arith.constant 0 : i32
    %eq3A_863 = arith.cmpi eq, %select_n3A_30, %eq3A_862 : i32
    %convert_element_type3A = arith.extui %eq3A_863 : i1 to i32
    %cond3A = arith.constant 0 : i32
    %cond3A_864 = arith.cmpi ne, %convert_element_type3A, %cond3A : i32
    scf.if %cond3A_864 {
      "tpu.region"() ({
        %run_scoped3A = tpu.sem_alloc : memref<!tpu.dma_semaphore, #tpu.memory_space<semaphore_mem>>
        %dma_start3A = arith.constant 0 : i32
        %dma_start3A_1429 = tpu.memref_slice %arg13[%select_n3A, %dma_start3A] : memref<2x512xi32, #tpu.memory_space<vmem_shared>> -> memref<1x512xi32, #tpu.memory_space<vmem_shared>>
        %dma_start3A_1430 = tpu.memref_squeeze %dma_start3A_1429 : memref<1x512xi32, #tpu.memory_space<vmem_shared>> -> memref<512xi32, #tpu.memory_space<vmem_shared>>
        %dma_start3A_1431 = arith.constant 0 : i32
        %dma_start3A_1432 = tpu.memref_slice %arg13[%select_n3A, %dma_start3A_1431] : memref<2x512xi32, #tpu.memory_space<vmem_shared>> -> memref<1x512xi32, #tpu.memory_space<vmem_shared>>
        %dma_start3A_1433 = tpu.memref_squeeze %dma_start3A_1432 : memref<1x512xi32, #tpu.memory_space<vmem_shared>> -> memref<512xi32, #tpu.memory_space<vmem_shared>>
        tpu.enqueue_dma source(%dma_start3A_1433 : memref<512xi32, #tpu.memory_space<vmem_shared>>) target(%arg9 : memref<512xi32, #tpu.memory_space<vmem>>) target_semaphore(%run_scoped3A : memref<!tpu.dma_semaphore, #tpu.memory_space<semaphore_mem>>)
        %dma_wait3A = arith.constant 0 : i32
        %dma_wait3A_1434 = tpu.memref_slice %arg13[%select_n3A, %dma_wait3A] : memref<2x512xi32, #tpu.memory_space<vmem_shared>> -> memref<1x512xi32, #tpu.memory_space<vmem_shared>>
        %dma_wait3A_1435 = tpu.memref_squeeze %dma_wait3A_1434 : memref<1x512xi32, #tpu.memory_space<vmem_shared>> -> memref<512xi32, #tpu.memory_space<vmem_shared>>
        %dma_wait3A_1436 = arith.constant 0 : i32
        %dma_wait3A_1437 = tpu.memref_slice %arg13[%select_n3A, %dma_wait3A_1436] : memref<2x512xi32, #tpu.memory_space<vmem_shared>> -> memref<1x512xi32, #tpu.memory_space<vmem_shared>>
        %dma_wait3A_1438 = tpu.memref_squeeze %dma_wait3A_1437 : memref<1x512xi32, #tpu.memory_space<vmem_shared>> -> memref<512xi32, #tpu.memory_space<vmem_shared>>
        tpu.wait_dma2 semaphore(%run_scoped3A : memref<!tpu.dma_semaphore, #tpu.memory_space<semaphore_mem>>) src(%dma_wait3A_1438 : memref<512xi32, #tpu.memory_space<vmem_shared>>) dst(%arg9 : memref<512xi32, #tpu.memory_space<vmem>>)
        tpu.yield
      }) : () -> ()
      %get3A_865 = arith.constant 0 : index
      %get3A_866 = tpu.vector_load %arg9[%get3A_865] {strides = array<i32>} : memref<512xi32, #tpu.memory_space<vmem>>, vector<16xi32>,
      %add3A_867 = arith.constant 0 : i32
      %add3A_868 = vector.broadcast %add3A_867 : i32 to vector<16xi32>
      %add3A_869 = arith.addi %iota3A, %add3A_868 : vector<16xi32>
      tpu.vector_store_idx %arg10[%get3A_866], %add3A_869 : memref<512xi32, #tpu.memory_space<vmem>>[vector<16xi32>], vector<16xi32>,
      %get3A_870 = arith.constant 0 : index
      %get3A_871 = tpu.vector_load %arg7[%get3A_870] {strides = array<i32>} : memref<512xf32, #tpu.memory_space<vmem>>, vector<16xf32>,
      tpu.vector_store_idx %arg11[%get3A_866], %get3A_871 : memref<512xf32, #tpu.memory_space<vmem>>[vector<16xi32>], vector<16xf32>,
      %get3A_872 = arith.constant 16 : index
      %get3A_873 = tpu.vector_load %arg9[%get3A_872] {strides = array<i32>} : memref<512xi32, #tpu.memory_space<vmem>>, vector<16xi32>,
      %add3A_874 = arith.constant 16 : i32
      %add3A_875 = vector.broadcast %add3A_874 : i32 to vector<16xi32>
      %add3A_876 = arith.addi %iota3A, %add3A_875 : vector<16xi32>
      tpu.vector_store_idx %arg10[%get3A_873], %add3A_876 : memref<512xi32, #tpu.memory_space<vmem>>[vector<16xi32>], vector<16xi32>,
      %get3A_877 = arith.constant 16 : index
      %get3A_878 = tpu.vector_load %arg7[%get3A_877] {strides = array<i32>} : memref<512xf32, #tpu.memory_space<vmem>>, vector<16xf32>,
      tpu.vector_store_idx %arg11[%get3A_873], %get3A_878 : memref<512xf32, #tpu.memory_space<vmem>>[vector<16xi32>], vector<16xf32>,
      %get3A_879 = arith.constant 32 : index
      %get3A_880 = tpu.vector_load %arg9[%get3A_879] {strides = array<i32>} : memref<512xi32, #tpu.memory_space<vmem>>, vector<16xi32>,
      %add3A_881 = arith.constant 32 : i32
      %add3A_882 = vector.broadcast %add3A_881 : i32 to vector<16xi32>
      %add3A_883 = arith.addi %iota3A, %add3A_882 : vector<16xi32>
      tpu.vector_store_idx %arg10[%get3A_880], %add3A_883 : memref<512xi32, #tpu.memory_space<vmem>>[vector<16xi32>], vector<16xi32>,
      %get3A_884 = arith.constant 32 : index
      %get3A_885 = tpu.vector_load %arg7[%get3A_884] {strides = array<i32>} : memref<512xf32, #tpu.memory_space<vmem>>, vector<16xf32>,
      tpu.vector_store_idx %arg11[%get3A_880], %get3A_885 : memref<512xf32, #tpu.memory_space<vmem>>[vector<16xi32>], vector<16xf32>,
      %get3A_886 = arith.constant 48 : index
      %get3A_887 = tpu.vector_load %arg9[%get3A_886] {strides = array<i32>} : memref<512xi32, #tpu.memory_space<vmem>>, vector<16xi32>,
      %add3A_888 = arith.constant 48 : i32
      %add3A_889 = vector.broadcast %add3A_888 : i32 to vector<16xi32>
      %add3A_890 = arith.addi %iota3A, %add3A_889 : vector<16xi32>
      tpu.vector_store_idx %arg10[%get3A_887], %add3A_890 : memref<512xi32, #tpu.memory_space<vmem>>[vector<16xi32>], vector<16xi32>,
      %get3A_891 = arith.constant 48 : index
      %get3A_892 = tpu.vector_load %arg7[%get3A_891] {strides = array<i32>} : memref<512xf32, #tpu.memory_space<vmem>>, vector<16xf32>,
      tpu.vector_store_idx %arg11[%get3A_887], %get3A_892 : memref<512xf32, #tpu.memory_space<vmem>>[vector<16xi32>], vector<16xf32>,
      %get3A_893 = arith.constant 64 : index
      %get3A_894 = tpu.vector_load %arg9[%get3A_893] {strides = array<i32>} : memref<512xi32, #tpu.memory_space<vmem>>, vector<16xi32>,
      %add3A_895 = arith.constant 64 : i32
      %add3A_896 = vector.broadcast %add3A_895 : i32 to vector<16xi32>
      %add3A_897 = arith.addi %iota3A, %add3A_896 : vector<16xi32>
      tpu.vector_store_idx %arg10[%get3A_894], %add3A_897 : memref<512xi32, #tpu.memory_space<vmem>>[vector<16xi32>], vector<16xi32>,
      %get3A_898 = arith.constant 64 : index
      %get3A_899 = tpu.vector_load %arg7[%get3A_898] {strides = array<i32>} : memref<512xf32, #tpu.memory_space<vmem>>, vector<16xf32>,
      tpu.vector_store_idx %arg11[%get3A_894], %get3A_899 : memref<512xf32, #tpu.memory_space<vmem>>[vector<16xi32>], vector<16xf32>,
      %get3A_900 = arith.constant 80 : index
      %get3A_901 = tpu.vector_load %arg9[%get3A_900] {strides = array<i32>} : memref<512xi32, #tpu.memory_space<vmem>>, vector<16xi32>,
      %add3A_902 = arith.constant 80 : i32
      %add3A_903 = vector.broadcast %add3A_902 : i32 to vector<16xi32>
      %add3A_904 = arith.addi %iota3A, %add3A_903 : vector<16xi32>
      tpu.vector_store_idx %arg10[%get3A_901], %add3A_904 : memref<512xi32, #tpu.memory_space<vmem>>[vector<16xi32>], vector<16xi32>,
      %get3A_905 = arith.constant 80 : index
      %get3A_906 = tpu.vector_load %arg7[%get3A_905] {strides = array<i32>} : memref<512xf32, #tpu.memory_space<vmem>>, vector<16xf32>,
      tpu.vector_store_idx %arg11[%get3A_901], %get3A_906 : memref<512xf32, #tpu.memory_space<vmem>>[vector<16xi32>], vector<16xf32>,
      %get3A_907 = arith.constant 96 : index
      %get3A_908 = tpu.vector_load %arg9[%get3A_907] {strides = array<i32>} : memref<512xi32, #tpu.memory_space<vmem>>, vector<16xi32>,
      %add3A_909 = arith.constant 96 : i32
      %add3A_910 = vector.broadcast %add3A_909 : i32 to vector<16xi32>
      %add3A_911 = arith.addi %iota3A, %add3A_910 : vector<16xi32>
      tpu.vector_store_idx %arg10[%get3A_908], %add3A_911 : memref<512xi32, #tpu.memory_space<vmem>>[vector<16xi32>], vector<16xi32>,
      %get3A_912 = arith.constant 96 : index
      %get3A_913 = tpu.vector_load %arg7[%get3A_912] {strides = array<i32>} : memref<512xf32, #tpu.memory_space<vmem>>, vector<16xf32>,
      tpu.vector_store_idx %arg11[%get3A_908], %get3A_913 : memref<512xf32, #tpu.memory_space<vmem>>[vector<16xi32>], vector<16xf32>,
      %get3A_914 = arith.constant 112 : index
      %get3A_915 = tpu.vector_load %arg9[%get3A_914] {strides = array<i32>} : memref<512xi32, #tpu.memory_space<vmem>>, vector<16xi32>,
      %add3A_916 = arith.constant 112 : i32
      %add3A_917 = vector.broadcast %add3A_916 : i32 to vector<16xi32>
      %add3A_918 = arith.addi %iota3A, %add3A_917 : vector<16xi32>
      tpu.vector_store_idx %arg10[%get3A_915], %add3A_918 : memref<512xi32, #tpu.memory_space<vmem>>[vector<16xi32>], vector<16xi32>,
      %get3A_919 = arith.constant 112 : index
      %get3A_920 = tpu.vector_load %arg7[%get3A_919] {strides = array<i32>} : memref<512xf32, #tpu.memory_space<vmem>>, vector<16xf32>,
      tpu.vector_store_idx %arg11[%get3A_915], %get3A_920 : memref<512xf32, #tpu.memory_space<vmem>>[vector<16xi32>], vector<16xf32>,
      %get3A_921 = arith.constant 128 : index
      %get3A_922 = tpu.vector_load %arg9[%get3A_921] {strides = array<i32>} : memref<512xi32, #tpu.memory_space<vmem>>, vector<16xi32>,
      %add3A_923 = arith.constant 128 : i32
      %add3A_924 = vector.broadcast %add3A_923 : i32 to vector<16xi32>
      %add3A_925 = arith.addi %iota3A, %add3A_924 : vector<16xi32>
      tpu.vector_store_idx %arg10[%get3A_922], %add3A_925 : memref<512xi32, #tpu.memory_space<vmem>>[vector<16xi32>], vector<16xi32>,
      %get3A_926 = arith.constant 128 : index
      %get3A_927 = tpu.vector_load %arg7[%get3A_926] {strides = array<i32>} : memref<512xf32, #tpu.memory_space<vmem>>, vector<16xf32>,
      tpu.vector_store_idx %arg11[%get3A_922], %get3A_927 : memref<512xf32, #tpu.memory_space<vmem>>[vector<16xi32>], vector<16xf32>,
      %get3A_928 = arith.constant 144 : index
      %get3A_929 = tpu.vector_load %arg9[%get3A_928] {strides = array<i32>} : memref<512xi32, #tpu.memory_space<vmem>>, vector<16xi32>,
      %add3A_930 = arith.constant 144 : i32
      %add3A_931 = vector.broadcast %add3A_930 : i32 to vector<16xi32>
      %add3A_932 = arith.addi %iota3A, %add3A_931 : vector<16xi32>
      tpu.vector_store_idx %arg10[%get3A_929], %add3A_932 : memref<512xi32, #tpu.memory_space<vmem>>[vector<16xi32>], vector<16xi32>,
      %get3A_933 = arith.constant 144 : index
      %get3A_934 = tpu.vector_load %arg7[%get3A_933] {strides = array<i32>} : memref<512xf32, #tpu.memory_space<vmem>>, vector<16xf32>,
      tpu.vector_store_idx %arg11[%get3A_929], %get3A_934 : memref<512xf32, #tpu.memory_space<vmem>>[vector<16xi32>], vector<16xf32>,
      %get3A_935 = arith.constant 160 : index
      %get3A_936 = tpu.vector_load %arg9[%get3A_935] {strides = array<i32>} : memref<512xi32, #tpu.memory_space<vmem>>, vector<16xi32>,
      %add3A_937 = arith.constant 160 : i32
      %add3A_938 = vector.broadcast %add3A_937 : i32 to vector<16xi32>
      %add3A_939 = arith.addi %iota3A, %add3A_938 : vector<16xi32>
      tpu.vector_store_idx %arg10[%get3A_936], %add3A_939 : memref<512xi32, #tpu.memory_space<vmem>>[vector<16xi32>], vector<16xi32>,
      %get3A_940 = arith.constant 160 : index
      %get3A_941 = tpu.vector_load %arg7[%get3A_940] {strides = array<i32>} : memref<512xf32, #tpu.memory_space<vmem>>, vector<16xf32>,
      tpu.vector_store_idx %arg11[%get3A_936], %get3A_941 : memref<512xf32, #tpu.memory_space<vmem>>[vector<16xi32>], vector<16xf32>,
      %get3A_942 = arith.constant 176 : index
      %get3A_943 = tpu.vector_load %arg9[%get3A_942] {strides = array<i32>} : memref<512xi32, #tpu.memory_space<vmem>>, vector<16xi32>,
      %add3A_944 = arith.constant 176 : i32
      %add3A_945 = vector.broadcast %add3A_944 : i32 to vector<16xi32>
      %add3A_946 = arith.addi %iota3A, %add3A_945 : vector<16xi32>
      tpu.vector_store_idx %arg10[%get3A_943], %add3A_946 : memref<512xi32, #tpu.memory_space<vmem>>[vector<16xi32>], vector<16xi32>,
      %get3A_947 = arith.constant 176 : index
      %get3A_948 = tpu.vector_load %arg7[%get3A_947] {strides = array<i32>} : memref<512xf32, #tpu.memory_space<vmem>>, vector<16xf32>,
      tpu.vector_store_idx %arg11[%get3A_943], %get3A_948 : memref<512xf32, #tpu.memory_space<vmem>>[vector<16xi32>], vector<16xf32>,
      %get3A_949 = arith.constant 192 : index
      %get3A_950 = tpu.vector_load %arg9[%get3A_949] {strides = array<i32>} : memref<512xi32, #tpu.memory_space<vmem>>, vector<16xi32>,
      %add3A_951 = arith.constant 192 : i32
      %add3A_952 = vector.broadcast %add3A_951 : i32 to vector<16xi32>
      %add3A_953 = arith.addi %iota3A, %add3A_952 : vector<16xi32>
      tpu.vector_store_idx %arg10[%get3A_950], %add3A_953 : memref<512xi32, #tpu.memory_space<vmem>>[vector<16xi32>], vector<16xi32>,
      %get3A_954 = arith.constant 192 : index
      %get3A_955 = tpu.vector_load %arg7[%get3A_954] {strides = array<i32>} : memref<512xf32, #tpu.memory_space<vmem>>, vector<16xf32>,
      tpu.vector_store_idx %arg11[%get3A_950], %get3A_955 : memref<512xf32, #tpu.memory_space<vmem>>[vector<16xi32>], vector<16xf32>,
      %get3A_956 = arith.constant 208 : index
      %get3A_957 = tpu.vector_load %arg9[%get3A_956] {strides = array<i32>} : memref<512xi32, #tpu.memory_space<vmem>>, vector<16xi32>,
      %add3A_958 = arith.constant 208 : i32
      %add3A_959 = vector.broadcast %add3A_958 : i32 to vector<16xi32>
      %add3A_960 = arith.addi %iota3A, %add3A_959 : vector<16xi32>
      tpu.vector_store_idx %arg10[%get3A_957], %add3A_960 : memref<512xi32, #tpu.memory_space<vmem>>[vector<16xi32>], vector<16xi32>,
      %get3A_961 = arith.constant 208 : index
      %get3A_962 = tpu.vector_load %arg7[%get3A_961] {strides = array<i32>} : memref<512xf32, #tpu.memory_space<vmem>>, vector<16xf32>,
      tpu.vector_store_idx %arg11[%get3A_957], %get3A_962 : memref<512xf32, #tpu.memory_space<vmem>>[vector<16xi32>], vector<16xf32>,
      %get3A_963 = arith.constant 224 : index
      %get3A_964 = tpu.vector_load %arg9[%get3A_963] {strides = array<i32>} : memref<512xi32, #tpu.memory_space<vmem>>, vector<16xi32>,
      %add3A_965 = arith.constant 224 : i32
      %add3A_966 = vector.broadcast %add3A_965 : i32 to vector<16xi32>
      %add3A_967 = arith.addi %iota3A, %add3A_966 : vector<16xi32>
      tpu.vector_store_idx %arg10[%get3A_964], %add3A_967 : memref<512xi32, #tpu.memory_space<vmem>>[vector<16xi32>], vector<16xi32>,
      %get3A_968 = arith.constant 224 : index
      %get3A_969 = tpu.vector_load %arg7[%get3A_968] {strides = array<i32>} : memref<512xf32, #tpu.memory_space<vmem>>, vector<16xf32>,
      tpu.vector_store_idx %arg11[%get3A_964], %get3A_969 : memref<512xf32, #tpu.memory_space<vmem>>[vector<16xi32>], vector<16xf32>,
      %get3A_970 = arith.constant 240 : index
      %get3A_971 = tpu.vector_load %arg9[%get3A_970] {strides = array<i32>} : memref<512xi32, #tpu.memory_space<vmem>>, vector<16xi32>,
      %add3A_972 = arith.constant 240 : i32
      %add3A_973 = vector.broadcast %add3A_972 : i32 to vector<16xi32>
      %add3A_974 = arith.addi %iota3A, %add3A_973 : vector<16xi32>
      tpu.vector_store_idx %arg10[%get3A_971], %add3A_974 : memref<512xi32, #tpu.memory_space<vmem>>[vector<16xi32>], vector<16xi32>,
      %get3A_975 = arith.constant 240 : index
      %get3A_976 = tpu.vector_load %arg7[%get3A_975] {strides = array<i32>} : memref<512xf32, #tpu.memory_space<vmem>>, vector<16xf32>,
      tpu.vector_store_idx %arg11[%get3A_971], %get3A_976 : memref<512xf32, #tpu.memory_space<vmem>>[vector<16xi32>], vector<16xf32>,
      %get3A_977 = arith.constant 256 : index
      %get3A_978 = tpu.vector_load %arg9[%get3A_977] {strides = array<i32>} : memref<512xi32, #tpu.memory_space<vmem>>, vector<16xi32>,
      %add3A_979 = arith.constant 256 : i32
      %add3A_980 = vector.broadcast %add3A_979 : i32 to vector<16xi32>
      %add3A_981 = arith.addi %iota3A, %add3A_980 : vector<16xi32>
      tpu.vector_store_idx %arg10[%get3A_978], %add3A_981 : memref<512xi32, #tpu.memory_space<vmem>>[vector<16xi32>], vector<16xi32>,
      %get3A_982 = arith.constant 256 : index
      %get3A_983 = tpu.vector_load %arg7[%get3A_982] {strides = array<i32>} : memref<512xf32, #tpu.memory_space<vmem>>, vector<16xf32>,
      tpu.vector_store_idx %arg11[%get3A_978], %get3A_983 : memref<512xf32, #tpu.memory_space<vmem>>[vector<16xi32>], vector<16xf32>,
      %get3A_984 = arith.constant 272 : index
      %get3A_985 = tpu.vector_load %arg9[%get3A_984] {strides = array<i32>} : memref<512xi32, #tpu.memory_space<vmem>>, vector<16xi32>,
      %add3A_986 = arith.constant 272 : i32
      %add3A_987 = vector.broadcast %add3A_986 : i32 to vector<16xi32>
      %add3A_988 = arith.addi %iota3A, %add3A_987 : vector<16xi32>
      tpu.vector_store_idx %arg10[%get3A_985], %add3A_988 : memref<512xi32, #tpu.memory_space<vmem>>[vector<16xi32>], vector<16xi32>,
      %get3A_989 = arith.constant 272 : index
      %get3A_990 = tpu.vector_load %arg7[%get3A_989] {strides = array<i32>} : memref<512xf32, #tpu.memory_space<vmem>>, vector<16xf32>,
      tpu.vector_store_idx %arg11[%get3A_985], %get3A_990 : memref<512xf32, #tpu.memory_space<vmem>>[vector<16xi32>], vector<16xf32>,
      %get3A_991 = arith.constant 288 : index
      %get3A_992 = tpu.vector_load %arg9[%get3A_991] {strides = array<i32>} : memref<512xi32, #tpu.memory_space<vmem>>, vector<16xi32>,
      %add3A_993 = arith.constant 288 : i32
      %add3A_994 = vector.broadcast %add3A_993 : i32 to vector<16xi32>
      %add3A_995 = arith.addi %iota3A, %add3A_994 : vector<16xi32>
      tpu.vector_store_idx %arg10[%get3A_992], %add3A_995 : memref<512xi32, #tpu.memory_space<vmem>>[vector<16xi32>], vector<16xi32>,
      %get3A_996 = arith.constant 288 : index
      %get3A_997 = tpu.vector_load %arg7[%get3A_996] {strides = array<i32>} : memref<512xf32, #tpu.memory_space<vmem>>, vector<16xf32>,
      tpu.vector_store_idx %arg11[%get3A_992], %get3A_997 : memref<512xf32, #tpu.memory_space<vmem>>[vector<16xi32>], vector<16xf32>,
      %get3A_998 = arith.constant 304 : index
      %get3A_999 = tpu.vector_load %arg9[%get3A_998] {strides = array<i32>} : memref<512xi32, #tpu.memory_space<vmem>>, vector<16xi32>,
      %add3A_1000 = arith.constant 304 : i32
      %add3A_1001 = vector.broadcast %add3A_1000 : i32 to vector<16xi32>
      %add3A_1002 = arith.addi %iota3A, %add3A_1001 : vector<16xi32>
      tpu.vector_store_idx %arg10[%get3A_999], %add3A_1002 : memref<512xi32, #tpu.memory_space<vmem>>[vector<16xi32>], vector<16xi32>,
      %get3A_1003 = arith.constant 304 : index
      %get3A_1004 = tpu.vector_load %arg7[%get3A_1003] {strides = array<i32>} : memref<512xf32, #tpu.memory_space<vmem>>, vector<16xf32>,
      tpu.vector_store_idx %arg11[%get3A_999], %get3A_1004 : memref<512xf32, #tpu.memory_space<vmem>>[vector<16xi32>], vector<16xf32>,
      %get3A_1005 = arith.constant 320 : index
      %get3A_1006 = tpu.vector_load %arg9[%get3A_1005] {strides = array<i32>} : memref<512xi32, #tpu.memory_space<vmem>>, vector<16xi32>,
      %add3A_1007 = arith.constant 320 : i32
      %add3A_1008 = vector.broadcast %add3A_1007 : i32 to vector<16xi32>
      %add3A_1009 = arith.addi %iota3A, %add3A_1008 : vector<16xi32>
      tpu.vector_store_idx %arg10[%get3A_1006], %add3A_1009 : memref<512xi32, #tpu.memory_space<vmem>>[vector<16xi32>], vector<16xi32>,
      %get3A_1010 = arith.constant 320 : index
      %get3A_1011 = tpu.vector_load %arg7[%get3A_1010] {strides = array<i32>} : memref<512xf32, #tpu.memory_space<vmem>>, vector<16xf32>,
      tpu.vector_store_idx %arg11[%get3A_1006], %get3A_1011 : memref<512xf32, #tpu.memory_space<vmem>>[vector<16xi32>], vector<16xf32>,
      %get3A_1012 = arith.constant 336 : index
      %get3A_1013 = tpu.vector_load %arg9[%get3A_1012] {strides = array<i32>} : memref<512xi32, #tpu.memory_space<vmem>>, vector<16xi32>,
      %add3A_1014 = arith.constant 336 : i32
      %add3A_1015 = vector.broadcast %add3A_1014 : i32 to vector<16xi32>
      %add3A_1016 = arith.addi %iota3A, %add3A_1015 : vector<16xi32>
      tpu.vector_store_idx %arg10[%get3A_1013], %add3A_1016 : memref<512xi32, #tpu.memory_space<vmem>>[vector<16xi32>], vector<16xi32>,
      %get3A_1017 = arith.constant 336 : index
      %get3A_1018 = tpu.vector_load %arg7[%get3A_1017] {strides = array<i32>} : memref<512xf32, #tpu.memory_space<vmem>>, vector<16xf32>,
      tpu.vector_store_idx %arg11[%get3A_1013], %get3A_1018 : memref<512xf32, #tpu.memory_space<vmem>>[vector<16xi32>], vector<16xf32>,
      %get3A_1019 = arith.constant 352 : index
      %get3A_1020 = tpu.vector_load %arg9[%get3A_1019] {strides = array<i32>} : memref<512xi32, #tpu.memory_space<vmem>>, vector<16xi32>,
      %add3A_1021 = arith.constant 352 : i32
      %add3A_1022 = vector.broadcast %add3A_1021 : i32 to vector<16xi32>
      %add3A_1023 = arith.addi %iota3A, %add3A_1022 : vector<16xi32>
      tpu.vector_store_idx %arg10[%get3A_1020], %add3A_1023 : memref<512xi32, #tpu.memory_space<vmem>>[vector<16xi32>], vector<16xi32>,
      %get3A_1024 = arith.constant 352 : index
      %get3A_1025 = tpu.vector_load %arg7[%get3A_1024] {strides = array<i32>} : memref<512xf32, #tpu.memory_space<vmem>>, vector<16xf32>,
      tpu.vector_store_idx %arg11[%get3A_1020], %get3A_1025 : memref<512xf32, #tpu.memory_space<vmem>>[vector<16xi32>], vector<16xf32>,
      %get3A_1026 = arith.constant 368 : index
      %get3A_1027 = tpu.vector_load %arg9[%get3A_1026] {strides = array<i32>} : memref<512xi32, #tpu.memory_space<vmem>>, vector<16xi32>,
      %add3A_1028 = arith.constant 368 : i32
      %add3A_1029 = vector.broadcast %add3A_1028 : i32 to vector<16xi32>
      %add3A_1030 = arith.addi %iota3A, %add3A_1029 : vector<16xi32>
      tpu.vector_store_idx %arg10[%get3A_1027], %add3A_1030 : memref<512xi32, #tpu.memory_space<vmem>>[vector<16xi32>], vector<16xi32>,
      %get3A_1031 = arith.constant 368 : index
      %get3A_1032 = tpu.vector_load %arg7[%get3A_1031] {strides = array<i32>} : memref<512xf32, #tpu.memory_space<vmem>>, vector<16xf32>,
      tpu.vector_store_idx %arg11[%get3A_1027], %get3A_1032 : memref<512xf32, #tpu.memory_space<vmem>>[vector<16xi32>], vector<16xf32>,
      %get3A_1033 = arith.constant 384 : index
      %get3A_1034 = tpu.vector_load %arg9[%get3A_1033] {strides = array<i32>} : memref<512xi32, #tpu.memory_space<vmem>>, vector<16xi32>,
      %add3A_1035 = arith.constant 384 : i32
      %add3A_1036 = vector.broadcast %add3A_1035 : i32 to vector<16xi32>
      %add3A_1037 = arith.addi %iota3A, %add3A_1036 : vector<16xi32>
      tpu.vector_store_idx %arg10[%get3A_1034], %add3A_1037 : memref<512xi32, #tpu.memory_space<vmem>>[vector<16xi32>], vector<16xi32>,
      %get3A_1038 = arith.constant 384 : index
      %get3A_1039 = tpu.vector_load %arg7[%get3A_1038] {strides = array<i32>} : memref<512xf32, #tpu.memory_space<vmem>>, vector<16xf32>,
      tpu.vector_store_idx %arg11[%get3A_1034], %get3A_1039 : memref<512xf32, #tpu.memory_space<vmem>>[vector<16xi32>], vector<16xf32>,
      %get3A_1040 = arith.constant 400 : index
      %get3A_1041 = tpu.vector_load %arg9[%get3A_1040] {strides = array<i32>} : memref<512xi32, #tpu.memory_space<vmem>>, vector<16xi32>,
      %add3A_1042 = arith.constant 400 : i32
      %add3A_1043 = vector.broadcast %add3A_1042 : i32 to vector<16xi32>
      %add3A_1044 = arith.addi %iota3A, %add3A_1043 : vector<16xi32>
      tpu.vector_store_idx %arg10[%get3A_1041], %add3A_1044 : memref<512xi32, #tpu.memory_space<vmem>>[vector<16xi32>], vector<16xi32>,
      %get3A_1045 = arith.constant 400 : index
      %get3A_1046 = tpu.vector_load %arg7[%get3A_1045] {strides = array<i32>} : memref<512xf32, #tpu.memory_space<vmem>>, vector<16xf32>,
      tpu.vector_store_idx %arg11[%get3A_1041], %get3A_1046 : memref<512xf32, #tpu.memory_space<vmem>>[vector<16xi32>], vector<16xf32>,
      %get3A_1047 = arith.constant 416 : index
      %get3A_1048 = tpu.vector_load %arg9[%get3A_1047] {strides = array<i32>} : memref<512xi32, #tpu.memory_space<vmem>>, vector<16xi32>,
      %add3A_1049 = arith.constant 416 : i32
      %add3A_1050 = vector.broadcast %add3A_1049 : i32 to vector<16xi32>
      %add3A_1051 = arith.addi %iota3A, %add3A_1050 : vector<16xi32>
      tpu.vector_store_idx %arg10[%get3A_1048], %add3A_1051 : memref<512xi32, #tpu.memory_space<vmem>>[vector<16xi32>], vector<16xi32>,
      %get3A_1052 = arith.constant 416 : index
      %get3A_1053 = tpu.vector_load %arg7[%get3A_1052] {strides = array<i32>} : memref<512xf32, #tpu.memory_space<vmem>>, vector<16xf32>,
      tpu.vector_store_idx %arg11[%get3A_1048], %get3A_1053 : memref<512xf32, #tpu.memory_space<vmem>>[vector<16xi32>], vector<16xf32>,
      %get3A_1054 = arith.constant 432 : index
      %get3A_1055 = tpu.vector_load %arg9[%get3A_1054] {strides = array<i32>} : memref<512xi32, #tpu.memory_space<vmem>>, vector<16xi32>,
      %add3A_1056 = arith.constant 432 : i32
      %add3A_1057 = vector.broadcast %add3A_1056 : i32 to vector<16xi32>
      %add3A_1058 = arith.addi %iota3A, %add3A_1057 : vector<16xi32>
      tpu.vector_store_idx %arg10[%get3A_1055], %add3A_1058 : memref<512xi32, #tpu.memory_space<vmem>>[vector<16xi32>], vector<16xi32>,
      %get3A_1059 = arith.constant 432 : index
      %get3A_1060 = tpu.vector_load %arg7[%get3A_1059] {strides = array<i32>} : memref<512xf32, #tpu.memory_space<vmem>>, vector<16xf32>,
      tpu.vector_store_idx %arg11[%get3A_1055], %get3A_1060 : memref<512xf32, #tpu.memory_space<vmem>>[vector<16xi32>], vector<16xf32>,
      %get3A_1061 = arith.constant 448 : index
      %get3A_1062 = tpu.vector_load %arg9[%get3A_1061] {strides = array<i32>} : memref<512xi32, #tpu.memory_space<vmem>>, vector<16xi32>,
      %add3A_1063 = arith.constant 448 : i32
      %add3A_1064 = vector.broadcast %add3A_1063 : i32 to vector<16xi32>
      %add3A_1065 = arith.addi %iota3A, %add3A_1064 : vector<16xi32>
      tpu.vector_store_idx %arg10[%get3A_1062], %add3A_1065 : memref<512xi32, #tpu.memory_space<vmem>>[vector<16xi32>], vector<16xi32>,
      %get3A_1066 = arith.constant 448 : index
      %get3A_1067 = tpu.vector_load %arg7[%get3A_1066] {strides = array<i32>} : memref<512xf32, #tpu.memory_space<vmem>>, vector<16xf32>,
      tpu.vector_store_idx %arg11[%get3A_1062], %get3A_1067 : memref<512xf32, #tpu.memory_space<vmem>>[vector<16xi32>], vector<16xf32>,
      %get3A_1068 = arith.constant 464 : index
      %get3A_1069 = tpu.vector_load %arg9[%get3A_1068] {strides = array<i32>} : memref<512xi32, #tpu.memory_space<vmem>>, vector<16xi32>,
      %add3A_1070 = arith.constant 464 : i32
      %add3A_1071 = vector.broadcast %add3A_1070 : i32 to vector<16xi32>
      %add3A_1072 = arith.addi %iota3A, %add3A_1071 : vector<16xi32>
      tpu.vector_store_idx %arg10[%get3A_1069], %add3A_1072 : memref<512xi32, #tpu.memory_space<vmem>>[vector<16xi32>], vector<16xi32>,
      %get3A_1073 = arith.constant 464 : index
      %get3A_1074 = tpu.vector_load %arg7[%get3A_1073] {strides = array<i32>} : memref<512xf32, #tpu.memory_space<vmem>>, vector<16xf32>,
      tpu.vector_store_idx %arg11[%get3A_1069], %get3A_1074 : memref<512xf32, #tpu.memory_space<vmem>>[vector<16xi32>], vector<16xf32>,
      %get3A_1075 = arith.constant 480 : index
      %get3A_1076 = tpu.vector_load %arg9[%get3A_1075] {strides = array<i32>} : memref<512xi32, #tpu.memory_space<vmem>>, vector<16xi32>,
      %add3A_1077 = arith.constant 480 : i32
      %add3A_1078 = vector.broadcast %add3A_1077 : i32 to vector<16xi32>
      %add3A_1079 = arith.addi %iota3A, %add3A_1078 : vector<16xi32>
      tpu.vector_store_idx %arg10[%get3A_1076], %add3A_1079 : memref<512xi32, #tpu.memory_space<vmem>>[vector<16xi32>], vector<16xi32>,
      %get3A_1080 = arith.constant 480 : index
      %get3A_1081 = tpu.vector_load %arg7[%get3A_1080] {strides = array<i32>} : memref<512xf32, #tpu.memory_space<vmem>>, vector<16xf32>,
      tpu.vector_store_idx %arg11[%get3A_1076], %get3A_1081 : memref<512xf32, #tpu.memory_space<vmem>>[vector<16xi32>], vector<16xf32>,
      %get3A_1082 = arith.constant 496 : index
      %get3A_1083 = tpu.vector_load %arg9[%get3A_1082] {strides = array<i32>} : memref<512xi32, #tpu.memory_space<vmem>>, vector<16xi32>,
      %add3A_1084 = arith.constant 496 : i32
      %add3A_1085 = vector.broadcast %add3A_1084 : i32 to vector<16xi32>
      %add3A_1086 = arith.addi %iota3A, %add3A_1085 : vector<16xi32>
      tpu.vector_store_idx %arg10[%get3A_1083], %add3A_1086 : memref<512xi32, #tpu.memory_space<vmem>>[vector<16xi32>], vector<16xi32>,
      %get3A_1087 = arith.constant 496 : index
      %get3A_1088 = tpu.vector_load %arg7[%get3A_1087] {strides = array<i32>} : memref<512xf32, #tpu.memory_space<vmem>>, vector<16xf32>,
      tpu.vector_store_idx %arg11[%get3A_1083], %get3A_1088 : memref<512xf32, #tpu.memory_space<vmem>>[vector<16xi32>], vector<16xf32>,
      %get3A_1089 = arith.constant 0 : index
      %get3A_1090 = tpu.vector_load %arg11[%get3A_1089] {strides = array<i32>} : memref<512xf32, #tpu.memory_space<vmem>>, vector<16xf32>,
      %add3A_1091 = arith.constant 1.000000e+00 : f32
      %add3A_1092 = vector.broadcast %add3A_1091 : f32 to vector<16xf32>
      %add3A_1093 = arith.addf %add3A_1092, %get3A_1090 : vector<16xf32>
      %sub3A_1094 = arith.subf %add3A_1093, %get3A_1090 : vector<16xf32>
      %swap3A_1095 = arith.constant 0 : index
      %swap3A_1096 = tpu.vector_load %arg12[%swap3A_1095] {strides = array<i32>} : memref<512xf32, #tpu.memory_space<vmem>>, vector<16xf32>,
      tpu.vector_store %arg12[%swap3A_1095], %sub3A_1094 {strides = array<i32>} : memref<512xf32, #tpu.memory_space<vmem>>, vector<16xf32>,
      %get3A_1097 = arith.constant 16 : index
      %get3A_1098 = tpu.vector_load %arg11[%get3A_1097] {strides = array<i32>} : memref<512xf32, #tpu.memory_space<vmem>>, vector<16xf32>,
      %add3A_1099 = arith.constant 1.000000e+00 : f32
      %add3A_1100 = vector.broadcast %add3A_1099 : f32 to vector<16xf32>
      %add3A_1101 = arith.addf %add3A_1100, %get3A_1098 : vector<16xf32>
      %sub3A_1102 = arith.subf %add3A_1101, %get3A_1098 : vector<16xf32>
      %swap3A_1103 = arith.constant 16 : index
      %swap3A_1104 = tpu.vector_load %arg12[%swap3A_1103] {strides = array<i32>} : memref<512xf32, #tpu.memory_space<vmem>>, vector<16xf32>,
      tpu.vector_store %arg12[%swap3A_1103], %sub3A_1102 {strides = array<i32>} : memref<512xf32, #tpu.memory_space<vmem>>, vector<16xf32>,
      %get3A_1105 = arith.constant 32 : index
      %get3A_1106 = tpu.vector_load %arg11[%get3A_1105] {strides = array<i32>} : memref<512xf32, #tpu.memory_space<vmem>>, vector<16xf32>,
      %add3A_1107 = arith.constant 1.000000e+00 : f32
      %add3A_1108 = vector.broadcast %add3A_1107 : f32 to vector<16xf32>
      %add3A_1109 = arith.addf %add3A_1108, %get3A_1106 : vector<16xf32>
      %sub3A_1110 = arith.subf %add3A_1109, %get3A_1106 : vector<16xf32>
      %swap3A_1111 = arith.constant 32 : index
      %swap3A_1112 = tpu.vector_load %arg12[%swap3A_1111] {strides = array<i32>} : memref<512xf32, #tpu.memory_space<vmem>>, vector<16xf32>,
      tpu.vector_store %arg12[%swap3A_1111], %sub3A_1110 {strides = array<i32>} : memref<512xf32, #tpu.memory_space<vmem>>, vector<16xf32>,
      %get3A_1113 = arith.constant 48 : index
      %get3A_1114 = tpu.vector_load %arg11[%get3A_1113] {strides = array<i32>} : memref<512xf32, #tpu.memory_space<vmem>>, vector<16xf32>,
      %add3A_1115 = arith.constant 1.000000e+00 : f32
      %add3A_1116 = vector.broadcast %add3A_1115 : f32 to vector<16xf32>
      %add3A_1117 = arith.addf %add3A_1116, %get3A_1114 : vector<16xf32>
      %sub3A_1118 = arith.subf %add3A_1117, %get3A_1114 : vector<16xf32>
      %swap3A_1119 = arith.constant 48 : index
      %swap3A_1120 = tpu.vector_load %arg12[%swap3A_1119] {strides = array<i32>} : memref<512xf32, #tpu.memory_space<vmem>>, vector<16xf32>,
      tpu.vector_store %arg12[%swap3A_1119], %sub3A_1118 {strides = array<i32>} : memref<512xf32, #tpu.memory_space<vmem>>, vector<16xf32>,
      %get3A_1121 = arith.constant 64 : index
      %get3A_1122 = tpu.vector_load %arg11[%get3A_1121] {strides = array<i32>} : memref<512xf32, #tpu.memory_space<vmem>>, vector<16xf32>,
      %sub3A_1123 = arith.constant 1.000000e+00 : f32
      %sub3A_1124 = vector.broadcast %sub3A_1123 : f32 to vector<16xf32>
      %sub3A_1125 = arith.subf %sub3A_1124, %get3A_1122 : vector<16xf32>
      %add3A_1126 = arith.constant 1.000000e+00 : f32
      %add3A_1127 = vector.broadcast %add3A_1126 : f32 to vector<16xf32>
      %add3A_1128 = arith.addf %add3A_1127, %sub3A_1125 : vector<16xf32>
      %sub3A_1129 = arith.subf %add3A_1128, %sub3A_1125 : vector<16xf32>
      %swap3A_1130 = arith.constant 64 : index
      %swap3A_1131 = tpu.vector_load %arg12[%swap3A_1130] {strides = array<i32>} : memref<512xf32, #tpu.memory_space<vmem>>, vector<16xf32>,
      tpu.vector_store %arg12[%swap3A_1130], %sub3A_1129 {strides = array<i32>} : memref<512xf32, #tpu.memory_space<vmem>>, vector<16xf32>,
      %get3A_1132 = arith.constant 80 : index
      %get3A_1133 = tpu.vector_load %arg11[%get3A_1132] {strides = array<i32>} : memref<512xf32, #tpu.memory_space<vmem>>, vector<16xf32>,
      %sub3A_1134 = arith.constant 1.000000e+00 : f32
      %sub3A_1135 = vector.broadcast %sub3A_1134 : f32 to vector<16xf32>
      %sub3A_1136 = arith.subf %sub3A_1135, %get3A_1133 : vector<16xf32>
      %add3A_1137 = arith.constant 1.000000e+00 : f32
      %add3A_1138 = vector.broadcast %add3A_1137 : f32 to vector<16xf32>
      %add3A_1139 = arith.addf %add3A_1138, %sub3A_1136 : vector<16xf32>
      %sub3A_1140 = arith.subf %add3A_1139, %sub3A_1136 : vector<16xf32>
      %swap3A_1141 = arith.constant 80 : index
      %swap3A_1142 = tpu.vector_load %arg12[%swap3A_1141] {strides = array<i32>} : memref<512xf32, #tpu.memory_space<vmem>>, vector<16xf32>,
      tpu.vector_store %arg12[%swap3A_1141], %sub3A_1140 {strides = array<i32>} : memref<512xf32, #tpu.memory_space<vmem>>, vector<16xf32>,
      %get3A_1143 = arith.constant 96 : index
      %get3A_1144 = tpu.vector_load %arg11[%get3A_1143] {strides = array<i32>} : memref<512xf32, #tpu.memory_space<vmem>>, vector<16xf32>,
      %sub3A_1145 = arith.constant 1.000000e+00 : f32
      %sub3A_1146 = vector.broadcast %sub3A_1145 : f32 to vector<16xf32>
      %sub3A_1147 = arith.subf %sub3A_1146, %get3A_1144 : vector<16xf32>
      %add3A_1148 = arith.constant 1.000000e+00 : f32
      %add3A_1149 = vector.broadcast %add3A_1148 : f32 to vector<16xf32>
      %add3A_1150 = arith.addf %add3A_1149, %sub3A_1147 : vector<16xf32>
      %sub3A_1151 = arith.subf %add3A_1150, %sub3A_1147 : vector<16xf32>
      %swap3A_1152 = arith.constant 96 : index
      %swap3A_1153 = tpu.vector_load %arg12[%swap3A_1152] {strides = array<i32>} : memref<512xf32, #tpu.memory_space<vmem>>, vector<16xf32>,
      tpu.vector_store %arg12[%swap3A_1152], %sub3A_1151 {strides = array<i32>} : memref<512xf32, #tpu.memory_space<vmem>>, vector<16xf32>,
      %get3A_1154 = arith.constant 112 : index
      %get3A_1155 = tpu.vector_load %arg11[%get3A_1154] {strides = array<i32>} : memref<512xf32, #tpu.memory_space<vmem>>, vector<16xf32>,
      %sub3A_1156 = arith.constant 1.000000e+00 : f32
      %sub3A_1157 = vector.broadcast %sub3A_1156 : f32 to vector<16xf32>
      %sub3A_1158 = arith.subf %sub3A_1157, %get3A_1155 : vector<16xf32>
      %add3A_1159 = arith.constant 1.000000e+00 : f32
      %add3A_1160 = vector.broadcast %add3A_1159 : f32 to vector<16xf32>
      %add3A_1161 = arith.addf %add3A_1160, %sub3A_1158 : vector<16xf32>
      %sub3A_1162 = arith.subf %add3A_1161, %sub3A_1158 : vector<16xf32>
      %swap3A_1163 = arith.constant 112 : index
      %swap3A_1164 = tpu.vector_load %arg12[%swap3A_1163] {strides = array<i32>} : memref<512xf32, #tpu.memory_space<vmem>>, vector<16xf32>,
      tpu.vector_store %arg12[%swap3A_1163], %sub3A_1162 {strides = array<i32>} : memref<512xf32, #tpu.memory_space<vmem>>, vector<16xf32>,
      %get3A_1165 = arith.constant 128 : index
      %get3A_1166 = tpu.vector_load %arg11[%get3A_1165] {strides = array<i32>} : memref<512xf32, #tpu.memory_space<vmem>>, vector<16xf32>,
      %sub3A_1167 = arith.constant 1.000000e+00 : f32
      %sub3A_1168 = vector.broadcast %sub3A_1167 : f32 to vector<16xf32>
      %sub3A_1169 = arith.subf %sub3A_1168, %get3A_1166 : vector<16xf32>
      %add3A_1170 = arith.constant 1.000000e+00 : f32
      %add3A_1171 = vector.broadcast %add3A_1170 : f32 to vector<16xf32>
      %add3A_1172 = arith.addf %add3A_1171, %sub3A_1169 : vector<16xf32>
      %sub3A_1173 = arith.subf %add3A_1172, %sub3A_1169 : vector<16xf32>
      %swap3A_1174 = arith.constant 128 : index
      %swap3A_1175 = tpu.vector_load %arg12[%swap3A_1174] {strides = array<i32>} : memref<512xf32, #tpu.memory_space<vmem>>, vector<16xf32>,
      tpu.vector_store %arg12[%swap3A_1174], %sub3A_1173 {strides = array<i32>} : memref<512xf32, #tpu.memory_space<vmem>>, vector<16xf32>,
      %get3A_1176 = arith.constant 144 : index
      %get3A_1177 = tpu.vector_load %arg11[%get3A_1176] {strides = array<i32>} : memref<512xf32, #tpu.memory_space<vmem>>, vector<16xf32>,
      %sub3A_1178 = arith.constant 1.000000e+00 : f32
      %sub3A_1179 = vector.broadcast %sub3A_1178 : f32 to vector<16xf32>
      %sub3A_1180 = arith.subf %sub3A_1179, %get3A_1177 : vector<16xf32>
      %add3A_1181 = arith.constant 1.000000e+00 : f32
      %add3A_1182 = vector.broadcast %add3A_1181 : f32 to vector<16xf32>
      %add3A_1183 = arith.addf %add3A_1182, %sub3A_1180 : vector<16xf32>
      %sub3A_1184 = arith.subf %add3A_1183, %sub3A_1180 : vector<16xf32>
      %swap3A_1185 = arith.constant 144 : index
      %swap3A_1186 = tpu.vector_load %arg12[%swap3A_1185] {strides = array<i32>} : memref<512xf32, #tpu.memory_space<vmem>>, vector<16xf32>,
      tpu.vector_store %arg12[%swap3A_1185], %sub3A_1184 {strides = array<i32>} : memref<512xf32, #tpu.memory_space<vmem>>, vector<16xf32>,
      %get3A_1187 = arith.constant 160 : index
      %get3A_1188 = tpu.vector_load %arg11[%get3A_1187] {strides = array<i32>} : memref<512xf32, #tpu.memory_space<vmem>>, vector<16xf32>,
      %sub3A_1189 = arith.constant 1.000000e+00 : f32
      %sub3A_1190 = vector.broadcast %sub3A_1189 : f32 to vector<16xf32>
      %sub3A_1191 = arith.subf %sub3A_1190, %get3A_1188 : vector<16xf32>
      %add3A_1192 = arith.constant 1.000000e+00 : f32
      %add3A_1193 = vector.broadcast %add3A_1192 : f32 to vector<16xf32>
      %add3A_1194 = arith.addf %add3A_1193, %sub3A_1191 : vector<16xf32>
      %sub3A_1195 = arith.subf %add3A_1194, %sub3A_1191 : vector<16xf32>
      %swap3A_1196 = arith.constant 160 : index
      %swap3A_1197 = tpu.vector_load %arg12[%swap3A_1196] {strides = array<i32>} : memref<512xf32, #tpu.memory_space<vmem>>, vector<16xf32>,
      tpu.vector_store %arg12[%swap3A_1196], %sub3A_1195 {strides = array<i32>} : memref<512xf32, #tpu.memory_space<vmem>>, vector<16xf32>,
      %get3A_1198 = arith.constant 176 : index
      %get3A_1199 = tpu.vector_load %arg11[%get3A_1198] {strides = array<i32>} : memref<512xf32, #tpu.memory_space<vmem>>, vector<16xf32>,
      %sub3A_1200 = arith.constant 1.000000e+00 : f32
      %sub3A_1201 = vector.broadcast %sub3A_1200 : f32 to vector<16xf32>
      %sub3A_1202 = arith.subf %sub3A_1201, %get3A_1199 : vector<16xf32>
      %add3A_1203 = arith.constant 1.000000e+00 : f32
      %add3A_1204 = vector.broadcast %add3A_1203 : f32 to vector<16xf32>
      %add3A_1205 = arith.addf %add3A_1204, %sub3A_1202 : vector<16xf32>
      %sub3A_1206 = arith.subf %add3A_1205, %sub3A_1202 : vector<16xf32>
      %swap3A_1207 = arith.constant 176 : index
      %swap3A_1208 = tpu.vector_load %arg12[%swap3A_1207] {strides = array<i32>} : memref<512xf32, #tpu.memory_space<vmem>>, vector<16xf32>,
      tpu.vector_store %arg12[%swap3A_1207], %sub3A_1206 {strides = array<i32>} : memref<512xf32, #tpu.memory_space<vmem>>, vector<16xf32>,
      %get3A_1209 = arith.constant 192 : index
      %get3A_1210 = tpu.vector_load %arg11[%get3A_1209] {strides = array<i32>} : memref<512xf32, #tpu.memory_space<vmem>>, vector<16xf32>,
      %sub3A_1211 = arith.constant 1.000000e+00 : f32
      %sub3A_1212 = vector.broadcast %sub3A_1211 : f32 to vector<16xf32>
      %sub3A_1213 = arith.subf %sub3A_1212, %get3A_1210 : vector<16xf32>
      %add3A_1214 = arith.constant 1.000000e+00 : f32
      %add3A_1215 = vector.broadcast %add3A_1214 : f32 to vector<16xf32>
      %add3A_1216 = arith.addf %add3A_1215, %sub3A_1213 : vector<16xf32>
      %sub3A_1217 = arith.subf %add3A_1216, %sub3A_1213 : vector<16xf32>
      %swap3A_1218 = arith.constant 192 : index
      %swap3A_1219 = tpu.vector_load %arg12[%swap3A_1218] {strides = array<i32>} : memref<512xf32, #tpu.memory_space<vmem>>, vector<16xf32>,
      tpu.vector_store %arg12[%swap3A_1218], %sub3A_1217 {strides = array<i32>} : memref<512xf32, #tpu.memory_space<vmem>>, vector<16xf32>,
      %get3A_1220 = arith.constant 208 : index
      %get3A_1221 = tpu.vector_load %arg11[%get3A_1220] {strides = array<i32>} : memref<512xf32, #tpu.memory_space<vmem>>, vector<16xf32>,
      %sub3A_1222 = arith.constant 1.000000e+00 : f32
      %sub3A_1223 = vector.broadcast %sub3A_1222 : f32 to vector<16xf32>
      %sub3A_1224 = arith.subf %sub3A_1223, %get3A_1221 : vector<16xf32>
      %add3A_1225 = arith.constant 1.000000e+00 : f32
      %add3A_1226 = vector.broadcast %add3A_1225 : f32 to vector<16xf32>
      %add3A_1227 = arith.addf %add3A_1226, %sub3A_1224 : vector<16xf32>
      %sub3A_1228 = arith.subf %add3A_1227, %sub3A_1224 : vector<16xf32>
      %swap3A_1229 = arith.constant 208 : index
      %swap3A_1230 = tpu.vector_load %arg12[%swap3A_1229] {strides = array<i32>} : memref<512xf32, #tpu.memory_space<vmem>>, vector<16xf32>,
      tpu.vector_store %arg12[%swap3A_1229], %sub3A_1228 {strides = array<i32>} : memref<512xf32, #tpu.memory_space<vmem>>, vector<16xf32>,
      %get3A_1231 = arith.constant 224 : index
      %get3A_1232 = tpu.vector_load %arg11[%get3A_1231] {strides = array<i32>} : memref<512xf32, #tpu.memory_space<vmem>>, vector<16xf32>,
      %sub3A_1233 = arith.constant 1.000000e+00 : f32
      %sub3A_1234 = vector.broadcast %sub3A_1233 : f32 to vector<16xf32>
      %sub3A_1235 = arith.subf %sub3A_1234, %get3A_1232 : vector<16xf32>
      %add3A_1236 = arith.constant 1.000000e+00 : f32
      %add3A_1237 = vector.broadcast %add3A_1236 : f32 to vector<16xf32>
      %add3A_1238 = arith.addf %add3A_1237, %sub3A_1235 : vector<16xf32>
      %sub3A_1239 = arith.subf %add3A_1238, %sub3A_1235 : vector<16xf32>
      %swap3A_1240 = arith.constant 224 : index
      %swap3A_1241 = tpu.vector_load %arg12[%swap3A_1240] {strides = array<i32>} : memref<512xf32, #tpu.memory_space<vmem>>, vector<16xf32>,
      tpu.vector_store %arg12[%swap3A_1240], %sub3A_1239 {strides = array<i32>} : memref<512xf32, #tpu.memory_space<vmem>>, vector<16xf32>,
      %get3A_1242 = arith.constant 240 : index
      %get3A_1243 = tpu.vector_load %arg11[%get3A_1242] {strides = array<i32>} : memref<512xf32, #tpu.memory_space<vmem>>, vector<16xf32>,
      %sub3A_1244 = arith.constant 1.000000e+00 : f32
      %sub3A_1245 = vector.broadcast %sub3A_1244 : f32 to vector<16xf32>
      %sub3A_1246 = arith.subf %sub3A_1245, %get3A_1243 : vector<16xf32>
      %add3A_1247 = arith.constant 1.000000e+00 : f32
      %add3A_1248 = vector.broadcast %add3A_1247 : f32 to vector<16xf32>
      %add3A_1249 = arith.addf %add3A_1248, %sub3A_1246 : vector<16xf32>
      %sub3A_1250 = arith.subf %add3A_1249, %sub3A_1246 : vector<16xf32>
      %swap3A_1251 = arith.constant 240 : index
      %swap3A_1252 = tpu.vector_load %arg12[%swap3A_1251] {strides = array<i32>} : memref<512xf32, #tpu.memory_space<vmem>>, vector<16xf32>,
      tpu.vector_store %arg12[%swap3A_1251], %sub3A_1250 {strides = array<i32>} : memref<512xf32, #tpu.memory_space<vmem>>, vector<16xf32>,
      %get3A_1253 = arith.constant 256 : index
      %get3A_1254 = tpu.vector_load %arg11[%get3A_1253] {strides = array<i32>} : memref<512xf32, #tpu.memory_space<vmem>>, vector<16xf32>,
      %sub3A_1255 = arith.constant 1.000000e+00 : f32
      %sub3A_1256 = vector.broadcast %sub3A_1255 : f32 to vector<16xf32>
      %sub3A_1257 = arith.subf %sub3A_1256, %get3A_1254 : vector<16xf32>
      %add3A_1258 = arith.constant 1.000000e+00 : f32
      %add3A_1259 = vector.broadcast %add3A_1258 : f32 to vector<16xf32>
      %add3A_1260 = arith.addf %add3A_1259, %sub3A_1257 : vector<16xf32>
      %sub3A_1261 = arith.subf %add3A_1260, %sub3A_1257 : vector<16xf32>
      %swap3A_1262 = arith.constant 256 : index
      %swap3A_1263 = tpu.vector_load %arg12[%swap3A_1262] {strides = array<i32>} : memref<512xf32, #tpu.memory_space<vmem>>, vector<16xf32>,
      tpu.vector_store %arg12[%swap3A_1262], %sub3A_1261 {strides = array<i32>} : memref<512xf32, #tpu.memory_space<vmem>>, vector<16xf32>,
      %get3A_1264 = arith.constant 272 : index
      %get3A_1265 = tpu.vector_load %arg11[%get3A_1264] {strides = array<i32>} : memref<512xf32, #tpu.memory_space<vmem>>, vector<16xf32>,
      %sub3A_1266 = arith.constant 1.000000e+00 : f32
      %sub3A_1267 = vector.broadcast %sub3A_1266 : f32 to vector<16xf32>
      %sub3A_1268 = arith.subf %sub3A_1267, %get3A_1265 : vector<16xf32>
      %add3A_1269 = arith.constant 1.000000e+00 : f32
      %add3A_1270 = vector.broadcast %add3A_1269 : f32 to vector<16xf32>
      %add3A_1271 = arith.addf %add3A_1270, %sub3A_1268 : vector<16xf32>
      %sub3A_1272 = arith.subf %add3A_1271, %sub3A_1268 : vector<16xf32>
      %swap3A_1273 = arith.constant 272 : index
      %swap3A_1274 = tpu.vector_load %arg12[%swap3A_1273] {strides = array<i32>} : memref<512xf32, #tpu.memory_space<vmem>>, vector<16xf32>,
      tpu.vector_store %arg12[%swap3A_1273], %sub3A_1272 {strides = array<i32>} : memref<512xf32, #tpu.memory_space<vmem>>, vector<16xf32>,
      %get3A_1275 = arith.constant 288 : index
      %get3A_1276 = tpu.vector_load %arg11[%get3A_1275] {strides = array<i32>} : memref<512xf32, #tpu.memory_space<vmem>>, vector<16xf32>,
      %sub3A_1277 = arith.constant 1.000000e+00 : f32
      %sub3A_1278 = vector.broadcast %sub3A_1277 : f32 to vector<16xf32>
      %sub3A_1279 = arith.subf %sub3A_1278, %get3A_1276 : vector<16xf32>
      %add3A_1280 = arith.constant 1.000000e+00 : f32
      %add3A_1281 = vector.broadcast %add3A_1280 : f32 to vector<16xf32>
      %add3A_1282 = arith.addf %add3A_1281, %sub3A_1279 : vector<16xf32>
      %sub3A_1283 = arith.subf %add3A_1282, %sub3A_1279 : vector<16xf32>
      %swap3A_1284 = arith.constant 288 : index
      %swap3A_1285 = tpu.vector_load %arg12[%swap3A_1284] {strides = array<i32>} : memref<512xf32, #tpu.memory_space<vmem>>, vector<16xf32>,
      tpu.vector_store %arg12[%swap3A_1284], %sub3A_1283 {strides = array<i32>} : memref<512xf32, #tpu.memory_space<vmem>>, vector<16xf32>,
      %get3A_1286 = arith.constant 304 : index
      %get3A_1287 = tpu.vector_load %arg11[%get3A_1286] {strides = array<i32>} : memref<512xf32, #tpu.memory_space<vmem>>, vector<16xf32>,
      %sub3A_1288 = arith.constant 1.000000e+00 : f32
      %sub3A_1289 = vector.broadcast %sub3A_1288 : f32 to vector<16xf32>
      %sub3A_1290 = arith.subf %sub3A_1289, %get3A_1287 : vector<16xf32>
      %add3A_1291 = arith.constant 1.000000e+00 : f32
      %add3A_1292 = vector.broadcast %add3A_1291 : f32 to vector<16xf32>
      %add3A_1293 = arith.addf %add3A_1292, %sub3A_1290 : vector<16xf32>
      %sub3A_1294 = arith.subf %add3A_1293, %sub3A_1290 : vector<16xf32>
      %swap3A_1295 = arith.constant 304 : index
      %swap3A_1296 = tpu.vector_load %arg12[%swap3A_1295] {strides = array<i32>} : memref<512xf32, #tpu.memory_space<vmem>>, vector<16xf32>,
      tpu.vector_store %arg12[%swap3A_1295], %sub3A_1294 {strides = array<i32>} : memref<512xf32, #tpu.memory_space<vmem>>, vector<16xf32>,
      %get3A_1297 = arith.constant 320 : index
      %get3A_1298 = tpu.vector_load %arg11[%get3A_1297] {strides = array<i32>} : memref<512xf32, #tpu.memory_space<vmem>>, vector<16xf32>,
      %sub3A_1299 = arith.constant 1.000000e+00 : f32
      %sub3A_1300 = vector.broadcast %sub3A_1299 : f32 to vector<16xf32>
      %sub3A_1301 = arith.subf %sub3A_1300, %get3A_1298 : vector<16xf32>
      %add3A_1302 = arith.constant 1.000000e+00 : f32
      %add3A_1303 = vector.broadcast %add3A_1302 : f32 to vector<16xf32>
      %add3A_1304 = arith.addf %add3A_1303, %sub3A_1301 : vector<16xf32>
      %sub3A_1305 = arith.subf %add3A_1304, %sub3A_1301 : vector<16xf32>
      %swap3A_1306 = arith.constant 320 : index
      %swap3A_1307 = tpu.vector_load %arg12[%swap3A_1306] {strides = array<i32>} : memref<512xf32, #tpu.memory_space<vmem>>, vector<16xf32>,
      tpu.vector_store %arg12[%swap3A_1306], %sub3A_1305 {strides = array<i32>} : memref<512xf32, #tpu.memory_space<vmem>>, vector<16xf32>,
      %get3A_1308 = arith.constant 336 : index
      %get3A_1309 = tpu.vector_load %arg11[%get3A_1308] {strides = array<i32>} : memref<512xf32, #tpu.memory_space<vmem>>, vector<16xf32>,
      %sub3A_1310 = arith.constant 1.000000e+00 : f32
      %sub3A_1311 = vector.broadcast %sub3A_1310 : f32 to vector<16xf32>
      %sub3A_1312 = arith.subf %sub3A_1311, %get3A_1309 : vector<16xf32>
      %add3A_1313 = arith.constant 1.000000e+00 : f32
      %add3A_1314 = vector.broadcast %add3A_1313 : f32 to vector<16xf32>
      %add3A_1315 = arith.addf %add3A_1314, %sub3A_1312 : vector<16xf32>
      %sub3A_1316 = arith.subf %add3A_1315, %sub3A_1312 : vector<16xf32>
      %swap3A_1317 = arith.constant 336 : index
      %swap3A_1318 = tpu.vector_load %arg12[%swap3A_1317] {strides = array<i32>} : memref<512xf32, #tpu.memory_space<vmem>>, vector<16xf32>,
      tpu.vector_store %arg12[%swap3A_1317], %sub3A_1316 {strides = array<i32>} : memref<512xf32, #tpu.memory_space<vmem>>, vector<16xf32>,
      %get3A_1319 = arith.constant 352 : index
      %get3A_1320 = tpu.vector_load %arg11[%get3A_1319] {strides = array<i32>} : memref<512xf32, #tpu.memory_space<vmem>>, vector<16xf32>,
      %sub3A_1321 = arith.constant 1.000000e+00 : f32
      %sub3A_1322 = vector.broadcast %sub3A_1321 : f32 to vector<16xf32>
      %sub3A_1323 = arith.subf %sub3A_1322, %get3A_1320 : vector<16xf32>
      %add3A_1324 = arith.constant 1.000000e+00 : f32
      %add3A_1325 = vector.broadcast %add3A_1324 : f32 to vector<16xf32>
      %add3A_1326 = arith.addf %add3A_1325, %sub3A_1323 : vector<16xf32>
      %sub3A_1327 = arith.subf %add3A_1326, %sub3A_1323 : vector<16xf32>
      %swap3A_1328 = arith.constant 352 : index
      %swap3A_1329 = tpu.vector_load %arg12[%swap3A_1328] {strides = array<i32>} : memref<512xf32, #tpu.memory_space<vmem>>, vector<16xf32>,
      tpu.vector_store %arg12[%swap3A_1328], %sub3A_1327 {strides = array<i32>} : memref<512xf32, #tpu.memory_space<vmem>>, vector<16xf32>,
      %get3A_1330 = arith.constant 368 : index
      %get3A_1331 = tpu.vector_load %arg11[%get3A_1330] {strides = array<i32>} : memref<512xf32, #tpu.memory_space<vmem>>, vector<16xf32>,
      %sub3A_1332 = arith.constant 1.000000e+00 : f32
      %sub3A_1333 = vector.broadcast %sub3A_1332 : f32 to vector<16xf32>
      %sub3A_1334 = arith.subf %sub3A_1333, %get3A_1331 : vector<16xf32>
      %add3A_1335 = arith.constant 1.000000e+00 : f32
      %add3A_1336 = vector.broadcast %add3A_1335 : f32 to vector<16xf32>
      %add3A_1337 = arith.addf %add3A_1336, %sub3A_1334 : vector<16xf32>
      %sub3A_1338 = arith.subf %add3A_1337, %sub3A_1334 : vector<16xf32>
      %swap3A_1339 = arith.constant 368 : index
      %swap3A_1340 = tpu.vector_load %arg12[%swap3A_1339] {strides = array<i32>} : memref<512xf32, #tpu.memory_space<vmem>>, vector<16xf32>,
      tpu.vector_store %arg12[%swap3A_1339], %sub3A_1338 {strides = array<i32>} : memref<512xf32, #tpu.memory_space<vmem>>, vector<16xf32>,
      %get3A_1341 = arith.constant 384 : index
      %get3A_1342 = tpu.vector_load %arg11[%get3A_1341] {strides = array<i32>} : memref<512xf32, #tpu.memory_space<vmem>>, vector<16xf32>,
      %sub3A_1343 = arith.constant 1.000000e+00 : f32
      %sub3A_1344 = vector.broadcast %sub3A_1343 : f32 to vector<16xf32>
      %sub3A_1345 = arith.subf %sub3A_1344, %get3A_1342 : vector<16xf32>
      %add3A_1346 = arith.constant 1.000000e+00 : f32
      %add3A_1347 = vector.broadcast %add3A_1346 : f32 to vector<16xf32>
      %add3A_1348 = arith.addf %add3A_1347, %sub3A_1345 : vector<16xf32>
      %sub3A_1349 = arith.subf %add3A_1348, %sub3A_1345 : vector<16xf32>
      %swap3A_1350 = arith.constant 384 : index
      %swap3A_1351 = tpu.vector_load %arg12[%swap3A_1350] {strides = array<i32>} : memref<512xf32, #tpu.memory_space<vmem>>, vector<16xf32>,
      tpu.vector_store %arg12[%swap3A_1350], %sub3A_1349 {strides = array<i32>} : memref<512xf32, #tpu.memory_space<vmem>>, vector<16xf32>,
      %get3A_1352 = arith.constant 400 : index
      %get3A_1353 = tpu.vector_load %arg11[%get3A_1352] {strides = array<i32>} : memref<512xf32, #tpu.memory_space<vmem>>, vector<16xf32>,
      %sub3A_1354 = arith.constant 1.000000e+00 : f32
      %sub3A_1355 = vector.broadcast %sub3A_1354 : f32 to vector<16xf32>
      %sub3A_1356 = arith.subf %sub3A_1355, %get3A_1353 : vector<16xf32>
      %add3A_1357 = arith.constant 1.000000e+00 : f32
      %add3A_1358 = vector.broadcast %add3A_1357 : f32 to vector<16xf32>
      %add3A_1359 = arith.addf %add3A_1358, %sub3A_1356 : vector<16xf32>
      %sub3A_1360 = arith.subf %add3A_1359, %sub3A_1356 : vector<16xf32>
      %swap3A_1361 = arith.constant 400 : index
      %swap3A_1362 = tpu.vector_load %arg12[%swap3A_1361] {strides = array<i32>} : memref<512xf32, #tpu.memory_space<vmem>>, vector<16xf32>,
      tpu.vector_store %arg12[%swap3A_1361], %sub3A_1360 {strides = array<i32>} : memref<512xf32, #tpu.memory_space<vmem>>, vector<16xf32>,
      %get3A_1363 = arith.constant 416 : index
      %get3A_1364 = tpu.vector_load %arg11[%get3A_1363] {strides = array<i32>} : memref<512xf32, #tpu.memory_space<vmem>>, vector<16xf32>,
      %sub3A_1365 = arith.constant 1.000000e+00 : f32
      %sub3A_1366 = vector.broadcast %sub3A_1365 : f32 to vector<16xf32>
      %sub3A_1367 = arith.subf %sub3A_1366, %get3A_1364 : vector<16xf32>
      %add3A_1368 = arith.constant 1.000000e+00 : f32
      %add3A_1369 = vector.broadcast %add3A_1368 : f32 to vector<16xf32>
      %add3A_1370 = arith.addf %add3A_1369, %sub3A_1367 : vector<16xf32>
      %sub3A_1371 = arith.subf %add3A_1370, %sub3A_1367 : vector<16xf32>
      %swap3A_1372 = arith.constant 416 : index
      %swap3A_1373 = tpu.vector_load %arg12[%swap3A_1372] {strides = array<i32>} : memref<512xf32, #tpu.memory_space<vmem>>, vector<16xf32>,
      tpu.vector_store %arg12[%swap3A_1372], %sub3A_1371 {strides = array<i32>} : memref<512xf32, #tpu.memory_space<vmem>>, vector<16xf32>,
      %get3A_1374 = arith.constant 432 : index
      %get3A_1375 = tpu.vector_load %arg11[%get3A_1374] {strides = array<i32>} : memref<512xf32, #tpu.memory_space<vmem>>, vector<16xf32>,
      %sub3A_1376 = arith.constant 1.000000e+00 : f32
      %sub3A_1377 = vector.broadcast %sub3A_1376 : f32 to vector<16xf32>
      %sub3A_1378 = arith.subf %sub3A_1377, %get3A_1375 : vector<16xf32>
      %add3A_1379 = arith.constant 1.000000e+00 : f32
      %add3A_1380 = vector.broadcast %add3A_1379 : f32 to vector<16xf32>
      %add3A_1381 = arith.addf %add3A_1380, %sub3A_1378 : vector<16xf32>
      %sub3A_1382 = arith.subf %add3A_1381, %sub3A_1378 : vector<16xf32>
      %swap3A_1383 = arith.constant 432 : index
      %swap3A_1384 = tpu.vector_load %arg12[%swap3A_1383] {strides = array<i32>} : memref<512xf32, #tpu.memory_space<vmem>>, vector<16xf32>,
      tpu.vector_store %arg12[%swap3A_1383], %sub3A_1382 {strides = array<i32>} : memref<512xf32, #tpu.memory_space<vmem>>, vector<16xf32>,
      %get3A_1385 = arith.constant 448 : index
      %get3A_1386 = tpu.vector_load %arg11[%get3A_1385] {strides = array<i32>} : memref<512xf32, #tpu.memory_space<vmem>>, vector<16xf32>,
      %sub3A_1387 = arith.constant 1.000000e+00 : f32
      %sub3A_1388 = vector.broadcast %sub3A_1387 : f32 to vector<16xf32>
      %sub3A_1389 = arith.subf %sub3A_1388, %get3A_1386 : vector<16xf32>
      %add3A_1390 = arith.constant 1.000000e+00 : f32
      %add3A_1391 = vector.broadcast %add3A_1390 : f32 to vector<16xf32>
      %add3A_1392 = arith.addf %add3A_1391, %sub3A_1389 : vector<16xf32>
      %sub3A_1393 = arith.subf %add3A_1392, %sub3A_1389 : vector<16xf32>
      %swap3A_1394 = arith.constant 448 : index
      %swap3A_1395 = tpu.vector_load %arg12[%swap3A_1394] {strides = array<i32>} : memref<512xf32, #tpu.memory_space<vmem>>, vector<16xf32>,
      tpu.vector_store %arg12[%swap3A_1394], %sub3A_1393 {strides = array<i32>} : memref<512xf32, #tpu.memory_space<vmem>>, vector<16xf32>,
      %get3A_1396 = arith.constant 464 : index
      %get3A_1397 = tpu.vector_load %arg11[%get3A_1396] {strides = array<i32>} : memref<512xf32, #tpu.memory_space<vmem>>, vector<16xf32>,
      %sub3A_1398 = arith.constant 1.000000e+00 : f32
      %sub3A_1399 = vector.broadcast %sub3A_1398 : f32 to vector<16xf32>
      %sub3A_1400 = arith.subf %sub3A_1399, %get3A_1397 : vector<16xf32>
      %add3A_1401 = arith.constant 1.000000e+00 : f32
      %add3A_1402 = vector.broadcast %add3A_1401 : f32 to vector<16xf32>
      %add3A_1403 = arith.addf %add3A_1402, %sub3A_1400 : vector<16xf32>
      %sub3A_1404 = arith.subf %add3A_1403, %sub3A_1400 : vector<16xf32>
      %swap3A_1405 = arith.constant 464 : index
      %swap3A_1406 = tpu.vector_load %arg12[%swap3A_1405] {strides = array<i32>} : memref<512xf32, #tpu.memory_space<vmem>>, vector<16xf32>,
      tpu.vector_store %arg12[%swap3A_1405], %sub3A_1404 {strides = array<i32>} : memref<512xf32, #tpu.memory_space<vmem>>, vector<16xf32>,
      %get3A_1407 = arith.constant 480 : index
      %get3A_1408 = tpu.vector_load %arg11[%get3A_1407] {strides = array<i32>} : memref<512xf32, #tpu.memory_space<vmem>>, vector<16xf32>,
      %sub3A_1409 = arith.constant 1.000000e+00 : f32
      %sub3A_1410 = vector.broadcast %sub3A_1409 : f32 to vector<16xf32>
      %sub3A_1411 = arith.subf %sub3A_1410, %get3A_1408 : vector<16xf32>
      %add3A_1412 = arith.constant 1.000000e+00 : f32
      %add3A_1413 = vector.broadcast %add3A_1412 : f32 to vector<16xf32>
      %add3A_1414 = arith.addf %add3A_1413, %sub3A_1411 : vector<16xf32>
      %sub3A_1415 = arith.subf %add3A_1414, %sub3A_1411 : vector<16xf32>
      %swap3A_1416 = arith.constant 480 : index
      %swap3A_1417 = tpu.vector_load %arg12[%swap3A_1416] {strides = array<i32>} : memref<512xf32, #tpu.memory_space<vmem>>, vector<16xf32>,
      tpu.vector_store %arg12[%swap3A_1416], %sub3A_1415 {strides = array<i32>} : memref<512xf32, #tpu.memory_space<vmem>>, vector<16xf32>,
      %get3A_1418 = arith.constant 496 : index
      %get3A_1419 = tpu.vector_load %arg11[%get3A_1418] {strides = array<i32>} : memref<512xf32, #tpu.memory_space<vmem>>, vector<16xf32>,
      %sub3A_1420 = arith.constant 1.000000e+00 : f32
      %sub3A_1421 = vector.broadcast %sub3A_1420 : f32 to vector<16xf32>
      %sub3A_1422 = arith.subf %sub3A_1421, %get3A_1419 : vector<16xf32>
      %add3A_1423 = arith.constant 1.000000e+00 : f32
      %add3A_1424 = vector.broadcast %add3A_1423 : f32 to vector<16xf32>
      %add3A_1425 = arith.addf %add3A_1424, %sub3A_1422 : vector<16xf32>
      %sub3A_1426 = arith.subf %add3A_1425, %sub3A_1422 : vector<16xf32>
      %swap3A_1427 = arith.constant 496 : index
      %swap3A_1428 = tpu.vector_load %arg12[%swap3A_1427] {strides = array<i32>} : memref<512xf32, #tpu.memory_space<vmem>>, vector<16xf32>,
      tpu.vector_store %arg12[%swap3A_1427], %sub3A_1426 {strides = array<i32>} : memref<512xf32, #tpu.memory_space<vmem>>, vector<16xf32>,
      "tpu.region"() ({
        %run_scoped3A = tpu.sem_alloc : memref<!tpu.dma_semaphore, #tpu.memory_space<semaphore_mem>>
        %dma_start3A = arith.constant 0 : i32
        %dma_start3A_1429 = tpu.memref_slice %arg4[%add3A, %dma_start3A] : memref<4x512xi32, #tpu.memory_space<hbm>> -> memref<1x512xi32, #tpu.memory_space<hbm>>
        %dma_start3A_1430 = tpu.memref_squeeze %dma_start3A_1429 : memref<1x512xi32, #tpu.memory_space<hbm>> -> memref<512xi32, #tpu.memory_space<hbm>>
        %dma_start3A_1431 = arith.constant 0 : i32
        %dma_start3A_1432 = tpu.memref_slice %arg4[%add3A, %dma_start3A_1431] : memref<4x512xi32, #tpu.memory_space<hbm>> -> memref<1x512xi32, #tpu.memory_space<hbm>>
        %dma_start3A_1433 = tpu.memref_squeeze %dma_start3A_1432 : memref<1x512xi32, #tpu.memory_space<hbm>> -> memref<512xi32, #tpu.memory_space<hbm>>
        tpu.enqueue_dma source(%arg10 : memref<512xi32, #tpu.memory_space<vmem>>) target(%dma_start3A_1433 : memref<512xi32, #tpu.memory_space<hbm>>) target_semaphore(%run_scoped3A : memref<!tpu.dma_semaphore, #tpu.memory_space<semaphore_mem>>)
        %dma_wait3A = arith.constant 0 : i32
        %dma_wait3A_1434 = tpu.memref_slice %arg4[%add3A, %dma_wait3A] : memref<4x512xi32, #tpu.memory_space<hbm>> -> memref<1x512xi32, #tpu.memory_space<hbm>>
        %dma_wait3A_1435 = tpu.memref_squeeze %dma_wait3A_1434 : memref<1x512xi32, #tpu.memory_space<hbm>> -> memref<512xi32, #tpu.memory_space<hbm>>
        %dma_wait3A_1436 = arith.constant 0 : i32
        %dma_wait3A_1437 = tpu.memref_slice %arg4[%add3A, %dma_wait3A_1436] : memref<4x512xi32, #tpu.memory_space<hbm>> -> memref<1x512xi32, #tpu.memory_space<hbm>>
        %dma_wait3A_1438 = tpu.memref_squeeze %dma_wait3A_1437 : memref<1x512xi32, #tpu.memory_space<hbm>> -> memref<512xi32, #tpu.memory_space<hbm>>
        tpu.wait_dma2 semaphore(%run_scoped3A : memref<!tpu.dma_semaphore, #tpu.memory_space<semaphore_mem>>) src(%arg10 : memref<512xi32, #tpu.memory_space<vmem>>) dst(%dma_wait3A_1438 : memref<512xi32, #tpu.memory_space<hbm>>)
        tpu.yield
      }) : () -> ()
      "tpu.region"() ({
        %run_scoped3A = tpu.sem_alloc : memref<!tpu.dma_semaphore, #tpu.memory_space<semaphore_mem>>
        %dma_start3A = arith.constant 0 : i32
        %dma_start3A_1429 = tpu.memref_slice %arg5[%add3A, %dma_start3A] : memref<4x512xf32, #tpu.memory_space<hbm>> -> memref<1x512xf32, #tpu.memory_space<hbm>>
        %dma_start3A_1430 = tpu.memref_squeeze %dma_start3A_1429 : memref<1x512xf32, #tpu.memory_space<hbm>> -> memref<512xf32, #tpu.memory_space<hbm>>
        %dma_start3A_1431 = arith.constant 0 : i32
        %dma_start3A_1432 = tpu.memref_slice %arg5[%add3A, %dma_start3A_1431] : memref<4x512xf32, #tpu.memory_space<hbm>> -> memref<1x512xf32, #tpu.memory_space<hbm>>
        %dma_start3A_1433 = tpu.memref_squeeze %dma_start3A_1432 : memref<1x512xf32, #tpu.memory_space<hbm>> -> memref<512xf32, #tpu.memory_space<hbm>>
        tpu.enqueue_dma source(%arg12 : memref<512xf32, #tpu.memory_space<vmem>>) target(%dma_start3A_1433 : memref<512xf32, #tpu.memory_space<hbm>>) target_semaphore(%run_scoped3A : memref<!tpu.dma_semaphore, #tpu.memory_space<semaphore_mem>>)
        %dma_wait3A = arith.constant 0 : i32
        %dma_wait3A_1434 = tpu.memref_slice %arg5[%add3A, %dma_wait3A] : memref<4x512xf32, #tpu.memory_space<hbm>> -> memref<1x512xf32, #tpu.memory_space<hbm>>
        %dma_wait3A_1435 = tpu.memref_squeeze %dma_wait3A_1434 : memref<1x512xf32, #tpu.memory_space<hbm>> -> memref<512xf32, #tpu.memory_space<hbm>>
        %dma_wait3A_1436 = arith.constant 0 : i32
        %dma_wait3A_1437 = tpu.memref_slice %arg5[%add3A, %dma_wait3A_1436] : memref<4x512xf32, #tpu.memory_space<hbm>> -> memref<1x512xf32, #tpu.memory_space<hbm>>
        %dma_wait3A_1438 = tpu.memref_squeeze %dma_wait3A_1437 : memref<1x512xf32, #tpu.memory_space<hbm>> -> memref<512xf32, #tpu.memory_space<hbm>>
        tpu.wait_dma2 semaphore(%run_scoped3A : memref<!tpu.dma_semaphore, #tpu.memory_space<semaphore_mem>>) src(%arg12 : memref<512xf32, #tpu.memory_space<vmem>>) dst(%dma_wait3A_1438 : memref<512xf32, #tpu.memory_space<hbm>>)
        tpu.yield
      }) : () -> ()
    } else {
    }
    return
  }
}

module attributes {stable_mosaic.version = 14 : i64} {
  func.func @_logits_body(%arg0: memref<256x768xf32, #tpu.memory_space<vmem>>, %arg1: memref<2048x768xf32, #tpu.memory_space<vmem>>, %arg2: memref<768x768xf32, #tpu.memory_space<vmem>>, %arg3: memref<768x768xf32, #tpu.memory_space<vmem>>, %arg4: memref<4x512xf32, #tpu.memory_space<vmem>>, %arg5: memref<4x512xf32, #tpu.memory_space<vmem>>) attributes {dimension_semantics = [], scalar_prefetch = 0 : i64, scratch_operands = 0 : i64, tpu.core_type = #tpu.core_type<tc>} {
    %get3A = arith.constant 0 : index
    %get3A_0 = arith.constant 0 : index
    %get3A_1 = vector.load %arg2[%get3A, %get3A_0] : memref<768x768xf32, #tpu.memory_space<vmem>>, vector<768x768xf32>
    %get3A_2 = arith.constant 0 : index
    %get3A_3 = arith.constant 0 : index
    %get3A_4 = vector.load %arg3[%get3A_2, %get3A_3] : memref<768x768xf32, #tpu.memory_space<vmem>>, vector<768x768xf32>
    %get3A_5 = arith.constant 0 : index
    %get3A_6 = arith.constant 0 : index
    %get3A_7 = vector.load %arg0[%get3A_5, %get3A_6] : memref<256x768xf32, #tpu.memory_space<vmem>>, vector<256x768xf32>
    %dot_general3A = arith.constant dense<0.000000e+00> : vector<256x768xf32>
    %dot_general3A_8 = tpu.matmul %get3A_7, %get3A_1, %dot_general3A {dimension_numbers = #tpu.dot_dimension_numbers<[1], [0], [0], [1], [0, 0, 1, 1], [], []>, transpose_lhs_hint = false} : vector<256x768xf32>, vector<768x768xf32>, vector<256x768xf32> -> vector<256x768xf32>
    %get3A_9 = arith.constant 0 : index
    %get3A_10 = arith.constant 0 : index
    %get3A_11 = vector.load %arg1[%get3A_9, %get3A_10] : memref<2048x768xf32, #tpu.memory_space<vmem>>, vector<2048x768xf32>
    %dot_general3A_12 = arith.constant dense<0.000000e+00> : vector<2048x768xf32>
    %dot_general3A_13 = tpu.matmul %get3A_11, %get3A_4, %dot_general3A_12 {dimension_numbers = #tpu.dot_dimension_numbers<[1], [0], [0], [1], [0, 0, 1, 1], [], []>, transpose_lhs_hint = false} : vector<2048x768xf32>, vector<768x768xf32>, vector<2048x768xf32> -> vector<2048x768xf32>
    %iota3A = tpu.iota {dimensions = array<i32: 0>} : vector<12x768xi32>
    %iota3A_14 = tpu.iota {dimensions = array<i32: 1>} : vector<12x768xi32>
    %jit3A = arith.constant 64 : i32
    %div3A = vector.broadcast %jit3A : i32 to vector<12x768xi32>
    %div3A_15 = arith.divsi %iota3A_14, %div3A : vector<12x768xi32>
    %sign3A = arith.constant 0 : i32
    %sign3A_16 = vector.broadcast %sign3A : i32 to vector<12x768xi32>
    %sign3A_17 = arith.cmpi sgt, %iota3A_14, %sign3A_16 : vector<12x768xi32>
    %sign3A_18 = arith.extui %sign3A_17 : vector<12x768xi1> to vector<12x768xi32>
    %sign3A_19 = arith.constant 0 : i32
    %sign3A_20 = vector.broadcast %sign3A_19 : i32 to vector<12x768xi32>
    %sign3A_21 = arith.cmpi slt, %iota3A_14, %sign3A_20 : vector<12x768xi32>
    %sign3A_22 = arith.extui %sign3A_21 : vector<12x768xi1> to vector<12x768xi32>
    %sign3A_23 = arith.subi %sign3A_18, %sign3A_22 : vector<12x768xi32>
    %sign3A_24 = arith.constant 0 : i32
    %sign3A_25 = arith.cmpi sgt, %jit3A, %sign3A_24 : i32
    %sign3A_26 = arith.extui %sign3A_25 : i1 to i32
    %sign3A_27 = arith.constant 0 : i32
    %sign3A_28 = arith.cmpi slt, %jit3A, %sign3A_27 : i32
    %sign3A_29 = arith.extui %sign3A_28 : i1 to i32
    %sign3A_30 = arith.subi %sign3A_26, %sign3A_29 : i32
    %ne3A = vector.broadcast %sign3A_30 : i32 to vector<12x768xi32>
    %ne3A_31 = arith.cmpi ne, %sign3A_23, %ne3A : vector<12x768xi32>
    %rem3A = vector.broadcast %jit3A : i32 to vector<12x768xi32>
    %rem3A_32 = arith.remsi %iota3A_14, %rem3A : vector<12x768xi32>
    %ne3A_33 = arith.constant 0 : i32
    %ne3A_34 = vector.broadcast %ne3A_33 : i32 to vector<12x768xi32>
    %ne3A_35 = arith.cmpi ne, %rem3A_32, %ne3A_34 : vector<12x768xi32>
    %and3A = arith.andi %ne3A_31, %ne3A_35 : vector<12x768xi1>
    %sub3A = arith.constant 1 : i32
    %sub3A_36 = vector.broadcast %sub3A : i32 to vector<12x768xi32>
    %sub3A_37 = arith.subi %div3A_15, %sub3A_36 : vector<12x768xi32>
    %select_n3A = arith.select %and3A, %sub3A_37, %div3A_15 : vector<12x768xi1>, vector<12x768xi32>
    %eq3A = arith.cmpi eq, %select_n3A, %iota3A : vector<12x768xi32>
    %convert_element_type3A = arith.extui %eq3A : vector<12x768xi1> to vector<12x768xi32>
    %convert_element_type3A_38 = arith.sitofp %convert_element_type3A : vector<12x768xi32> to vector<12x768xf32>
    %slice3A = vector.extract_strided_slice %dot_general3A_8 {offsets = [63, 0], sizes = [1, 768], strides = [1, 1]} : vector<256x768xf32> to vector<1x768xf32>
    %slice3A_39 = vector.extract_strided_slice %dot_general3A_13 {offsets = [0, 0], sizes = [512, 768], strides = [1, 1]} : vector<2048x768xf32> to vector<512x768xf32>
    %broadcast_in_dim3A = vector.shape_cast %slice3A : vector<1x768xf32> to vector<1x768xf32>
    %broadcast_in_dim3A_40 = vector.broadcast %broadcast_in_dim3A : vector<1x768xf32> to vector<12x768xf32>
    %mul3A = arith.mulf %broadcast_in_dim3A_40, %convert_element_type3A_38 : vector<12x768xf32>
    %dot_general3A_41 = arith.constant dense<0.000000e+00> : vector<12x512xf32>
    %dot_general3A_42 = tpu.matmul %mul3A, %slice3A_39, %dot_general3A_41 {dimension_numbers = #tpu.dot_dimension_numbers<[1], [1], [0], [0], [0, 0, 1, 0], [], []>, transpose_lhs_hint = false} : vector<12x768xf32>, vector<512x768xf32>, vector<12x512xf32> -> vector<12x512xf32>
    %sqrt3A = arith.constant 6.400000e+01 : f32
    %sqrt3A_43 = math.sqrt %sqrt3A : f32
    %div3A_44 = vector.broadcast %sqrt3A_43 : f32 to vector<12x512xf32>
    %div3A_45 = arith.divf %dot_general3A_42, %div3A_44 : vector<12x512xf32>
    %reduce_max3A = arith.constant dense<0xFF800000> : vector<12xf32>
    %reduce_max3A_46 = vector.multi_reduction <maximumf>, %div3A_45, %reduce_max3A [1] : vector<12x512xf32> to vector<12xf32>
    %max3A = arith.constant 0xFF800000 : f32
    %max3A_47 = vector.broadcast %max3A : f32 to vector<12xf32>
    %max3A_48 = arith.maximumf %max3A_47, %reduce_max3A_46 : vector<12xf32>
    %broadcast_in_dim3A_49 = vector.shape_cast %max3A_48 : vector<12xf32> to vector<12x1xf32>
    %sub3A_50 = vector.broadcast %broadcast_in_dim3A_49 : vector<12x1xf32> to vector<12x512xf32>
    %sub3A_51 = arith.subf %div3A_45, %sub3A_50 : vector<12x512xf32>
    %exp3A = math.exp %sub3A_51 : vector<12x512xf32>
    %reduce_sum3A = arith.constant dense<0.000000e+00> : vector<12xf32>
    %reduce_sum3A_52 = vector.multi_reduction <add>, %exp3A, %reduce_sum3A [1] : vector<12x512xf32> to vector<12xf32>
    %broadcast_in_dim3A_53 = vector.shape_cast %reduce_sum3A_52 : vector<12xf32> to vector<12x1xf32>
    %div3A_54 = vector.broadcast %broadcast_in_dim3A_53 : vector<12x1xf32> to vector<12x512xf32>
    %div3A_55 = arith.divf %exp3A, %div3A_54 : vector<12x512xf32>
    %slice3A_56 = vector.extract_strided_slice %div3A_55 {offsets = [0, 0], sizes = [1, 512], strides = [1, 1]} : vector<12x512xf32> to vector<1x512xf32>
    %slice3A_57 = vector.extract_strided_slice %div3A_55 {offsets = [1, 0], sizes = [1, 512], strides = [1, 1]} : vector<12x512xf32> to vector<1x512xf32>
    %add3A = arith.addf %slice3A_56, %slice3A_57 : vector<1x512xf32>
    %slice3A_58 = vector.extract_strided_slice %div3A_55 {offsets = [2, 0], sizes = [1, 512], strides = [1, 1]} : vector<12x512xf32> to vector<1x512xf32>
    %add3A_59 = arith.addf %add3A, %slice3A_58 : vector<1x512xf32>
    %slice3A_60 = vector.extract_strided_slice %div3A_55 {offsets = [3, 0], sizes = [1, 512], strides = [1, 1]} : vector<12x512xf32> to vector<1x512xf32>
    %add3A_61 = arith.addf %add3A_59, %slice3A_60 : vector<1x512xf32>
    %slice3A_62 = vector.extract_strided_slice %div3A_55 {offsets = [4, 0], sizes = [1, 512], strides = [1, 1]} : vector<12x512xf32> to vector<1x512xf32>
    %add3A_63 = arith.addf %add3A_61, %slice3A_62 : vector<1x512xf32>
    %slice3A_64 = vector.extract_strided_slice %div3A_55 {offsets = [5, 0], sizes = [1, 512], strides = [1, 1]} : vector<12x512xf32> to vector<1x512xf32>
    %add3A_65 = arith.addf %add3A_63, %slice3A_64 : vector<1x512xf32>
    %slice3A_66 = vector.extract_strided_slice %div3A_55 {offsets = [6, 0], sizes = [1, 512], strides = [1, 1]} : vector<12x512xf32> to vector<1x512xf32>
    %add3A_67 = arith.addf %add3A_65, %slice3A_66 : vector<1x512xf32>
    %slice3A_68 = vector.extract_strided_slice %div3A_55 {offsets = [7, 0], sizes = [1, 512], strides = [1, 1]} : vector<12x512xf32> to vector<1x512xf32>
    %add3A_69 = arith.addf %add3A_67, %slice3A_68 : vector<1x512xf32>
    %slice3A_70 = vector.extract_strided_slice %div3A_55 {offsets = [8, 0], sizes = [1, 512], strides = [1, 1]} : vector<12x512xf32> to vector<1x512xf32>
    %add3A_71 = arith.addf %add3A_69, %slice3A_70 : vector<1x512xf32>
    %slice3A_72 = vector.extract_strided_slice %div3A_55 {offsets = [9, 0], sizes = [1, 512], strides = [1, 1]} : vector<12x512xf32> to vector<1x512xf32>
    %add3A_73 = arith.addf %add3A_71, %slice3A_72 : vector<1x512xf32>
    %slice3A_74 = vector.extract_strided_slice %div3A_55 {offsets = [10, 0], sizes = [1, 512], strides = [1, 1]} : vector<12x512xf32> to vector<1x512xf32>
    %add3A_75 = arith.addf %add3A_73, %slice3A_74 : vector<1x512xf32>
    %slice3A_76 = vector.extract_strided_slice %div3A_55 {offsets = [11, 0], sizes = [1, 512], strides = [1, 1]} : vector<12x512xf32> to vector<1x512xf32>
    %add3A_77 = arith.addf %add3A_75, %slice3A_76 : vector<1x512xf32>
    %div3A_78 = arith.constant 1.200000e+01 : f32
    %div3A_79 = vector.broadcast %div3A_78 : f32 to vector<1x512xf32>
    %div3A_80 = arith.divf %add3A_77, %div3A_79 : vector<1x512xf32>
    %swap3A = arith.constant 0 : index
    %swap3A_81 = arith.constant 0 : index
    %swap3A_82 = vector.load %arg4[%swap3A, %swap3A_81] : memref<4x512xf32, #tpu.memory_space<vmem>>, vector<1x512xf32>
    tpu.vector_store %arg4[%swap3A, %swap3A_81], %div3A_80 {strides = array<i32>} : memref<4x512xf32, #tpu.memory_space<vmem>>, vector<1x512xf32>,
    %reduce_max3A_83 = arith.constant dense<0xFF800000> : vector<1xf32>
    %reduce_max3A_84 = vector.multi_reduction <maximumf>, %div3A_80, %reduce_max3A_83 [1] : vector<1x512xf32> to vector<1xf32>
    %max3A_85 = arith.constant 0xFF800000 : f32
    %max3A_86 = vector.broadcast %max3A_85 : f32 to vector<1xf32>
    %max3A_87 = arith.maximumf %max3A_86, %reduce_max3A_84 : vector<1xf32>
    %broadcast_in_dim3A_88 = vector.shape_cast %max3A_87 : vector<1xf32> to vector<1x1xf32>
    %sub3A_89 = vector.broadcast %broadcast_in_dim3A_88 : vector<1x1xf32> to vector<1x512xf32>
    %sub3A_90 = arith.subf %div3A_80, %sub3A_89 : vector<1x512xf32>
    %exp3A_91 = math.exp %sub3A_90 : vector<1x512xf32>
    %reduce_sum3A_92 = arith.constant dense<0.000000e+00> : vector<1xf32>
    %reduce_sum3A_93 = vector.multi_reduction <add>, %exp3A_91, %reduce_sum3A_92 [1] : vector<1x512xf32> to vector<1xf32>
    %broadcast_in_dim3A_94 = vector.shape_cast %reduce_sum3A_93 : vector<1xf32> to vector<1x1xf32>
    %div3A_95 = vector.broadcast %broadcast_in_dim3A_94 : vector<1x1xf32> to vector<1x512xf32>
    %div3A_96 = arith.divf %exp3A_91, %div3A_95 : vector<1x512xf32>
    %swap3A_97 = arith.constant 0 : index
    %swap3A_98 = arith.constant 0 : index
    %swap3A_99 = vector.load %arg5[%swap3A_97, %swap3A_98] : memref<4x512xf32, #tpu.memory_space<vmem>>, vector<1x512xf32>
    tpu.vector_store %arg5[%swap3A_97, %swap3A_98], %div3A_96 {strides = array<i32>} : memref<4x512xf32, #tpu.memory_space<vmem>>, vector<1x512xf32>,
    %slice3A_100 = vector.extract_strided_slice %dot_general3A_8 {offsets = [127, 0], sizes = [1, 768], strides = [1, 1]} : vector<256x768xf32> to vector<1x768xf32>
    %slice3A_101 = vector.extract_strided_slice %dot_general3A_13 {offsets = [512, 0], sizes = [512, 768], strides = [1, 1]} : vector<2048x768xf32> to vector<512x768xf32>
    %broadcast_in_dim3A_102 = vector.shape_cast %slice3A_100 : vector<1x768xf32> to vector<1x768xf32>
    %broadcast_in_dim3A_103 = vector.broadcast %broadcast_in_dim3A_102 : vector<1x768xf32> to vector<12x768xf32>
    %mul3A_104 = arith.mulf %broadcast_in_dim3A_103, %convert_element_type3A_38 : vector<12x768xf32>
    %dot_general3A_105 = arith.constant dense<0.000000e+00> : vector<12x512xf32>
    %dot_general3A_106 = tpu.matmul %mul3A_104, %slice3A_101, %dot_general3A_105 {dimension_numbers = #tpu.dot_dimension_numbers<[1], [1], [0], [0], [0, 0, 1, 0], [], []>, transpose_lhs_hint = false} : vector<12x768xf32>, vector<512x768xf32>, vector<12x512xf32> -> vector<12x512xf32>
    %sqrt3A_107 = arith.constant 6.400000e+01 : f32
    %sqrt3A_108 = math.sqrt %sqrt3A_107 : f32
    %div3A_109 = vector.broadcast %sqrt3A_108 : f32 to vector<12x512xf32>
    %div3A_110 = arith.divf %dot_general3A_106, %div3A_109 : vector<12x512xf32>
    %reduce_max3A_111 = arith.constant dense<0xFF800000> : vector<12xf32>
    %reduce_max3A_112 = vector.multi_reduction <maximumf>, %div3A_110, %reduce_max3A_111 [1] : vector<12x512xf32> to vector<12xf32>
    %max3A_113 = arith.constant 0xFF800000 : f32
    %max3A_114 = vector.broadcast %max3A_113 : f32 to vector<12xf32>
    %max3A_115 = arith.maximumf %max3A_114, %reduce_max3A_112 : vector<12xf32>
    %broadcast_in_dim3A_116 = vector.shape_cast %max3A_115 : vector<12xf32> to vector<12x1xf32>
    %sub3A_117 = vector.broadcast %broadcast_in_dim3A_116 : vector<12x1xf32> to vector<12x512xf32>
    %sub3A_118 = arith.subf %div3A_110, %sub3A_117 : vector<12x512xf32>
    %exp3A_119 = math.exp %sub3A_118 : vector<12x512xf32>
    %reduce_sum3A_120 = arith.constant dense<0.000000e+00> : vector<12xf32>
    %reduce_sum3A_121 = vector.multi_reduction <add>, %exp3A_119, %reduce_sum3A_120 [1] : vector<12x512xf32> to vector<12xf32>
    %broadcast_in_dim3A_122 = vector.shape_cast %reduce_sum3A_121 : vector<12xf32> to vector<12x1xf32>
    %div3A_123 = vector.broadcast %broadcast_in_dim3A_122 : vector<12x1xf32> to vector<12x512xf32>
    %div3A_124 = arith.divf %exp3A_119, %div3A_123 : vector<12x512xf32>
    %slice3A_125 = vector.extract_strided_slice %div3A_124 {offsets = [0, 0], sizes = [1, 512], strides = [1, 1]} : vector<12x512xf32> to vector<1x512xf32>
    %slice3A_126 = vector.extract_strided_slice %div3A_124 {offsets = [1, 0], sizes = [1, 512], strides = [1, 1]} : vector<12x512xf32> to vector<1x512xf32>
    %add3A_127 = arith.addf %slice3A_125, %slice3A_126 : vector<1x512xf32>
    %slice3A_128 = vector.extract_strided_slice %div3A_124 {offsets = [2, 0], sizes = [1, 512], strides = [1, 1]} : vector<12x512xf32> to vector<1x512xf32>
    %add3A_129 = arith.addf %add3A_127, %slice3A_128 : vector<1x512xf32>
    %slice3A_130 = vector.extract_strided_slice %div3A_124 {offsets = [3, 0], sizes = [1, 512], strides = [1, 1]} : vector<12x512xf32> to vector<1x512xf32>
    %add3A_131 = arith.addf %add3A_129, %slice3A_130 : vector<1x512xf32>
    %slice3A_132 = vector.extract_strided_slice %div3A_124 {offsets = [4, 0], sizes = [1, 512], strides = [1, 1]} : vector<12x512xf32> to vector<1x512xf32>
    %add3A_133 = arith.addf %add3A_131, %slice3A_132 : vector<1x512xf32>
    %slice3A_134 = vector.extract_strided_slice %div3A_124 {offsets = [5, 0], sizes = [1, 512], strides = [1, 1]} : vector<12x512xf32> to vector<1x512xf32>
    %add3A_135 = arith.addf %add3A_133, %slice3A_134 : vector<1x512xf32>
    %slice3A_136 = vector.extract_strided_slice %div3A_124 {offsets = [6, 0], sizes = [1, 512], strides = [1, 1]} : vector<12x512xf32> to vector<1x512xf32>
    %add3A_137 = arith.addf %add3A_135, %slice3A_136 : vector<1x512xf32>
    %slice3A_138 = vector.extract_strided_slice %div3A_124 {offsets = [7, 0], sizes = [1, 512], strides = [1, 1]} : vector<12x512xf32> to vector<1x512xf32>
    %add3A_139 = arith.addf %add3A_137, %slice3A_138 : vector<1x512xf32>
    %slice3A_140 = vector.extract_strided_slice %div3A_124 {offsets = [8, 0], sizes = [1, 512], strides = [1, 1]} : vector<12x512xf32> to vector<1x512xf32>
    %add3A_141 = arith.addf %add3A_139, %slice3A_140 : vector<1x512xf32>
    %slice3A_142 = vector.extract_strided_slice %div3A_124 {offsets = [9, 0], sizes = [1, 512], strides = [1, 1]} : vector<12x512xf32> to vector<1x512xf32>
    %add3A_143 = arith.addf %add3A_141, %slice3A_142 : vector<1x512xf32>
    %slice3A_144 = vector.extract_strided_slice %div3A_124 {offsets = [10, 0], sizes = [1, 512], strides = [1, 1]} : vector<12x512xf32> to vector<1x512xf32>
    %add3A_145 = arith.addf %add3A_143, %slice3A_144 : vector<1x512xf32>
    %slice3A_146 = vector.extract_strided_slice %div3A_124 {offsets = [11, 0], sizes = [1, 512], strides = [1, 1]} : vector<12x512xf32> to vector<1x512xf32>
    %add3A_147 = arith.addf %add3A_145, %slice3A_146 : vector<1x512xf32>
    %div3A_148 = arith.constant 1.200000e+01 : f32
    %div3A_149 = vector.broadcast %div3A_148 : f32 to vector<1x512xf32>
    %div3A_150 = arith.divf %add3A_147, %div3A_149 : vector<1x512xf32>
    %swap3A_151 = arith.constant 1 : index
    %swap3A_152 = arith.constant 0 : index
    %swap3A_153 = vector.load %arg4[%swap3A_151, %swap3A_152] : memref<4x512xf32, #tpu.memory_space<vmem>>, vector<1x512xf32>
    tpu.vector_store %arg4[%swap3A_151, %swap3A_152], %div3A_150 {strides = array<i32>} : memref<4x512xf32, #tpu.memory_space<vmem>>, vector<1x512xf32>,
    %reduce_max3A_154 = arith.constant dense<0xFF800000> : vector<1xf32>
    %reduce_max3A_155 = vector.multi_reduction <maximumf>, %div3A_150, %reduce_max3A_154 [1] : vector<1x512xf32> to vector<1xf32>
    %max3A_156 = arith.constant 0xFF800000 : f32
    %max3A_157 = vector.broadcast %max3A_156 : f32 to vector<1xf32>
    %max3A_158 = arith.maximumf %max3A_157, %reduce_max3A_155 : vector<1xf32>
    %broadcast_in_dim3A_159 = vector.shape_cast %max3A_158 : vector<1xf32> to vector<1x1xf32>
    %sub3A_160 = vector.broadcast %broadcast_in_dim3A_159 : vector<1x1xf32> to vector<1x512xf32>
    %sub3A_161 = arith.subf %div3A_150, %sub3A_160 : vector<1x512xf32>
    %exp3A_162 = math.exp %sub3A_161 : vector<1x512xf32>
    %reduce_sum3A_163 = arith.constant dense<0.000000e+00> : vector<1xf32>
    %reduce_sum3A_164 = vector.multi_reduction <add>, %exp3A_162, %reduce_sum3A_163 [1] : vector<1x512xf32> to vector<1xf32>
    %broadcast_in_dim3A_165 = vector.shape_cast %reduce_sum3A_164 : vector<1xf32> to vector<1x1xf32>
    %div3A_166 = vector.broadcast %broadcast_in_dim3A_165 : vector<1x1xf32> to vector<1x512xf32>
    %div3A_167 = arith.divf %exp3A_162, %div3A_166 : vector<1x512xf32>
    %swap3A_168 = arith.constant 1 : index
    %swap3A_169 = arith.constant 0 : index
    %swap3A_170 = vector.load %arg5[%swap3A_168, %swap3A_169] : memref<4x512xf32, #tpu.memory_space<vmem>>, vector<1x512xf32>
    tpu.vector_store %arg5[%swap3A_168, %swap3A_169], %div3A_167 {strides = array<i32>} : memref<4x512xf32, #tpu.memory_space<vmem>>, vector<1x512xf32>,
    %slice3A_171 = vector.extract_strided_slice %dot_general3A_8 {offsets = [191, 0], sizes = [1, 768], strides = [1, 1]} : vector<256x768xf32> to vector<1x768xf32>
    %slice3A_172 = vector.extract_strided_slice %dot_general3A_13 {offsets = [1024, 0], sizes = [512, 768], strides = [1, 1]} : vector<2048x768xf32> to vector<512x768xf32>
    %broadcast_in_dim3A_173 = vector.shape_cast %slice3A_171 : vector<1x768xf32> to vector<1x768xf32>
    %broadcast_in_dim3A_174 = vector.broadcast %broadcast_in_dim3A_173 : vector<1x768xf32> to vector<12x768xf32>
    %mul3A_175 = arith.mulf %broadcast_in_dim3A_174, %convert_element_type3A_38 : vector<12x768xf32>
    %dot_general3A_176 = arith.constant dense<0.000000e+00> : vector<12x512xf32>
    %dot_general3A_177 = tpu.matmul %mul3A_175, %slice3A_172, %dot_general3A_176 {dimension_numbers = #tpu.dot_dimension_numbers<[1], [1], [0], [0], [0, 0, 1, 0], [], []>, transpose_lhs_hint = false} : vector<12x768xf32>, vector<512x768xf32>, vector<12x512xf32> -> vector<12x512xf32>
    %sqrt3A_178 = arith.constant 6.400000e+01 : f32
    %sqrt3A_179 = math.sqrt %sqrt3A_178 : f32
    %div3A_180 = vector.broadcast %sqrt3A_179 : f32 to vector<12x512xf32>
    %div3A_181 = arith.divf %dot_general3A_177, %div3A_180 : vector<12x512xf32>
    %reduce_max3A_182 = arith.constant dense<0xFF800000> : vector<12xf32>
    %reduce_max3A_183 = vector.multi_reduction <maximumf>, %div3A_181, %reduce_max3A_182 [1] : vector<12x512xf32> to vector<12xf32>
    %max3A_184 = arith.constant 0xFF800000 : f32
    %max3A_185 = vector.broadcast %max3A_184 : f32 to vector<12xf32>
    %max3A_186 = arith.maximumf %max3A_185, %reduce_max3A_183 : vector<12xf32>
    %broadcast_in_dim3A_187 = vector.shape_cast %max3A_186 : vector<12xf32> to vector<12x1xf32>
    %sub3A_188 = vector.broadcast %broadcast_in_dim3A_187 : vector<12x1xf32> to vector<12x512xf32>
    %sub3A_189 = arith.subf %div3A_181, %sub3A_188 : vector<12x512xf32>
    %exp3A_190 = math.exp %sub3A_189 : vector<12x512xf32>
    %reduce_sum3A_191 = arith.constant dense<0.000000e+00> : vector<12xf32>
    %reduce_sum3A_192 = vector.multi_reduction <add>, %exp3A_190, %reduce_sum3A_191 [1] : vector<12x512xf32> to vector<12xf32>
    %broadcast_in_dim3A_193 = vector.shape_cast %reduce_sum3A_192 : vector<12xf32> to vector<12x1xf32>
    %div3A_194 = vector.broadcast %broadcast_in_dim3A_193 : vector<12x1xf32> to vector<12x512xf32>
    %div3A_195 = arith.divf %exp3A_190, %div3A_194 : vector<12x512xf32>
    %slice3A_196 = vector.extract_strided_slice %div3A_195 {offsets = [0, 0], sizes = [1, 512], strides = [1, 1]} : vector<12x512xf32> to vector<1x512xf32>
    %slice3A_197 = vector.extract_strided_slice %div3A_195 {offsets = [1, 0], sizes = [1, 512], strides = [1, 1]} : vector<12x512xf32> to vector<1x512xf32>
    %add3A_198 = arith.addf %slice3A_196, %slice3A_197 : vector<1x512xf32>
    %slice3A_199 = vector.extract_strided_slice %div3A_195 {offsets = [2, 0], sizes = [1, 512], strides = [1, 1]} : vector<12x512xf32> to vector<1x512xf32>
    %add3A_200 = arith.addf %add3A_198, %slice3A_199 : vector<1x512xf32>
    %slice3A_201 = vector.extract_strided_slice %div3A_195 {offsets = [3, 0], sizes = [1, 512], strides = [1, 1]} : vector<12x512xf32> to vector<1x512xf32>
    %add3A_202 = arith.addf %add3A_200, %slice3A_201 : vector<1x512xf32>
    %slice3A_203 = vector.extract_strided_slice %div3A_195 {offsets = [4, 0], sizes = [1, 512], strides = [1, 1]} : vector<12x512xf32> to vector<1x512xf32>
    %add3A_204 = arith.addf %add3A_202, %slice3A_203 : vector<1x512xf32>
    %slice3A_205 = vector.extract_strided_slice %div3A_195 {offsets = [5, 0], sizes = [1, 512], strides = [1, 1]} : vector<12x512xf32> to vector<1x512xf32>
    %add3A_206 = arith.addf %add3A_204, %slice3A_205 : vector<1x512xf32>
    %slice3A_207 = vector.extract_strided_slice %div3A_195 {offsets = [6, 0], sizes = [1, 512], strides = [1, 1]} : vector<12x512xf32> to vector<1x512xf32>
    %add3A_208 = arith.addf %add3A_206, %slice3A_207 : vector<1x512xf32>
    %slice3A_209 = vector.extract_strided_slice %div3A_195 {offsets = [7, 0], sizes = [1, 512], strides = [1, 1]} : vector<12x512xf32> to vector<1x512xf32>
    %add3A_210 = arith.addf %add3A_208, %slice3A_209 : vector<1x512xf32>
    %slice3A_211 = vector.extract_strided_slice %div3A_195 {offsets = [8, 0], sizes = [1, 512], strides = [1, 1]} : vector<12x512xf32> to vector<1x512xf32>
    %add3A_212 = arith.addf %add3A_210, %slice3A_211 : vector<1x512xf32>
    %slice3A_213 = vector.extract_strided_slice %div3A_195 {offsets = [9, 0], sizes = [1, 512], strides = [1, 1]} : vector<12x512xf32> to vector<1x512xf32>
    %add3A_214 = arith.addf %add3A_212, %slice3A_213 : vector<1x512xf32>
    %slice3A_215 = vector.extract_strided_slice %div3A_195 {offsets = [10, 0], sizes = [1, 512], strides = [1, 1]} : vector<12x512xf32> to vector<1x512xf32>
    %add3A_216 = arith.addf %add3A_214, %slice3A_215 : vector<1x512xf32>
    %slice3A_217 = vector.extract_strided_slice %div3A_195 {offsets = [11, 0], sizes = [1, 512], strides = [1, 1]} : vector<12x512xf32> to vector<1x512xf32>
    %add3A_218 = arith.addf %add3A_216, %slice3A_217 : vector<1x512xf32>
    %div3A_219 = arith.constant 1.200000e+01 : f32
    %div3A_220 = vector.broadcast %div3A_219 : f32 to vector<1x512xf32>
    %div3A_221 = arith.divf %add3A_218, %div3A_220 : vector<1x512xf32>
    %swap3A_222 = arith.constant 2 : index
    %swap3A_223 = arith.constant 0 : index
    %swap3A_224 = vector.load %arg4[%swap3A_222, %swap3A_223] : memref<4x512xf32, #tpu.memory_space<vmem>>, vector<1x512xf32>
    tpu.vector_store %arg4[%swap3A_222, %swap3A_223], %div3A_221 {strides = array<i32>} : memref<4x512xf32, #tpu.memory_space<vmem>>, vector<1x512xf32>,
    %reduce_max3A_225 = arith.constant dense<0xFF800000> : vector<1xf32>
    %reduce_max3A_226 = vector.multi_reduction <maximumf>, %div3A_221, %reduce_max3A_225 [1] : vector<1x512xf32> to vector<1xf32>
    %max3A_227 = arith.constant 0xFF800000 : f32
    %max3A_228 = vector.broadcast %max3A_227 : f32 to vector<1xf32>
    %max3A_229 = arith.maximumf %max3A_228, %reduce_max3A_226 : vector<1xf32>
    %broadcast_in_dim3A_230 = vector.shape_cast %max3A_229 : vector<1xf32> to vector<1x1xf32>
    %sub3A_231 = vector.broadcast %broadcast_in_dim3A_230 : vector<1x1xf32> to vector<1x512xf32>
    %sub3A_232 = arith.subf %div3A_221, %sub3A_231 : vector<1x512xf32>
    %exp3A_233 = math.exp %sub3A_232 : vector<1x512xf32>
    %reduce_sum3A_234 = arith.constant dense<0.000000e+00> : vector<1xf32>
    %reduce_sum3A_235 = vector.multi_reduction <add>, %exp3A_233, %reduce_sum3A_234 [1] : vector<1x512xf32> to vector<1xf32>
    %broadcast_in_dim3A_236 = vector.shape_cast %reduce_sum3A_235 : vector<1xf32> to vector<1x1xf32>
    %div3A_237 = vector.broadcast %broadcast_in_dim3A_236 : vector<1x1xf32> to vector<1x512xf32>
    %div3A_238 = arith.divf %exp3A_233, %div3A_237 : vector<1x512xf32>
    %swap3A_239 = arith.constant 2 : index
    %swap3A_240 = arith.constant 0 : index
    %swap3A_241 = vector.load %arg5[%swap3A_239, %swap3A_240] : memref<4x512xf32, #tpu.memory_space<vmem>>, vector<1x512xf32>
    tpu.vector_store %arg5[%swap3A_239, %swap3A_240], %div3A_238 {strides = array<i32>} : memref<4x512xf32, #tpu.memory_space<vmem>>, vector<1x512xf32>,
    %slice3A_242 = vector.extract_strided_slice %dot_general3A_8 {offsets = [255, 0], sizes = [1, 768], strides = [1, 1]} : vector<256x768xf32> to vector<1x768xf32>
    %slice3A_243 = vector.extract_strided_slice %dot_general3A_13 {offsets = [1536, 0], sizes = [512, 768], strides = [1, 1]} : vector<2048x768xf32> to vector<512x768xf32>
    %broadcast_in_dim3A_244 = vector.shape_cast %slice3A_242 : vector<1x768xf32> to vector<1x768xf32>
    %broadcast_in_dim3A_245 = vector.broadcast %broadcast_in_dim3A_244 : vector<1x768xf32> to vector<12x768xf32>
    %mul3A_246 = arith.mulf %broadcast_in_dim3A_245, %convert_element_type3A_38 : vector<12x768xf32>
    %dot_general3A_247 = arith.constant dense<0.000000e+00> : vector<12x512xf32>
    %dot_general3A_248 = tpu.matmul %mul3A_246, %slice3A_243, %dot_general3A_247 {dimension_numbers = #tpu.dot_dimension_numbers<[1], [1], [0], [0], [0, 0, 1, 0], [], []>, transpose_lhs_hint = false} : vector<12x768xf32>, vector<512x768xf32>, vector<12x512xf32> -> vector<12x512xf32>
    %sqrt3A_249 = arith.constant 6.400000e+01 : f32
    %sqrt3A_250 = math.sqrt %sqrt3A_249 : f32
    %div3A_251 = vector.broadcast %sqrt3A_250 : f32 to vector<12x512xf32>
    %div3A_252 = arith.divf %dot_general3A_248, %div3A_251 : vector<12x512xf32>
    %reduce_max3A_253 = arith.constant dense<0xFF800000> : vector<12xf32>
    %reduce_max3A_254 = vector.multi_reduction <maximumf>, %div3A_252, %reduce_max3A_253 [1] : vector<12x512xf32> to vector<12xf32>
    %max3A_255 = arith.constant 0xFF800000 : f32
    %max3A_256 = vector.broadcast %max3A_255 : f32 to vector<12xf32>
    %max3A_257 = arith.maximumf %max3A_256, %reduce_max3A_254 : vector<12xf32>
    %broadcast_in_dim3A_258 = vector.shape_cast %max3A_257 : vector<12xf32> to vector<12x1xf32>
    %sub3A_259 = vector.broadcast %broadcast_in_dim3A_258 : vector<12x1xf32> to vector<12x512xf32>
    %sub3A_260 = arith.subf %div3A_252, %sub3A_259 : vector<12x512xf32>
    %exp3A_261 = math.exp %sub3A_260 : vector<12x512xf32>
    %reduce_sum3A_262 = arith.constant dense<0.000000e+00> : vector<12xf32>
    %reduce_sum3A_263 = vector.multi_reduction <add>, %exp3A_261, %reduce_sum3A_262 [1] : vector<12x512xf32> to vector<12xf32>
    %broadcast_in_dim3A_264 = vector.shape_cast %reduce_sum3A_263 : vector<12xf32> to vector<12x1xf32>
    %div3A_265 = vector.broadcast %broadcast_in_dim3A_264 : vector<12x1xf32> to vector<12x512xf32>
    %div3A_266 = arith.divf %exp3A_261, %div3A_265 : vector<12x512xf32>
    %slice3A_267 = vector.extract_strided_slice %div3A_266 {offsets = [0, 0], sizes = [1, 512], strides = [1, 1]} : vector<12x512xf32> to vector<1x512xf32>
    %slice3A_268 = vector.extract_strided_slice %div3A_266 {offsets = [1, 0], sizes = [1, 512], strides = [1, 1]} : vector<12x512xf32> to vector<1x512xf32>
    %add3A_269 = arith.addf %slice3A_267, %slice3A_268 : vector<1x512xf32>
    %slice3A_270 = vector.extract_strided_slice %div3A_266 {offsets = [2, 0], sizes = [1, 512], strides = [1, 1]} : vector<12x512xf32> to vector<1x512xf32>
    %add3A_271 = arith.addf %add3A_269, %slice3A_270 : vector<1x512xf32>
    %slice3A_272 = vector.extract_strided_slice %div3A_266 {offsets = [3, 0], sizes = [1, 512], strides = [1, 1]} : vector<12x512xf32> to vector<1x512xf32>
    %add3A_273 = arith.addf %add3A_271, %slice3A_272 : vector<1x512xf32>
    %slice3A_274 = vector.extract_strided_slice %div3A_266 {offsets = [4, 0], sizes = [1, 512], strides = [1, 1]} : vector<12x512xf32> to vector<1x512xf32>
    %add3A_275 = arith.addf %add3A_273, %slice3A_274 : vector<1x512xf32>
    %slice3A_276 = vector.extract_strided_slice %div3A_266 {offsets = [5, 0], sizes = [1, 512], strides = [1, 1]} : vector<12x512xf32> to vector<1x512xf32>
    %add3A_277 = arith.addf %add3A_275, %slice3A_276 : vector<1x512xf32>
    %slice3A_278 = vector.extract_strided_slice %div3A_266 {offsets = [6, 0], sizes = [1, 512], strides = [1, 1]} : vector<12x512xf32> to vector<1x512xf32>
    %add3A_279 = arith.addf %add3A_277, %slice3A_278 : vector<1x512xf32>
    %slice3A_280 = vector.extract_strided_slice %div3A_266 {offsets = [7, 0], sizes = [1, 512], strides = [1, 1]} : vector<12x512xf32> to vector<1x512xf32>
    %add3A_281 = arith.addf %add3A_279, %slice3A_280 : vector<1x512xf32>
    %slice3A_282 = vector.extract_strided_slice %div3A_266 {offsets = [8, 0], sizes = [1, 512], strides = [1, 1]} : vector<12x512xf32> to vector<1x512xf32>
    %add3A_283 = arith.addf %add3A_281, %slice3A_282 : vector<1x512xf32>
    %slice3A_284 = vector.extract_strided_slice %div3A_266 {offsets = [9, 0], sizes = [1, 512], strides = [1, 1]} : vector<12x512xf32> to vector<1x512xf32>
    %add3A_285 = arith.addf %add3A_283, %slice3A_284 : vector<1x512xf32>
    %slice3A_286 = vector.extract_strided_slice %div3A_266 {offsets = [10, 0], sizes = [1, 512], strides = [1, 1]} : vector<12x512xf32> to vector<1x512xf32>
    %add3A_287 = arith.addf %add3A_285, %slice3A_286 : vector<1x512xf32>
    %slice3A_288 = vector.extract_strided_slice %div3A_266 {offsets = [11, 0], sizes = [1, 512], strides = [1, 1]} : vector<12x512xf32> to vector<1x512xf32>
    %add3A_289 = arith.addf %add3A_287, %slice3A_288 : vector<1x512xf32>
    %div3A_290 = arith.constant 1.200000e+01 : f32
    %div3A_291 = vector.broadcast %div3A_290 : f32 to vector<1x512xf32>
    %div3A_292 = arith.divf %add3A_289, %div3A_291 : vector<1x512xf32>
    %swap3A_293 = arith.constant 3 : index
    %swap3A_294 = arith.constant 0 : index
    %swap3A_295 = vector.load %arg4[%swap3A_293, %swap3A_294] : memref<4x512xf32, #tpu.memory_space<vmem>>, vector<1x512xf32>
    tpu.vector_store %arg4[%swap3A_293, %swap3A_294], %div3A_292 {strides = array<i32>} : memref<4x512xf32, #tpu.memory_space<vmem>>, vector<1x512xf32>,
    %reduce_max3A_296 = arith.constant dense<0xFF800000> : vector<1xf32>
    %reduce_max3A_297 = vector.multi_reduction <maximumf>, %div3A_292, %reduce_max3A_296 [1] : vector<1x512xf32> to vector<1xf32>
    %max3A_298 = arith.constant 0xFF800000 : f32
    %max3A_299 = vector.broadcast %max3A_298 : f32 to vector<1xf32>
    %max3A_300 = arith.maximumf %max3A_299, %reduce_max3A_297 : vector<1xf32>
    %broadcast_in_dim3A_301 = vector.shape_cast %max3A_300 : vector<1xf32> to vector<1x1xf32>
    %sub3A_302 = vector.broadcast %broadcast_in_dim3A_301 : vector<1x1xf32> to vector<1x512xf32>
    %sub3A_303 = arith.subf %div3A_292, %sub3A_302 : vector<1x512xf32>
    %exp3A_304 = math.exp %sub3A_303 : vector<1x512xf32>
    %reduce_sum3A_305 = arith.constant dense<0.000000e+00> : vector<1xf32>
    %reduce_sum3A_306 = vector.multi_reduction <add>, %exp3A_304, %reduce_sum3A_305 [1] : vector<1x512xf32> to vector<1xf32>
    %broadcast_in_dim3A_307 = vector.shape_cast %reduce_sum3A_306 : vector<1xf32> to vector<1x1xf32>
    %div3A_308 = vector.broadcast %broadcast_in_dim3A_307 : vector<1x1xf32> to vector<1x512xf32>
    %div3A_309 = arith.divf %exp3A_304, %div3A_308 : vector<1x512xf32>
    %swap3A_310 = arith.constant 3 : index
    %swap3A_311 = arith.constant 0 : index
    %swap3A_312 = vector.load %arg5[%swap3A_310, %swap3A_311] : memref<4x512xf32, #tpu.memory_space<vmem>>, vector<1x512xf32>
    tpu.vector_store %arg5[%swap3A_310, %swap3A_311], %div3A_309 {strides = array<i32>} : memref<4x512xf32, #tpu.memory_space<vmem>>, vector<1x512xf32>,
    return
  }
}

</mosaic_0001>

<sc_bundles>
// kernel: kernel.4.cloned.1.call-start
scs
__scs_entry_jumppad:
0x0: {  	(pc) =	sbr.rel $0x88, $3  }
0x1: {  	(tag) =	ssettag $0x0;
	lr =	simm.s32 $0x1  }
0x2: {  	[smem:$0x3F9D] =	sst lr;
	_ =	strace $0xD0000000  }
0x3: {  	_ = 	snop  }
0x4: {  	_ = 	snop  }
0x5: {  	_ = 	snop  }
0x6: {  	_ = 	snop  }
0x7: {  	_ = 	snop  }
__scs_overlays_trampoline_lowered:
0x8: {  	[smem:$0x3FAC] =	sst s0  }
0x9: {  	[smem:$0x3FAD] =	sst s1  }
0xa: {  	[smem:$0x3FAE] =	sst s2  }
0xb: {  	[smem:$0x3FAF] =	sst s3  }
0xc: {  	[smem:$0x3FB0] =	sst s4  }
0xd: {  	[smem:$0x3FB1] =	sst s5  }
0xe: {  	[smem:$0x3FB2] =	sst s6  }
0xf: {  	[smem:$0x3FB3] =	sst s7  }
0x10: {  	[smem:$0x3FB4] =	sst s8  }
0x11: {  	[smem:$0x3FB5] =	sst s9;
	s0 =	simm.s32 @!p0 $0x0  }
0x12: {  	s1 =	sld [smem:$0x3F9B];
	s0 =	simm.s32 @p0 $0x1  }
0x13: {  	[smem:$0x3FB6] =	sst s0;
	s0 =	simm.s32 @!p1 $0x0  }
0x14: {  	s2 =	sld [smem:$0x3F9A];
	s0 =	simm.s32 @p1 $0x1  }
0x15: {  	[smem:$0x3FB7] =	sst s0;
	s0 =	simm.s32 @!p2 $0x0  }
0x16: {  	s3 =	sld [smem:$0x3FDB];
	s0 =	simm.s32 @p2 $0x1  }
0x17: {  	s4 =	simm.s32 $0x1BF5;
	[smem:$0x3FB9] =	sst s0  }
0x18: {  	s0 =	sld [smem:$0x3F9C];
	_ =	swait.ge [sflag:s4], $0x0  }
0x19: {  	s7 =	sld [smem:$0x3F9D]  }
0x1a: {  	s8 =	sadd.s32 $0xFFFFE003, lr  }
0x1b: {  	s9 =	sadd.s32 $0xFFFFFEF7, lr;
	s5 =	simm.s32 $0xFFFFFFFF;
	p2 =	slt.u32 s8, $0xFFFFF086  }
0x1c: {  	p1 =	slt.u32 s9, $0xF7A;
	s5 =	simm.s32 @!p2 $0x0  }
0x1d: {  	s5 =	simm.s32 @p1 $0x1;
	p0 =	seq.s32 s7, s2  }
0x1e: {  	s7 =	smul.u32 @!p0 $0xF7A, s2;
	p2 =	seq.s32 @!p0 s5, $0x0  }
0x1f: {  	s9 =	smul.u32 $0xF7A, s1;
	s8 =	simm.s32 @!p0 $0x1BF5;
	p2 =	por !p2, p0  }
0x20: {  	[sflag:s8] =	ssyncset.s32 @!p0 $0xFFFFF086;
	s6 =	sadd.s32 @!p0 s3, s7;
	s7 =	simm.s32 @!p0 $0x108  }
0x21: {  	s3 =	sadd.s32 s3, s9;
	s6 =	sadd.s32 @!p0 $0x88, s6;
	s7 =	simm.s32 @p2 $0x1082  }
0x22: {  	[simem:s7], [sflag:s8] =	dma.local @!p0 [hbm:s6], $0xF7A  }
0x23: {  	s9 =	sor.u32 $0xD0000000, s2;
	s6 =	simm.s32 $0x108;
	_ =	swait.ge @!p0 [sflag:s8], $0x0  }
0x24: {  	s3 =	sadd.s32 $0x88, s3;
	s6 =	simm.s32 @!p1 $0x1082;
	[sflag:s4] =	ssyncset.s32 $0xFFFFF086  }
0x25: {  	[simem:s6], [sflag:s4] =	dma.local [hbm:s3], $0xF7A  }
0x26: {  	[smem:$0x3F9D] =	sst s1;
	(tag) =	ssettag s2;
	_ =	strace s9  }
0x27: {  	s1 =	sld [smem:$0x3FAD]  }
0x28: {  	s2 =	sld [smem:$0x3FAE]  }
0x29: {  	s4 =	sld [smem:$0x3FB0]  }
0x2a: {  	p0 =	seq.s32 s5, $0x0;
	s5 =	sld [smem:$0x3FB1]  }
0x2b: {  	s6 =	sld [smem:$0x3FB2]  }
0x2c: {  	s7 =	sld [smem:$0x3FB3]  }
0x2d: {  	s3 =	simm.s32 $0x108;
	s8 =	sld [smem:$0x3FB4]  }
0x2e: {  	s3 =	simm.s32 @!p0 $0x1082;
	s9 =	sld [smem:$0x3FB5]  }
0x2f: {  	lr =	sadd.s32 s0, s3;
	s0 =	sld [smem:$0x3FAC]  }
0x30: {  	s3 =	sld [smem:$0x3FAF]  }
0x31: {  	[smem:$0x3FB8] =	sst s10  }
0x32: {  	s10 =	sld [smem:$0x3FB6];
	_ =	sdelay $0x3  }
0x33: {  	p0 =	seq.s32 s10, $0x1;
	s10 =	sld [smem:$0x3FB8];
	_ =	sdelay $0x3  }
0x34: {  	[smem:$0x3FB8] =	sst s10  }
0x35: {  	s10 =	sld [smem:$0x3FB7];
	_ =	sdelay $0x3  }
0x36: {  	p1 =	seq.s32 s10, $0x1;
	s10 =	sld [smem:$0x3FB8];
	_ =	sdelay $0x3  }
0x37: {  	[smem:$0x3FB8] =	sst s10  }
0x38: {  	s10 =	sld [smem:$0x3FB9]  }
0x39: {  	_ = 	snop;
	(pc) =	sbr.ind lr, $3  }
0x3a: {  	_ = 	snop  }
0x3b: {  	_ = 	snop  }
0x3c: {  	p2 =	seq.s32 s10, $0x1;
	s10 =	sld [smem:$0x3FB8]  }
0x3d: {  	_ =	shalt  }
0x3e: {  	_ =	shalt  }
0x3f: {  	_ =	shalt  }
0x40: {  	_ =	shalt  }
0x41: {  	_ =	shalt  }
0x42: {  	_ =	shalt  }
0x43: {  	_ =	shalt  }
0x44: {  	_ =	shalt  }
0x45: {  	_ =	shalt  }
0x46: {  	_ =	shalt  }
0x47: {  	_ =	shalt  }
0x48: {  	_ =	shalt  }
0x49: {  	_ =	shalt  }
0x4a: {  	_ =	shalt  }
0x4b: {  	_ =	shalt  }
0x4c: {  	_ =	shalt  }
0x4d: {  	_ =	shalt  }
0x4e: {  	_ =	shalt  }
0x4f: {  	_ =	shalt  }
0x50: {  	_ =	shalt  }
0x51: {  	_ =	shalt  }
0x52: {  	_ =	shalt  }
0x53: {  	_ =	shalt  }
0x54: {  	_ =	shalt  }
0x55: {  	_ =	shalt  }
0x56: {  	_ =	shalt  }
0x57: {  	_ =	shalt  }
0x58: {  	_ =	shalt  }
0x59: {  	_ =	shalt  }
0x5a: {  	_ =	shalt  }
0x5b: {  	_ =	shalt  }
0x5c: {  	_ =	shalt  }
0x5d: {  	_ =	shalt  }
0x5e: {  	_ =	shalt  }
0x5f: {  	_ =	shalt  }
0x60: {  	_ =	shalt  }
0x61: {  	_ =	shalt  }
0x62: {  	_ =	shalt  }
0x63: {  	_ =	shalt  }
0x64: {  	_ =	shalt  }
0x65: {  	_ =	shalt  }
0x66: {  	_ =	shalt  }
0x67: {  	_ =	shalt  }
0x68: {  	_ =	shalt  }
0x69: {  	_ =	shalt  }
0x6a: {  	_ =	shalt  }
0x6b: {  	_ =	shalt  }
0x6c: {  	_ =	shalt  }
0x6d: {  	_ =	shalt  }
0x6e: {  	_ =	shalt  }
0x6f: {  	_ =	shalt  }
0x70: {  	_ =	shalt  }
0x71: {  	_ =	shalt  }
0x72: {  	_ =	shalt  }
0x73: {  	_ =	shalt  }
0x74: {  	_ =	shalt  }
0x75: {  	_ =	shalt  }
0x76: {  	_ =	shalt  }
0x77: {  	_ =	shalt  }
0x78: {  	_ =	shalt  }
0x79: {  	_ =	shalt  }
0x7a: {  	_ =	shalt  }
0x7b: {  	_ =	shalt  }
0x7c: {  	_ =	shalt  }
0x7d: {  	_ =	shalt  }
0x7e: {  	_ =	shalt  }
0x7f: {  	_ =	shalt  }
0x80: {  	_ =	shalt  }
0x81: {  	_ =	shalt  }
0x82: {  	_ =	shalt  }
0x83: {  	_ =	shalt  }
0x84: {  	_ =	shalt  }
0x85: {  	_ =	shalt  }
0x86: {  	_ =	shalt  }
0x87: {  	_ =	shalt  }
.Lfunc_end0:
.L_simem_size_0:
called_computation_lowered:
.L_overlay_start_0:
0x88: {  	s2 =	sld [smem:$0x3FD9]  }
0x89: {  	s3 =	sld [smem:$0x3FFE];
	_ =	sdelay $0x1  }
0x8a: {  	s1 =	srdreg.scid  }
0x8b: {  	s0 =	sand.u32 $0x1, s1  }
0x8c: {  	s14 =	sshll.u32 s0, $0xA;
	s2 =	sadd.s32 s3, s2  }
0x8d: {  	s2 =	sadd.s32 s2, s14  }
0x8e: {  	[smem:$0x3FC4] =	sst s2  }
0x8f: {  	_ = 	snop  }
0x90: {  	s2 =	sld [smem:$0x3FD0];
	_ =	sdelay $0x2  }
0x91: {  	s15 =	simm.s32 $0xA;
	s4 =	simm.s32 $0x10  }
0x92: {  	[smem:s4], [sflag:s15] =	dma.local [hbm:s2], $0x1  }
0x93: {  	_ =	swait.eq [sflag:s15], $0x1  }
0x94: {  	[sflag:s15] =	ssyncset.done $0x0  }
0x95: {  	s16 =	sld [smem:$0x11];
	[sflag:s15] =	ssyncadd.s32 $0xFFFFFFFF  }
0x96: {  	s17 =	sld [smem:$0x13];
	(tm) =	ssettm $0x1  }
0x97: {  	s18 =	sld [smem:$0x3FFB];
	_ =	sdelay $0x3  }
0x98: {  	_ =	strace s18  }
0x99: {  	s4 =	sld [smem:$0x3FFC];
	_ =	sdelay $0x3  }
0x9a: {  	_ =	strace s4  }
0x9b: {  	s4 =	sld [smem:$0x3FFD];
	_ =	sdelay $0x3  }
0x9c: {  	_ =	strace s4  }
0x9d: {  	_ =	strace $0x8FFFFFFF  }
0x9e: {  	s19 =	sld [smem:$0x3FDB];
	_ =	sdelay $0x1  }
0x9f: {  	s5 =	simm.s32 $_scs_section_size  }
0xa0: {  	s6 =	simm.s32 $_size__tile_overlayer_lowered;
	s7 =	simm.s32 $_tile_overlayer_lowered  }
0xa1: {  	s22 =	simm.s32 $0x1BFF;
	s21 =	sshll.u32 s7, $0x1;
	s4 =	sadd.s32 s5, s19  }
0xa2: {  	s8 =	simm.s32 $0x0;
	s20 =	sshll.u32 s6, $0x1;
	s6 =	sadd.s32 s21, s4  }
0xa3: {  	[timem:s8], [sflag:s22] =	dma.local [hbm:s6], s20  }
0xa4: {  	_ =	swait.ge [sflag:s22], s20  }
0xa5: {  	s5 =	ssub.s32 $0x0, s20;
	[sflag:s22] =	ssyncset.done $0x0  }
0xa6: {  	[sflag:s22] =	ssyncadd.s32 s5;
	_ =	sdelay $0x1  }
0xa7: {  	s23 =	simm.s32 $0x1B8B  }
0xa8: {  	_ =	swait.ge [sflag:s23], $0x1  }
0xa9: {  	[sflag:s23] =	ssyncset.done $0x0  }
0xaa: {  	s25 =	simm.s32 $0x1B8E;
	s24 =	sld [smem:$0x3FFE];
	[sflag:s23] =	ssyncadd.s32 $0xFFFFFFFF  }
0xab: {  	s26 =	simm.s32 $execute0_lowered;
	[smem:$0x3FD2] =	sst s25  }
0xac: {  	s6 =	sshll.u32 s26, $0x1;
	_ =	strace $0x80000046;
	[dreg:$0x1] =	wrdreg $0xFFFFFFFF  }
0xad: {  	s28 =	simm.s32 $_size_execute0_lowered;
	s4 =	sadd.s32 s4, s6;
	[dreg:$0x0] =	wrdreg $0x0  }
0xae: {  	s6 =	sshll.u32 s28, $0x1;
	[dreg:$0x2] =	wrdreg s4  }
0xaf: {  	[dreg:$0x3] =	wrdreg s6  }
0xb0: {  	[dreg:$0x4] =	wrdreg $0xC0  }
0xb1: {  	_ =	task [dreg:s8], $0x5FFFF  }
0xb2: {  	[dreg:$0x1] =	wrdreg $0xFFFFFFFF  }
0xb3: {  	[dreg:$0x0] =	wrdreg $0x60  }
0xb4: {  	[dreg:$0x2] =	wrdreg s17  }
0xb5: {  	[dreg:$0x3] =	wrdreg s16  }
0xb6: {  	[dreg:$0x4] =	wrdreg s24  }
0xb7: {  	[dreg:$0x5] =	wrdreg $0xC800  }
0xb8: {  	[dreg:$0x6] =	wrdreg $0x9  }
0xb9: {  	_ =	task.clear_ibuf [dreg:s8], $0x7FFFF;
	_ =	strace $0x90000046  }
0xba: {  	s29 =	simm.s32 $0x9;
	_ =	strace $0x80000048  }
0xbb: {  	_ =	swait.ge [sflag:s29], $0x1  }
0xbc: {  	[sflag:s29] =	ssyncadd.s32 $0xFFFFFFFF  }
0xbd: {  	_ =	strace $0x90000048  }
0xbe: {  	_ =	sfence  }
0xbf: {  	s30 =	sld [smem:$0x0];
	_ =	sdelay $0x2  }
0xc0: {  	s31 =	sshll.u32 s1, $0xD;
	s1 =	sshrl.u32 s1, $0x2  }
0xc1: {  	s3 =	sand.u32 $0x4000, s31;
	s1 =	sadd.s32 s1, s30  }
0xc2: {  	s0 =	sor.u32 s3, s0;
	s1 =	sshll.u32 s1, $0x11  }
0xc3: {  	s0 =	sor.u32 s1, s0  }
0xc4: {  	s0 =	sadd.s32 $0x8F2B, s0  }
0xc5: {  	[sflag:s0] =	ssyncadd.remote.s32 $0x1  }
0xc6: {  	_ =	sfence.sel $0xFFFF  }
0xc7: {  	[dreg:$0x0] =	wrdreg $0xFFFFFFFF;
	(pc) =	sbr.abs _section_cstart, $3  }
0xc8: {  	[dreg:$0x1] =	wrdreg $0xFFFFFFFF  }
0xc9: {  	_ =	task.clear_ibuf [dreg:s8], $0x2FFFF;
	_ =	strace $0x9FFFFFFF  }
0xca: {  	(tm) =	ssettm $0x7FFFFFFF  }
0xcb: {  	_ =	shalt  }
tec
execute0_lowered:
.L_overlay_start_1:
0x0: {  	(tag) =	ssettag $0x1  }
0x1: {  	v0 =	vimm.s32 $0xFEDCBA9  }
0x2: {  	v1 =	vimm.s32 $0x87654321;
	v4 =	vimm.s32 $0x10FEDCBA;
	v5 =	vimm.s32 $0x98765432  }
0x3: {  	v6 =	vimm.s32 $0x210FEDCB;
	v7 =	vimm.s32 $0xA9876543;
	v12 =	vimm.s32 $0xCBA98765  }
0x4: {  	v13 =	vimm.s32 $0x543210FE;
	v14 =	vimm.s32 $0xEDCBA987;
	v18 =	vimm.s32 $0xFEDCBA98  }
0x5: {  	v0 =	vunpack.c.l.s4.s8 v0;
	v1 =	vunpack.c.l.s4.s8 v1;
	v4 =	vunpack.c.l.s4.s8 v4  }
0x6: {  	v5 =	vunpack.c.l.s4.s8 v5;
	v6 =	vunpack.c.l.s4.s8 v6;
	v12 =	vunpack.c.l.s4.s8 v12  }
0x7: {  	v14 =	vunpack.c.l.s4.s8 v14;
	v18 =	vunpack.c.l.s4.s8 v18;
	v2 =	vunpack.c.0.s8.s32 v0  }
0x8: {  	s8 =	stileid.u32;
	v3 =	vunpack.c.0.s8.s32 v1;
	v0 =	vlaneseq.u32;
	v9 =	vunpack.c.0.s8.s32 v4  }
0x9: {  	s0 =	sand.u32 $0x7, s8;
	v4 =	vunpack.c.l.s4.s8 v7;
	v7 =	vunpack.c.0.s8.s32 v5;
	v6 =	vunpack.c.0.s8.s32 v6  }
0xa: {  	s1 =	sshll.u32 s0, $0x6;
	v5 =	vimm.s32 $0x3210FEDC;
	v19 =	vunpack.c.0.s8.s32 v12;
	v1 =	vcombine.low v3, v2  }
0xb: {  	v12 =	vunpack.c.l.s4.s8 v13;
	v8 =	vor.u32 s1, v0;
	v11 =	vunpack.c.0.s8.s32 v4  }
0xc: {  	v4 =	vunpack.c.l.s4.s8 v5;
	v5 =	vimm.s32 $0xBA987654;
	v1 =	vand.u32 $0xF, v1  }
0xd: {  	v13 =	vimm.s32 $0x6543210F;
	[tilespmem:$0x1FD70] =	vst v8;
	v5 =	vunpack.c.l.s4.s8 v5;
	v8 =	vor.u32 s1, v1  }
0xe: {  	v21 =	vunpack.c.0.s8.s32 v12;
	v12 =	vimm.s32 $0xDCBA9876;
	[tilespmem:$0x1FD80] =	vst v8;
	v8 =	vcombine.low v7, v9  }
0xf: {  	v10 =	vcombine.low v11, v6;
	v16 =	vunpack.c.0.s8.s32 v5;
	v5 =	vimm.s32 $0x43210FED  }
0x10: {  	v15 =	vunpack.c.0.s8.s32 v4;
	v4 =	vand.u32 $0xF, v8;
	v8 =	vunpack.c.l.s4.s8 v5  }
0x11: {  	v26 =	vunpack.c.0.s8.s32 v14;
	v12 =	vunpack.c.l.s4.s8 v12;
	v5 =	vand.u32 $0xF, v10  }
0x12: {  	v10 =	vcombine.low v16, v15;
	v17 =	vunpack.c.0.s8.s32 v8;
	v8 =	vor.u32 s1, v4  }
0x13: {  	v13 =	vunpack.c.l.s4.s8 v13;
	v24 =	vunpack.c.0.s8.s32 v12;
	[tilespmem:$0x1FD90] =	vst v8;
	v8 =	vor.u32 s1, v5  }
0x14: {  	v12 =	vimm.s32 $0x76543210;
	[tilespmem:$0x1FDA0] =	vst v8;
	v8 =	vand.u32 $0xF, v10;
	v10 =	vcombine.low v19, v17  }
0x15: {  	v25 =	vunpack.c.0.s8.s32 v13;
	v12 =	vunpack.c.l.s4.s8 v12;
	v13 =	vor.u32 s1, v8  }
0x16: {  	v14 =	vunpack.c.0.s8.s32 v18;
	[tilespmem:$0x1FDB0] =	vst v13;
	v13 =	vcombine.low v24, v21;
	v10 =	vand.u32 $0xF, v10  }
0x17: {  	v18 =	vcombine.low v26, v25;
	v20 =	vunpack.c.0.s8.s32 v12;
	v12 =	vor.u32 s1, v10  }
0x18: {  	v2 =	vcombine.low v2, v3;
	[tilespmem:$0x1FDC0] =	vst v12;
	v12 =	vand.u32 $0xF, v13  }
0x19: {  	v14 =	vand.u32 $0xF, v14;
	v13 =	vand.u32 $0xF, v18;
	v3 =	vor.u32 s1, v12  }
0x1a: {  	v18 =	vand.u32 $0xF, v2;
	v2 =	vcombine.low v6, v11;
	[tilespmem:$0x1FDD0] =	vst v3;
	v3 =	vor.u32 s1, v13  }
0x1b: {  	v14 =	vcombine.low v14, v20;
	[tilespmem:$0x1FDE0] =	vst v3;
	v3 =	vcombine.low v9, v7  }
0x1c: {  	v6 =	vor.u32 s1, v18;
	v22 =	vand.u32 $0xF, v2  }
0x1d: {  	[tilespmem:$0x1FE00] =	vst v6;
	v7 =	vor.u32 s1, v14;
	v20 =	vand.u32 $0xF, v3;
	v3 =	vcombine.low v15, v16  }
0x1e: {  	v2 =	vcombine.low v17, v19;
	[tilespmem:$0x1FDF0] =	vst v7;
	v7 =	vor.u32 s1, v22  }
0x1f: {  	[tilespmem:$0x1FE20] =	vst v7;
	v6 =	vor.u32 s1, v20;
	v23 =	vand.u32 $0xF, v3;
	v3 =	vcombine.low v21, v24  }
0x20: {  	[tilespmem:$0x1FE10] =	vst v6;
	v6 =	vcombine.low v25, v26;
	v26 =	vand.u32 $0xF, v2;
	v7 =	vor.u32 s1, v23  }
0x21: {  	v2 =	vor.u32 s1, v26;
	[tilespmem:$0x1FE30] =	vst v7;
	v28 =	vand.u32 $0xF, v3  }
0x22: {  	[tilespmem:$0x1FE40] =	vst v2;
	v29 =	vand.u32 $0xF, v6;
	v2 =	vor.u32 s1, v28  }
0x23: {  	s29 =	sor.u32 $0x10, s1;
	[tilespmem:$0x1FE50] =	vst v2;
	v2 =	vor.u32 s1, v29  }
0x24: {  	[tilespmem:$0x1FE60] =	vst v2;
	v2 =	vor.u32 s29, v10  }
0x25: {  	[tilespmem:$0x1FE70] =	vst v2;
	v2 =	vor.u32 s29, v12  }
0x26: {  	[tilespmem:$0x1FE80] =	vst v2;
	v2 =	vor.u32 s29, v13  }
0x27: {  	[tilespmem:$0x1FE90] =	vst v2;
	v2 =	vor.u32 s29, v14  }
0x28: {  	[tilespmem:$0x1FEA0] =	vst v2;
	v2 =	vor.u32 s29, v18  }
0x29: {  	s2 =	rddreg [dreg:$0x0];
	[tilespmem:$0x1FEB0] =	vst v2;
	v2 =	vor.u32 s29, v20  }
0x2a: {  	s3 =	rddreg [dreg:$0x1];
	[tilespmem:$0x1FEC0] =	vst v2;
	v2 =	vor.u32 s29, v22  }
0x2b: {  	s6 =	rddreg [dreg:$0x2];
	[tilespmem:$0x1FED0] =	vst v2;
	v2 =	vor.u32 s29, v23  }
0x2c: {  	s11 =	rddreg [dreg:$0x3];
	s5 =	srdreg.scid;
	s4 =	simm.s32 $0x0;
	vm1 =	vcmask $0x3F3C;
	vm2 =	vcmask $0x3F38;
	[tilespmem:$0x1FEE0] =	vst v2;
	v2 =	vor.u32 s29, v26  }
0x2d: {  	vm4 =	vcmask $0x3F2C;
	vm5 =	vcmask $0x3F28;
	s30 =	simm.s32 $0x680;
	s31 =	simm.s32 $0x880;
	s7 =	sand.u32 $0x1, s5;
	[tilespmem:$0x1FEF0] =	vst v2;
	v2 =	vor.u32 s29, v28  }
0x2e: {  	vm6 =	vcmask $0x3F24;
	vm7 =	vcmask $0x3F20;
	s10 =	sshrl.u32 s8, $0x3;
	[smem:$0x7FF] =	sst s4;
	s5 =	sor.u32 $0x20, s1;
	[tilespmem:$0x1FF00] =	vst v2;
	v2 =	vor.u32 s29, v29  }
0x2f: {  	vm8 =	vcmask $0x3F1C;
	vm9 =	vcmask $0x3F18;
	s9 =	sshll.u32 s10, $0x4;
	s12 =	sshll.u32 s10, $0x7;
	s10 =	sor.u32 $0x30, s1;
	[tilespmem:$0x1FF10] =	vst v2;
	v2 =	vor.u32 s5, v10  }
0x30: {  	vm10 =	vcmask $0x3F14;
	vm11 =	vcmask $0x3F10;
	s21 =	sshll.u32 s7, $0x5;
	s7 =	ssub.s32 $0x2, s7;
	v19 =	vor.u32 s10, v18;
	_ =	strace $0x80000047;
	[tilespmem:$0x1FF20] =	vst v2  }
0x31: {  	vm12 =	vcmask $0x3F0C;
	vm13 =	vcmask $0x3F08;
	s23 =	sshrl.u32 s0, $0x1;
	s20 =	sshll.u32 s0, $0x2;
	p0 =	seq.s32 s0, $0x0;
	v2 =	vor.u32 s5, v12;
	[tilespmem:$0x1FFC0] =	vst v19  }
0x32: {  	vm14 =	vcmask $0x3F04;
	v41 =	vimm.s32 $0x0;
	p1 =	seq.s32 s0, $0x7;
	p2 =	sne.s32 s0, $0x0;
	s8 =	sor.u32 s21, s9;
	v19 =	vor.u32 s10, v20;
	[tilespmem:$0x1FF30] =	vst v2  }
0x33: {  	s22 =	sshrl.u32 s7, $0x1;
	s24 =	sand.u32 $0x40, s1;
	s25 =	sshll.u32 s23, $0x7;
	v60 =	vor.u32 s29, v0;
	v48 =	vor.u32 s5, v0;
	v2 =	vor.u32 s5, v13;
	[tilespmem:$0x1FFD0] =	vst v19  }
0x34: {  	s13 =	sand.u32 $0x180, s1;
	s11 =	sadd.s32 s12, s11;
	s18 =	sxor.u32 $0x1F, s20;
	v59 =	vor.u32 s29, v1;
	v49 =	vor.u32 s5, v1;
	v19 =	vor.u32 s10, v22;
	[tilespmem:$0x1FF40] =	vst v2  }
0x35: {  	s19 =	sxor.u32 $0x1E, s20;
	s20 =	sxor.u32 $0x1D, s20;
	s21 =	sshllo.u32 s0, $0x2;
	v58 =	vor.u32 s29, v4;
	v57 =	vor.u32 s29, v5;
	v2 =	vor.u32 s5, v14;
	[tilespmem:$0x1FFE0] =	vst v19  }
0x36: {  	s0 =	simm.s32 $0x0;
	s16 =	sadd.s32 s8, s6;
	s17 =	ssub.s32 s7, s22;
	v50 =	vor.u32 s5, v4;
	v51 =	vor.u32 s5, v5;
	v19 =	vor.u32 s10, v23;
	[tilespmem:$0x1FF50] =	vst v2  }
0x37: {  	s6 =	sadd.s32 s2, s8;
	s7 =	sadd.s32 s3, s8;
	s8 =	sor.u32 s24, s25;
	v44 =	vor.u32 s29, v8;
	v52 =	vor.u32 s5, v8;
	v2 =	vor.u32 s5, v18;
	[tilespmem:$0x1FFF0] =	vst v19  }
0x38: {  	s26 =	sand.u32 $0x50, s29;
	s2 =	sshll.u32 s23, $0x8;
	s28 =	sand.u32 $0x60, s5;
	v11 =	vor.u32 s10, v10;
	v17 =	vor.u32 s10, v14;
	[tilespmem:$0x1FF60] =	vst v2;
	v2 =	vor.u32 s5, v20  }
.Ltmp0:
0x39: {  	s14 =	sand.u32 $0x70, s10;
	s22 =	sadd.s32 $0x40, s1;
	v9 =	vor.u32 s10, v8;
	v15 =	vor.u32 s10, v12;
	[tilespmem:$0x1FF70] =	vst v2;
	v2 =	vor.u32 s5, v22;
	(pc) =	sbr.rel .LBB2_1-.Ltmp0, $4  }
0x3a: {  	s23 =	simm.s32 $0x80;
	s25 =	simm.s32 $0x1;
	s9 =	sor.u32 s26, s13;
	v16 =	vor.u32 s10, v13;
	v27 =	vor.u32 s10, v26;
	[tilespmem:$0x1FF80] =	vst v2;
	v2 =	vor.u32 s5, v23  }
0x3b: {  	s2 =	sadd.s32 s2, s11;
	s12 =	sor.u32 s28, s13;
	s13 =	sor.u32 s14, s13;
	v3 =	vor.u32 s10, v1;
	v6 =	vor.u32 s10, v4;
	[tilespmem:$0x1FF90] =	vst v2;
	v2 =	vor.u32 s5, v26  }
0x3c: {  	s15 =	sadd.s32 $0x1600, s16;
	s16 =	sadd.s32 $0x1800, s16;
	s17 =	smax.u32 s17, $0x1;
	v7 =	vor.u32 s10, v5;
	v63 =	vor.u32 s5, v29;
	[tilespmem:$0x1FFA0] =	vst v2;
	v2 =	vor.u32 s5, v28  }
0x3d: {  	s26 =	simm.s32 $0x400;
	s14 =	sadd.s32 s24, s2;
	s24 =	simm.s32 $0x200;
	v30 =	vor.u32 s10, v28;
	v31 =	vor.u32 s10, v29;
	[tilespmem:$0x1FFB0] =	vst v2;
	v2 =	vor.u32 s10, v0  }
.LBB2_29:
0x3e: {  	s0 =	sadd.s32 $0x1, s0  }
0x3f: {  	p3 =	sne.s32 s0, s17  }
.Ltmp1:
0x40: {  	_ = 	snop;
	(pc) =	sbr.rel @!p3 .LBB2_30-.Ltmp1, $2  }
0x41: {  	_ =	sdelay $0x2  }
0x42: {  	vm1 =	vcmask $0x3F3C  }
.LBB2_1:
0x43: {  	[tilespmem:s4], [sflag:$0x1] =	stream.strided.gather [hbm4b:s6+s23], $0x200, s24, s23, $0x38;
	[tilespmem:$0xCC0] =	vst v63  }
0x44: {  	_ =	swait.ge [sflag:s25], $0x200  }
0x45: {  	[sflag:s25] =	ssyncset.done $0x0  }
0x46: {  	[sflag:s25] =	ssyncadd.s32 $0xFFFFFE00  }
0x47: {  	[tilespmem:s24], [sflag:$0x1] =	stream.strided.gather [hbm4b:s7+s23], $0x200, s24, s23, $0x38;
	[tilespmem:$0xCC0] =	vst v63  }
0x48: {  	_ =	swait.ge [sflag:s25], $0x200  }
0x49: {  	[sflag:s25] =	ssyncset.done $0x0  }
0x4a: {  	[sflag:s25] =	ssyncadd.s32 $0xFFFFFE00  }
.Ltmp2:
0x4b: {  	v42 =	vld [tilespmem:s8+$0x0];
	(pc) =	sbr.rel @p0 .LBB2_5-.Ltmp2, $2  }
0x4c: {  	_ =	sdelay $0x2  }
0x4d: {  	v43 =	vimm.s32 $0x0  }
0x4e: {  	v19 =	vor.u32 s4, v0  }
0x4f: {  	v21 =	vor.u32 s4, v1  }
0x50: {  	v24 =	vor.u32 s4, v4  }
0x51: {  	v25 =	vor.u32 s4, v5  }
0x52: {  	v35 =	vor.u32 s4, v8;
	p3 =	sne.s32 s1, $0x10  }
.Ltmp3:
0x53: {  	v45 =	vor.u32 s4, v10;
	v37 =	vld.idx.msk [tilespmem:v19+s4+$0x0], $0xffff;
	(pc) =	sbr.rel @!p3 .LBB2_4-.Ltmp3, $4  }
0x54: {  	v40 =	vor.u32 s4, v12;
	v36 =	vld.idx.msk [tilespmem:v21+s4+$0x0], $0xffff  }
0x55: {  	v39 =	vor.u32 s4, v13;
	v32 =	vor.u32 s4, v29;
	v43 =	vor.u32 s4, v14;
	v21 =	vld.idx.msk [tilespmem:v24+s4+$0x0], $0xffff  }
0x56: {  	v34 =	vor.u32 s4, v26;
	v33 =	vor.u32 s4, v28;
	v38 =	vor.u32 s4, v18;
	v24 =	vld.idx.msk [tilespmem:v25+s4+$0x0], $0xffff  }
0x57: {  	s2 =	simm.s32 $0x10;
	s3 =	simm.s32 $0x0;
	v46 =	vimm.s32 $0x0;
	v25 =	vld.idx.msk [tilespmem:v35+s4+$0x0], $0xffff;
	v19 =	vor.u32 s4, v22;
	v35 =	vor.u32 s4, v23  }
.LBB2_3:
0x58: {  	v47 =	vor.u32 s2, v5;
	v53 =	vor.u32 s2, v8;
	v45 =	vld.idx.msk [tilespmem:v45+s4+$0x0], $0xffff;
	v54 =	vor.u32 s3, v20;
	s3 =	smov.u32 s2  }
0x59: {  	v55 =	vor.u32 s2, v1;
	v56 =	vor.u32 s2, v4;
	vm15 =	vge.f32 v37, v42;
	v37 =	vld.idx.msk [tilespmem:v40+s4+$0x0], $0xffff  }
0x5a: {  	v40 =	vor.u32 s2, v0;
	v61 =	vsel vm15, $0x1, v41;
	vm15 =	vge.f32 v36, v42;
	v36 =	vld.idx.msk [tilespmem:v39+s4+$0x0], $0xffff  }
0x5b: {  	v39 =	vadd.s32 v61, v46;
	v46 =	vsel vm15, $0x1, v41;
	vm15 =	vge.f32 v21, v42;
	v21 =	vld.idx.msk [tilespmem:v43+s4+$0x0], $0xffff  }
0x5c: {  	v39 =	vadd.s32 v46, v39;
	v43 =	vsel vm15, $0x1, v41;
	vm15 =	vge.f32 v24, v42;
	v24 =	vld.idx.msk [tilespmem:v38+s4+$0x0], $0xffff  }
0x5d: {  	v38 =	vadd.s32 v43, v39;
	v39 =	vsel vm15, $0x1, v41;
	vm15 =	vge.f32 v25, v42;
	v25 =	vld.idx.msk [tilespmem:v54+s4+$0x0], $0xffff  }
0x5e: {  	v38 =	vadd.s32 v39, v38;
	v39 =	vsel vm15, $0x1, v41;
	vm15 =	vge.f32 v45, v42;
	v19 =	vld.idx.msk [tilespmem:v19+s4+$0x0], $0xffff  }
0x5f: {  	v38 =	vadd.s32 v39, v38;
	v39 =	vsel vm15, $0x1, v41;
	vm15 =	vge.f32 v37, v42;
	v35 =	vld.idx.msk [tilespmem:v35+s4+$0x0], $0xffff  }
0x60: {  	v37 =	vadd.s32 v39, v38;
	v38 =	vsel vm15, $0x1, v41;
	vm15 =	vge.f32 v36, v42;
	v34 =	vld.idx.msk [tilespmem:v34+s4+$0x0], $0xffff  }
0x61: {  	v36 =	vadd.s32 v38, v37;
	v37 =	vsel vm15, $0x1, v41;
	vm15 =	vge.f32 v21, v42;
	v21 =	vld.idx.msk [tilespmem:v33+s4+$0x0], $0xffff  }
0x62: {  	v33 =	vadd.s32 v37, v36;
	v36 =	vsel vm15, $0x1, v41;
	vm15 =	vge.f32 v24, v42;
	v24 =	vld.idx.msk [tilespmem:v32+s4+$0x0], $0xffff  }
0x63: {  	v32 =	vadd.s32 v36, v33;
	v33 =	vsel vm15, $0x1, v41;
	vm15 =	vge.f32 v25, v42  }
0x64: {  	s2 =	sadd.s32 $0x10, s2;
	v25 =	vadd.s32 v33, v32;
	v32 =	vsel vm15, $0x1, v41;
	vm15 =	vge.f32 v19, v42  }
0x65: {  	p3 =	sne.s32 s1, s2;
	v19 =	vadd.s32 v32, v25;
	v25 =	vsel vm15, $0x1, v41;
	vm15 =	vge.f32 v35, v42  }
0x66: {  	v19 =	vadd.s32 v25, v19;
	v25 =	vsel vm15, $0x1, v41;
	vm15 =	vge.f32 v34, v42  }
0x67: {  	v19 =	vadd.s32 v25, v19;
	v25 =	vsel vm15, $0x1, v41;
	vm15 =	vge.f32 v21, v42  }
0x68: {  	v19 =	vadd.s32 v25, v19;
	v21 =	vsel vm15, $0x1, v41;
	vm15 =	vge.f32 v24, v42  }
.Ltmp4:
0x69: {  	v45 =	vor.u32 s3, v10;
	v19 =	vadd.s32 v21, v19;
	v21 =	vsel vm15, $0x1, v41;
	v37 =	vld.idx.msk [tilespmem:v40+s4+$0x0], $0xffff;
	(pc) =	sbr.rel @p3 .LBB2_3-.Ltmp4, $4  }
0x6a: {  	v40 =	vor.u32 s3, v12;
	v46 =	vadd.s32 v21, v19;
	v36 =	vld.idx.msk [tilespmem:v55+s4+$0x0], $0xffff  }
0x6b: {  	v39 =	vor.u32 s3, v13;
	v32 =	vor.u32 s3, v29;
	v21 =	vld.idx.msk [tilespmem:v56+s4+$0x0], $0xffff  }
0x6c: {  	v43 =	vor.u32 s3, v14;
	v33 =	vor.u32 s3, v28;
	v34 =	vor.u32 s3, v26;
	v24 =	vld.idx.msk [tilespmem:v47+s4+$0x0], $0xffff  }
0x6d: {  	v38 =	vor.u32 s3, v18;
	v35 =	vor.u32 s3, v23;
	v19 =	vor.u32 s3, v22;
	v25 =	vld.idx.msk [tilespmem:v53+s4+$0x0], $0xffff  }
.LBB2_4:
0x6e: {  	_ =	sdelay $0x3  }
0x6f: {  	v45 =	vld.idx.msk [tilespmem:v45+s4+$0x0], $0xffff;
	v47 =	vor.u32 s3, v20;
	vm15 =	vge.f32 v37, v42  }
0x70: {  	v37 =	vld.idx.msk [tilespmem:v40+s4+$0x0], $0xffff;
	v62 =	vsel vm15, $0x1, v41;
	vm15 =	vge.f32 v36, v42  }
0x71: {  	v36 =	vld.idx.msk [tilespmem:v39+s4+$0x0], $0xffff;
	v53 =	vadd.s32 v62, v46;
	v54 =	vsel vm15, $0x1, v41;
	vm15 =	vge.f32 v21, v42  }
0x72: {  	v21 =	vld.idx.msk [tilespmem:v43+s4+$0x0], $0xffff;
	v39 =	vadd.s32 v54, v53;
	v55 =	vsel vm15, $0x1, v41;
	vm15 =	vge.f32 v24, v42  }
0x73: {  	v24 =	vld.idx.msk [tilespmem:v38+s4+$0x0], $0xffff;
	v56 =	vadd.s32 v55, v39;
	v61 =	vsel vm15, $0x1, v41;
	vm15 =	vge.f32 v25, v42  }
0x74: {  	v25 =	vld.idx.msk [tilespmem:v47+s4+$0x0], $0xffff;
	v38 =	vadd.s32 v61, v56;
	v62 =	vsel vm15, $0x1, v41;
	vm15 =	vge.f32 v45, v42  }
0x75: {  	v19 =	vld.idx.msk [tilespmem:v19+s4+$0x0], $0xffff;
	v38 =	vadd.s32 v62, v38;
	v43 =	vsel vm15, $0x1, v41;
	vm15 =	vge.f32 v37, v42  }
0x76: {  	v35 =	vld.idx.msk [tilespmem:v35+s4+$0x0], $0xffff;
	v45 =	vadd.s32 v43, v38;
	v46 =	vsel vm15, $0x1, v41;
	vm15 =	vge.f32 v36, v42  }
0x77: {  	v34 =	vld.idx.msk [tilespmem:v34+s4+$0x0], $0xffff;
	v47 =	vadd.s32 v46, v45;
	v53 =	vsel vm15, $0x1, v41;
	vm15 =	vge.f32 v21, v42  }
0x78: {  	v21 =	vld.idx.msk [tilespmem:v33+s4+$0x0], $0xffff;
	v54 =	vadd.s32 v53, v47;
	v55 =	vsel vm15, $0x1, v41;
	vm15 =	vge.f32 v24, v42  }
0x79: {  	v24 =	vld.idx.msk [tilespmem:v32+s4+$0x0], $0xffff;
	v56 =	vadd.s32 v55, v54;
	v61 =	vsel vm15, $0x1, v41;
	vm15 =	vge.f32 v25, v42  }
0x7a: {  	v25 =	vadd.s32 v61, v56;
	v62 =	vsel vm15, $0x1, v41;
	vm15 =	vge.f32 v19, v42  }
0x7b: {  	v19 =	vadd.s32 v62, v25;
	v25 =	vsel vm15, $0x1, v41;
	vm15 =	vge.f32 v35, v42  }
0x7c: {  	v19 =	vadd.s32 v25, v19;
	v25 =	vsel vm15, $0x1, v41;
	vm15 =	vge.f32 v34, v42  }
0x7d: {  	v19 =	vadd.s32 v25, v19;
	v25 =	vsel vm15, $0x1, v41;
	vm15 =	vge.f32 v21, v42  }
0x7e: {  	v19 =	vadd.s32 v25, v19;
	v21 =	vsel vm15, $0x1, v41;
	vm15 =	vge.f32 v24, v42  }
0x7f: {  	v19 =	vadd.s32 v21, v19;
	v21 =	vsel vm15, $0x1, v41  }
0x80: {  	v43 =	vadd.s32 v21, v19  }
.LBB2_5:
0x81: {  	p4 =	sne.s32 s18, $0x1  }
.Ltmp5:
0x82: {  	_ = 	snop;
	(pc) =	sbr.rel @!p4 .LBB2_9-.Ltmp5, $3  }
0x83: {  	_ =	sdelay $0x1  }
0x84: {  	s3 =	sadd.s32 $0xFFFFFFFF, s18  }
0x85: {  	p3 =	por $0x0, $0x0;
	v32 =	vmovc v60;
	s28 =	smov.u32 s29;
	v33 =	vmovc v59;
	v34 =	vmov v58;
	v35 =	vmov v57;
	v36 =	vmov v44;
	s2 =	smov.u32 s29  }
0x86: {  	_ =	sdelay $0x3  }
0x87: {  	v19 =	vld.idx.msk [tilespmem:v60+s4+$0x0], $0xffff  }
0x88: {  	v21 =	vld.idx.msk [tilespmem:v59+s4+$0x0], $0xffff  }
0x89: {  	v24 =	vld.idx.msk [tilespmem:v58+s4+$0x0], $0xffff;
	_ =	sdelay $0x1  }
0x8a: {  	v32 =	vld [tilespmem:$0x1FE70]  }
0x8b: {  	vm15 =	vgt.f32 v19, v42;
	v19 =	vld [tilespmem:$0x1FE80]  }
0x8c: {  	v47 =	vsel vm15, $0x1, v41;
	vm15 =	vgt.f32 v21, v42;
	v21 =	vld [tilespmem:$0x1FE90]  }
0x8d: {  	v53 =	vsel vm15, $0x1, v41;
	vm15 =	vgt.f32 v24, v42;
	v24 =	vld [tilespmem:$0x1FEA0];
	_ =	sdelay $0x2  }
0x8e: {  	v25 =	vld.idx.msk [tilespmem:v57+s4+$0x0], $0xffff  }
0x8f: {  	v37 =	vor.u32 s29, v18;
	v40 =	vld.idx.msk [tilespmem:v44+s4+$0x0], $0xffff  }
0x90: {  	v46 =	vld.idx.msk [tilespmem:v32+s4+$0x0], $0xffff  }
0x91: {  	v19 =	vld.idx.msk [tilespmem:v19+s4+$0x0], $0xffff  }
0x92: {  	v21 =	vld.idx.msk [tilespmem:v21+s4+$0x0], $0xffff  }
0x93: {  	v47 =	vadd.s32 v47, v43;
	v62 =	vsel vm15, $0x1, v41;
	vm15 =	vgt.f32 v25, v42;
	v24 =	vld.idx.msk [tilespmem:v24+s4+$0x0], $0xffff  }
0x94: {  	v47 =	vadd.s32 v53, v47;
	v25 =	vld.idx.msk [tilespmem:v37+s4+$0x0], $0xffff;
	v61 =	vsel vm15, $0x1, v41;
	vm15 =	vgt.f32 v40, v42  }
0x95: {  	v56 =	vadd.s32 v62, v47;
	v62 =	vsel vm15, $0x1, v41;
	vm15 =	vgt.f32 v46, v42  }
0x96: {  	v38 =	vor.u32 s29, v22;
	v54 =	vsel vm15, $0x1, v41;
	vm15 =	vgt.f32 v19, v42  }
0x97: {  	v45 =	vor.u32 s29, v20;
	v55 =	vsel vm15, $0x1, v41;
	vm15 =	vgt.f32 v21, v42;
	v21 =	vld [tilespmem:$0x1FEF0]  }
0x98: {  	v37 =	vadd.s32 v61, v56;
	v56 =	vsel vm15, $0x1, v41;
	vm15 =	vgt.f32 v24, v42;
	v24 =	vld [tilespmem:$0x1FF00]  }
0x99: {  	v39 =	vor.u32 s29, v23;
	v61 =	vsel vm15, $0x1, v41;
	vm15 =	vgt.f32 v25, v42;
	v25 =	vld [tilespmem:$0x1FF10];
	_ =	sdelay $0x2  }
0x9a: {  	v40 =	vld.idx.msk [tilespmem:v45+s4+$0x0], $0xffff  }
0x9b: {  	s28 =	sadd.s32 $0x10, s29;
	p4 =	sne.s32 s3, $0x1;
	v53 =	vld.idx.msk [tilespmem:v38+s4+$0x0], $0xffff;
	v37 =	vadd.s32 v62, v37  }
.Ltmp6:
0x9c: {  	v35 =	vor.u32 s28, v5;
	v37 =	vadd.s32 v54, v37;
	v19 =	vld.idx.msk [tilespmem:v39+s4+$0x0], $0xffff;
	(pc) =	sbr.rel @!p4 .LBB2_7-.Ltmp6, $4  }
0x9d: {  	v36 =	vor.u32 s28, v8;
	v33 =	vor.u32 s28, v1;
	v37 =	vadd.s32 v55, v37;
	v21 =	vld.idx.msk [tilespmem:v21+s4+$0x0], $0xffff  }
0x9e: {  	v34 =	vor.u32 s28, v4;
	v32 =	vor.u32 s28, v0;
	v37 =	vadd.s32 v56, v37;
	v24 =	vld.idx.msk [tilespmem:v24+s4+$0x0], $0xffff  }
0x9f: {  	v37 =	vadd.s32 v61, v37;
	v62 =	vsel vm15, $0x1, v41;
	vm15 =	vgt.f32 v40, v42;
	v25 =	vld.idx.msk [tilespmem:v25+s4+$0x0], $0xffff  }
0xa0: {  	s3 =	sadd.s32 $0xFFFFFFFF, s3;
	p3 =	por $0x1, $0x1;
	s2 =	smov.u32 s28;
	v37 =	vadd.s32 v62, v37;
	v38 =	vsel vm15, $0x1, v41;
	vm15 =	vgt.f32 v53, v42  }
.LBB2_8:
0xa1: {  	p4 =	sne.s32 s3, $0x1;
	v37 =	vadd.s32 v38, v37;
	v38 =	vsel vm15, $0x1, v41;
	vm15 =	vgt.f32 v19, v42  }
0xa2: {  	v19 =	vadd.s32 v38, v37;
	v37 =	vsel vm15, $0x1, v41;
	vm15 =	vgt.f32 v21, v42  }
0xa3: {  	v19 =	vadd.s32 v37, v19;
	v21 =	vsel vm15, $0x1, v41;
	vm15 =	vgt.f32 v24, v42  }
0xa4: {  	v19 =	vadd.s32 v21, v19;
	v21 =	vsel vm15, $0x1, v41;
	vm15 =	vgt.f32 v25, v42  }
0xa5: {  	v25 =	vor.u32 s28, v10;
	v24 =	vld.idx.msk [tilespmem:v32+s4+$0x0], $0xffff;
	v19 =	vadd.s32 v21, v19;
	v21 =	vsel vm15, $0x1, v41  }
0xa6: {  	v32 =	vor.u32 s28, v12;
	v37 =	vld.idx.msk [tilespmem:v33+s4+$0x0], $0xffff;
	v19 =	vadd.s32 v21, v19  }
0xa7: {  	v39 =	vor.u32 s28, v29;
	v38 =	vor.u32 s28, v13;
	v21 =	vld.idx.msk [tilespmem:v34+s4+$0x0], $0xffff  }
0xa8: {  	v45 =	vor.u32 s28, v14;
	v46 =	vor.u32 s28, v26;
	v47 =	vor.u32 s28, v28;
	v40 =	vld.idx.msk [tilespmem:v35+s4+$0x0], $0xffff  }
0xa9: {  	v54 =	vor.u32 s2, v18;
	v55 =	vor.u32 s2, v22;
	v56 =	vor.u32 s2, v23;
	s28 =	sadd.s32 $0x10, s28;
	v53 =	vld.idx.msk [tilespmem:v36+s4+$0x0], $0xffff  }
0xaa: {  	v61 =	vor.u32 s2, v20;
	s2 =	smov.u32 s28;
	v35 =	vor.u32 s28, v5;
	v36 =	vor.u32 s28, v8;
	v25 =	vld.idx.msk [tilespmem:v25+s4+$0x0], $0xffff  }
0xab: {  	v33 =	vor.u32 s28, v1;
	v34 =	vor.u32 s28, v4;
	vm15 =	vgt.f32 v24, v42;
	v24 =	vld.idx.msk [tilespmem:v32+s4+$0x0], $0xffff  }
0xac: {  	v32 =	vor.u32 s28, v0;
	v62 =	vsel vm15, $0x1, v41;
	vm15 =	vgt.f32 v37, v42;
	v37 =	vld.idx.msk [tilespmem:v38+s4+$0x0], $0xffff  }
0xad: {  	v19 =	vadd.s32 v62, v19;
	v38 =	vsel vm15, $0x1, v41;
	vm15 =	vgt.f32 v21, v42;
	v45 =	vld.idx.msk [tilespmem:v45+s4+$0x0], $0xffff  }
0xae: {  	v19 =	vadd.s32 v38, v19;
	v21 =	vsel vm15, $0x1, v41;
	vm15 =	vgt.f32 v40, v42;
	v38 =	vld.idx.msk [tilespmem:v54+s4+$0x0], $0xffff  }
0xaf: {  	v19 =	vadd.s32 v21, v19;
	v21 =	vsel vm15, $0x1, v41;
	vm15 =	vgt.f32 v53, v42;
	v40 =	vld.idx.msk [tilespmem:v61+s4+$0x0], $0xffff  }
0xb0: {  	v19 =	vadd.s32 v21, v19;
	v21 =	vsel vm15, $0x1, v41;
	vm15 =	vgt.f32 v25, v42;
	v53 =	vld.idx.msk [tilespmem:v55+s4+$0x0], $0xffff  }
0xb1: {  	v21 =	vadd.s32 v21, v19;
	v25 =	vsel vm15, $0x1, v41;
	vm15 =	vgt.f32 v24, v42;
	v19 =	vld.idx.msk [tilespmem:v56+s4+$0x0], $0xffff  }
.Ltmp7:
0xb2: {  	v24 =	vadd.s32 v25, v21;
	v25 =	vsel vm15, $0x1, v41;
	vm15 =	vgt.f32 v37, v42;
	v21 =	vld.idx.msk [tilespmem:v46+s4+$0x0], $0xffff;
	(pc) =	sbr.rel @p4 .LBB2_8-.Ltmp7, $4  }
0xb3: {  	v25 =	vadd.s32 v25, v24;
	v37 =	vsel vm15, $0x1, v41;
	vm15 =	vgt.f32 v45, v42;
	v24 =	vld.idx.msk [tilespmem:v47+s4+$0x0], $0xffff  }
0xb4: {  	v37 =	vadd.s32 v37, v25;
	v45 =	vsel vm15, $0x1, v41;
	vm15 =	vgt.f32 v38, v42;
	v25 =	vld.idx.msk [tilespmem:v39+s4+$0x0], $0xffff  }
0xb5: {  	v37 =	vadd.s32 v45, v37;
	v38 =	vsel vm15, $0x1, v41;
	vm15 =	vgt.f32 v40, v42  }
0xb6: {  	s3 =	sadd.s32 $0xFFFFFFFF, s3;
	v37 =	vadd.s32 v38, v37;
	v38 =	vsel vm15, $0x1, v41;
	vm15 =	vgt.f32 v53, v42  }
.LBB2_9:
0xb7: {  	v37 =	vadd.s32 @p3 v38, v37;
	v38 =	vsel @p3 vm15, $0x1, v41;
	vm15 =	vgt.f32 @p3 v19, v42  }
0xb8: {  	v19 =	vadd.s32 @p3 v38, v37;
	v37 =	vsel @p3 vm15, $0x1, v41;
	vm15 =	vgt.f32 @p3 v21, v42  }
0xb9: {  	v19 =	vadd.s32 @p3 v37, v19;
	v21 =	vsel @p3 vm15, $0x1, v41  }
0xba: {  	vm15 =	vgt.f32 @p3 v24, v42;
	v19 =	vadd.s32 @p3 v21, v19  }
0xbb: {  	v24 =	vld.idx.msk [tilespmem:v32+s4+$0x0], $0xffff;
	v21 =	vsel @p3 vm15, $0x1, v41;
	vm15 =	vgt.f32 @p3 v25, v42;
	v25 =	vor.u32 s28, v10  }
0xbc: {  	v62 =	vor.u32 s28, v12;
	v32 =	vld.idx.msk [tilespmem:v33+s4+$0x0], $0xffff;
	v19 =	vadd.s32 @p3 v21, v19;
	v21 =	vsel @p3 vm15, $0x1, v41  }
0xbd: {  	v56 =	vor.u32 s28, v13;
	v19 =	vadd.s32 @p3 v21, v19;
	v21 =	vld.idx.msk [tilespmem:v34+s4+$0x0], $0xffff  }
0xbe: {  	v35 =	vld.idx.msk [tilespmem:v35+s4+$0x0], $0xffff;
	v61 =	vor.u32 s28, v14  }
0xbf: {  	v36 =	vld.idx.msk [tilespmem:v36+s4+$0x0], $0xffff;
	v45 =	vor.u32 s2, v18  }
0xc0: {  	v39 =	vor.u32 s28, v26;
	v53 =	vor.u32 s2, v20;
	vm15 =	vgt.f32 v24, v42;
	v25 =	vld.idx.msk [tilespmem:v25+s4+$0x0], $0xffff  }
0xc1: {  	v46 =	vor.u32 s2, v22;
	v24 =	vld.idx.msk [tilespmem:v62+s4+$0x0], $0xffff;
	v62 =	vsel vm15, $0x1, v41;
	vm15 =	vgt.f32 v32, v42  }
0xc2: {  	v47 =	vor.u32 s2, v23;
	v54 =	vld.idx.msk [tilespmem:v56+s4+$0x0], $0xffff;
	v55 =	vsel vm15, $0x1, v41;
	vm15 =	vgt.f32 v21, v42  }
0xc3: {  	v19 =	vpsel p3, v19, v43;
	v21 =	vld.idx.msk [tilespmem:v61+s4+$0x0], $0xffff;
	v56 =	vsel vm15, $0x1, v41;
	vm15 =	vgt.f32 v35, v42  }
0xc4: {  	v19 =	vadd.s32 v62, v19;
	v61 =	vld.idx.msk [tilespmem:v45+s4+$0x0], $0xffff;
	v62 =	vsel vm15, $0x1, v41;
	vm15 =	vgt.f32 v36, v42  }
0xc5: {  	v40 =	vor.u32 s28, v28;
	v36 =	vld.idx.msk [tilespmem:v53+s4+$0x0], $0xffff;
	v38 =	vsel vm15, $0x1, v41;
	vm15 =	vgt.f32 v25, v42  }
0xc6: {  	v25 =	vld.idx.msk [tilespmem:v46+s4+$0x0], $0xffff;
	v43 =	vsel vm15, $0x1, v41;
	vm15 =	vgt.f32 v24, v42  }
0xc7: {  	v24 =	vld.idx.msk [tilespmem:v47+s4+$0x0], $0xffff;
	v45 =	vsel vm15, $0x1, v41;
	vm15 =	vgt.f32 v54, v42  }
0xc8: {  	v47 =	vsel vm15, $0x1, v41;
	vm15 =	vgt.f32 v21, v42  }
0xc9: {  	v46 =	vld.idx.msk [tilespmem:v39+s4+$0x0], $0xffff;
	v53 =	vsel vm15, $0x1, v41;
	vm15 =	vgt.f32 v61, v42  }
0xca: {  	v19 =	vadd.s32 v55, v19;
	v21 =	vld.idx.msk [tilespmem:v40+s4+$0x0], $0xffff;
	v55 =	vsel vm15, $0x1, v41;
	vm15 =	vgt.f32 v36, v42  }
0xcb: {  	v19 =	vadd.s32 v56, v19;
	v56 =	vsel vm15, $0x1, v41;
	vm15 =	vgt.f32 v25, v42;
	v25 =	vld [tilespmem:$0x1FD70]  }
0xcc: {  	v61 =	vsel vm15, $0x1, v41;
	vm15 =	vgt.f32 v24, v42;
	v24 =	vld [tilespmem:$0x1FD80]  }
0xcd: {  	v37 =	vor.u32 s28, v29  }
0xce: {  	v19 =	vadd.s32 v62, v19;
	v62 =	vsel vm15, $0x1, v41;
	vm15 =	vgt.f32 v46, v42  }
0xcf: {  	v32 =	vsel vm15, $0x1, v41;
	vm15 =	vgt.f32 v21, v42;
	v21 =	vld [tilespmem:$0x1FD90];
	_ =	sdelay $0x2  }
0xd0: {  	s28 =	simm.s32 $0x0;
	v54 =	vld.idx.msk [tilespmem:v37+s4+$0x0], $0xffff  }
0xd1: {  	v19 =	vadd.s32 v38, v19;
	v25 =	vld.idx.msk [tilespmem:v25+s28+$0x0], $0xffff  }
0xd2: {  	v19 =	vadd.s32 v43, v19;
	v24 =	vld.idx.msk [tilespmem:v24+s28+$0x0], $0xffff  }
0xd3: {  	v19 =	vadd.s32 v45, v19  }
0xd4: {  	v37 =	vld [tilespmem:$0x1FDA0];
	v19 =	vadd.s32 v47, v19  }
0xd5: {  	v19 =	vadd.s32 v53, v19;
	v36 =	vsel vm15, $0x1, v41;
	vm15 =	vgt.f32 v54, v42;
	v21 =	vld.idx.msk [tilespmem:v21+s28+$0x0], $0xffff  }
0xd6: {  	v19 =	vadd.s32 v55, v19;
	v38 =	vsel vm15, $0x1, v41;
	vm15 =	vgt.f32 v25, v42  }
0xd7: {  	vm0 =	veq.f32 v24, v42;
	v25 =	vsel vm15, $0x1, v41;
	vm15 =	vgt.f32 v24, v42;
	v24 =	vld [tilespmem:$0x1FDB0]  }
0xd8: {  	v19 =	vadd.s32 v56, v19;
	vm0 =	vmand vm0, vm1  }
0xd9: {  	v19 =	vadd.s32 v61, v19;
	vm0 =	vmor vm15, vm0  }
0xda: {  	vm15 =	veq.f32 v21, v42;
	v39 =	vsel vm0, $0x1, v41;
	vm0 =	vgt.f32 v21, v42;
	v21 =	vld [tilespmem:$0x1FDC0]  }
0xdb: {  	v19 =	vadd.s32 v62, v19  }
0xdc: {  	v19 =	vadd.s32 v32, v19;
	v32 =	vld.idx.msk [tilespmem:v37+s28+$0x0], $0xffff;
	_ =	sdelay $0x2  }
0xdd: {  	v19 =	vadd.s32 v36, v19;
	v24 =	vld.idx.msk [tilespmem:v24+s28+$0x0], $0xffff  }
0xde: {  	vm3 =	vcmask $0x3F34;
	v19 =	vadd.s32 v38, v19;
	vm15 =	vmand vm15, vm2  }
0xdf: {  	v40 =	vld [tilespmem:$0x1FDD0];
	v19 =	vadd.s32 v25, v19;
	vm0 =	vmor vm0, vm15;
	vm15 =	veq.f32 v32, v42  }
0xe0: {  	v25 =	vsel vm0, $0x1, v41;
	vm0 =	vgt.f32 v32, v42;
	vm15 =	vmand vm15, vm3;
	v21 =	vld.idx.msk [tilespmem:v21+s28+$0x0], $0xffff  }
0xe1: {  	vm3 =	vcmask $0x3F30;
	vm0 =	vmor vm0, vm15  }
0xe2: {  	v43 =	vsel vm0, $0x1, v41;
	vm15 =	veq.f32 v24, v42;
	vm0 =	vgt.f32 v24, v42;
	v24 =	vld [tilespmem:$0x1FDE0]  }
0xe3: {  	v19 =	vadd.s32 v39, v19;
	vm15 =	vmand vm15, vm3  }
0xe4: {  	v19 =	vadd.s32 v25, v19;
	vm0 =	vmor vm0, vm15  }
0xe5: {  	vm15 =	veq.f32 v21, v42;
	v25 =	vsel vm0, $0x1, v41;
	vm0 =	vgt.f32 v21, v42;
	v21 =	vld [tilespmem:$0x1FDF0];
	_ =	sdelay $0x1  }
0xe6: {  	v32 =	vld.idx.msk [tilespmem:v40+s28+$0x0], $0xffff;
	_ =	sdelay $0x2  }
0xe7: {  	v24 =	vld.idx.msk [tilespmem:v24+s28+$0x0], $0xffff  }
0xe8: {  	vm15 =	vmand vm15, vm4  }
0xe9: {  	v46 =	vld [tilespmem:$0x1FE00];
	v19 =	vadd.s32 v43, v19;
	vm0 =	vmor vm0, vm15;
	vm15 =	veq.f32 v32, v42  }
0xea: {  	v45 =	vsel vm0, $0x1, v41;
	vm0 =	vgt.f32 v32, v42;
	vm15 =	vmand vm15, vm5;
	v21 =	vld.idx.msk [tilespmem:v21+s28+$0x0], $0xffff  }
0xeb: {  	v19 =	vadd.s32 v25, v19;
	vm0 =	vmor vm0, vm15  }
0xec: {  	v25 =	vsel vm0, $0x1, v41;
	vm15 =	veq.f32 v24, v42;
	vm0 =	vgt.f32 v24, v42;
	v24 =	vld [tilespmem:$0x1FE10]  }
0xed: {  	vm15 =	vmand vm15, vm6  }
0xee: {  	vm0 =	vmor vm0, vm15  }
0xef: {  	vm15 =	veq.f32 v21, v42;
	v47 =	vsel vm0, $0x1, v41;
	vm0 =	vgt.f32 v21, v42;
	v21 =	vld [tilespmem:$0x1FE20];
	_ =	sdelay $0x2  }
0xf0: {  	v32 =	vld.idx.msk [tilespmem:v46+s28+$0x0], $0xffff;
	_ =	sdelay $0x1  }
0xf1: {  	v24 =	vld.idx.msk [tilespmem:v24+s28+$0x0], $0xffff;
	_ =	sdelay $0x1  }
0xf2: {  	v19 =	vadd.s32 v45, v19;
	vm15 =	vmand vm15, vm7  }
0xf3: {  	v19 =	vadd.s32 v25, v19;
	vm0 =	vmor vm0, vm15;
	vm15 =	veq.f32 v32, v42;
	v21 =	vld.idx.msk [tilespmem:v21+s28+$0x0], $0xffff  }
0xf4: {  	v53 =	vld [tilespmem:$0x1FE30];
	v25 =	vsel vm0, $0x1, v41;
	vm0 =	vgt.f32 v32, v42;
	vm15 =	vmand vm15, vm8  }
0xf5: {  	v19 =	vadd.s32 v47, v19;
	vm0 =	vmor vm0, vm15;
	vm15 =	veq.f32 v24, v42  }
0xf6: {  	v54 =	vsel vm0, $0x1, v41;
	vm0 =	vgt.f32 v24, v42;
	v24 =	vld [tilespmem:$0x1FE40];
	vm15 =	vmand vm15, vm9  }
0xf7: {  	v19 =	vadd.s32 v25, v19;
	vm0 =	vmor vm0, vm15  }
0xf8: {  	vm15 =	veq.f32 v21, v42;
	v25 =	vsel vm0, $0x1, v41;
	vm0 =	vgt.f32 v21, v42;
	v21 =	vld [tilespmem:$0x1FE50];
	_ =	sdelay $0x1  }
0xf9: {  	v56 =	vld [tilespmem:$0x1FE60];
	_ =	sdelay $0x1  }
0xfa: {  	v32 =	vld.idx.msk [tilespmem:v53+s28+$0x0], $0xffff;
	_ =	sdelay $0x1  }
0xfb: {  	v24 =	vld.idx.msk [tilespmem:v24+s28+$0x0], $0xffff;
	_ =	sdelay $0x1  }
0xfc: {  	vm15 =	vmand vm15, vm10;
	v21 =	vld.idx.msk [tilespmem:v21+s28+$0x0], $0xffff  }
0xfd: {  	v19 =	vadd.s32 v54, v19;
	vm0 =	vmor vm0, vm15;
	vm15 =	veq.f32 v32, v42  }
0xfe: {  	v55 =	vsel vm0, $0x1, v41;
	vm0 =	vgt.f32 v32, v42;
	vm15 =	vmand vm15, vm11;
	v32 =	vld.idx.msk [tilespmem:v56+s28+$0x0], $0xffff  }
0xff: {  	v19 =	vadd.s32 v25, v19;
	vm0 =	vmor vm0, vm15;
	vm15 =	veq.f32 v24, v42  }
0x100: {  	v25 =	vsel vm0, $0x1, v41;
	vm0 =	vgt.f32 v24, v42;
	vm15 =	vmand vm15, vm12  }
0x101: {  	v19 =	vadd.s32 v55, v19;
	vm0 =	vmor vm0, vm15;
	vm15 =	veq.f32 v21, v42  }
0x102: {  	v24 =	vsel vm0, $0x1, v41;
	vm0 =	vgt.f32 v21, v42;
	vm15 =	vmand vm15, vm13  }
0x103: {  	v19 =	vadd.s32 v25, v19;
	vm0 =	vmor vm0, vm15;
	vm15 =	veq.f32 v32, v42  }
0x104: {  	v21 =	vsel vm0, $0x1, v41;
	vm0 =	vgt.f32 v32, v42;
	vm15 =	vmand vm15, vm14  }
0x105: {  	v19 =	vadd.s32 v24, v19;
	v24 =	vor.u32 s28, v0;
	vm0 =	vmor vm0, vm15  }
0x106: {  	v61 =	vor.u32 s28, v1;
	v19 =	vadd.s32 v21, v19;
	v25 =	vsel vm0, $0x1, v41  }
0x107: {  	v62 =	vor.u32 s28, v8;
	v19 =	vadd.s32 v25, v19  }
0x108: {  	v25 =	vor.u32 s28, v4;
	[tilespmem:$0x400] =	vst v19  }
0x109: {  	p3 =	sne.s32 s29, $0x10;
	v19 =	vor.u32 s28, v5;
	v42 =	vld [tilespmem:s9+$0x0]  }
.Ltmp8:
0x10a: {  	v46 =	vor.u32 s28, v10;
	v37 =	vld.idx.msk [tilespmem:v24+s4+$0x0], $0xffff;
	(pc) =	sbr.rel @!p3 .LBB2_11-.Ltmp8, $4  }
0x10b: {  	v45 =	vor.u32 s28, v12;
	v43 =	vld.idx.msk [tilespmem:v61+s4+$0x0], $0xffff  }
0x10c: {  	v33 =	vor.u32 s28, v28;
	v34 =	vor.u32 s28, v26;
	v39 =	vor.u32 s28, v13;
	v36 =	vld.idx.msk [tilespmem:v62+s4+$0x0], $0xffff  }
0x10d: {  	v35 =	vor.u32 s28, v23;
	v38 =	vor.u32 s28, v14;
	v40 =	vor.u32 s28, v18;
	v25 =	vld.idx.msk [tilespmem:v25+s4+$0x0], $0xffff  }
0x10e: {  	s2 =	simm.s32 $0x10;
	v32 =	vor.u32 s28, v29;
	v21 =	vimm.s32 $0x0;
	v24 =	vld.idx.msk [tilespmem:v19+s4+$0x0], $0xffff;
	v19 =	vor.u32 s28, v22  }
.LBB2_10:
0x10f: {  	v47 =	vor.u32 s2, v5;
	v53 =	vor.u32 s2, v8;
	v46 =	vld.idx.msk [tilespmem:v46+s4+$0x0], $0xffff;
	v54 =	vor.u32 s28, v20;
	s28 =	smov.u32 s2  }
0x110: {  	v55 =	vor.u32 s2, v1;
	v56 =	vor.u32 s2, v4;
	vm0 =	vge.f32 v37, v42;
	v37 =	vld.idx.msk [tilespmem:v45+s4+$0x0], $0xffff  }
0x111: {  	v45 =	vor.u32 s2, v0;
	v61 =	vsel vm0, $0x1, v41;
	vm0 =	vge.f32 v43, v42;
	v39 =	vld.idx.msk [tilespmem:v39+s4+$0x0], $0xffff  }
0x112: {  	v21 =	vadd.s32 v61, v21;
	v43 =	vsel vm0, $0x1, v41;
	vm0 =	vge.f32 v25, v42;
	v25 =	vld.idx.msk [tilespmem:v38+s4+$0x0], $0xffff  }
0x113: {  	v21 =	vadd.s32 v43, v21;
	v38 =	vsel vm0, $0x1, v41;
	vm0 =	vge.f32 v24, v42;
	v24 =	vld.idx.msk [tilespmem:v40+s4+$0x0], $0xffff  }
0x114: {  	v21 =	vadd.s32 v38, v21;
	v38 =	vsel vm0, $0x1, v41;
	vm0 =	vge.f32 v36, v42;
	v36 =	vld.idx.msk [tilespmem:v54+s4+$0x0], $0xffff  }
0x115: {  	v21 =	vadd.s32 v38, v21;
	v38 =	vsel vm0, $0x1, v41;
	vm0 =	vge.f32 v46, v42;
	v19 =	vld.idx.msk [tilespmem:v19+s4+$0x0], $0xffff  }
0x116: {  	v21 =	vadd.s32 v38, v21;
	v38 =	vsel vm0, $0x1, v41;
	vm0 =	vge.f32 v37, v42;
	v35 =	vld.idx.msk [tilespmem:v35+s4+$0x0], $0xffff  }
0x117: {  	v21 =	vadd.s32 v38, v21;
	v37 =	vsel vm0, $0x1, v41;
	vm0 =	vge.f32 v39, v42;
	v34 =	vld.idx.msk [tilespmem:v34+s4+$0x0], $0xffff  }
0x118: {  	v21 =	vadd.s32 v37, v21;
	v37 =	vsel vm0, $0x1, v41;
	vm0 =	vge.f32 v25, v42;
	v25 =	vld.idx.msk [tilespmem:v33+s4+$0x0], $0xffff  }
0x119: {  	v21 =	vadd.s32 v37, v21;
	v33 =	vsel vm0, $0x1, v41;
	vm0 =	vge.f32 v24, v42;
	v24 =	vld.idx.msk [tilespmem:v32+s4+$0x0], $0xffff  }
0x11a: {  	v21 =	vadd.s32 v33, v21;
	v32 =	vsel vm0, $0x1, v41;
	vm0 =	vge.f32 v36, v42  }
0x11b: {  	s2 =	sadd.s32 $0x10, s2;
	v21 =	vadd.s32 v32, v21;
	v32 =	vsel vm0, $0x1, v41;
	vm0 =	vge.f32 v19, v42  }
0x11c: {  	p3 =	sne.s32 s29, s2;
	v19 =	vadd.s32 v32, v21;
	v21 =	vsel vm0, $0x1, v41;
	vm0 =	vge.f32 v35, v42  }
0x11d: {  	v19 =	vadd.s32 v21, v19;
	v21 =	vsel vm0, $0x1, v41;
	vm0 =	vge.f32 v34, v42  }
0x11e: {  	v19 =	vadd.s32 v21, v19;
	v21 =	vsel vm0, $0x1, v41;
	vm0 =	vge.f32 v25, v42  }
0x11f: {  	v19 =	vadd.s32 v21, v19;
	v21 =	vsel vm0, $0x1, v41;
	vm0 =	vge.f32 v24, v42  }
.Ltmp9:
0x120: {  	v46 =	vor.u32 s28, v10;
	v19 =	vadd.s32 v21, v19;
	v21 =	vsel vm0, $0x1, v41;
	v37 =	vld.idx.msk [tilespmem:v45+s4+$0x0], $0xffff;
	(pc) =	sbr.rel @p3 .LBB2_10-.Ltmp9, $4  }
0x121: {  	v45 =	vor.u32 s28, v12;
	v21 =	vadd.s32 v21, v19;
	v43 =	vld.idx.msk [tilespmem:v55+s4+$0x0], $0xffff  }
0x122: {  	v39 =	vor.u32 s28, v13;
	v32 =	vor.u32 s28, v29;
	v25 =	vld.idx.msk [tilespmem:v56+s4+$0x0], $0xffff  }
0x123: {  	v38 =	vor.u32 s28, v14;
	v33 =	vor.u32 s28, v28;
	v34 =	vor.u32 s28, v26;
	v24 =	vld.idx.msk [tilespmem:v47+s4+$0x0], $0xffff  }
0x124: {  	v40 =	vor.u32 s28, v18;
	v35 =	vor.u32 s28, v23;
	v19 =	vor.u32 s28, v22;
	v36 =	vld.idx.msk [tilespmem:v53+s4+$0x0], $0xffff  }
.LBB2_11:
0x125: {  	_ =	sdelay $0x3  }
0x126: {  	v46 =	vld.idx.msk [tilespmem:v46+s4+$0x0], $0xffff;
	v47 =	vor.u32 s28, v20;
	vm0 =	vge.f32 v37, v42  }
0x127: {  	v61 =	vld.idx.msk [tilespmem:v45+s4+$0x0], $0xffff;
	v62 =	vsel vm0, $0x1, v41;
	vm0 =	vge.f32 v43, v42  }
0x128: {  	v39 =	vld.idx.msk [tilespmem:v39+s4+$0x0], $0xffff;
	v21 =	vadd.s32 v62, v21;
	v43 =	vsel vm0, $0x1, v41;
	vm0 =	vge.f32 v25, v42  }
0x129: {  	v25 =	vld.idx.msk [tilespmem:v38+s4+$0x0], $0xffff;
	v21 =	vadd.s32 v43, v21;
	v43 =	vsel vm0, $0x1, v41;
	vm0 =	vge.f32 v24, v42  }
0x12a: {  	v24 =	vld.idx.msk [tilespmem:v40+s4+$0x0], $0xffff;
	v21 =	vadd.s32 v43, v21;
	v45 =	vsel vm0, $0x1, v41;
	vm0 =	vge.f32 v36, v42  }
0x12b: {  	v47 =	vld.idx.msk [tilespmem:v47+s4+$0x0], $0xffff;
	v21 =	vadd.s32 v45, v21;
	v53 =	vsel vm0, $0x1, v41;
	vm0 =	vge.f32 v46, v42  }
0x12c: {  	v19 =	vld.idx.msk [tilespmem:v19+s4+$0x0], $0xffff;
	v21 =	vadd.s32 v53, v21;
	v54 =	vsel vm0, $0x1, v41;
	vm0 =	vge.f32 v61, v42  }
0x12d: {  	v35 =	vld.idx.msk [tilespmem:v35+s4+$0x0], $0xffff;
	v21 =	vadd.s32 v54, v21;
	v37 =	vsel vm0, $0x1, v41;
	vm0 =	vge.f32 v39, v42  }
0x12e: {  	v34 =	vld.idx.msk [tilespmem:v34+s4+$0x0], $0xffff;
	v21 =	vadd.s32 v37, v21;
	v55 =	vsel vm0, $0x1, v41;
	vm0 =	vge.f32 v25, v42  }
0x12f: {  	v25 =	vld.idx.msk [tilespmem:v33+s4+$0x0], $0xffff;
	v21 =	vadd.s32 v55, v21;
	v56 =	vsel vm0, $0x1, v41;
	vm0 =	vge.f32 v24, v42  }
0x130: {  	v24 =	vld.idx.msk [tilespmem:v32+s4+$0x0], $0xffff;
	v21 =	vadd.s32 v56, v21;
	v61 =	vsel vm0, $0x1, v41;
	vm0 =	vge.f32 v47, v42  }
0x131: {  	v21 =	vadd.s32 v61, v21;
	v62 =	vsel vm0, $0x1, v41;
	vm0 =	vge.f32 v19, v42  }
0x132: {  	p4 =	sne.s32 s19, $0x1;
	v19 =	vadd.s32 v62, v21;
	v21 =	vsel vm0, $0x1, v41;
	vm0 =	vge.f32 v35, v42  }
.Ltmp10:
0x133: {  	v19 =	vadd.s32 v21, v19;
	v21 =	vsel vm0, $0x1, v41;
	vm0 =	vge.f32 v34, v42;
	(pc) =	sbr.rel @!p4 .LBB2_15-.Ltmp10, $4  }
0x134: {  	v19 =	vadd.s32 v21, v19;
	v21 =	vsel vm0, $0x1, v41;
	vm0 =	vge.f32 v25, v42  }
0x135: {  	v19 =	vadd.s32 v21, v19;
	v21 =	vsel vm0, $0x1, v41;
	vm0 =	vge.f32 v24, v42  }
0x136: {  	s3 =	sadd.s32 $0xFFFFFFFF, s19;
	v36 =	vmov v52;
	v19 =	vadd.s32 v21, v19;
	v21 =	vsel vm0, $0x1, v41  }
0x137: {  	p3 =	por $0x0, $0x0;
	s28 =	smov.u32 s5;
	s2 =	smov.u32 s5;
	v33 =	vmovc v49;
	v32 =	vmovc v48;
	v35 =	vmov v51;
	v34 =	vmov v50;
	v43 =	vadd.s32 v21, v19  }
0x138: {  	_ =	sdelay $0x3  }
0x139: {  	v19 =	vld.idx.msk [tilespmem:v48+s4+$0x0], $0xffff  }
0x13a: {  	v21 =	vld.idx.msk [tilespmem:v49+s4+$0x0], $0xffff  }
0x13b: {  	v24 =	vld.idx.msk [tilespmem:v50+s4+$0x0], $0xffff;
	_ =	sdelay $0x1  }
0x13c: {  	v32 =	vld [tilespmem:$0x1FF20]  }
0x13d: {  	vm0 =	vgt.f32 v19, v42;
	v19 =	vld [tilespmem:$0x1FF30]  }
0x13e: {  	v47 =	vsel vm0, $0x1, v41;
	vm0 =	vgt.f32 v21, v42;
	v21 =	vld [tilespmem:$0x1FF40]  }
0x13f: {  	v53 =	vsel vm0, $0x1, v41;
	vm0 =	vgt.f32 v24, v42;
	v24 =	vld [tilespmem:$0x1FF50];
	_ =	sdelay $0x2  }
0x140: {  	v25 =	vld.idx.msk [tilespmem:v51+s4+$0x0], $0xffff  }
0x141: {  	v40 =	vld.idx.msk [tilespmem:v52+s4+$0x0], $0xffff  }
0x142: {  	v46 =	vld.idx.msk [tilespmem:v32+s4+$0x0], $0xffff  }
0x143: {  	v37 =	vor.u32 s5, v18;
	v19 =	vld.idx.msk [tilespmem:v19+s4+$0x0], $0xffff  }
0x144: {  	v21 =	vld.idx.msk [tilespmem:v21+s4+$0x0], $0xffff  }
0x145: {  	v47 =	vadd.s32 v47, v43;
	v62 =	vsel vm0, $0x1, v41;
	vm0 =	vgt.f32 v25, v42;
	v24 =	vld.idx.msk [tilespmem:v24+s4+$0x0], $0xffff  }
0x146: {  	v47 =	vadd.s32 v53, v47;
	v61 =	vsel vm0, $0x1, v41;
	vm0 =	vgt.f32 v40, v42  }
0x147: {  	v56 =	vadd.s32 v62, v47;
	v62 =	vsel vm0, $0x1, v41;
	vm0 =	vgt.f32 v46, v42  }
0x148: {  	v38 =	vor.u32 s5, v22;
	v25 =	vld.idx.msk [tilespmem:v37+s4+$0x0], $0xffff;
	v54 =	vsel vm0, $0x1, v41;
	vm0 =	vgt.f32 v19, v42  }
0x149: {  	v45 =	vor.u32 s5, v20;
	v55 =	vsel vm0, $0x1, v41;
	vm0 =	vgt.f32 v21, v42;
	v21 =	vld [tilespmem:$0x1FFA0]  }
0x14a: {  	v37 =	vadd.s32 v61, v56;
	v56 =	vsel vm0, $0x1, v41;
	vm0 =	vgt.f32 v24, v42;
	v24 =	vld [tilespmem:$0x1FFB0]  }
0x14b: {  	v39 =	vor.u32 s5, v23;
	_ =	sdelay $0x2  }
0x14c: {  	s28 =	sadd.s32 $0x10, s5;
	v40 =	vld.idx.msk [tilespmem:v45+s4+$0x0], $0xffff  }
0x14d: {  	p4 =	sne.s32 s3, $0x1;
	v35 =	vor.u32 s28, v5;
	v53 =	vld.idx.msk [tilespmem:v38+s4+$0x0], $0xffff;
	v37 =	vadd.s32 v62, v37  }
.Ltmp11:
0x14e: {  	v36 =	vor.u32 s28, v8;
	v33 =	vor.u32 s28, v1;
	v37 =	vadd.s32 v54, v37;
	v19 =	vld.idx.msk [tilespmem:v39+s4+$0x0], $0xffff;
	(pc) =	sbr.rel @!p4 .LBB2_13-.Ltmp11, $4  }
0x14f: {  	v34 =	vor.u32 s28, v4;
	v32 =	vor.u32 s28, v0;
	v37 =	vadd.s32 v55, v37;
	v21 =	vld.idx.msk [tilespmem:v21+s4+$0x0], $0xffff  }
0x150: {  	v37 =	vadd.s32 v56, v37;
	v61 =	vsel vm0, $0x1, v41;
	vm0 =	vgt.f32 v25, v42;
	v24 =	vld.idx.msk [tilespmem:v24+s4+$0x0], $0xffff  }
0x151: {  	v25 =	vld.idx.msk [tilespmem:v63+s4+$0x0], $0xffff;
	v37 =	vadd.s32 v61, v37;
	v62 =	vsel vm0, $0x1, v41;
	vm0 =	vgt.f32 v40, v42  }
0x152: {  	s3 =	sadd.s32 $0xFFFFFFFF, s3;
	p3 =	por $0x1, $0x1;
	s2 =	smov.u32 s28;
	vm15 =	vgt.f32 v53, v42;
	v37 =	vadd.s32 v62, v37;
	v38 =	vsel vm0, $0x1, v41  }
.LBB2_14:
0x153: {  	p4 =	sne.s32 s3, $0x1;
	v37 =	vadd.s32 v38, v37;
	v38 =	vsel vm15, $0x1, v41;
	vm0 =	vgt.f32 v19, v42  }
0x154: {  	v19 =	vadd.s32 v38, v37;
	v37 =	vsel vm0, $0x1, v41;
	vm0 =	vgt.f32 v21, v42  }
0x155: {  	v19 =	vadd.s32 v37, v19;
	v21 =	vsel vm0, $0x1, v41;
	vm0 =	vgt.f32 v24, v42  }
0x156: {  	v19 =	vadd.s32 v21, v19;
	v21 =	vsel vm0, $0x1, v41;
	vm0 =	vgt.f32 v25, v42  }
0x157: {  	v25 =	vor.u32 s28, v10;
	v24 =	vld.idx.msk [tilespmem:v32+s4+$0x0], $0xffff;
	v19 =	vadd.s32 v21, v19;
	v21 =	vsel vm0, $0x1, v41  }
0x158: {  	v32 =	vor.u32 s28, v12;
	v37 =	vld.idx.msk [tilespmem:v33+s4+$0x0], $0xffff;
	v19 =	vadd.s32 v21, v19  }
0x159: {  	v39 =	vor.u32 s28, v29;
	v38 =	vor.u32 s28, v13;
	v21 =	vld.idx.msk [tilespmem:v34+s4+$0x0], $0xffff  }
0x15a: {  	v45 =	vor.u32 s28, v14;
	v46 =	vor.u32 s28, v26;
	v47 =	vor.u32 s28, v28;
	v40 =	vld.idx.msk [tilespmem:v35+s4+$0x0], $0xffff  }
0x15b: {  	v54 =	vor.u32 s2, v18;
	v55 =	vor.u32 s2, v22;
	v56 =	vor.u32 s2, v23;
	s28 =	sadd.s32 $0x10, s28;
	v53 =	vld.idx.msk [tilespmem:v36+s4+$0x0], $0xffff  }
0x15c: {  	v61 =	vor.u32 s2, v20;
	s2 =	smov.u32 s28;
	v35 =	vor.u32 s28, v5;
	v36 =	vor.u32 s28, v8;
	v25 =	vld.idx.msk [tilespmem:v25+s4+$0x0], $0xffff  }
0x15d: {  	v33 =	vor.u32 s28, v1;
	v34 =	vor.u32 s28, v4;
	vm0 =	vgt.f32 v24, v42;
	v24 =	vld.idx.msk [tilespmem:v32+s4+$0x0], $0xffff  }
0x15e: {  	v32 =	vor.u32 s28, v0;
	v62 =	vsel vm0, $0x1, v41;
	vm0 =	vgt.f32 v37, v42;
	v37 =	vld.idx.msk [tilespmem:v38+s4+$0x0], $0xffff  }
0x15f: {  	v19 =	vadd.s32 v62, v19;
	v38 =	vsel vm0, $0x1, v41;
	vm0 =	vgt.f32 v21, v42;
	v45 =	vld.idx.msk [tilespmem:v45+s4+$0x0], $0xffff  }
0x160: {  	v19 =	vadd.s32 v38, v19;
	v21 =	vsel vm0, $0x1, v41;
	vm0 =	vgt.f32 v40, v42;
	v38 =	vld.idx.msk [tilespmem:v54+s4+$0x0], $0xffff  }
0x161: {  	v19 =	vadd.s32 v21, v19;
	v21 =	vsel vm0, $0x1, v41;
	vm0 =	vgt.f32 v53, v42;
	v40 =	vld.idx.msk [tilespmem:v61+s4+$0x0], $0xffff  }
0x162: {  	v19 =	vadd.s32 v21, v19;
	v21 =	vsel vm0, $0x1, v41;
	vm0 =	vgt.f32 v25, v42;
	v53 =	vld.idx.msk [tilespmem:v55+s4+$0x0], $0xffff  }
0x163: {  	v21 =	vadd.s32 v21, v19;
	v25 =	vsel vm0, $0x1, v41;
	vm0 =	vgt.f32 v24, v42;
	v19 =	vld.idx.msk [tilespmem:v56+s4+$0x0], $0xffff  }
.Ltmp12:
0x164: {  	v24 =	vadd.s32 v25, v21;
	v25 =	vsel vm0, $0x1, v41;
	vm0 =	vgt.f32 v37, v42;
	v21 =	vld.idx.msk [tilespmem:v46+s4+$0x0], $0xffff;
	(pc) =	sbr.rel @p4 .LBB2_14-.Ltmp12, $4  }
0x165: {  	v25 =	vadd.s32 v25, v24;
	v37 =	vsel vm0, $0x1, v41;
	vm0 =	vgt.f32 v45, v42;
	v24 =	vld.idx.msk [tilespmem:v47+s4+$0x0], $0xffff  }
0x166: {  	v37 =	vadd.s32 v37, v25;
	v45 =	vsel vm0, $0x1, v41;
	vm0 =	vgt.f32 v38, v42;
	v25 =	vld.idx.msk [tilespmem:v39+s4+$0x0], $0xffff  }
0x167: {  	v37 =	vadd.s32 v45, v37;
	v38 =	vsel vm0, $0x1, v41;
	vm0 =	vgt.f32 v40, v42  }
0x168: {  	s3 =	sadd.s32 $0xFFFFFFFF, s3;
	v37 =	vadd.s32 v38, v37;
	v38 =	vsel vm0, $0x1, v41;
	vm15 =	vgt.f32 v53, v42  }
.LBB2_15:
0x169: {  	v37 =	vadd.s32 @p3 v38, v37;
	v38 =	vsel @p3 vm15, $0x1, v41;
	vm0 =	vgt.f32 @p3 v19, v42  }
0x16a: {  	v19 =	vadd.s32 @p3 v38, v37;
	v37 =	vsel @p3 vm0, $0x1, v41;
	vm0 =	vgt.f32 @p3 v21, v42  }
0x16b: {  	v19 =	vadd.s32 @p3 v37, v19;
	v21 =	vsel @p3 vm0, $0x1, v41  }
0x16c: {  	vm0 =	vgt.f32 @p3 v24, v42;
	v19 =	vadd.s32 @p3 v21, v19  }
0x16d: {  	v24 =	vld.idx.msk [tilespmem:v32+s4+$0x0], $0xffff;
	v21 =	vsel @p3 vm0, $0x1, v41;
	vm0 =	vgt.f32 @p3 v25, v42;
	v25 =	vor.u32 s28, v10  }
0x16e: {  	v62 =	vor.u32 s28, v12;
	v32 =	vld.idx.msk [tilespmem:v33+s4+$0x0], $0xffff;
	v19 =	vadd.s32 @p3 v21, v19;
	v21 =	vsel @p3 vm0, $0x1, v41  }
0x16f: {  	v56 =	vor.u32 s28, v13;
	v19 =	vadd.s32 @p3 v21, v19;
	v21 =	vld.idx.msk [tilespmem:v34+s4+$0x0], $0xffff  }
0x170: {  	v35 =	vld.idx.msk [tilespmem:v35+s4+$0x0], $0xffff;
	v61 =	vor.u32 s28, v14  }
0x171: {  	v39 =	vor.u32 s28, v26;
	v36 =	vld.idx.msk [tilespmem:v36+s4+$0x0], $0xffff;
	v45 =	vor.u32 s2, v18  }
0x172: {  	v46 =	vor.u32 s2, v22;
	v53 =	vor.u32 s2, v20;
	vm0 =	vgt.f32 v24, v42;
	v25 =	vld.idx.msk [tilespmem:v25+s4+$0x0], $0xffff  }
0x173: {  	v47 =	vor.u32 s2, v23;
	v24 =	vld.idx.msk [tilespmem:v62+s4+$0x0], $0xffff;
	v62 =	vsel vm0, $0x1, v41;
	vm0 =	vgt.f32 v32, v42  }
0x174: {  	v37 =	vor.u32 s28, v29;
	v54 =	vld.idx.msk [tilespmem:v56+s4+$0x0], $0xffff;
	v55 =	vsel vm0, $0x1, v41;
	vm0 =	vgt.f32 v21, v42  }
0x175: {  	v19 =	vpsel p3, v19, v43;
	v21 =	vld.idx.msk [tilespmem:v61+s4+$0x0], $0xffff;
	v56 =	vsel vm0, $0x1, v41;
	vm0 =	vgt.f32 v35, v42  }
0x176: {  	v19 =	vadd.s32 v62, v19;
	v61 =	vld.idx.msk [tilespmem:v45+s4+$0x0], $0xffff;
	v62 =	vsel vm0, $0x1, v41;
	vm0 =	vgt.f32 v36, v42  }
0x177: {  	v40 =	vor.u32 s28, v28;
	v36 =	vld.idx.msk [tilespmem:v53+s4+$0x0], $0xffff;
	v38 =	vsel vm0, $0x1, v41;
	vm0 =	vgt.f32 v25, v42  }
0x178: {  	v25 =	vld.idx.msk [tilespmem:v46+s4+$0x0], $0xffff;
	v43 =	vsel vm0, $0x1, v41;
	vm0 =	vgt.f32 v24, v42  }
0x179: {  	v24 =	vld.idx.msk [tilespmem:v47+s4+$0x0], $0xffff;
	v45 =	vsel vm0, $0x1, v41;
	vm0 =	vgt.f32 v54, v42  }
0x17a: {  	v46 =	vld.idx.msk [tilespmem:v39+s4+$0x0], $0xffff;
	v47 =	vsel vm0, $0x1, v41;
	vm0 =	vgt.f32 v21, v42  }
0x17b: {  	v19 =	vadd.s32 v55, v19;
	v54 =	vld.idx.msk [tilespmem:v37+s4+$0x0], $0xffff;
	v53 =	vsel vm0, $0x1, v41;
	vm0 =	vgt.f32 v61, v42  }
0x17c: {  	s28 =	simm.s32 $0x0;
	v19 =	vadd.s32 v56, v19;
	v21 =	vld.idx.msk [tilespmem:v40+s4+$0x0], $0xffff;
	v55 =	vsel vm0, $0x1, v41;
	vm0 =	vgt.f32 v36, v42  }
0x17d: {  	v19 =	vadd.s32 v62, v19;
	v56 =	vsel vm0, $0x1, v41;
	vm0 =	vgt.f32 v25, v42;
	v25 =	vld.idx.msk [tilespmem:v60+s28+$0x0], $0xffff  }
0x17e: {  	v19 =	vadd.s32 v38, v19;
	v61 =	vsel vm0, $0x1, v41;
	vm0 =	vgt.f32 v24, v42;
	v24 =	vld.idx.msk [tilespmem:v59+s28+$0x0], $0xffff  }
0x17f: {  	v19 =	vadd.s32 v43, v19  }
0x180: {  	v19 =	vadd.s32 v45, v19;
	v62 =	vsel vm0, $0x1, v41;
	vm0 =	vgt.f32 v46, v42  }
0x181: {  	v19 =	vadd.s32 v47, v19;
	v32 =	vsel vm0, $0x1, v41;
	vm0 =	vgt.f32 v21, v42;
	v21 =	vld.idx.msk [tilespmem:v58+s28+$0x0], $0xffff  }
0x182: {  	v19 =	vadd.s32 v53, v19;
	v36 =	vsel vm0, $0x1, v41;
	vm0 =	vgt.f32 v54, v42  }
0x183: {  	v38 =	vsel vm0, $0x1, v41;
	vm0 =	vgt.f32 v25, v42;
	vm15 =	veq.f32 v24, v42  }
0x184: {  	v25 =	vsel vm0, $0x1, v41;
	vm0 =	vgt.f32 v24, v42;
	vm15 =	vmand vm15, vm1  }
0x185: {  	v19 =	vadd.s32 v55, v19;
	vm0 =	vmor vm0, vm15  }
0x186: {  	vm15 =	veq.f32 v21, v42;
	v39 =	vsel vm0, $0x1, v41;
	vm0 =	vgt.f32 v21, v42;
	v21 =	vld [tilespmem:$0x1FE70]  }
0x187: {  	v19 =	vadd.s32 v56, v19  }
0x188: {  	v37 =	vld.idx.msk [tilespmem:v57+s28+$0x0], $0xffff;
	v19 =	vadd.s32 v61, v19  }
0x189: {  	v19 =	vadd.s32 v62, v19  }
0x18a: {  	v19 =	vadd.s32 v32, v19  }
0x18b: {  	v19 =	vadd.s32 v36, v19;
	v24 =	vld.idx.msk [tilespmem:v44+s28+$0x0], $0xffff  }
0x18c: {  	vm3 =	vcmask $0x3F34;
	v19 =	vadd.s32 v38, v19;
	vm15 =	vmand vm15, vm2  }
0x18d: {  	v40 =	vld [tilespmem:$0x1FE80];
	v19 =	vadd.s32 v25, v19;
	vm0 =	vmor vm0, vm15;
	vm15 =	veq.f32 v37, v42  }
0x18e: {  	v25 =	vsel vm0, $0x1, v41;
	vm0 =	vgt.f32 v37, v42;
	vm15 =	vmand vm15, vm3;
	v21 =	vld.idx.msk [tilespmem:v21+s28+$0x0], $0xffff  }
0x18f: {  	vm3 =	vcmask $0x3F30;
	vm0 =	vmor vm0, vm15  }
0x190: {  	vm15 =	veq.f32 v24, v42;
	v43 =	vsel vm0, $0x1, v41;
	vm0 =	vgt.f32 v24, v42;
	v24 =	vld [tilespmem:$0x1FE90]  }
0x191: {  	v19 =	vadd.s32 v39, v19;
	vm15 =	vmand vm15, vm3  }
0x192: {  	v19 =	vadd.s32 v25, v19;
	vm0 =	vmor vm0, vm15  }
0x193: {  	v25 =	vsel vm0, $0x1, v41;
	vm15 =	veq.f32 v21, v42;
	vm0 =	vgt.f32 v21, v42;
	v21 =	vld [tilespmem:$0x1FEA0];
	_ =	sdelay $0x1  }
0x194: {  	v32 =	vld.idx.msk [tilespmem:v40+s28+$0x0], $0xffff;
	_ =	sdelay $0x2  }
0x195: {  	v24 =	vld.idx.msk [tilespmem:v24+s28+$0x0], $0xffff  }
0x196: {  	vm15 =	vmand vm15, vm4  }
0x197: {  	v46 =	vld [tilespmem:$0x1FEB0];
	v19 =	vadd.s32 v43, v19;
	vm0 =	vmor vm0, vm15;
	vm15 =	veq.f32 v32, v42  }
0x198: {  	v45 =	vsel vm0, $0x1, v41;
	vm0 =	vgt.f32 v32, v42;
	vm15 =	vmand vm15, vm5;
	v21 =	vld.idx.msk [tilespmem:v21+s28+$0x0], $0xffff  }
0x199: {  	v19 =	vadd.s32 v25, v19;
	vm0 =	vmor vm0, vm15  }
0x19a: {  	vm15 =	veq.f32 v24, v42;
	v25 =	vsel vm0, $0x1, v41;
	vm0 =	vgt.f32 v24, v42;
	v24 =	vld [tilespmem:$0x1FEC0]  }
0x19b: {  	vm15 =	vmand vm15, vm6  }
0x19c: {  	vm0 =	vmor vm0, vm15  }
0x19d: {  	v47 =	vsel vm0, $0x1, v41;
	vm15 =	veq.f32 v21, v42;
	vm0 =	vgt.f32 v21, v42;
	v21 =	vld [tilespmem:$0x1FED0];
	_ =	sdelay $0x2  }
0x19e: {  	v32 =	vld.idx.msk [tilespmem:v46+s28+$0x0], $0xffff;
	_ =	sdelay $0x1  }
0x19f: {  	v24 =	vld.idx.msk [tilespmem:v24+s28+$0x0], $0xffff;
	_ =	sdelay $0x1  }
0x1a0: {  	v19 =	vadd.s32 v45, v19;
	vm15 =	vmand vm15, vm7  }
0x1a1: {  	v19 =	vadd.s32 v25, v19;
	vm0 =	vmor vm0, vm15;
	vm15 =	veq.f32 v32, v42;
	v21 =	vld.idx.msk [tilespmem:v21+s28+$0x0], $0xffff  }
0x1a2: {  	v53 =	vld [tilespmem:$0x1FEE0];
	v25 =	vsel vm0, $0x1, v41;
	vm0 =	vgt.f32 v32, v42;
	vm15 =	vmand vm15, vm8  }
0x1a3: {  	v19 =	vadd.s32 v47, v19;
	vm0 =	vmor vm0, vm15;
	vm15 =	veq.f32 v24, v42  }
0x1a4: {  	v54 =	vsel vm0, $0x1, v41;
	vm0 =	vgt.f32 v24, v42;
	v24 =	vld [tilespmem:$0x1FEF0];
	vm15 =	vmand vm15, vm9  }
0x1a5: {  	v19 =	vadd.s32 v25, v19;
	vm0 =	vmor vm0, vm15  }
0x1a6: {  	v25 =	vsel vm0, $0x1, v41;
	vm15 =	veq.f32 v21, v42;
	vm0 =	vgt.f32 v21, v42;
	v21 =	vld [tilespmem:$0x1FF00];
	_ =	sdelay $0x1  }
0x1a7: {  	v56 =	vld [tilespmem:$0x1FF10];
	_ =	sdelay $0x1  }
0x1a8: {  	v32 =	vld.idx.msk [tilespmem:v53+s28+$0x0], $0xffff;
	_ =	sdelay $0x1  }
0x1a9: {  	v24 =	vld.idx.msk [tilespmem:v24+s28+$0x0], $0xffff;
	_ =	sdelay $0x1  }
0x1aa: {  	vm15 =	vmand vm15, vm10;
	v21 =	vld.idx.msk [tilespmem:v21+s28+$0x0], $0xffff  }
0x1ab: {  	v19 =	vadd.s32 v54, v19;
	vm0 =	vmor vm0, vm15;
	vm15 =	veq.f32 v32, v42  }
0x1ac: {  	v55 =	vsel vm0, $0x1, v41;
	vm0 =	vgt.f32 v32, v42;
	vm15 =	vmand vm15, vm11;
	v32 =	vld.idx.msk [tilespmem:v56+s28+$0x0], $0xffff  }
0x1ad: {  	v19 =	vadd.s32 v25, v19;
	vm0 =	vmor vm0, vm15;
	vm15 =	veq.f32 v24, v42  }
0x1ae: {  	v25 =	vsel vm0, $0x1, v41;
	vm0 =	vgt.f32 v24, v42;
	vm15 =	vmand vm15, vm12  }
0x1af: {  	v19 =	vadd.s32 v55, v19;
	vm0 =	vmor vm0, vm15;
	vm15 =	veq.f32 v21, v42  }
0x1b0: {  	v24 =	vsel vm0, $0x1, v41;
	vm0 =	vgt.f32 v21, v42;
	vm15 =	vmand vm15, vm13  }
0x1b1: {  	v19 =	vadd.s32 v25, v19;
	vm0 =	vmor vm0, vm15;
	vm15 =	veq.f32 v32, v42  }
0x1b2: {  	v21 =	vsel vm0, $0x1, v41;
	vm0 =	vgt.f32 v32, v42;
	vm15 =	vmand vm15, vm14  }
0x1b3: {  	v19 =	vadd.s32 v24, v19;
	v24 =	vor.u32 s28, v0;
	vm0 =	vmor vm0, vm15  }
0x1b4: {  	v61 =	vor.u32 s28, v1;
	v19 =	vadd.s32 v21, v19;
	v25 =	vsel vm0, $0x1, v41  }
0x1b5: {  	v62 =	vor.u32 s28, v8;
	v19 =	vadd.s32 v25, v19  }
0x1b6: {  	v25 =	vor.u32 s28, v4;
	[tilespmem:$0x410] =	vst v19  }
0x1b7: {  	p3 =	sne.s32 s5, $0x10;
	v19 =	vor.u32 s28, v5;
	v42 =	vld [tilespmem:s12+$0x0]  }
.Ltmp13:
0x1b8: {  	v46 =	vor.u32 s28, v10;
	v37 =	vld.idx.msk [tilespmem:v24+s4+$0x0], $0xffff;
	(pc) =	sbr.rel @!p3 .LBB2_17-.Ltmp13, $4  }
0x1b9: {  	v45 =	vor.u32 s28, v12;
	v43 =	vld.idx.msk [tilespmem:v61+s4+$0x0], $0xffff  }
0x1ba: {  	v33 =	vor.u32 s28, v28;
	v34 =	vor.u32 s28, v26;
	v39 =	vor.u32 s28, v13;
	v36 =	vld.idx.msk [tilespmem:v62+s4+$0x0], $0xffff  }
0x1bb: {  	v35 =	vor.u32 s28, v23;
	v40 =	vor.u32 s28, v18;
	v38 =	vor.u32 s28, v14;
	v25 =	vld.idx.msk [tilespmem:v25+s4+$0x0], $0xffff  }
0x1bc: {  	s2 =	simm.s32 $0x10;
	v32 =	vor.u32 s28, v29;
	v21 =	vimm.s32 $0x0;
	v24 =	vld.idx.msk [tilespmem:v19+s4+$0x0], $0xffff;
	v19 =	vor.u32 s28, v22  }
.LBB2_16:
0x1bd: {  	v47 =	vor.u32 s2, v5;
	v53 =	vor.u32 s2, v8;
	v46 =	vld.idx.msk [tilespmem:v46+s4+$0x0], $0xffff;
	v54 =	vor.u32 s28, v20;
	s28 =	smov.u32 s2  }
0x1be: {  	v55 =	vor.u32 s2, v1;
	v56 =	vor.u32 s2, v4;
	vm0 =	vge.f32 v37, v42;
	v37 =	vld.idx.msk [tilespmem:v45+s4+$0x0], $0xffff  }
0x1bf: {  	v45 =	vor.u32 s2, v0;
	v61 =	vsel vm0, $0x1, v41;
	vm0 =	vge.f32 v43, v42;
	v39 =	vld.idx.msk [tilespmem:v39+s4+$0x0], $0xffff  }
0x1c0: {  	v21 =	vadd.s32 v61, v21;
	v43 =	vsel vm0, $0x1, v41;
	vm0 =	vge.f32 v25, v42;
	v25 =	vld.idx.msk [tilespmem:v38+s4+$0x0], $0xffff  }
0x1c1: {  	v21 =	vadd.s32 v43, v21;
	v38 =	vsel vm0, $0x1, v41;
	vm0 =	vge.f32 v24, v42;
	v24 =	vld.idx.msk [tilespmem:v40+s4+$0x0], $0xffff  }
0x1c2: {  	v21 =	vadd.s32 v38, v21;
	v38 =	vsel vm0, $0x1, v41;
	vm0 =	vge.f32 v36, v42;
	v36 =	vld.idx.msk [tilespmem:v54+s4+$0x0], $0xffff  }
0x1c3: {  	v21 =	vadd.s32 v38, v21;
	v38 =	vsel vm0, $0x1, v41;
	vm0 =	vge.f32 v46, v42;
	v19 =	vld.idx.msk [tilespmem:v19+s4+$0x0], $0xffff  }
0x1c4: {  	v21 =	vadd.s32 v38, v21;
	v38 =	vsel vm0, $0x1, v41;
	vm0 =	vge.f32 v37, v42;
	v35 =	vld.idx.msk [tilespmem:v35+s4+$0x0], $0xffff  }
0x1c5: {  	v21 =	vadd.s32 v38, v21;
	v37 =	vsel vm0, $0x1, v41;
	vm0 =	vge.f32 v39, v42;
	v34 =	vld.idx.msk [tilespmem:v34+s4+$0x0], $0xffff  }
0x1c6: {  	v21 =	vadd.s32 v37, v21;
	v37 =	vsel vm0, $0x1, v41;
	vm0 =	vge.f32 v25, v42;
	v25 =	vld.idx.msk [tilespmem:v33+s4+$0x0], $0xffff  }
0x1c7: {  	v21 =	vadd.s32 v37, v21;
	v33 =	vsel vm0, $0x1, v41;
	vm0 =	vge.f32 v24, v42;
	v24 =	vld.idx.msk [tilespmem:v32+s4+$0x0], $0xffff  }
0x1c8: {  	v21 =	vadd.s32 v33, v21;
	v32 =	vsel vm0, $0x1, v41;
	vm0 =	vge.f32 v36, v42  }
0x1c9: {  	s2 =	sadd.s32 $0x10, s2;
	v21 =	vadd.s32 v32, v21;
	v32 =	vsel vm0, $0x1, v41;
	vm0 =	vge.f32 v19, v42  }
0x1ca: {  	p3 =	sne.s32 s5, s2;
	v19 =	vadd.s32 v32, v21;
	v21 =	vsel vm0, $0x1, v41;
	vm0 =	vge.f32 v35, v42  }
0x1cb: {  	v19 =	vadd.s32 v21, v19;
	v21 =	vsel vm0, $0x1, v41;
	vm0 =	vge.f32 v34, v42  }
0x1cc: {  	v19 =	vadd.s32 v21, v19;
	v21 =	vsel vm0, $0x1, v41;
	vm0 =	vge.f32 v25, v42  }
0x1cd: {  	v19 =	vadd.s32 v21, v19;
	v21 =	vsel vm0, $0x1, v41;
	vm0 =	vge.f32 v24, v42  }
.Ltmp14:
0x1ce: {  	v46 =	vor.u32 s28, v10;
	v19 =	vadd.s32 v21, v19;
	v21 =	vsel vm0, $0x1, v41;
	v37 =	vld.idx.msk [tilespmem:v45+s4+$0x0], $0xffff;
	(pc) =	sbr.rel @p3 .LBB2_16-.Ltmp14, $4  }
0x1cf: {  	v45 =	vor.u32 s28, v12;
	v21 =	vadd.s32 v21, v19;
	v43 =	vld.idx.msk [tilespmem:v55+s4+$0x0], $0xffff  }
0x1d0: {  	v39 =	vor.u32 s28, v13;
	v32 =	vor.u32 s28, v29;
	v25 =	vld.idx.msk [tilespmem:v56+s4+$0x0], $0xffff  }
0x1d1: {  	v38 =	vor.u32 s28, v14;
	v33 =	vor.u32 s28, v28;
	v34 =	vor.u32 s28, v26;
	v24 =	vld.idx.msk [tilespmem:v47+s4+$0x0], $0xffff  }
0x1d2: {  	v40 =	vor.u32 s28, v18;
	v35 =	vor.u32 s28, v23;
	v19 =	vor.u32 s28, v22;
	v36 =	vld.idx.msk [tilespmem:v53+s4+$0x0], $0xffff  }
.LBB2_17:
0x1d3: {  	_ =	sdelay $0x3  }
0x1d4: {  	v46 =	vld.idx.msk [tilespmem:v46+s4+$0x0], $0xffff;
	v47 =	vor.u32 s28, v20;
	vm0 =	vge.f32 v37, v42  }
0x1d5: {  	v61 =	vld.idx.msk [tilespmem:v45+s4+$0x0], $0xffff;
	v62 =	vsel vm0, $0x1, v41;
	vm0 =	vge.f32 v43, v42  }
0x1d6: {  	v39 =	vld.idx.msk [tilespmem:v39+s4+$0x0], $0xffff;
	v21 =	vadd.s32 v62, v21;
	v43 =	vsel vm0, $0x1, v41;
	vm0 =	vge.f32 v25, v42  }
0x1d7: {  	v25 =	vld.idx.msk [tilespmem:v38+s4+$0x0], $0xffff;
	v21 =	vadd.s32 v43, v21;
	v43 =	vsel vm0, $0x1, v41;
	vm0 =	vge.f32 v24, v42  }
0x1d8: {  	v24 =	vld.idx.msk [tilespmem:v40+s4+$0x0], $0xffff;
	v21 =	vadd.s32 v43, v21;
	v45 =	vsel vm0, $0x1, v41;
	vm0 =	vge.f32 v36, v42  }
0x1d9: {  	v47 =	vld.idx.msk [tilespmem:v47+s4+$0x0], $0xffff;
	v21 =	vadd.s32 v45, v21;
	v53 =	vsel vm0, $0x1, v41;
	vm0 =	vge.f32 v46, v42  }
0x1da: {  	v19 =	vld.idx.msk [tilespmem:v19+s4+$0x0], $0xffff;
	v21 =	vadd.s32 v53, v21;
	v54 =	vsel vm0, $0x1, v41;
	vm0 =	vge.f32 v61, v42  }
0x1db: {  	v35 =	vld.idx.msk [tilespmem:v35+s4+$0x0], $0xffff;
	v21 =	vadd.s32 v54, v21;
	v37 =	vsel vm0, $0x1, v41;
	vm0 =	vge.f32 v39, v42  }
0x1dc: {  	v34 =	vld.idx.msk [tilespmem:v34+s4+$0x0], $0xffff;
	v21 =	vadd.s32 v37, v21;
	v55 =	vsel vm0, $0x1, v41;
	vm0 =	vge.f32 v25, v42  }
0x1dd: {  	v25 =	vld.idx.msk [tilespmem:v33+s4+$0x0], $0xffff;
	v21 =	vadd.s32 v55, v21;
	v56 =	vsel vm0, $0x1, v41;
	vm0 =	vge.f32 v24, v42  }
0x1de: {  	v24 =	vld.idx.msk [tilespmem:v32+s4+$0x0], $0xffff;
	v21 =	vadd.s32 v56, v21;
	v61 =	vsel vm0, $0x1, v41;
	vm0 =	vge.f32 v47, v42  }
0x1df: {  	v21 =	vadd.s32 v61, v21;
	v62 =	vsel vm0, $0x1, v41;
	vm0 =	vge.f32 v19, v42  }
0x1e0: {  	p4 =	sne.s32 s20, $0x1;
	v19 =	vadd.s32 v62, v21;
	v21 =	vsel vm0, $0x1, v41;
	vm0 =	vge.f32 v35, v42  }
.Ltmp15:
0x1e1: {  	v19 =	vadd.s32 v21, v19;
	v21 =	vsel vm0, $0x1, v41;
	vm0 =	vge.f32 v34, v42;
	(pc) =	sbr.rel @!p4 .LBB2_21-.Ltmp15, $4  }
0x1e2: {  	v19 =	vadd.s32 v21, v19;
	v21 =	vsel vm0, $0x1, v41;
	vm0 =	vge.f32 v25, v42  }
0x1e3: {  	v19 =	vadd.s32 v21, v19;
	v21 =	vsel vm0, $0x1, v41;
	vm0 =	vge.f32 v24, v42  }
0x1e4: {  	s3 =	sadd.s32 $0xFFFFFFFF, s20;
	v36 =	vmov v9;
	v19 =	vadd.s32 v21, v19;
	v21 =	vsel vm0, $0x1, v41  }
0x1e5: {  	p3 =	por $0x0, $0x0;
	s28 =	smov.u32 s10;
	s2 =	smov.u32 s10;
	v33 =	vmovc v3;
	v32 =	vmovc v2;
	v35 =	vmov v7;
	v34 =	vmov v6;
	v43 =	vadd.s32 v21, v19  }
0x1e6: {  	_ =	sdelay $0x3  }
0x1e7: {  	v19 =	vld.idx.msk [tilespmem:v2+s4+$0x0], $0xffff  }
0x1e8: {  	v21 =	vld.idx.msk [tilespmem:v3+s4+$0x0], $0xffff  }
0x1e9: {  	v24 =	vld.idx.msk [tilespmem:v6+s4+$0x0], $0xffff  }
0x1ea: {  	v25 =	vld.idx.msk [tilespmem:v7+s4+$0x0], $0xffff;
	v37 =	vor.u32 s10, v18;
	v38 =	vor.u32 s10, v22;
	v39 =	vor.u32 s10, v23;
	s28 =	sadd.s32 $0x10, s10  }
0x1eb: {  	v40 =	vld.idx.msk [tilespmem:v9+s4+$0x0], $0xffff;
	v45 =	vor.u32 s10, v20;
	v35 =	vor.u32 s28, v5;
	v36 =	vor.u32 s28, v8  }
0x1ec: {  	v46 =	vld.idx.msk [tilespmem:v11+s4+$0x0], $0xffff;
	v33 =	vor.u32 s28, v1;
	v34 =	vor.u32 s28, v4;
	vm0 =	vgt.f32 v19, v42  }
0x1ed: {  	v32 =	vor.u32 s28, v0;
	v19 =	vld.idx.msk [tilespmem:v15+s4+$0x0], $0xffff;
	v47 =	vsel vm0, $0x1, v41;
	vm0 =	vgt.f32 v21, v42  }
0x1ee: {  	v21 =	vld.idx.msk [tilespmem:v16+s4+$0x0], $0xffff;
	v47 =	vadd.s32 v47, v43;
	v53 =	vsel vm0, $0x1, v41;
	vm0 =	vgt.f32 v24, v42  }
0x1ef: {  	v24 =	vld.idx.msk [tilespmem:v17+s4+$0x0], $0xffff;
	v47 =	vadd.s32 v53, v47;
	v62 =	vsel vm0, $0x1, v41;
	vm0 =	vgt.f32 v25, v42  }
0x1f0: {  	v25 =	vld.idx.msk [tilespmem:v37+s4+$0x0], $0xffff;
	v56 =	vadd.s32 v62, v47;
	v61 =	vsel vm0, $0x1, v41;
	vm0 =	vgt.f32 v40, v42  }
0x1f1: {  	v40 =	vld.idx.msk [tilespmem:v45+s4+$0x0], $0xffff;
	v37 =	vadd.s32 v61, v56;
	v62 =	vsel vm0, $0x1, v41;
	vm0 =	vgt.f32 v46, v42  }
0x1f2: {  	p4 =	sne.s32 s3, $0x1;
	v53 =	vld.idx.msk [tilespmem:v38+s4+$0x0], $0xffff;
	v37 =	vadd.s32 v62, v37;
	v54 =	vsel vm0, $0x1, v41;
	vm0 =	vgt.f32 v19, v42  }
.Ltmp16:
0x1f3: {  	v19 =	vld.idx.msk [tilespmem:v39+s4+$0x0], $0xffff;
	v37 =	vadd.s32 v54, v37;
	v55 =	vsel vm0, $0x1, v41;
	vm0 =	vgt.f32 v21, v42;
	(pc) =	sbr.rel @!p4 .LBB2_19-.Ltmp16, $4  }
0x1f4: {  	v21 =	vld.idx.msk [tilespmem:v27+s4+$0x0], $0xffff;
	v37 =	vadd.s32 v55, v37;
	v56 =	vsel vm0, $0x1, v41;
	vm0 =	vgt.f32 v24, v42  }
0x1f5: {  	v24 =	vld.idx.msk [tilespmem:v30+s4+$0x0], $0xffff;
	v37 =	vadd.s32 v56, v37;
	v61 =	vsel vm0, $0x1, v41;
	vm0 =	vgt.f32 v25, v42  }
0x1f6: {  	v25 =	vld.idx.msk [tilespmem:v31+s4+$0x0], $0xffff;
	v37 =	vadd.s32 v61, v37;
	v62 =	vsel vm0, $0x1, v41;
	vm0 =	vgt.f32 v40, v42  }
0x1f7: {  	s3 =	sadd.s32 $0xFFFFFFFF, s3;
	p3 =	por $0x1, $0x1;
	s2 =	smov.u32 s28;
	vm15 =	vgt.f32 v53, v42;
	v37 =	vadd.s32 v62, v37;
	v38 =	vsel vm0, $0x1, v41  }
.LBB2_20:
0x1f8: {  	p4 =	sne.s32 s3, $0x1;
	v37 =	vadd.s32 v38, v37;
	v38 =	vsel vm15, $0x1, v41;
	vm0 =	vgt.f32 v19, v42  }
0x1f9: {  	v19 =	vadd.s32 v38, v37;
	v37 =	vsel vm0, $0x1, v41;
	vm0 =	vgt.f32 v21, v42  }
0x1fa: {  	v19 =	vadd.s32 v37, v19;
	v21 =	vsel vm0, $0x1, v41;
	vm0 =	vgt.f32 v24, v42  }
0x1fb: {  	v19 =	vadd.s32 v21, v19;
	v21 =	vsel vm0, $0x1, v41;
	vm0 =	vgt.f32 v25, v42  }
0x1fc: {  	v25 =	vor.u32 s28, v10;
	v24 =	vld.idx.msk [tilespmem:v32+s4+$0x0], $0xffff;
	v19 =	vadd.s32 v21, v19;
	v21 =	vsel vm0, $0x1, v41  }
0x1fd: {  	v32 =	vor.u32 s28, v12;
	v37 =	vld.idx.msk [tilespmem:v33+s4+$0x0], $0xffff;
	v19 =	vadd.s32 v21, v19  }
0x1fe: {  	v39 =	vor.u32 s28, v29;
	v38 =	vor.u32 s28, v13;
	v21 =	vld.idx.msk [tilespmem:v34+s4+$0x0], $0xffff  }
0x1ff: {  	v45 =	vor.u32 s28, v14;
	v46 =	vor.u32 s28, v26;
	v47 =	vor.u32 s28, v28;
	v40 =	vld.idx.msk [tilespmem:v35+s4+$0x0], $0xffff  }
0x200: {  	v54 =	vor.u32 s2, v18;
	v55 =	vor.u32 s2, v22;
	v56 =	vor.u32 s2, v23;
	s28 =	sadd.s32 $0x10, s28;
	v53 =	vld.idx.msk [tilespmem:v36+s4+$0x0], $0xffff  }
0x201: {  	v61 =	vor.u32 s2, v20;
	s2 =	smov.u32 s28;
	v35 =	vor.u32 s28, v5;
	v36 =	vor.u32 s28, v8;
	v25 =	vld.idx.msk [tilespmem:v25+s4+$0x0], $0xffff  }
0x202: {  	v33 =	vor.u32 s28, v1;
	v34 =	vor.u32 s28, v4;
	vm0 =	vgt.f32 v24, v42;
	v24 =	vld.idx.msk [tilespmem:v32+s4+$0x0], $0xffff  }
0x203: {  	v32 =	vor.u32 s28, v0;
	v62 =	vsel vm0, $0x1, v41;
	vm0 =	vgt.f32 v37, v42;
	v37 =	vld.idx.msk [tilespmem:v38+s4+$0x0], $0xffff  }
0x204: {  	v19 =	vadd.s32 v62, v19;
	v38 =	vsel vm0, $0x1, v41;
	vm0 =	vgt.f32 v21, v42;
	v45 =	vld.idx.msk [tilespmem:v45+s4+$0x0], $0xffff  }
0x205: {  	v19 =	vadd.s32 v38, v19;
	v21 =	vsel vm0, $0x1, v41;
	vm0 =	vgt.f32 v40, v42;
	v38 =	vld.idx.msk [tilespmem:v54+s4+$0x0], $0xffff  }
0x206: {  	v19 =	vadd.s32 v21, v19;
	v21 =	vsel vm0, $0x1, v41;
	vm0 =	vgt.f32 v53, v42;
	v40 =	vld.idx.msk [tilespmem:v61+s4+$0x0], $0xffff  }
0x207: {  	v19 =	vadd.s32 v21, v19;
	v21 =	vsel vm0, $0x1, v41;
	vm0 =	vgt.f32 v25, v42;
	v53 =	vld.idx.msk [tilespmem:v55+s4+$0x0], $0xffff  }
0x208: {  	v21 =	vadd.s32 v21, v19;
	v25 =	vsel vm0, $0x1, v41;
	vm0 =	vgt.f32 v24, v42;
	v19 =	vld.idx.msk [tilespmem:v56+s4+$0x0], $0xffff  }
.Ltmp17:
0x209: {  	v24 =	vadd.s32 v25, v21;
	v25 =	vsel vm0, $0x1, v41;
	vm0 =	vgt.f32 v37, v42;
	v21 =	vld.idx.msk [tilespmem:v46+s4+$0x0], $0xffff;
	(pc) =	sbr.rel @p4 .LBB2_20-.Ltmp17, $4  }
0x20a: {  	v25 =	vadd.s32 v25, v24;
	v37 =	vsel vm0, $0x1, v41;
	vm0 =	vgt.f32 v45, v42;
	v24 =	vld.idx.msk [tilespmem:v47+s4+$0x0], $0xffff  }
0x20b: {  	v37 =	vadd.s32 v37, v25;
	v45 =	vsel vm0, $0x1, v41;
	vm0 =	vgt.f32 v38, v42;
	v25 =	vld.idx.msk [tilespmem:v39+s4+$0x0], $0xffff  }
0x20c: {  	v37 =	vadd.s32 v45, v37;
	v38 =	vsel vm0, $0x1, v41;
	vm0 =	vgt.f32 v40, v42  }
0x20d: {  	s3 =	sadd.s32 $0xFFFFFFFF, s3;
	v37 =	vadd.s32 v38, v37;
	v38 =	vsel vm0, $0x1, v41;
	vm15 =	vgt.f32 v53, v42  }
.LBB2_21:
0x20e: {  	v37 =	vadd.s32 @p3 v38, v37;
	v38 =	vsel @p3 vm15, $0x1, v41;
	vm0 =	vgt.f32 @p3 v19, v42  }
0x20f: {  	v19 =	vadd.s32 @p3 v38, v37;
	v37 =	vsel @p3 vm0, $0x1, v41;
	vm0 =	vgt.f32 @p3 v21, v42  }
0x210: {  	v19 =	vadd.s32 @p3 v37, v19;
	v21 =	vsel @p3 vm0, $0x1, v41  }
0x211: {  	vm0 =	vgt.f32 @p3 v24, v42;
	v19 =	vadd.s32 @p3 v21, v19  }
0x212: {  	v24 =	vld.idx.msk [tilespmem:v32+s4+$0x0], $0xffff;
	v21 =	vsel @p3 vm0, $0x1, v41;
	vm0 =	vgt.f32 @p3 v25, v42;
	v25 =	vor.u32 s28, v10  }
0x213: {  	v62 =	vor.u32 s28, v12;
	v32 =	vld.idx.msk [tilespmem:v33+s4+$0x0], $0xffff;
	v19 =	vadd.s32 @p3 v21, v19;
	v21 =	vsel @p3 vm0, $0x1, v41  }
0x214: {  	v56 =	vor.u32 s28, v13;
	v19 =	vadd.s32 @p3 v21, v19;
	v21 =	vld.idx.msk [tilespmem:v34+s4+$0x0], $0xffff  }
0x215: {  	v35 =	vld.idx.msk [tilespmem:v35+s4+$0x0], $0xffff;
	v61 =	vor.u32 s28, v14  }
0x216: {  	v39 =	vor.u32 s28, v26;
	v36 =	vld.idx.msk [tilespmem:v36+s4+$0x0], $0xffff;
	v45 =	vor.u32 s2, v18  }
0x217: {  	v46 =	vor.u32 s2, v22;
	v53 =	vor.u32 s2, v20;
	vm0 =	vgt.f32 v24, v42;
	v25 =	vld.idx.msk [tilespmem:v25+s4+$0x0], $0xffff  }
0x218: {  	v47 =	vor.u32 s2, v23;
	v24 =	vld.idx.msk [tilespmem:v62+s4+$0x0], $0xffff;
	v62 =	vsel vm0, $0x1, v41;
	vm0 =	vgt.f32 v32, v42  }
0x219: {  	v37 =	vor.u32 s28, v29;
	v54 =	vld.idx.msk [tilespmem:v56+s4+$0x0], $0xffff;
	v55 =	vsel vm0, $0x1, v41;
	vm0 =	vgt.f32 v21, v42  }
0x21a: {  	v19 =	vpsel p3, v19, v43;
	v21 =	vld.idx.msk [tilespmem:v61+s4+$0x0], $0xffff;
	v56 =	vsel vm0, $0x1, v41;
	vm0 =	vgt.f32 v35, v42  }
0x21b: {  	v19 =	vadd.s32 v62, v19;
	v61 =	vld.idx.msk [tilespmem:v45+s4+$0x0], $0xffff;
	v62 =	vsel vm0, $0x1, v41;
	vm0 =	vgt.f32 v36, v42  }
0x21c: {  	v40 =	vor.u32 s28, v28;
	v36 =	vld.idx.msk [tilespmem:v53+s4+$0x0], $0xffff;
	v38 =	vsel vm0, $0x1, v41;
	vm0 =	vgt.f32 v25, v42  }
0x21d: {  	v25 =	vld.idx.msk [tilespmem:v46+s4+$0x0], $0xffff;
	v43 =	vsel vm0, $0x1, v41;
	vm0 =	vgt.f32 v24, v42  }
0x21e: {  	v24 =	vld.idx.msk [tilespmem:v47+s4+$0x0], $0xffff;
	v45 =	vsel vm0, $0x1, v41;
	vm0 =	vgt.f32 v54, v42  }
0x21f: {  	v19 =	vadd.s32 v55, v19;
	v46 =	vld.idx.msk [tilespmem:v39+s4+$0x0], $0xffff;
	v47 =	vsel vm0, $0x1, v41;
	vm0 =	vgt.f32 v21, v42  }
0x220: {  	v19 =	vadd.s32 v56, v19;
	v54 =	vld.idx.msk [tilespmem:v37+s4+$0x0], $0xffff;
	v53 =	vsel vm0, $0x1, v41;
	vm0 =	vgt.f32 v61, v42  }
0x221: {  	s28 =	simm.s32 $0x0;
	v19 =	vadd.s32 v62, v19;
	v21 =	vld.idx.msk [tilespmem:v40+s4+$0x0], $0xffff;
	v55 =	vsel vm0, $0x1, v41;
	vm0 =	vgt.f32 v36, v42  }
0x222: {  	v19 =	vadd.s32 v38, v19;
	v56 =	vsel vm0, $0x1, v41;
	vm0 =	vgt.f32 v25, v42;
	v25 =	vld.idx.msk [tilespmem:v48+s28+$0x0], $0xffff  }
0x223: {  	v19 =	vadd.s32 v43, v19;
	v61 =	vsel vm0, $0x1, v41;
	vm0 =	vgt.f32 v24, v42;
	v24 =	vld.idx.msk [tilespmem:v49+s28+$0x0], $0xffff  }
0x224: {  	v19 =	vadd.s32 v45, v19  }
0x225: {  	v19 =	vadd.s32 v47, v19;
	v62 =	vsel vm0, $0x1, v41;
	vm0 =	vgt.f32 v46, v42  }
0x226: {  	v19 =	vadd.s32 v53, v19;
	v32 =	vsel vm0, $0x1, v41;
	vm0 =	vgt.f32 v21, v42;
	v21 =	vld.idx.msk [tilespmem:v50+s28+$0x0], $0xffff  }
0x227: {  	v19 =	vadd.s32 v55, v19;
	v36 =	vsel vm0, $0x1, v41;
	vm0 =	vgt.f32 v54, v42  }
0x228: {  	v38 =	vsel vm0, $0x1, v41;
	vm0 =	vgt.f32 v25, v42;
	vm15 =	veq.f32 v24, v42  }
0x229: {  	v25 =	vsel vm0, $0x1, v41;
	vm0 =	vgt.f32 v24, v42;
	vm15 =	vmand vm15, vm1  }
0x22a: {  	v19 =	vadd.s32 v56, v19;
	vm0 =	vmor vm0, vm15  }
0x22b: {  	vm15 =	veq.f32 v21, v42;
	v39 =	vsel vm0, $0x1, v41;
	vm0 =	vgt.f32 v21, v42;
	v21 =	vld [tilespmem:$0x1FF20]  }
0x22c: {  	v19 =	vadd.s32 v61, v19  }
0x22d: {  	v37 =	vld.idx.msk [tilespmem:v51+s28+$0x0], $0xffff;
	v19 =	vadd.s32 v62, v19  }
0x22e: {  	v19 =	vadd.s32 v32, v19  }
0x22f: {  	v19 =	vadd.s32 v36, v19  }
0x230: {  	v24 =	vld.idx.msk [tilespmem:v52+s28+$0x0], $0xffff;
	v19 =	vadd.s32 v38, v19  }
0x231: {  	v19 =	vadd.s32 v25, v19;
	vm15 =	vmand vm15, vm2  }
0x232: {  	v40 =	vld [tilespmem:$0x1FF30];
	vm1 =	vcmask $0x3F34;
	vm0 =	vmor vm0, vm15;
	vm15 =	veq.f32 v37, v42  }
0x233: {  	v25 =	vsel vm0, $0x1, v41;
	vm0 =	vgt.f32 v37, v42;
	vm15 =	vmand vm15, vm1;
	v21 =	vld.idx.msk [tilespmem:v21+s28+$0x0], $0xffff  }
0x234: {  	vm1 =	vcmask $0x3F30;
	vm0 =	vmor vm0, vm15  }
0x235: {  	vm15 =	veq.f32 v24, v42;
	v43 =	vsel vm0, $0x1, v41;
	vm0 =	vgt.f32 v24, v42;
	v24 =	vld [tilespmem:$0x1FF40]  }
0x236: {  	v19 =	vadd.s32 v39, v19;
	vm15 =	vmand vm15, vm1  }
0x237: {  	v19 =	vadd.s32 v25, v19;
	vm0 =	vmor vm0, vm15  }
0x238: {  	v25 =	vsel vm0, $0x1, v41;
	vm15 =	veq.f32 v21, v42;
	vm0 =	vgt.f32 v21, v42;
	v21 =	vld [tilespmem:$0x1FF50];
	_ =	sdelay $0x1  }
0x239: {  	v32 =	vld.idx.msk [tilespmem:v40+s28+$0x0], $0xffff;
	_ =	sdelay $0x2  }
0x23a: {  	v24 =	vld.idx.msk [tilespmem:v24+s28+$0x0], $0xffff  }
0x23b: {  	vm15 =	vmand vm15, vm4  }
0x23c: {  	v46 =	vld [tilespmem:$0x1FF60];
	v19 =	vadd.s32 v43, v19;
	vm0 =	vmor vm0, vm15;
	vm15 =	veq.f32 v32, v42  }
0x23d: {  	v45 =	vsel vm0, $0x1, v41;
	vm0 =	vgt.f32 v32, v42;
	vm15 =	vmand vm15, vm5;
	v21 =	vld.idx.msk [tilespmem:v21+s28+$0x0], $0xffff  }
0x23e: {  	v19 =	vadd.s32 v25, v19;
	vm0 =	vmor vm0, vm15  }
0x23f: {  	vm15 =	veq.f32 v24, v42;
	v25 =	vsel vm0, $0x1, v41;
	vm0 =	vgt.f32 v24, v42;
	v24 =	vld [tilespmem:$0x1FF70]  }
0x240: {  	vm15 =	vmand vm15, vm6  }
0x241: {  	vm0 =	vmor vm0, vm15  }
0x242: {  	v47 =	vsel vm0, $0x1, v41;
	vm15 =	veq.f32 v21, v42;
	vm0 =	vgt.f32 v21, v42;
	v21 =	vld [tilespmem:$0x1FF80];
	_ =	sdelay $0x2  }
0x243: {  	v32 =	vld.idx.msk [tilespmem:v46+s28+$0x0], $0xffff;
	_ =	sdelay $0x1  }
0x244: {  	v24 =	vld.idx.msk [tilespmem:v24+s28+$0x0], $0xffff;
	_ =	sdelay $0x1  }
0x245: {  	v19 =	vadd.s32 v45, v19;
	vm15 =	vmand vm15, vm7  }
0x246: {  	v19 =	vadd.s32 v25, v19;
	vm0 =	vmor vm0, vm15;
	vm15 =	veq.f32 v32, v42;
	v21 =	vld.idx.msk [tilespmem:v21+s28+$0x0], $0xffff  }
0x247: {  	v53 =	vld [tilespmem:$0x1FF90];
	v25 =	vsel vm0, $0x1, v41;
	vm0 =	vgt.f32 v32, v42;
	vm15 =	vmand vm15, vm8  }
0x248: {  	v19 =	vadd.s32 v47, v19;
	vm0 =	vmor vm0, vm15;
	vm15 =	veq.f32 v24, v42  }
0x249: {  	v54 =	vsel vm0, $0x1, v41;
	vm0 =	vgt.f32 v24, v42;
	v24 =	vld [tilespmem:$0x1FFA0];
	vm15 =	vmand vm15, vm9  }
0x24a: {  	v19 =	vadd.s32 v25, v19;
	vm0 =	vmor vm0, vm15  }
0x24b: {  	v25 =	vsel vm0, $0x1, v41;
	vm15 =	veq.f32 v21, v42;
	vm0 =	vgt.f32 v21, v42;
	v21 =	vld [tilespmem:$0x1FFB0];
	_ =	sdelay $0x3  }
0x24c: {  	v32 =	vld.idx.msk [tilespmem:v53+s28+$0x0], $0xffff;
	_ =	sdelay $0x1  }
0x24d: {  	v24 =	vld.idx.msk [tilespmem:v24+s28+$0x0], $0xffff;
	_ =	sdelay $0x1  }
0x24e: {  	vm15 =	vmand vm15, vm10;
	v21 =	vld.idx.msk [tilespmem:v21+s28+$0x0], $0xffff  }
0x24f: {  	v19 =	vadd.s32 v54, v19;
	vm0 =	vmor vm0, vm15;
	vm15 =	veq.f32 v32, v42  }
0x250: {  	v56 =	vld.idx.msk [tilespmem:v63+s28+$0x0], $0xffff;
	v55 =	vsel vm0, $0x1, v41;
	vm0 =	vgt.f32 v32, v42;
	vm15 =	vmand vm15, vm11  }
0x251: {  	v19 =	vadd.s32 v25, v19;
	vm0 =	vmor vm0, vm15;
	vm15 =	veq.f32 v24, v42  }
0x252: {  	v25 =	vsel vm0, $0x1, v41;
	vm0 =	vgt.f32 v24, v42;
	vm15 =	vmand vm15, vm12  }
0x253: {  	v19 =	vadd.s32 v55, v19;
	vm0 =	vmor vm0, vm15;
	vm15 =	veq.f32 v21, v42  }
0x254: {  	v24 =	vsel vm0, $0x1, v41;
	vm0 =	vgt.f32 v21, v42;
	vm15 =	vmand vm15, vm13  }
0x255: {  	v19 =	vadd.s32 v25, v19;
	vm0 =	vmor vm0, vm15;
	vm15 =	veq.f32 v56, v42  }
0x256: {  	v21 =	vsel vm0, $0x1, v41;
	vm0 =	vgt.f32 v56, v42;
	vm15 =	vmand vm15, vm14  }
0x257: {  	v19 =	vadd.s32 v24, v19;
	v24 =	vor.u32 s28, v0;
	vm0 =	vmor vm0, vm15  }
0x258: {  	v61 =	vor.u32 s28, v1;
	v19 =	vadd.s32 v21, v19;
	v25 =	vsel vm0, $0x1, v41  }
0x259: {  	v62 =	vor.u32 s28, v8;
	v19 =	vadd.s32 v25, v19  }
0x25a: {  	v25 =	vor.u32 s28, v4;
	[tilespmem:$0x420] =	vst v19  }
0x25b: {  	p3 =	sne.s32 s10, $0x10;
	v19 =	vor.u32 s28, v5;
	v42 =	vld [tilespmem:s13+$0x0]  }
.Ltmp18:
0x25c: {  	v46 =	vor.u32 s28, v10;
	v37 =	vld.idx.msk [tilespmem:v24+s4+$0x0], $0xffff;
	(pc) =	sbr.rel @!p3 .LBB2_23-.Ltmp18, $4  }
0x25d: {  	v45 =	vor.u32 s28, v12;
	v43 =	vld.idx.msk [tilespmem:v61+s4+$0x0], $0xffff  }
0x25e: {  	v33 =	vor.u32 s28, v28;
	v34 =	vor.u32 s28, v26;
	v39 =	vor.u32 s28, v13;
	v36 =	vld.idx.msk [tilespmem:v62+s4+$0x0], $0xffff  }
0x25f: {  	v35 =	vor.u32 s28, v23;
	v40 =	vor.u32 s28, v18;
	v38 =	vor.u32 s28, v14;
	v25 =	vld.idx.msk [tilespmem:v25+s4+$0x0], $0xffff  }
0x260: {  	s2 =	simm.s32 $0x10;
	v32 =	vor.u32 s28, v29;
	v21 =	vimm.s32 $0x0;
	v24 =	vld.idx.msk [tilespmem:v19+s4+$0x0], $0xffff;
	v19 =	vor.u32 s28, v22  }
.LBB2_22:
0x261: {  	v47 =	vor.u32 s2, v5;
	v53 =	vor.u32 s2, v8;
	v46 =	vld.idx.msk [tilespmem:v46+s4+$0x0], $0xffff;
	v54 =	vor.u32 s28, v20;
	s28 =	smov.u32 s2  }
0x262: {  	v55 =	vor.u32 s2, v1;
	v56 =	vor.u32 s2, v4;
	vm0 =	vge.f32 v37, v42;
	v37 =	vld.idx.msk [tilespmem:v45+s4+$0x0], $0xffff  }
0x263: {  	v45 =	vor.u32 s2, v0;
	v61 =	vsel vm0, $0x1, v41;
	vm0 =	vge.f32 v43, v42;
	v39 =	vld.idx.msk [tilespmem:v39+s4+$0x0], $0xffff  }
0x264: {  	v21 =	vadd.s32 v61, v21;
	v43 =	vsel vm0, $0x1, v41;
	vm0 =	vge.f32 v25, v42;
	v25 =	vld.idx.msk [tilespmem:v38+s4+$0x0], $0xffff  }
0x265: {  	v21 =	vadd.s32 v43, v21;
	v38 =	vsel vm0, $0x1, v41;
	vm0 =	vge.f32 v24, v42;
	v24 =	vld.idx.msk [tilespmem:v40+s4+$0x0], $0xffff  }
0x266: {  	v21 =	vadd.s32 v38, v21;
	v38 =	vsel vm0, $0x1, v41;
	vm0 =	vge.f32 v36, v42;
	v36 =	vld.idx.msk [tilespmem:v54+s4+$0x0], $0xffff  }
0x267: {  	v21 =	vadd.s32 v38, v21;
	v38 =	vsel vm0, $0x1, v41;
	vm0 =	vge.f32 v46, v42;
	v19 =	vld.idx.msk [tilespmem:v19+s4+$0x0], $0xffff  }
0x268: {  	v21 =	vadd.s32 v38, v21;
	v38 =	vsel vm0, $0x1, v41;
	vm0 =	vge.f32 v37, v42;
	v35 =	vld.idx.msk [tilespmem:v35+s4+$0x0], $0xffff  }
0x269: {  	v21 =	vadd.s32 v38, v21;
	v37 =	vsel vm0, $0x1, v41;
	vm0 =	vge.f32 v39, v42;
	v34 =	vld.idx.msk [tilespmem:v34+s4+$0x0], $0xffff  }
0x26a: {  	v21 =	vadd.s32 v37, v21;
	v37 =	vsel vm0, $0x1, v41;
	vm0 =	vge.f32 v25, v42;
	v25 =	vld.idx.msk [tilespmem:v33+s4+$0x0], $0xffff  }
0x26b: {  	v21 =	vadd.s32 v37, v21;
	v33 =	vsel vm0, $0x1, v41;
	vm0 =	vge.f32 v24, v42;
	v24 =	vld.idx.msk [tilespmem:v32+s4+$0x0], $0xffff  }
0x26c: {  	v21 =	vadd.s32 v33, v21;
	v32 =	vsel vm0, $0x1, v41;
	vm0 =	vge.f32 v36, v42  }
0x26d: {  	s2 =	sadd.s32 $0x10, s2;
	v21 =	vadd.s32 v32, v21;
	v32 =	vsel vm0, $0x1, v41;
	vm0 =	vge.f32 v19, v42  }
0x26e: {  	p3 =	sne.s32 s10, s2;
	v19 =	vadd.s32 v32, v21;
	v21 =	vsel vm0, $0x1, v41;
	vm0 =	vge.f32 v35, v42  }
0x26f: {  	v19 =	vadd.s32 v21, v19;
	v21 =	vsel vm0, $0x1, v41;
	vm0 =	vge.f32 v34, v42  }
0x270: {  	v19 =	vadd.s32 v21, v19;
	v21 =	vsel vm0, $0x1, v41;
	vm0 =	vge.f32 v25, v42  }
0x271: {  	v19 =	vadd.s32 v21, v19;
	v21 =	vsel vm0, $0x1, v41;
	vm0 =	vge.f32 v24, v42  }
.Ltmp19:
0x272: {  	v46 =	vor.u32 s28, v10;
	v19 =	vadd.s32 v21, v19;
	v21 =	vsel vm0, $0x1, v41;
	v37 =	vld.idx.msk [tilespmem:v45+s4+$0x0], $0xffff;
	(pc) =	sbr.rel @p3 .LBB2_22-.Ltmp19, $4  }
0x273: {  	v45 =	vor.u32 s28, v12;
	v21 =	vadd.s32 v21, v19;
	v43 =	vld.idx.msk [tilespmem:v55+s4+$0x0], $0xffff  }
0x274: {  	v39 =	vor.u32 s28, v13;
	v32 =	vor.u32 s28, v29;
	v25 =	vld.idx.msk [tilespmem:v56+s4+$0x0], $0xffff  }
0x275: {  	v38 =	vor.u32 s28, v14;
	v33 =	vor.u32 s28, v28;
	v34 =	vor.u32 s28, v26;
	v24 =	vld.idx.msk [tilespmem:v47+s4+$0x0], $0xffff  }
0x276: {  	v40 =	vor.u32 s28, v18;
	v35 =	vor.u32 s28, v23;
	v19 =	vor.u32 s28, v22;
	v36 =	vld.idx.msk [tilespmem:v53+s4+$0x0], $0xffff  }
.LBB2_23:
0x277: {  	_ =	sdelay $0x3  }
0x278: {  	v46 =	vld.idx.msk [tilespmem:v46+s4+$0x0], $0xffff;
	v47 =	vor.u32 s28, v20;
	vm0 =	vge.f32 v37, v42  }
0x279: {  	v61 =	vld.idx.msk [tilespmem:v45+s4+$0x0], $0xffff;
	v62 =	vsel vm0, $0x1, v41;
	vm0 =	vge.f32 v43, v42  }
0x27a: {  	v39 =	vld.idx.msk [tilespmem:v39+s4+$0x0], $0xffff;
	v21 =	vadd.s32 v62, v21;
	v43 =	vsel vm0, $0x1, v41;
	vm0 =	vge.f32 v25, v42  }
0x27b: {  	v25 =	vld.idx.msk [tilespmem:v38+s4+$0x0], $0xffff;
	v21 =	vadd.s32 v43, v21;
	v43 =	vsel vm0, $0x1, v41;
	vm0 =	vge.f32 v24, v42  }
0x27c: {  	v24 =	vld.idx.msk [tilespmem:v40+s4+$0x0], $0xffff;
	v21 =	vadd.s32 v43, v21;
	v45 =	vsel vm0, $0x1, v41;
	vm0 =	vge.f32 v36, v42  }
0x27d: {  	v47 =	vld.idx.msk [tilespmem:v47+s4+$0x0], $0xffff;
	v21 =	vadd.s32 v45, v21;
	v53 =	vsel vm0, $0x1, v41;
	vm0 =	vge.f32 v46, v42  }
0x27e: {  	v19 =	vld.idx.msk [tilespmem:v19+s4+$0x0], $0xffff;
	v21 =	vadd.s32 v53, v21;
	v54 =	vsel vm0, $0x1, v41;
	vm0 =	vge.f32 v61, v42  }
0x27f: {  	v35 =	vld.idx.msk [tilespmem:v35+s4+$0x0], $0xffff;
	v21 =	vadd.s32 v54, v21;
	v37 =	vsel vm0, $0x1, v41;
	vm0 =	vge.f32 v39, v42  }
0x280: {  	v34 =	vld.idx.msk [tilespmem:v34+s4+$0x0], $0xffff;
	v21 =	vadd.s32 v37, v21;
	v55 =	vsel vm0, $0x1, v41;
	vm0 =	vge.f32 v25, v42  }
0x281: {  	v25 =	vld.idx.msk [tilespmem:v33+s4+$0x0], $0xffff;
	v21 =	vadd.s32 v55, v21;
	v56 =	vsel vm0, $0x1, v41;
	vm0 =	vge.f32 v24, v42  }
0x282: {  	v24 =	vld.idx.msk [tilespmem:v32+s4+$0x0], $0xffff;
	v21 =	vadd.s32 v56, v21;
	v61 =	vsel vm0, $0x1, v41;
	vm0 =	vge.f32 v47, v42  }
0x283: {  	v21 =	vadd.s32 v61, v21;
	v62 =	vsel vm0, $0x1, v41;
	vm0 =	vge.f32 v19, v42  }
0x284: {  	v19 =	vadd.s32 v62, v21;
	v21 =	vsel vm0, $0x1, v41;
	vm0 =	vge.f32 v35, v42  }
.Ltmp20:
0x285: {  	v19 =	vadd.s32 v21, v19;
	v21 =	vsel vm0, $0x1, v41;
	vm0 =	vge.f32 v34, v42;
	(pc) =	sbr.rel @p1 .LBB2_27-.Ltmp20, $4  }
0x286: {  	v19 =	vadd.s32 v21, v19;
	v21 =	vsel vm0, $0x1, v41;
	vm0 =	vge.f32 v25, v42  }
0x287: {  	v19 =	vadd.s32 v21, v19;
	v21 =	vsel vm0, $0x1, v41;
	vm0 =	vge.f32 v24, v42  }
0x288: {  	v19 =	vadd.s32 v21, v19;
	v21 =	vsel vm0, $0x1, v41  }
0x289: {  	v35 =	vadd.s32 v21, v19  }
0x28a: {  	v19 =	vor.u32 s22, v0  }
0x28b: {  	v21 =	vor.u32 s22, v1  }
0x28c: {  	v24 =	vor.u32 s22, v4  }
0x28d: {  	v33 =	vor.u32 s22, v5;
	s2 =	sadd.s32 $0x1, s21  }
0x28e: {  	v36 =	vor.u32 s22, v8;
	p3 =	slt.u32 s2, $0x1F  }
.Ltmp21:
0x28f: {  	v46 =	vor.u32 s22, v10;
	v37 =	vld.idx.msk [tilespmem:v19+s4+$0x0], $0xffff;
	(pc) =	sbr.rel @!p3 .LBB2_26-.Ltmp21, $4  }
0x290: {  	v45 =	vor.u32 s22, v12;
	v25 =	vld.idx.msk [tilespmem:v21+s4+$0x0], $0xffff  }
0x291: {  	v40 =	vor.u32 s22, v13;
	v32 =	vor.u32 s22, v29;
	v43 =	vld.idx.msk [tilespmem:v24+s4+$0x0], $0xffff  }
0x292: {  	v38 =	vor.u32 s22, v14;
	v34 =	vor.u32 s22, v26;
	v39 =	vor.u32 s22, v18;
	v21 =	vld.idx.msk [tilespmem:v33+s4+$0x0], $0xffff  }
0x293: {  	s28 =	sadd.s32 $0x10, s22;
	s3 =	smov.u32 s22;
	v33 =	vor.u32 s22, v28;
	v24 =	vld.idx.msk [tilespmem:v36+s4+$0x0], $0xffff;
	v19 =	vor.u32 s22, v22;
	v36 =	vor.u32 s22, v23  }
.LBB2_25:
0x294: {  	v47 =	vor.u32 s28, v5;
	v53 =	vor.u32 s28, v8;
	v46 =	vld.idx.msk [tilespmem:v46+s4+$0x0], $0xffff;
	v54 =	vor.u32 s3, v20;
	s3 =	smov.u32 s28  }
0x295: {  	v55 =	vor.u32 s28, v1;
	v56 =	vor.u32 s28, v4;
	vm0 =	vgt.f32 v37, v42;
	v37 =	vld.idx.msk [tilespmem:v45+s4+$0x0], $0xffff  }
0x296: {  	v45 =	vor.u32 s28, v0;
	v61 =	vsel vm0, $0x1, v41;
	vm0 =	vgt.f32 v25, v42;
	v25 =	vld.idx.msk [tilespmem:v40+s4+$0x0], $0xffff  }
0x297: {  	v35 =	vadd.s32 v61, v35;
	v40 =	vsel vm0, $0x1, v41;
	vm0 =	vgt.f32 v43, v42;
	v38 =	vld.idx.msk [tilespmem:v38+s4+$0x0], $0xffff  }
0x298: {  	v35 =	vadd.s32 v40, v35;
	v40 =	vsel vm0, $0x1, v41;
	vm0 =	vgt.f32 v21, v42;
	v21 =	vld.idx.msk [tilespmem:v39+s4+$0x0], $0xffff  }
0x299: {  	v35 =	vadd.s32 v40, v35;
	v39 =	vsel vm0, $0x1, v41;
	vm0 =	vgt.f32 v24, v42;
	v24 =	vld.idx.msk [tilespmem:v54+s4+$0x0], $0xffff  }
0x29a: {  	v35 =	vadd.s32 v39, v35;
	v39 =	vsel vm0, $0x1, v41;
	vm0 =	vgt.f32 v46, v42;
	v19 =	vld.idx.msk [tilespmem:v19+s4+$0x0], $0xffff  }
0x29b: {  	v35 =	vadd.s32 v39, v35;
	v39 =	vsel vm0, $0x1, v41;
	vm0 =	vgt.f32 v37, v42;
	v36 =	vld.idx.msk [tilespmem:v36+s4+$0x0], $0xffff  }
0x29c: {  	v35 =	vadd.s32 v39, v35;
	v37 =	vsel vm0, $0x1, v41;
	vm0 =	vgt.f32 v25, v42;
	v25 =	vld.idx.msk [tilespmem:v34+s4+$0x0], $0xffff  }
0x29d: {  	v34 =	vadd.s32 v37, v35;
	v35 =	vsel vm0, $0x1, v41;
	vm0 =	vgt.f32 v38, v42;
	v33 =	vld.idx.msk [tilespmem:v33+s4+$0x0], $0xffff  }
0x29e: {  	v34 =	vadd.s32 v35, v34;
	v35 =	vsel vm0, $0x1, v41;
	vm0 =	vgt.f32 v21, v42;
	v21 =	vld.idx.msk [tilespmem:v32+s4+$0x0], $0xffff  }
0x29f: {  	v32 =	vadd.s32 v35, v34;
	v34 =	vsel vm0, $0x1, v41;
	vm0 =	vgt.f32 v24, v42  }
0x2a0: {  	s2 =	sadd.s32 $0x1, s2;
	v24 =	vadd.s32 v34, v32;
	v32 =	vsel vm0, $0x1, v41;
	vm0 =	vgt.f32 v19, v42  }
0x2a1: {  	p3 =	slt.u32 s2, $0x1F;
	v19 =	vadd.s32 v32, v24;
	v24 =	vsel vm0, $0x1, v41;
	vm0 =	vgt.f32 v36, v42  }
0x2a2: {  	v19 =	vadd.s32 v24, v19;
	v24 =	vsel vm0, $0x1, v41;
	vm0 =	vgt.f32 v25, v42  }
0x2a3: {  	v19 =	vadd.s32 v24, v19;
	v24 =	vsel vm0, $0x1, v41;
	vm0 =	vgt.f32 v33, v42  }
0x2a4: {  	v19 =	vadd.s32 v24, v19;
	v24 =	vsel vm0, $0x1, v41;
	vm0 =	vgt.f32 v21, v42  }
.Ltmp22:
0x2a5: {  	v46 =	vor.u32 s28, v10;
	v19 =	vadd.s32 v24, v19;
	v21 =	vsel vm0, $0x1, v41;
	v37 =	vld.idx.msk [tilespmem:v45+s4+$0x0], $0xffff;
	(pc) =	sbr.rel @p3 .LBB2_25-.Ltmp22, $4  }
0x2a6: {  	v45 =	vor.u32 s28, v12;
	v35 =	vadd.s32 v21, v19;
	v25 =	vld.idx.msk [tilespmem:v55+s4+$0x0], $0xffff  }
0x2a7: {  	v40 =	vor.u32 s28, v13;
	v32 =	vor.u32 s28, v29;
	v43 =	vld.idx.msk [tilespmem:v56+s4+$0x0], $0xffff  }
0x2a8: {  	v38 =	vor.u32 s28, v14;
	v34 =	vor.u32 s28, v26;
	v33 =	vor.u32 s28, v28;
	v21 =	vld.idx.msk [tilespmem:v47+s4+$0x0], $0xffff  }
0x2a9: {  	v39 =	vor.u32 s3, v18;
	v36 =	vor.u32 s3, v23;
	v19 =	vor.u32 s3, v22;
	s28 =	sadd.s32 $0x10, s28;
	v24 =	vld.idx.msk [tilespmem:v53+s4+$0x0], $0xffff  }
.LBB2_26:
0x2aa: {  	_ =	sdelay $0x3  }
0x2ab: {  	v46 =	vld.idx.msk [tilespmem:v46+s4+$0x0], $0xffff;
	v47 =	vor.u32 s3, v20;
	vm0 =	vgt.f32 v37, v42  }
0x2ac: {  	v55 =	vld.idx.msk [tilespmem:v45+s4+$0x0], $0xffff;
	v56 =	vsel vm0, $0x1, v41;
	vm0 =	vgt.f32 v25, v42  }
0x2ad: {  	v25 =	vld.idx.msk [tilespmem:v40+s4+$0x0], $0xffff;
	v35 =	vadd.s32 v56, v35;
	v61 =	vsel vm0, $0x1, v41;
	vm0 =	vgt.f32 v43, v42  }
0x2ae: {  	v38 =	vld.idx.msk [tilespmem:v38+s4+$0x0], $0xffff;
	v35 =	vadd.s32 v61, v35;
	v62 =	vsel vm0, $0x1, v41;
	vm0 =	vgt.f32 v21, v42  }
0x2af: {  	v21 =	vld.idx.msk [tilespmem:v39+s4+$0x0], $0xffff;
	v35 =	vadd.s32 v62, v35;
	v43 =	vsel vm0, $0x1, v41;
	vm0 =	vgt.f32 v24, v42  }
0x2b0: {  	v24 =	vld.idx.msk [tilespmem:v47+s4+$0x0], $0xffff;
	v35 =	vadd.s32 v43, v35;
	v45 =	vsel vm0, $0x1, v41;
	vm0 =	vgt.f32 v46, v42  }
0x2b1: {  	v19 =	vld.idx.msk [tilespmem:v19+s4+$0x0], $0xffff;
	v35 =	vadd.s32 v45, v35;
	v47 =	vsel vm0, $0x1, v41;
	vm0 =	vgt.f32 v55, v42  }
0x2b2: {  	v36 =	vld.idx.msk [tilespmem:v36+s4+$0x0], $0xffff;
	v35 =	vadd.s32 v47, v35;
	v37 =	vsel vm0, $0x1, v41;
	vm0 =	vgt.f32 v25, v42  }
0x2b3: {  	v25 =	vld.idx.msk [tilespmem:v34+s4+$0x0], $0xffff;
	v53 =	vadd.s32 v37, v35;
	v54 =	vsel vm0, $0x1, v41;
	vm0 =	vgt.f32 v38, v42  }
0x2b4: {  	v33 =	vld.idx.msk [tilespmem:v33+s4+$0x0], $0xffff;
	v34 =	vadd.s32 v54, v53;
	v55 =	vsel vm0, $0x1, v41;
	vm0 =	vgt.f32 v21, v42  }
0x2b5: {  	v21 =	vld.idx.msk [tilespmem:v32+s4+$0x0], $0xffff;
	v56 =	vadd.s32 v55, v34;
	v61 =	vsel vm0, $0x1, v41;
	vm0 =	vgt.f32 v24, v42  }
0x2b6: {  	v24 =	vadd.s32 v61, v56;
	v62 =	vsel vm0, $0x1, v41;
	vm0 =	vgt.f32 v19, v42  }
0x2b7: {  	v19 =	vadd.s32 v62, v24;
	v24 =	vsel vm0, $0x1, v41;
	vm0 =	vgt.f32 v36, v42  }
0x2b8: {  	v19 =	vadd.s32 v24, v19;
	v24 =	vsel vm0, $0x1, v41;
	vm0 =	vgt.f32 v25, v42  }
0x2b9: {  	v19 =	vadd.s32 v24, v19;
	v24 =	vsel vm0, $0x1, v41;
	vm0 =	vgt.f32 v33, v42  }
0x2ba: {  	v19 =	vadd.s32 v24, v19;
	v24 =	vsel vm0, $0x1, v41;
	vm0 =	vgt.f32 v21, v42  }
0x2bb: {  	v19 =	vadd.s32 v24, v19;
	v21 =	vsel vm0, $0x1, v41  }
0x2bc: {  	v35 =	vadd.s32 v21, v19  }
.LBB2_27:
0x2bd: {  	_ =	sdelay $0x3  }
0x2be: {  	v19 =	vld.idx.msk [tilespmem:v3+s4+$0x0], $0xffff  }
0x2bf: {  	v21 =	vld.idx.msk [tilespmem:v2+s4+$0x0], $0xffff;
	_ =	sdelay $0x1  }
0x2c0: {  	v25 =	vld.idx.msk [tilespmem:v7+s4+$0x0], $0xffff  }
0x2c1: {  	v24 =	vld.idx.msk [tilespmem:v6+s4+$0x0], $0xffff  }
0x2c2: {  	vm2 =	vcmask $0x3F3C;
	vm3 =	vcmask $0x3F34  }
0x2c3: {  	vm0 =	veq.f32 v19, v42;
	vm15 =	vgt.f32 v21, v42;
	vm1 =	vgt.f32 v19, v42  }
0x2c4: {  	v33 =	vld.idx.msk [tilespmem:v11+s4+$0x0], $0xffff;
	vm0 =	vmand vm0, vm2;
	v19 =	vsel vm15, $0x1, v41;
	vm2 =	vcmask $0x3F38  }
0x2c5: {  	v21 =	vld.idx.msk [tilespmem:v9+s4+$0x0], $0xffff;
	vm15 =	veq.f32 v25, v42;
	vm0 =	vmor vm1, vm0;
	v19 =	vadd.s32 v19, v35  }
0x2c6: {  	vm1 =	vgt.f32 v24, v42;
	v32 =	vsel vm0, $0x1, v41;
	vm0 =	veq.f32 v24, v42  }
0x2c7: {  	vm15 =	vmand vm15, vm3;
	vm3 =	vcmask $0x3F30;
	vm0 =	vmand vm0, vm2  }
0x2c8: {  	v55 =	vld.idx.msk [tilespmem:v16+s4+$0x0], $0xffff;
	v19 =	vadd.s32 v32, v19;
	vm0 =	vmor vm1, vm0;
	vm1 =	vgt.f32 v25, v42  }
0x2c9: {  	v25 =	vld.idx.msk [tilespmem:v15+s4+$0x0], $0xffff;
	v24 =	vsel vm0, $0x1, v41;
	vm0 =	vmor vm1, vm15;
	vm15 =	veq.f32 v33, v42  }
0x2ca: {  	v19 =	vadd.s32 v24, v19;
	v24 =	vsel vm0, $0x1, v41;
	vm0 =	veq.f32 v21, v42  }
0x2cb: {  	vm1 =	vgt.f32 v21, v42;
	vm15 =	vmand vm15, vm4;
	vm0 =	vmand vm0, vm3  }
0x2cc: {  	v19 =	vadd.s32 v24, v19;
	v24 =	vld.idx.msk [tilespmem:v17+s4+$0x0], $0xffff;
	vm0 =	vmor vm1, vm0;
	vm1 =	vgt.f32 v33, v42  }
0x2cd: {  	v56 =	vld [tilespmem:$0x1FFC0];
	v21 =	vsel vm0, $0x1, v41;
	vm0 =	vmor vm1, vm15;
	vm15 =	veq.f32 v55, v42  }
0x2ce: {  	v19 =	vadd.s32 v21, v19;
	v21 =	vsel vm0, $0x1, v41;
	vm0 =	veq.f32 v25, v42  }
0x2cf: {  	vm1 =	vgt.f32 v25, v42;
	vm15 =	vmand vm15, vm6;
	vm0 =	vmand vm0, vm5  }
0x2d0: {  	v25 =	vld [tilespmem:$0x1FFD0];
	v19 =	vadd.s32 v21, v19;
	vm0 =	vmor vm1, vm0;
	vm1 =	vgt.f32 v55, v42  }
0x2d1: {  	v21 =	vsel vm0, $0x1, v41;
	vm0 =	vmor vm1, vm15;
	vm1 =	vgt.f32 v24, v42  }
0x2d2: {  	v19 =	vadd.s32 v21, v19;
	v21 =	vsel vm0, $0x1, v41;
	vm0 =	veq.f32 v24, v42;
	v24 =	vld [tilespmem:$0x1FFE0]  }
0x2d3: {  	v61 =	vld [tilespmem:$0x1FFF0];
	_ =	sdelay $0x1  }
0x2d4: {  	v33 =	vld.idx.msk [tilespmem:v56+s4+$0x0], $0xffff;
	_ =	sdelay $0x2  }
0x2d5: {  	v25 =	vld.idx.msk [tilespmem:v25+s4+$0x0], $0xffff;
	_ =	sdelay $0x1  }
0x2d6: {  	vm15 =	veq.f32 v33, v42;
	vm0 =	vmand vm0, vm7;
	v24 =	vld.idx.msk [tilespmem:v24+s4+$0x0], $0xffff  }
0x2d7: {  	v32 =	vld.idx.msk [tilespmem:v61+s4+$0x0], $0xffff;
	vm15 =	vmand vm15, vm8;
	vm0 =	vmor vm1, vm0;
	vm1 =	vgt.f32 v33, v42  }
0x2d8: {  	v19 =	vadd.s32 v21, v19;
	v21 =	vsel vm0, $0x1, v41;
	vm0 =	vmor vm1, vm15  }
0x2d9: {  	v62 =	vld.idx.msk [tilespmem:v27+s4+$0x0], $0xffff;
	v19 =	vadd.s32 v21, v19;
	v21 =	vsel vm0, $0x1, v41;
	vm0 =	veq.f32 v25, v42  }
0x2da: {  	v19 =	vadd.s32 v21, v19;
	vm1 =	vgt.f32 v25, v42;
	vm0 =	vmand vm0, vm9  }
0x2db: {  	v21 =	vld.idx.msk [tilespmem:v30+s4+$0x0], $0xffff;
	vm0 =	vmor vm1, vm0;
	vm1 =	vgt.f32 v24, v42;
	vm15 =	veq.f32 v24, v42  }
0x2dc: {  	v24 =	vsel vm0, $0x1, v41;
	vm0 =	vmand vm15, vm10;
	vm15 =	veq.f32 v32, v42  }
0x2dd: {  	v25 =	vld.idx.msk [tilespmem:v31+s4+$0x0], $0xffff;
	vm0 =	vmor vm1, vm0;
	vm1 =	vgt.f32 v32, v42;
	vm15 =	vmand vm15, vm11  }
0x2de: {  	v19 =	vadd.s32 v24, v19;
	vm1 =	vmor vm1, vm15;
	vm15 =	veq.f32 v62, v42  }
0x2df: {  	v24 =	vsel vm0, $0x1, v41;
	vm0 =	vgt.f32 v62, v42;
	vm15 =	vmand vm15, vm12  }
0x2e0: {  	v19 =	vadd.s32 v24, v19;
	vm0 =	vmor vm0, vm15;
	vm15 =	veq.f32 v21, v42  }
0x2e1: {  	v24 =	vsel vm1, $0x1, v41;
	vm1 =	vgt.f32 v21, v42;
	vm15 =	vmand vm15, vm13  }
0x2e2: {  	v21 =	vsel vm0, $0x1, v41;
	vm0 =	vmor vm1, vm15;
	vm1 =	veq.f32 v25, v42  }
0x2e3: {  	v19 =	vadd.s32 v24, v19;
	vm15 =	vgt.f32 v25, v42;
	vm1 =	vmand vm1, vm14  }
0x2e4: {  	v19 =	vadd.s32 v21, v19;
	v24 =	vsel vm0, $0x1, v41;
	vm1 =	vmor vm15, vm1  }
0x2e5: {  	v19 =	vadd.s32 v24, v19;
	v21 =	vsel vm1, $0x1, v41  }
0x2e6: {  	v19 =	vadd.s32 v21, v19  }
0x2e7: {  	[tilespmem:$0x430] =	vst v19  }
0x2e8: {  	[spmem:s14] =	stream.linear.scatter [tilespmem:s26], [sflag:$0x1], $0x40, $0x38;
	[tilespmem:$0xCC0] =	vst v63  }
.Ltmp23:
0x2e9: {  	_ =	swait.ge [sflag:s25], $0x40;
	(pc) =	sbr.rel @p2 .LBB2_29-.Ltmp23, $3  }
0x2ea: {  	[sflag:s25] =	ssyncset.done $0x0  }
0x2eb: {  	[sflag:s25] =	ssyncadd.s32 $0xFFFFFFC0  }
0x2ec: {  	[bflag:$0x0] =	sbarrier.arrive $0xFFFF;
	_ =	sdelay $0x1  }
0x2ed: {  	s2 =	simm.s32 $0x100;
	s3 =	simm.s32 $0x480  }
0x2ee: {  	[tilespmem:s3], [sflag:$0x1] =	stream.strided.gather [spmem:s11], $0x200, s2, s23, $0x38;
	[tilespmem:$0xCC0] =	vst v63  }
0x2ef: {  	_ =	swait.ge [sflag:s25], $0x200  }
0x2f0: {  	[sflag:s25] =	ssyncset.done $0x0  }
0x2f1: {  	[sflag:s25] =	ssyncadd.s32 $0xFFFFFE00  }
0x2f2: {  	v19 =	vld [tilespmem:$0x480];
	_ =	sdelay $0x7  }
0x2f3: {  	[tilespmem:v19+s30+$0x0] =	vst.idx.msk $0xffff, v0  }
0x2f4: {  	v21 =	vld [tilespmem:$0x200];
	_ =	sdelay $0x4  }
0x2f5: {  	[tilespmem:v19+s31+$0x0] =	vst.idx.msk $0xffff, v21  }
0x2f6: {  	v19 =	vld [tilespmem:$0x490];
	_ =	sdelay $0x6  }
0x2f7: {  	v21 =	vor.u32 $0x10, v0  }
0x2f8: {  	[tilespmem:v19+s30+$0x0] =	vst.idx.msk $0xffff, v21  }
0x2f9: {  	v21 =	vld [tilespmem:$0x210];
	_ =	sdelay $0x4  }
0x2fa: {  	[tilespmem:v19+s31+$0x0] =	vst.idx.msk $0xffff, v21  }
0x2fb: {  	v19 =	vld [tilespmem:$0x4A0];
	_ =	sdelay $0x6  }
0x2fc: {  	v21 =	vor.u32 $0x20, v0  }
0x2fd: {  	[tilespmem:v19+s30+$0x0] =	vst.idx.msk $0xffff, v21  }
0x2fe: {  	v21 =	vld [tilespmem:$0x220];
	_ =	sdelay $0x4  }
0x2ff: {  	[tilespmem:v19+s31+$0x0] =	vst.idx.msk $0xffff, v21  }
0x300: {  	v19 =	vld [tilespmem:$0x4B0];
	_ =	sdelay $0x6  }
0x301: {  	v21 =	vor.u32 $0x30, v0  }
0x302: {  	[tilespmem:v19+s30+$0x0] =	vst.idx.msk $0xffff, v21  }
0x303: {  	v21 =	vld [tilespmem:$0x230];
	_ =	sdelay $0x4  }
0x304: {  	[tilespmem:v19+s31+$0x0] =	vst.idx.msk $0xffff, v21  }
0x305: {  	v19 =	vld [tilespmem:$0x4C0];
	_ =	sdelay $0x6  }
0x306: {  	v21 =	vor.u32 $0x40, v0  }
0x307: {  	[tilespmem:v19+s30+$0x0] =	vst.idx.msk $0xffff, v21  }
0x308: {  	v21 =	vld [tilespmem:$0x240];
	_ =	sdelay $0x4  }
0x309: {  	[tilespmem:v19+s31+$0x0] =	vst.idx.msk $0xffff, v21  }
0x30a: {  	v19 =	vld [tilespmem:$0x4D0];
	_ =	sdelay $0x6  }
0x30b: {  	v21 =	vor.u32 $0x50, v0  }
0x30c: {  	[tilespmem:v19+s30+$0x0] =	vst.idx.msk $0xffff, v21  }
0x30d: {  	v21 =	vld [tilespmem:$0x250];
	_ =	sdelay $0x4  }
0x30e: {  	[tilespmem:v19+s31+$0x0] =	vst.idx.msk $0xffff, v21  }
0x30f: {  	v19 =	vld [tilespmem:$0x4E0];
	_ =	sdelay $0x6  }
0x310: {  	v21 =	vor.u32 $0x60, v0  }
0x311: {  	[tilespmem:v19+s30+$0x0] =	vst.idx.msk $0xffff, v21  }
0x312: {  	v21 =	vld [tilespmem:$0x260];
	_ =	sdelay $0x4  }
0x313: {  	[tilespmem:v19+s31+$0x0] =	vst.idx.msk $0xffff, v21  }
0x314: {  	v19 =	vld [tilespmem:$0x4F0];
	_ =	sdelay $0x6  }
0x315: {  	v21 =	vor.u32 $0x70, v0  }
0x316: {  	[tilespmem:v19+s30+$0x0] =	vst.idx.msk $0xffff, v21  }
0x317: {  	v21 =	vld [tilespmem:$0x270];
	_ =	sdelay $0x4  }
0x318: {  	[tilespmem:v19+s31+$0x0] =	vst.idx.msk $0xffff, v21  }
0x319: {  	v19 =	vld [tilespmem:$0x500];
	_ =	sdelay $0x6  }
0x31a: {  	v21 =	vor.u32 $0x80, v0  }
0x31b: {  	[tilespmem:v19+s30+$0x0] =	vst.idx.msk $0xffff, v21  }
0x31c: {  	v21 =	vld [tilespmem:$0x280];
	_ =	sdelay $0x4  }
0x31d: {  	[tilespmem:v19+s31+$0x0] =	vst.idx.msk $0xffff, v21  }
0x31e: {  	v19 =	vld [tilespmem:$0x510];
	_ =	sdelay $0x6  }
0x31f: {  	v21 =	vor.u32 $0x90, v0  }
0x320: {  	[tilespmem:v19+s30+$0x0] =	vst.idx.msk $0xffff, v21  }
0x321: {  	v21 =	vld [tilespmem:$0x290];
	_ =	sdelay $0x4  }
0x322: {  	[tilespmem:v19+s31+$0x0] =	vst.idx.msk $0xffff, v21  }
0x323: {  	v19 =	vld [tilespmem:$0x520];
	_ =	sdelay $0x6  }
0x324: {  	v21 =	vor.u32 $0xA0, v0  }
0x325: {  	[tilespmem:v19+s30+$0x0] =	vst.idx.msk $0xffff, v21  }
0x326: {  	v21 =	vld [tilespmem:$0x2A0];
	_ =	sdelay $0x4  }
0x327: {  	[tilespmem:v19+s31+$0x0] =	vst.idx.msk $0xffff, v21  }
0x328: {  	v19 =	vld [tilespmem:$0x530];
	_ =	sdelay $0x6  }
0x329: {  	v21 =	vor.u32 $0xB0, v0  }
0x32a: {  	[tilespmem:v19+s30+$0x0] =	vst.idx.msk $0xffff, v21  }
0x32b: {  	v21 =	vld [tilespmem:$0x2B0];
	_ =	sdelay $0x4  }
0x32c: {  	[tilespmem:v19+s31+$0x0] =	vst.idx.msk $0xffff, v21  }
0x32d: {  	v19 =	vld [tilespmem:$0x540];
	_ =	sdelay $0x6  }
0x32e: {  	v21 =	vor.u32 $0xC0, v0  }
0x32f: {  	[tilespmem:v19+s30+$0x0] =	vst.idx.msk $0xffff, v21  }
0x330: {  	v21 =	vld [tilespmem:$0x2C0];
	_ =	sdelay $0x4  }
0x331: {  	[tilespmem:v19+s31+$0x0] =	vst.idx.msk $0xffff, v21  }
0x332: {  	v19 =	vld [tilespmem:$0x550];
	_ =	sdelay $0x6  }
0x333: {  	v21 =	vor.u32 $0xD0, v0  }
0x334: {  	[tilespmem:v19+s30+$0x0] =	vst.idx.msk $0xffff, v21  }
0x335: {  	v21 =	vld [tilespmem:$0x2D0];
	_ =	sdelay $0x4  }
0x336: {  	[tilespmem:v19+s31+$0x0] =	vst.idx.msk $0xffff, v21  }
0x337: {  	v19 =	vld [tilespmem:$0x560];
	_ =	sdelay $0x6  }
0x338: {  	v21 =	vor.u32 $0xE0, v0  }
0x339: {  	[tilespmem:v19+s30+$0x0] =	vst.idx.msk $0xffff, v21  }
0x33a: {  	v21 =	vld [tilespmem:$0x2E0];
	_ =	sdelay $0x4  }
0x33b: {  	[tilespmem:v19+s31+$0x0] =	vst.idx.msk $0xffff, v21  }
0x33c: {  	v19 =	vld [tilespmem:$0x570];
	_ =	sdelay $0x6  }
0x33d: {  	v21 =	vor.u32 $0xF0, v0  }
0x33e: {  	[tilespmem:v19+s30+$0x0] =	vst.idx.msk $0xffff, v21  }
0x33f: {  	v21 =	vld [tilespmem:$0x2F0];
	_ =	sdelay $0x4  }
0x340: {  	[tilespmem:v19+s31+$0x0] =	vst.idx.msk $0xffff, v21  }
0x341: {  	v19 =	vld [tilespmem:$0x580];
	_ =	sdelay $0x6  }
0x342: {  	v21 =	vor.u32 $0x100, v0  }
0x343: {  	[tilespmem:v19+s30+$0x0] =	vst.idx.msk $0xffff, v21  }
0x344: {  	v21 =	vld [tilespmem:$0x300];
	_ =	sdelay $0x4  }
0x345: {  	[tilespmem:v19+s31+$0x0] =	vst.idx.msk $0xffff, v21  }
0x346: {  	v19 =	vld [tilespmem:$0x590];
	_ =	sdelay $0x6  }
0x347: {  	v21 =	vor.u32 $0x110, v0  }
0x348: {  	[tilespmem:v19+s30+$0x0] =	vst.idx.msk $0xffff, v21  }
0x349: {  	v21 =	vld [tilespmem:$0x310];
	_ =	sdelay $0x4  }
0x34a: {  	[tilespmem:v19+s31+$0x0] =	vst.idx.msk $0xffff, v21  }
0x34b: {  	v19 =	vld [tilespmem:$0x5A0];
	_ =	sdelay $0x6  }
0x34c: {  	v21 =	vor.u32 $0x120, v0  }
0x34d: {  	[tilespmem:v19+s30+$0x0] =	vst.idx.msk $0xffff, v21  }
0x34e: {  	v21 =	vld [tilespmem:$0x320];
	_ =	sdelay $0x4  }
0x34f: {  	[tilespmem:v19+s31+$0x0] =	vst.idx.msk $0xffff, v21  }
0x350: {  	v19 =	vld [tilespmem:$0x5B0];
	_ =	sdelay $0x6  }
0x351: {  	v21 =	vor.u32 $0x130, v0  }
0x352: {  	[tilespmem:v19+s30+$0x0] =	vst.idx.msk $0xffff, v21  }
0x353: {  	v21 =	vld [tilespmem:$0x330];
	_ =	sdelay $0x4  }
0x354: {  	[tilespmem:v19+s31+$0x0] =	vst.idx.msk $0xffff, v21  }
0x355: {  	v19 =	vld [tilespmem:$0x5C0];
	_ =	sdelay $0x6  }
0x356: {  	v21 =	vor.u32 $0x140, v0  }
0x357: {  	[tilespmem:v19+s30+$0x0] =	vst.idx.msk $0xffff, v21  }
0x358: {  	v21 =	vld [tilespmem:$0x340];
	_ =	sdelay $0x4  }
0x359: {  	[tilespmem:v19+s31+$0x0] =	vst.idx.msk $0xffff, v21  }
0x35a: {  	v19 =	vld [tilespmem:$0x5D0];
	_ =	sdelay $0x6  }
0x35b: {  	v21 =	vor.u32 $0x150, v0  }
0x35c: {  	[tilespmem:v19+s30+$0x0] =	vst.idx.msk $0xffff, v21  }
0x35d: {  	v21 =	vld [tilespmem:$0x350];
	_ =	sdelay $0x4  }
0x35e: {  	[tilespmem:v19+s31+$0x0] =	vst.idx.msk $0xffff, v21  }
0x35f: {  	v19 =	vld [tilespmem:$0x5E0];
	_ =	sdelay $0x6  }
0x360: {  	v21 =	vor.u32 $0x160, v0  }
0x361: {  	[tilespmem:v19+s30+$0x0] =	vst.idx.msk $0xffff, v21  }
0x362: {  	v21 =	vld [tilespmem:$0x360];
	_ =	sdelay $0x4  }
0x363: {  	[tilespmem:v19+s31+$0x0] =	vst.idx.msk $0xffff, v21  }
0x364: {  	v19 =	vld [tilespmem:$0x5F0];
	_ =	sdelay $0x6  }
0x365: {  	v21 =	vor.u32 $0x170, v0  }
0x366: {  	[tilespmem:v19+s30+$0x0] =	vst.idx.msk $0xffff, v21  }
0x367: {  	v21 =	vld [tilespmem:$0x370];
	_ =	sdelay $0x4  }
0x368: {  	[tilespmem:v19+s31+$0x0] =	vst.idx.msk $0xffff, v21  }
0x369: {  	v19 =	vld [tilespmem:$0x600];
	_ =	sdelay $0x6  }
0x36a: {  	v21 =	vor.u32 $0x180, v0  }
0x36b: {  	[tilespmem:v19+s30+$0x0] =	vst.idx.msk $0xffff, v21  }
0x36c: {  	v21 =	vld [tilespmem:$0x380];
	_ =	sdelay $0x4  }
0x36d: {  	[tilespmem:v19+s31+$0x0] =	vst.idx.msk $0xffff, v21  }
0x36e: {  	v19 =	vld [tilespmem:$0x610];
	_ =	sdelay $0x6  }
0x36f: {  	v21 =	vor.u32 $0x190, v0  }
0x370: {  	[tilespmem:v19+s30+$0x0] =	vst.idx.msk $0xffff, v21  }
0x371: {  	v21 =	vld [tilespmem:$0x390];
	_ =	sdelay $0x4  }
0x372: {  	[tilespmem:v19+s31+$0x0] =	vst.idx.msk $0xffff, v21  }
0x373: {  	v19 =	vld [tilespmem:$0x620];
	_ =	sdelay $0x6  }
0x374: {  	v21 =	vor.u32 $0x1A0, v0  }
0x375: {  	[tilespmem:v19+s30+$0x0] =	vst.idx.msk $0xffff, v21  }
0x376: {  	v21 =	vld [tilespmem:$0x3A0];
	_ =	sdelay $0x4  }
0x377: {  	[tilespmem:v19+s31+$0x0] =	vst.idx.msk $0xffff, v21  }
0x378: {  	v19 =	vld [tilespmem:$0x630];
	_ =	sdelay $0x6  }
0x379: {  	v21 =	vor.u32 $0x1B0, v0  }
0x37a: {  	[tilespmem:v19+s30+$0x0] =	vst.idx.msk $0xffff, v21  }
0x37b: {  	v21 =	vld [tilespmem:$0x3B0];
	_ =	sdelay $0x4  }
0x37c: {  	[tilespmem:v19+s31+$0x0] =	vst.idx.msk $0xffff, v21  }
0x37d: {  	v19 =	vld [tilespmem:$0x640];
	_ =	sdelay $0x6  }
0x37e: {  	v21 =	vor.u32 $0x1C0, v0  }
0x37f: {  	[tilespmem:v19+s30+$0x0] =	vst.idx.msk $0xffff, v21  }
0x380: {  	v21 =	vld [tilespmem:$0x3C0];
	_ =	sdelay $0x4  }
0x381: {  	[tilespmem:v19+s31+$0x0] =	vst.idx.msk $0xffff, v21  }
0x382: {  	v19 =	vld [tilespmem:$0x650];
	_ =	sdelay $0x6  }
0x383: {  	v21 =	vor.u32 $0x1D0, v0  }
0x384: {  	[tilespmem:v19+s30+$0x0] =	vst.idx.msk $0xffff, v21  }
0x385: {  	v21 =	vld [tilespmem:$0x3D0];
	_ =	sdelay $0x4  }
0x386: {  	[tilespmem:v19+s31+$0x0] =	vst.idx.msk $0xffff, v21  }
0x387: {  	v19 =	vld [tilespmem:$0x660];
	_ =	sdelay $0x6  }
0x388: {  	v21 =	vor.u32 $0x1E0, v0  }
0x389: {  	[tilespmem:v19+s30+$0x0] =	vst.idx.msk $0xffff, v21  }
0x38a: {  	v21 =	vld [tilespmem:$0x3E0];
	_ =	sdelay $0x4  }
0x38b: {  	[tilespmem:v19+s31+$0x0] =	vst.idx.msk $0xffff, v21  }
0x38c: {  	v19 =	vld [tilespmem:$0x670];
	_ =	sdelay $0x6  }
0x38d: {  	v21 =	vor.u32 $0x1F0, v0  }
0x38e: {  	[tilespmem:v19+s30+$0x0] =	vst.idx.msk $0xffff, v21  }
0x38f: {  	v21 =	vld [tilespmem:$0x3F0];
	_ =	sdelay $0x4  }
0x390: {  	[tilespmem:v19+s31+$0x0] =	vst.idx.msk $0xffff, v21  }
0x391: {  	v19 =	vld [tilespmem:$0x880]  }
0x392: {  	v21 =	vld [tilespmem:$0x890]  }
0x393: {  	v24 =	vld [tilespmem:$0x8A0]  }
0x394: {  	v25 =	vld [tilespmem:$0x8B0]  }
0x395: {  	v32 =	vld [tilespmem:$0x8C0]  }
0x396: {  	v34 =	vld [tilespmem:$0x8D0]  }
0x397: {  	v36 =	vld [tilespmem:$0x8E0]  }
0x398: {  	v37 =	vld [tilespmem:$0x8F0]  }
0x399: {  	v53 =	vld [tilespmem:$0x900]  }
0x39a: {  	v38 =	vld [tilespmem:$0x910]  }
0x39b: {  	v40 =	vld [tilespmem:$0x920]  }
0x39c: {  	v42 =	vld [tilespmem:$0x930];
	v33 =	vadd.f32 $1.000000000e+00, v19;
	v35 =	vadd.f32 $1.000000000e+00, v21  }
0x39d: {  	v62 =	vld [tilespmem:$0x940];
	v45 =	vadd.f32 $1.000000000e+00, v24;
	v46 =	vadd.f32 $1.000000000e+00, v25  }
0x39e: {  	v32 =	vsub.f32 $1.000000000e+00, v32;
	v47 =	vsub.f32 $1.000000000e+00, v34  }
0x39f: {  	v36 =	vsub.f32 $1.000000000e+00, v36;
	v37 =	vsub.f32 $1.000000000e+00, v37  }
0x3a0: {  	v34 =	vsub.f32 $1.000000000e+00, v53;
	v61 =	vsub.f32 $1.000000000e+00, v38  }
0x3a1: {  	v40 =	vsub.f32 $1.000000000e+00, v40;
	v42 =	vsub.f32 $1.000000000e+00, v42  }
0x3a2: {  	v38 =	vsub.f32 $1.000000000e+00, v62;
	v19 =	vsub.f32 v33, v19  }
0x3a3: {  	v21 =	vsub.f32 v35, v21;
	v24 =	vsub.f32 v45, v24  }
0x3a4: {  	v25 =	vsub.f32 v46, v25;
	v54 =	vadd.f32 $1.000000000e+00, v32  }
0x3a5: {  	v39 =	vadd.f32 $1.000000000e+00, v47;
	v55 =	vadd.f32 $1.000000000e+00, v36  }
0x3a6: {  	v56 =	vadd.f32 $1.000000000e+00, v37;
	v53 =	vadd.f32 $1.000000000e+00, v34  }
0x3a7: {  	v43 =	vld [tilespmem:$0x950];
	v45 =	vadd.f32 $1.000000000e+00, v61;
	v32 =	vsub.f32 v54, v32  }
0x3a8: {  	v62 =	vld [tilespmem:$0x990];
	v33 =	vsub.f32 v39, v47;
	v35 =	vsub.f32 v55, v36  }
0x3a9: {  	v46 =	vld [tilespmem:$0x960];
	v36 =	vsub.f32 v56, v37;
	v34 =	vsub.f32 v53, v34  }
0x3aa: {  	v54 =	vadd.f32 $1.000000000e+00, v40;
	v47 =	vld [tilespmem:$0x970];
	v55 =	vadd.f32 $1.000000000e+00, v42  }
0x3ab: {  	v37 =	vsub.f32 v45, v61;
	v56 =	vld [tilespmem:$0x980];
	[tilespmem:$0xA80] =	vst v19;
	v19 =	vadd.f32 $1.000000000e+00, v38  }
0x3ac: {  	v53 =	vld [tilespmem:$0x9A0];
	v39 =	vsub.f32 v54, v40;
	v40 =	vsub.f32 v55, v42  }
0x3ad: {  	v42 =	vsub.f32 $1.000000000e+00, v43;
	[tilespmem:$0xAD0] =	vst v33;
	v33 =	vsub.f32 $1.000000000e+00, v62  }
0x3ae: {  	v19 =	vsub.f32 v19, v38;
	v61 =	vsub.f32 $1.000000000e+00, v46  }
0x3af: {  	[tilespmem:$0xA90] =	vst v21;
	v38 =	vld [tilespmem:$0x9B0];
	v21 =	vadd.f32 $1.000000000e+00, v42;
	v62 =	vadd.f32 $1.000000000e+00, v33  }
0x3b0: {  	[tilespmem:$0xAA0] =	vst v24;
	v46 =	vld [tilespmem:$0x9E0];
	v47 =	vsub.f32 $1.000000000e+00, v47;
	v24 =	vadd.f32 $1.000000000e+00, v61  }
0x3b1: {  	[tilespmem:$0xAB0] =	vst v25;
	v54 =	vsub.f32 $1.000000000e+00, v56;
	v56 =	vsub.f32 $1.000000000e+00, v53  }
0x3b2: {  	[tilespmem:$0xAC0] =	vst v32;
	v21 =	vsub.f32 v21, v42;
	v42 =	vld [tilespmem:$0x9C0];
	v33 =	vsub.f32 v62, v33  }
0x3b3: {  	[tilespmem:$0xAE0] =	vst v35;
	v62 =	vld [tilespmem:$0xA00];
	v25 =	vadd.f32 $1.000000000e+00, v47;
	v24 =	vsub.f32 v24, v61  }
0x3b4: {  	[tilespmem:$0xAF0] =	vst v36;
	v55 =	vadd.f32 $1.000000000e+00, v54;
	v61 =	vld [tilespmem:$0x9D0];
	v38 =	vsub.f32 $1.000000000e+00, v38  }
0x3b5: {  	[tilespmem:$0xB00] =	vst v34;
	v53 =	vadd.f32 $1.000000000e+00, v56;
	v45 =	vsub.f32 $1.000000000e+00, v46;
	v46 =	vld [tilespmem:$0xA10]  }
0x3b6: {  	[tilespmem:$0xB10] =	vst v37;
	v25 =	vsub.f32 v25, v47;
	v32 =	vsub.f32 v55, v54;
	v54 =	vld [tilespmem:$0x9F0]  }
0x3b7: {  	[tilespmem:$0xB20] =	vst v39;
	v55 =	vadd.f32 $1.000000000e+00, v38;
	v34 =	vsub.f32 v53, v56;
	v47 =	vld [tilespmem:$0xA20]  }
0x3b8: {  	[tilespmem:$0xB60] =	vst v24;
	v53 =	vld [tilespmem:$0xA30];
	v24 =	vadd.f32 $1.000000000e+00, v45;
	v56 =	vsub.f32 $1.000000000e+00, v42  }
0x3b9: {  	[tilespmem:$0xB30] =	vst v40;
	v36 =	vsub.f32 v55, v38;
	v61 =	vsub.f32 $1.000000000e+00, v61  }
0x3ba: {  	[tilespmem:$0xB40] =	vst v19;
	v24 =	vsub.f32 v24, v45;
	v19 =	vadd.f32 $1.000000000e+00, v56  }
0x3bb: {  	[tilespmem:$0xB50] =	vst v21;
	v55 =	vsub.f32 $1.000000000e+00, v46;
	v21 =	vadd.f32 $1.000000000e+00, v61  }
0x3bc: {  	[tilespmem:$0xB90] =	vst v33;
	v35 =	vsub.f32 $1.000000000e+00, v54;
	v54 =	vsub.f32 $1.000000000e+00, v62  }
0x3bd: {  	[tilespmem:$0xB70] =	vst v25;
	v45 =	vld [tilespmem:$0xA50];
	v62 =	vsub.f32 $1.000000000e+00, v47;
	v37 =	vsub.f32 $1.000000000e+00, v53  }
0x3be: {  	[tilespmem:$0xB80] =	vst v32;
	v19 =	vsub.f32 v19, v56;
	v56 =	vld [tilespmem:$0xA40];
	v21 =	vsub.f32 v21, v61  }
0x3bf: {  	[tilespmem:$0xBA0] =	vst v34;
	v47 =	vld [tilespmem:$0xA60];
	v25 =	vadd.f32 $1.000000000e+00, v35;
	v61 =	vadd.f32 $1.000000000e+00, v54  }
0x3c0: {  	[tilespmem:$0xBB0] =	vst v36;
	v46 =	vadd.f32 $1.000000000e+00, v55;
	v53 =	vadd.f32 $1.000000000e+00, v62  }
0x3c1: {  	[tilespmem:$0xBC0] =	vst v19;
	v25 =	vsub.f32 v25, v35;
	v19 =	vsub.f32 v61, v54;
	v54 =	vld [tilespmem:$0xA70]  }
0x3c2: {  	[tilespmem:$0xBD0] =	vst v21;
	v21 =	vsub.f32 v46, v55;
	v55 =	vadd.f32 $1.000000000e+00, v37  }
0x3c3: {  	[tilespmem:$0xBE0] =	vst v24;
	v24 =	vsub.f32 v53, v62;
	v56 =	vsub.f32 $1.000000000e+00, v56  }
0x3c4: {  	v61 =	vsub.f32 $1.000000000e+00, v45;
	v62 =	vsub.f32 $1.000000000e+00, v47;
	[tilespmem:$0xBF0] =	vst v25  }
0x3c5: {  	v25 =	vsub.f32 v55, v37;
	[tilespmem:$0xC00] =	vst v19;
	v19 =	vadd.f32 $1.000000000e+00, v56  }
0x3c6: {  	[tilespmem:$0xC10] =	vst v21;
	v21 =	vadd.f32 $1.000000000e+00, v61;
	v34 =	vsub.f32 $1.000000000e+00, v54  }
0x3c7: {  	[tilespmem:$0xC20] =	vst v24;
	v24 =	vadd.f32 $1.000000000e+00, v62;
	v19 =	vsub.f32 v19, v56  }
0x3c8: {  	[tilespmem:$0xC30] =	vst v25;
	v21 =	vsub.f32 v21, v61;
	v25 =	vadd.f32 $1.000000000e+00, v34  }
0x3c9: {  	[tilespmem:$0xC40] =	vst v19;
	v19 =	vsub.f32 v24, v62  }
0x3ca: {  	[tilespmem:$0xC50] =	vst v21;
	v21 =	vsub.f32 v25, v34  }
0x3cb: {  	[tilespmem:$0xC60] =	vst v19  }
0x3cc: {  	[tilespmem:$0xC70] =	vst v21  }
0x3cd: {  	[hbm4b:s15+s23] =	stream.strided.scatter [tilespmem:s30], [sflag:$0x1], $0x200, s24, s23, $0x38;
	[tilespmem:$0xCC0] =	vst v63  }
0x3ce: {  	_ =	swait.ge [sflag:s25], $0x200  }
0x3cf: {  	[sflag:s25] =	ssyncset.done $0x0  }
.Ltmp24:
0x3d0: {  	s28 =	simm.s32 $0xA80;
	[sflag:s25] =	ssyncadd.s32 $0xFFFFFE00;
	(pc) =	sbr.rel .LBB2_29-.Ltmp24, $4  }
0x3d1: {  	[hbm4b:s16+s23] =	stream.strided.scatter [tilespmem:s28], [sflag:$0x1], $0x200, s24, s23, $0x38;
	[tilespmem:$0xCC0] =	vst v63  }
0x3d2: {  	_ =	swait.ge [sflag:s25], $0x200  }
0x3d3: {  	[sflag:s25] =	ssyncset.done $0x0  }
0x3d4: {  	[sflag:s25] =	ssyncadd.s32 $0xFFFFFE00  }
.LBB2_7:
.Ltmp25:
0x3d5: {  	(pc) =	sbr.rel .LBB2_9-.Ltmp25, $2  }
0x3d6: {  	_ =	sdelay $0x2  }
0x3d7: {  	s2 =	smov.u32 s28  }
.LBB2_13:
.Ltmp26:
0x3d8: {  	(pc) =	sbr.rel .LBB2_15-.Ltmp26, $2  }
0x3d9: {  	_ =	sdelay $0x2  }
0x3da: {  	s2 =	smov.u32 s28  }
.LBB2_19:
.Ltmp27:
0x3db: {  	(pc) =	sbr.rel .LBB2_21-.Ltmp27, $2  }
0x3dc: {  	_ =	sdelay $0x2  }
0x3dd: {  	s2 =	smov.u32 s28  }
.LBB2_30:
0x3de: {  	_ =	sfence.sel $0x180000  }
0x3df: {  	[bflag:$0x0] =	sbarrier.arrive $0xFFFF  }
0x3e0: {  	_ =	strace $0x90000047  }
0x3e1: {  	s0 =	stileid.u32;
	[bflag:$0x2] =	sbarrier.arrive $0xFFFF  }
0x3e2: {  	p0 =	sne.s32 s0, $0x0;
	s0 =	rddreg [dreg:$0x4]  }
0x3e3: {  	s0 =	sadd.s32 @!p0 $0x100000, s0  }
0x3e4: {  	[sflag:s0] =	ssyncadd.tile.s32 @!p0 $0x1;
	_ =	shalt  }
.Lfunc_end2:
_tile_overlayer_lowered:
.L_overlay_start_2:
0x3e5: {  	(tag) =	ssettag $0x2  }
0x3e6: {  	s0 =	rddreg [dreg:$0x0];
	s2 =	stileid.u32  }
0x3e7: {  	s1 =	rddreg [dreg:$0x1];
	p0 =	sne.s32 s2, $0x0  }
0x3e8: {  	s3 =	rddreg [dreg:$0x2];
	[bflag:$0x3] =	sbarrier.arrive $0xFFFF;
	s2 =	simm.s32 @!p0 $0x1C01  }
0x3e9: {  	[timem:s3], [sflag:s2] =	dma.local @!p0 [hbm:s0], s1  }
0x3ea: {  	s0 =	simm.s32 @!p0 $0x1  }
0x3eb: {  	_ =	swait.ge @!p0 [sflag:s0], s1  }
0x3ec: {  	s1 =	ssub.s32 @!p0 $0x0, s1;
	[sflag:s0] =	ssyncset.done @!p0 $0x0  }
0x3ed: {  	[sflag:s0] =	ssyncadd.s32 @!p0 s1  }
0x3ee: {  	[bflag:$0x3] =	sbarrier.arrive $0xFFFF  }
0x3ef: {  	_ =	shalt  }

</sc_bundles>
